<compile_context>
chip_gen: v7x
topology: tpu7x:2x2x1
jax: 0.10.2.dev20260603
libtpu: 0.0.44.dev20260713+nightly
codegen_flags: <defaults>
</compile_context>

<pallas_src>
import functools

import jax
import jax.numpy as jnp
from jax import lax
from jax.experimental import pallas as pl
from jax.experimental.pallas import tpu as pltpu
from jax.experimental.pallas import tpu_sc as plsc

L = 16
NC = 2
NS = 16
NW = NC * NS


def _sc_lookup(n_half: int, vocab: int, half: int):
    per_w = n_half // NW
    mesh = plsc.VectorSubcoreMesh(core_axis_name="c", subcore_axis_name="s")

    @functools.partial(
        pl.kernel,
        out_type=jax.ShapeDtypeStruct((n_half,), jnp.int32),
        mesh=mesh,
        scratch_types=[
            pltpu.VMEM((vocab,), jnp.int32),
            pltpu.VMEM((per_w,), jnp.int32),
            pltpu.VMEM((per_w,), jnp.int32),
        ],
        compiler_params=pltpu.CompilerParams(needs_layout_passes=False),
    )
    def sc_kernel(ids_hbm, table_hbm, next_hbm, table_v, ids_v, next_v):
        wid = lax.axis_index("s") * NC + lax.axis_index("c")
        base = wid * per_w
        pltpu.sync_copy(table_hbm, table_v)
        pltpu.sync_copy(ids_hbm.at[pl.ds(half * n_half + base, per_w)], ids_v)

        @pl.loop(0, per_w // L, unroll=8)
        def _(j):
            ids16 = ids_v[pl.ds(j * L, L)]
            next_v[pl.ds(j * L, L)] = plsc.load_gather(table_v, [ids16])

        pltpu.sync_copy(next_v, next_hbm.at[pl.ds(base, per_w)])

    return sc_kernel


def _tc_onehot_full(batch: int, seq: int, vocab: int):
    RB = 4

    def body(fill_ref, nx_ref, out_ref):
        f0 = fill_ref[0]
        f1 = fill_ref[1]
        vio = lax.broadcasted_iota(jnp.int32, (vocab, 128), 0)
        for rr in range(RB):
            for g in range(seq // 128):
                row = nx_ref[rr, pl.ds(g, 1), :]
                bc = jnp.broadcast_to(row, (vocab, 128))
                out_ref[rr, :, pl.ds(g * 128, 128)] = jnp.where(
                    bc == vio, f1, f0)

    return pl.pallas_call(
        body,
        grid=(batch // RB,),
        in_specs=[
            pl.BlockSpec(memory_space=pltpu.SMEM),
            pl.BlockSpec((RB, seq // 128, 128), lambda b: (b, 0, 0)),
        ],
        out_specs=pl.BlockSpec((RB, vocab, seq), lambda b: (b, 0, 0)),
        out_shape=jax.ShapeDtypeStruct((batch, vocab, seq), jnp.float32),
    )


def _tc_onehot_half(batch: int, seq: int, vocab: int, half: int):
    hb = batch // 2
    row0 = half * hb

    RB = 4

    def body(fill_ref, nx_ref, *refs):
        out_ref = refs[-1]
        f0 = fill_ref[0]
        f1 = fill_ref[1]
        vio = lax.broadcasted_iota(jnp.int32, (vocab, 128), 0)
        for rr in range(RB):
            for g in range(seq // 128):
                row = nx_ref[rr, pl.ds(g, 1), :]
                bc = jnp.broadcast_to(row, (vocab, 128))
                out_ref[rr, :, pl.ds(g * 128, 128)] = jnp.where(
                    bc == vio, f1, f0)

    in_specs = [
        pl.BlockSpec(memory_space=pltpu.SMEM),
        pl.BlockSpec((RB, seq // 128, 128), lambda b: (b, 0, 0)),
    ]
    kwargs = {}
    if half:
        in_specs.append(pl.BlockSpec(memory_space=pltpu.MemorySpace.HBM))
        kwargs["input_output_aliases"] = {2: 0}
    return pl.pallas_call(
        body,
        grid=(hb // RB,),
        in_specs=in_specs,
        out_specs=pl.BlockSpec((RB, vocab, seq),
                               lambda b: (b + row0 // RB, 0, 0)),
        out_shape=jax.ShapeDtypeStruct((batch, vocab, seq), jnp.float32),
        **kwargs,
    )


def kernel(input_ids, transition_table, fill_values):
    batch, seq = input_ids.shape
    vocab = transition_table.shape[0]
    n = batch * seq
    n_half = n // 2
    ids_flat = input_ids.reshape(n)
    next_flat = _sc_lookup(n, vocab, 0)(ids_flat, transition_table)
    nx = next_flat.reshape(batch, seq // 128, 128)
    out_t = _tc_onehot_full(batch, seq, vocab)(fill_values, nx)
    return jnp.transpose(out_t, (0, 2, 1))

# --- scband reference (transcript-rebuilt; emitter-appended) ---
"""Pipeline reference for scband-transition-logit-model-45337674776907 (READ-ONLY COPY).

The authoritative reference and input builder live on the scoring server;
editing this copy changes nothing except your own understanding.
"""

import jax, jax.numpy as jnp
import numpy as np

VOCAB = 32
TRANSITIONS = {i: (i + 1) % VOCAB for i in range(VOCAB)}
DEFAULT_NEXT = 2


def setup_inputs(seed: int = 0) -> dict:
    key = jax.random.key(seed)
    input_ids = jax.random.randint(key, (32, 8192), 0, VOCAB, dtype=jnp.int32)
    # Materialize the python transitions dict as a lookup table (faithful: dict.get(tok, 2))
    transition_table = jnp.array([TRANSITIONS.get(i, DEFAULT_NEXT) for i in range(VOCAB)], dtype=jnp.int32)
    # The two fill constants (-1000.0 / 1000.0) exposed as a float parameter vector
    fill_values = jnp.array([-1000.0, 1000.0], dtype=jnp.float32)
    return {"input_ids": input_ids, "transition_table": transition_table, "fill_values": fill_values}


def reference(input_ids, transition_table, fill_values):
    batch_size, sequence_length = input_ids.shape
    # next_token = transitions.get(current_token, 2), vectorized as a gather
    next_token = jnp.take(transition_table, input_ids, axis=0)  # [B, S]
    n = batch_size * sequence_length
    rows = jnp.arange(n)
    # logits = full(-1000.0); logits[b, s, next_token] = 1000.0 (scatter-overwrite)
    logits = jnp.full((n, VOCAB), fill_values[0], dtype=jnp.float32)
    logits = logits.at[rows, next_token.reshape(-1)].set(fill_values[1])
    return logits.reshape(batch_size, sequence_length, VOCAB)

if __name__ == "__main__":
    import jax
    _d = setup_inputs()
    print(jax.jit(kernel)(*tuple(_d.values())))

</pallas_src>

<mosaic_0001>
#map = affine_map<(d0, d1) -> (0)>
module attributes {stable_mosaic.version = 14 : i64} {
  func.func @sc_kernel(%arg0: i32, %arg1: i32, %arg2: memref<262144xi32, #tpu.memory_space<hbm>>, %arg3: memref<32xi32, #tpu.memory_space<hbm>>, %arg4: memref<262144xi32, #tpu.memory_space<hbm>>, %arg5: memref<32xi32, #tpu.memory_space<vmem>>, %arg6: memref<8192xi32, #tpu.memory_space<vmem>>, %arg7: memref<8192xi32, #tpu.memory_space<vmem>>) attributes {dimension_semantics = [#tpu.dimension_semantics<core_parallel>, #tpu.dimension_semantics<subcore_parallel>], iteration_bounds = array<i64: 2, 16>, scalar_prefetch = 0 : i64, scratch_operands = 3 : i64, tpu.core_type = #tpu.core_type<sc_vector_subcore>, window_params = [{transform_indices = #map}, {transform_indices = #map}, {transform_indices = #map}]} {
    %mul3A = arith.constant 2 : i32
    %mul3A_0 = arith.muli %arg1, %mul3A : i32
    %add3A = arith.addi %mul3A_0, %arg0 : i32
    %mul3A_1 = arith.constant 8192 : i32
    %mul3A_2 = arith.muli %add3A, %mul3A_1 : i32
    "tpu.region"() ({
      %run_scoped3A = tpu.sem_alloc : memref<!tpu.dma_semaphore, #tpu.memory_space<semaphore_mem>>
      tpu.enqueue_dma source(%arg3 : memref<32xi32, #tpu.memory_space<hbm>>) target(%arg5 : memref<32xi32, #tpu.memory_space<vmem>>) target_semaphore(%run_scoped3A : memref<!tpu.dma_semaphore, #tpu.memory_space<semaphore_mem>>)
      tpu.wait_dma2 semaphore(%run_scoped3A : memref<!tpu.dma_semaphore, #tpu.memory_space<semaphore_mem>>) src(%arg3 : memref<32xi32, #tpu.memory_space<hbm>>) dst(%arg5 : memref<32xi32, #tpu.memory_space<vmem>>)
      tpu.yield
    }) : () -> ()
    %add3A_3 = arith.constant 0 : i32
    %add3A_4 = arith.addi %add3A_3, %mul3A_2 : i32
    "tpu.region"() ({
      %run_scoped3A = tpu.sem_alloc : memref<!tpu.dma_semaphore, #tpu.memory_space<semaphore_mem>>
      %dma_start3A = tpu.memref_slice %arg2[%add3A_4] : memref<262144xi32, #tpu.memory_space<hbm>> -> memref<8192xi32, #tpu.memory_space<hbm>>
      %dma_start3A_9 = tpu.memref_slice %arg2[%add3A_4] : memref<262144xi32, #tpu.memory_space<hbm>> -> memref<8192xi32, #tpu.memory_space<hbm>>
      tpu.enqueue_dma source(%dma_start3A_9 : memref<8192xi32, #tpu.memory_space<hbm>>) target(%arg6 : memref<8192xi32, #tpu.memory_space<vmem>>) target_semaphore(%run_scoped3A : memref<!tpu.dma_semaphore, #tpu.memory_space<semaphore_mem>>)
      %dma_wait3A = tpu.memref_slice %arg2[%add3A_4] : memref<262144xi32, #tpu.memory_space<hbm>> -> memref<8192xi32, #tpu.memory_space<hbm>>
      %dma_wait3A_10 = tpu.memref_slice %arg2[%add3A_4] : memref<262144xi32, #tpu.memory_space<hbm>> -> memref<8192xi32, #tpu.memory_space<hbm>>
      tpu.wait_dma2 semaphore(%run_scoped3A : memref<!tpu.dma_semaphore, #tpu.memory_space<semaphore_mem>>) src(%dma_wait3A_10 : memref<8192xi32, #tpu.memory_space<hbm>>) dst(%arg6 : memref<8192xi32, #tpu.memory_space<vmem>>)
      tpu.yield
    }) : () -> ()
    %scan3A = arith.constant 0 : i32
    %scan3A_5 = arith.constant 512 : i32
    %scan3A_6 = arith.addi %scan3A, %scan3A_5 : i32
    %scan3A_7 = arith.constant 8 : i32
    scf.for %scan3A_9 = %scan3A to %scan3A_6 step %scan3A_7  : i32 {
      %mul3A_10 = arith.constant 1 : i32
      %mul3A_11 = arith.muli %scan3A_9, %mul3A_10 : i32
      %add3A_12 = arith.constant 0 : i32
      %add3A_13 = arith.addi %add3A_12, %mul3A_11 : i32
      %mul3A_14 = arith.constant 16 : i32
      %mul3A_15 = arith.muli %add3A_13, %mul3A_14 : i32
      %get3A = arith.index_cast %mul3A_15 : i32 to index
      %get3A_16 = tpu.vector_load %arg6[%get3A] {strides = array<i32>} : memref<8192xi32, #tpu.memory_space<vmem>>, vector<16xi32>,
      %gather3A = tpu.vector_load_idx %arg5[%get3A_16] : memref<32xi32, #tpu.memory_space<vmem>>[vector<16xi32>], vector<16xi32>,
      %mul3A_17 = arith.constant 16 : i32
      %mul3A_18 = arith.muli %add3A_13, %mul3A_17 : i32
      %swap3A = arith.index_cast %mul3A_18 : i32 to index
      %swap3A_19 = tpu.vector_load %arg7[%swap3A] {strides = array<i32>} : memref<8192xi32, #tpu.memory_space<vmem>>, vector<16xi32>,
      tpu.vector_store %arg7[%swap3A], %gather3A {strides = array<i32>} : memref<8192xi32, #tpu.memory_space<vmem>>, vector<16xi32>,
      %scan3A_20 = arith.constant 1 : i32
      %scan3A_21 = arith.addi %scan3A_9, %scan3A_20 : i32
      %mul3A_22 = arith.constant 1 : i32
      %mul3A_23 = arith.muli %scan3A_21, %mul3A_22 : i32
      %add3A_24 = arith.constant 0 : i32
      %add3A_25 = arith.addi %add3A_24, %mul3A_23 : i32
      %mul3A_26 = arith.constant 16 : i32
      %mul3A_27 = arith.muli %add3A_25, %mul3A_26 : i32
      %get3A_28 = arith.index_cast %mul3A_27 : i32 to index
      %get3A_29 = tpu.vector_load %arg6[%get3A_28] {strides = array<i32>} : memref<8192xi32, #tpu.memory_space<vmem>>, vector<16xi32>,
      %gather3A_30 = tpu.vector_load_idx %arg5[%get3A_29] : memref<32xi32, #tpu.memory_space<vmem>>[vector<16xi32>], vector<16xi32>,
      %mul3A_31 = arith.constant 16 : i32
      %mul3A_32 = arith.muli %add3A_25, %mul3A_31 : i32
      %swap3A_33 = arith.index_cast %mul3A_32 : i32 to index
      %swap3A_34 = tpu.vector_load %arg7[%swap3A_33] {strides = array<i32>} : memref<8192xi32, #tpu.memory_space<vmem>>, vector<16xi32>,
      tpu.vector_store %arg7[%swap3A_33], %gather3A_30 {strides = array<i32>} : memref<8192xi32, #tpu.memory_space<vmem>>, vector<16xi32>,
      %scan3A_35 = arith.constant 2 : i32
      %scan3A_36 = arith.addi %scan3A_9, %scan3A_35 : i32
      %mul3A_37 = arith.constant 1 : i32
      %mul3A_38 = arith.muli %scan3A_36, %mul3A_37 : i32
      %add3A_39 = arith.constant 0 : i32
      %add3A_40 = arith.addi %add3A_39, %mul3A_38 : i32
      %mul3A_41 = arith.constant 16 : i32
      %mul3A_42 = arith.muli %add3A_40, %mul3A_41 : i32
      %get3A_43 = arith.index_cast %mul3A_42 : i32 to index
      %get3A_44 = tpu.vector_load %arg6[%get3A_43] {strides = array<i32>} : memref<8192xi32, #tpu.memory_space<vmem>>, vector<16xi32>,
      %gather3A_45 = tpu.vector_load_idx %arg5[%get3A_44] : memref<32xi32, #tpu.memory_space<vmem>>[vector<16xi32>], vector<16xi32>,
      %mul3A_46 = arith.constant 16 : i32
      %mul3A_47 = arith.muli %add3A_40, %mul3A_46 : i32
      %swap3A_48 = arith.index_cast %mul3A_47 : i32 to index
      %swap3A_49 = tpu.vector_load %arg7[%swap3A_48] {strides = array<i32>} : memref<8192xi32, #tpu.memory_space<vmem>>, vector<16xi32>,
      tpu.vector_store %arg7[%swap3A_48], %gather3A_45 {strides = array<i32>} : memref<8192xi32, #tpu.memory_space<vmem>>, vector<16xi32>,
      %scan3A_50 = arith.constant 3 : i32
      %scan3A_51 = arith.addi %scan3A_9, %scan3A_50 : i32
      %mul3A_52 = arith.constant 1 : i32
      %mul3A_53 = arith.muli %scan3A_51, %mul3A_52 : i32
      %add3A_54 = arith.constant 0 : i32
      %add3A_55 = arith.addi %add3A_54, %mul3A_53 : i32
      %mul3A_56 = arith.constant 16 : i32
      %mul3A_57 = arith.muli %add3A_55, %mul3A_56 : i32
      %get3A_58 = arith.index_cast %mul3A_57 : i32 to index
      %get3A_59 = tpu.vector_load %arg6[%get3A_58] {strides = array<i32>} : memref<8192xi32, #tpu.memory_space<vmem>>, vector<16xi32>,
      %gather3A_60 = tpu.vector_load_idx %arg5[%get3A_59] : memref<32xi32, #tpu.memory_space<vmem>>[vector<16xi32>], vector<16xi32>,
      %mul3A_61 = arith.constant 16 : i32
      %mul3A_62 = arith.muli %add3A_55, %mul3A_61 : i32
      %swap3A_63 = arith.index_cast %mul3A_62 : i32 to index
      %swap3A_64 = tpu.vector_load %arg7[%swap3A_63] {strides = array<i32>} : memref<8192xi32, #tpu.memory_space<vmem>>, vector<16xi32>,
      tpu.vector_store %arg7[%swap3A_63], %gather3A_60 {strides = array<i32>} : memref<8192xi32, #tpu.memory_space<vmem>>, vector<16xi32>,
      %scan3A_65 = arith.constant 4 : i32
      %scan3A_66 = arith.addi %scan3A_9, %scan3A_65 : i32
      %mul3A_67 = arith.constant 1 : i32
      %mul3A_68 = arith.muli %scan3A_66, %mul3A_67 : i32
      %add3A_69 = arith.constant 0 : i32
      %add3A_70 = arith.addi %add3A_69, %mul3A_68 : i32
      %mul3A_71 = arith.constant 16 : i32
      %mul3A_72 = arith.muli %add3A_70, %mul3A_71 : i32
      %get3A_73 = arith.index_cast %mul3A_72 : i32 to index
      %get3A_74 = tpu.vector_load %arg6[%get3A_73] {strides = array<i32>} : memref<8192xi32, #tpu.memory_space<vmem>>, vector<16xi32>,
      %gather3A_75 = tpu.vector_load_idx %arg5[%get3A_74] : memref<32xi32, #tpu.memory_space<vmem>>[vector<16xi32>], vector<16xi32>,
      %mul3A_76 = arith.constant 16 : i32
      %mul3A_77 = arith.muli %add3A_70, %mul3A_76 : i32
      %swap3A_78 = arith.index_cast %mul3A_77 : i32 to index
      %swap3A_79 = tpu.vector_load %arg7[%swap3A_78] {strides = array<i32>} : memref<8192xi32, #tpu.memory_space<vmem>>, vector<16xi32>,
      tpu.vector_store %arg7[%swap3A_78], %gather3A_75 {strides = array<i32>} : memref<8192xi32, #tpu.memory_space<vmem>>, vector<16xi32>,
      %scan3A_80 = arith.constant 5 : i32
      %scan3A_81 = arith.addi %scan3A_9, %scan3A_80 : i32
      %mul3A_82 = arith.constant 1 : i32
      %mul3A_83 = arith.muli %scan3A_81, %mul3A_82 : i32
      %add3A_84 = arith.constant 0 : i32
      %add3A_85 = arith.addi %add3A_84, %mul3A_83 : i32
      %mul3A_86 = arith.constant 16 : i32
      %mul3A_87 = arith.muli %add3A_85, %mul3A_86 : i32
      %get3A_88 = arith.index_cast %mul3A_87 : i32 to index
      %get3A_89 = tpu.vector_load %arg6[%get3A_88] {strides = array<i32>} : memref<8192xi32, #tpu.memory_space<vmem>>, vector<16xi32>,
      %gather3A_90 = tpu.vector_load_idx %arg5[%get3A_89] : memref<32xi32, #tpu.memory_space<vmem>>[vector<16xi32>], vector<16xi32>,
      %mul3A_91 = arith.constant 16 : i32
      %mul3A_92 = arith.muli %add3A_85, %mul3A_91 : i32
      %swap3A_93 = arith.index_cast %mul3A_92 : i32 to index
      %swap3A_94 = tpu.vector_load %arg7[%swap3A_93] {strides = array<i32>} : memref<8192xi32, #tpu.memory_space<vmem>>, vector<16xi32>,
      tpu.vector_store %arg7[%swap3A_93], %gather3A_90 {strides = array<i32>} : memref<8192xi32, #tpu.memory_space<vmem>>, vector<16xi32>,
      %scan3A_95 = arith.constant 6 : i32
      %scan3A_96 = arith.addi %scan3A_9, %scan3A_95 : i32
      %mul3A_97 = arith.constant 1 : i32
      %mul3A_98 = arith.muli %scan3A_96, %mul3A_97 : i32
      %add3A_99 = arith.constant 0 : i32
      %add3A_100 = arith.addi %add3A_99, %mul3A_98 : i32
      %mul3A_101 = arith.constant 16 : i32
      %mul3A_102 = arith.muli %add3A_100, %mul3A_101 : i32
      %get3A_103 = arith.index_cast %mul3A_102 : i32 to index
      %get3A_104 = tpu.vector_load %arg6[%get3A_103] {strides = array<i32>} : memref<8192xi32, #tpu.memory_space<vmem>>, vector<16xi32>,
      %gather3A_105 = tpu.vector_load_idx %arg5[%get3A_104] : memref<32xi32, #tpu.memory_space<vmem>>[vector<16xi32>], vector<16xi32>,
      %mul3A_106 = arith.constant 16 : i32
      %mul3A_107 = arith.muli %add3A_100, %mul3A_106 : i32
      %swap3A_108 = arith.index_cast %mul3A_107 : i32 to index
      %swap3A_109 = tpu.vector_load %arg7[%swap3A_108] {strides = array<i32>} : memref<8192xi32, #tpu.memory_space<vmem>>, vector<16xi32>,
      tpu.vector_store %arg7[%swap3A_108], %gather3A_105 {strides = array<i32>} : memref<8192xi32, #tpu.memory_space<vmem>>, vector<16xi32>,
      %scan3A_110 = arith.constant 7 : i32
      %scan3A_111 = arith.addi %scan3A_9, %scan3A_110 : i32
      %mul3A_112 = arith.constant 1 : i32
      %mul3A_113 = arith.muli %scan3A_111, %mul3A_112 : i32
      %add3A_114 = arith.constant 0 : i32
      %add3A_115 = arith.addi %add3A_114, %mul3A_113 : i32
      %mul3A_116 = arith.constant 16 : i32
      %mul3A_117 = arith.muli %add3A_115, %mul3A_116 : i32
      %get3A_118 = arith.index_cast %mul3A_117 : i32 to index
      %get3A_119 = tpu.vector_load %arg6[%get3A_118] {strides = array<i32>} : memref<8192xi32, #tpu.memory_space<vmem>>, vector<16xi32>,
      %gather3A_120 = tpu.vector_load_idx %arg5[%get3A_119] : memref<32xi32, #tpu.memory_space<vmem>>[vector<16xi32>], vector<16xi32>,
      %mul3A_121 = arith.constant 16 : i32
      %mul3A_122 = arith.muli %add3A_115, %mul3A_121 : i32
      %swap3A_123 = arith.index_cast %mul3A_122 : i32 to index
      %swap3A_124 = tpu.vector_load %arg7[%swap3A_123] {strides = array<i32>} : memref<8192xi32, #tpu.memory_space<vmem>>, vector<16xi32>,
      tpu.vector_store %arg7[%swap3A_123], %gather3A_120 {strides = array<i32>} : memref<8192xi32, #tpu.memory_space<vmem>>, vector<16xi32>,
    }
    %scan3A_8 = arith.constant 512 : i32
    "tpu.region"() ({
      %run_scoped3A = tpu.sem_alloc : memref<!tpu.dma_semaphore, #tpu.memory_space<semaphore_mem>>
      %dma_start3A = tpu.memref_slice %arg4[%mul3A_2] : memref<262144xi32, #tpu.memory_space<hbm>> -> memref<8192xi32, #tpu.memory_space<hbm>>
      %dma_start3A_9 = tpu.memref_slice %arg4[%mul3A_2] : memref<262144xi32, #tpu.memory_space<hbm>> -> memref<8192xi32, #tpu.memory_space<hbm>>
      tpu.enqueue_dma source(%arg7 : memref<8192xi32, #tpu.memory_space<vmem>>) target(%dma_start3A_9 : memref<8192xi32, #tpu.memory_space<hbm>>) target_semaphore(%run_scoped3A : memref<!tpu.dma_semaphore, #tpu.memory_space<semaphore_mem>>)
      %dma_wait3A = tpu.memref_slice %arg4[%mul3A_2] : memref<262144xi32, #tpu.memory_space<hbm>> -> memref<8192xi32, #tpu.memory_space<hbm>>
      %dma_wait3A_10 = tpu.memref_slice %arg4[%mul3A_2] : memref<262144xi32, #tpu.memory_space<hbm>> -> memref<8192xi32, #tpu.memory_space<hbm>>
      tpu.wait_dma2 semaphore(%run_scoped3A : memref<!tpu.dma_semaphore, #tpu.memory_space<semaphore_mem>>) src(%arg7 : memref<8192xi32, #tpu.memory_space<vmem>>) dst(%dma_wait3A_10 : memref<8192xi32, #tpu.memory_space<hbm>>)
      tpu.yield
    }) : () -> ()
    return
  }
}

module attributes {stable_mosaic.version = 14 : i64} {
  func.func @body(%arg0: i32, %arg1: memref<2xf32, #tpu.memory_space<smem>>, %arg2: memref<4x64x128xi32, #tpu.memory_space<vmem>>, %arg3: memref<4x32x8192xf32, #tpu.memory_space<vmem>>) attributes {dimension_semantics = [#tpu.dimension_semantics<arbitrary>], iteration_bounds = array<i64: 8>, scalar_prefetch = 0 : i64, scratch_operands = 0 : i64, tpu.core_type = #tpu.core_type<tc>, window_params = [{transform_indices = @transform_0, window_bounds = array<i64: 2>}, {transform_indices = @transform_1, window_bounds = array<i64: 4, 64, 128>}, {transform_indices = @transform_2, window_bounds = array<i64: 4, 32, 8192>}]} {
    %get3A = arith.constant 0 : index
    %get3A_0 = memref.load %arg1[%get3A] : memref<2xf32, #tpu.memory_space<smem>>
    %get3A_1 = arith.constant 1 : index
    %get3A_2 = memref.load %arg1[%get3A_1] : memref<2xf32, #tpu.memory_space<smem>>
    %iota3A = tpu.iota {dimensions = array<i32: 0>} : vector<32x128xi32>
    %get3A_3 = arith.constant 0 : index
    %get3A_4 = arith.constant 0 : index
    %get3A_5 = arith.constant 0 : index
    %get3A_6 = vector.load %arg2[%get3A_3, %get3A_4, %get3A_5] : memref<4x64x128xi32, #tpu.memory_space<vmem>>, vector<1x1x128xi32>
    %get3A_7 = vector.shape_cast %get3A_6 : vector<1x1x128xi32> to vector<1x128xi32>
    %broadcast_in_dim3A = vector.shape_cast %get3A_7 : vector<1x128xi32> to vector<1x128xi32>
    %broadcast_in_dim3A_8 = vector.broadcast %broadcast_in_dim3A : vector<1x128xi32> to vector<32x128xi32>
    %eq3A = arith.cmpi eq, %broadcast_in_dim3A_8, %iota3A : vector<32x128xi32>
    %broadcast_in_dim3A_9 = vector.broadcast %get3A_2 : f32 to vector<32x128xf32>
    %broadcast_in_dim3A_10 = vector.broadcast %get3A_0 : f32 to vector<32x128xf32>
    %select_n3A = arith.select %eq3A, %broadcast_in_dim3A_9, %broadcast_in_dim3A_10 : vector<32x128xi1>, vector<32x128xf32>
    %swap3A = arith.constant 0 : index
    %swap3A_11 = arith.constant 0 : index
    %swap3A_12 = arith.constant 0 : index
    %swap3A_13 = vector.load %arg3[%swap3A, %swap3A_11, %swap3A_12] : memref<4x32x8192xf32, #tpu.memory_space<vmem>>, vector<1x32x128xf32>
    %swap3A_14 = vector.shape_cast %swap3A_13 : vector<1x32x128xf32> to vector<32x128xf32>
    %swap3A_15 = vector.shape_cast %select_n3A : vector<32x128xf32> to vector<1x32x128xf32>
    tpu.vector_store %arg3[%swap3A, %swap3A_11, %swap3A_12], %swap3A_15 {strides = array<i32>} : memref<4x32x8192xf32, #tpu.memory_space<vmem>>, vector<1x32x128xf32>,
    %get3A_16 = arith.constant 0 : index
    %get3A_17 = arith.constant 1 : index
    %get3A_18 = arith.constant 0 : index
    %get3A_19 = vector.load %arg2[%get3A_16, %get3A_17, %get3A_18] : memref<4x64x128xi32, #tpu.memory_space<vmem>>, vector<1x1x128xi32>
    %get3A_20 = vector.shape_cast %get3A_19 : vector<1x1x128xi32> to vector<1x128xi32>
    %broadcast_in_dim3A_21 = vector.shape_cast %get3A_20 : vector<1x128xi32> to vector<1x128xi32>
    %broadcast_in_dim3A_22 = vector.broadcast %broadcast_in_dim3A_21 : vector<1x128xi32> to vector<32x128xi32>
    %eq3A_23 = arith.cmpi eq, %broadcast_in_dim3A_22, %iota3A : vector<32x128xi32>
    %broadcast_in_dim3A_24 = vector.broadcast %get3A_2 : f32 to vector<32x128xf32>
    %broadcast_in_dim3A_25 = vector.broadcast %get3A_0 : f32 to vector<32x128xf32>
    %select_n3A_26 = arith.select %eq3A_23, %broadcast_in_dim3A_24, %broadcast_in_dim3A_25 : vector<32x128xi1>, vector<32x128xf32>
    %swap3A_27 = arith.constant 0 : index
    %swap3A_28 = arith.constant 0 : index
    %swap3A_29 = arith.constant 128 : index
    %swap3A_30 = vector.load %arg3[%swap3A_27, %swap3A_28, %swap3A_29] : memref<4x32x8192xf32, #tpu.memory_space<vmem>>, vector<1x32x128xf32>
    %swap3A_31 = vector.shape_cast %swap3A_30 : vector<1x32x128xf32> to vector<32x128xf32>
    %swap3A_32 = vector.shape_cast %select_n3A_26 : vector<32x128xf32> to vector<1x32x128xf32>
    tpu.vector_store %arg3[%swap3A_27, %swap3A_28, %swap3A_29], %swap3A_32 {strides = array<i32>} : memref<4x32x8192xf32, #tpu.memory_space<vmem>>, vector<1x32x128xf32>,
    %get3A_33 = arith.constant 0 : index
    %get3A_34 = arith.constant 2 : index
    %get3A_35 = arith.constant 0 : index
    %get3A_36 = vector.load %arg2[%get3A_33, %get3A_34, %get3A_35] : memref<4x64x128xi32, #tpu.memory_space<vmem>>, vector<1x1x128xi32>
    %get3A_37 = vector.shape_cast %get3A_36 : vector<1x1x128xi32> to vector<1x128xi32>
    %broadcast_in_dim3A_38 = vector.shape_cast %get3A_37 : vector<1x128xi32> to vector<1x128xi32>
    %broadcast_in_dim3A_39 = vector.broadcast %broadcast_in_dim3A_38 : vector<1x128xi32> to vector<32x128xi32>
    %eq3A_40 = arith.cmpi eq, %broadcast_in_dim3A_39, %iota3A : vector<32x128xi32>
    %broadcast_in_dim3A_41 = vector.broadcast %get3A_2 : f32 to vector<32x128xf32>
    %broadcast_in_dim3A_42 = vector.broadcast %get3A_0 : f32 to vector<32x128xf32>
    %select_n3A_43 = arith.select %eq3A_40, %broadcast_in_dim3A_41, %broadcast_in_dim3A_42 : vector<32x128xi1>, vector<32x128xf32>
    %swap3A_44 = arith.constant 0 : index
    %swap3A_45 = arith.constant 0 : index
    %swap3A_46 = arith.constant 256 : index
    %swap3A_47 = vector.load %arg3[%swap3A_44, %swap3A_45, %swap3A_46] : memref<4x32x8192xf32, #tpu.memory_space<vmem>>, vector<1x32x128xf32>
    %swap3A_48 = vector.shape_cast %swap3A_47 : vector<1x32x128xf32> to vector<32x128xf32>
    %swap3A_49 = vector.shape_cast %select_n3A_43 : vector<32x128xf32> to vector<1x32x128xf32>
    tpu.vector_store %arg3[%swap3A_44, %swap3A_45, %swap3A_46], %swap3A_49 {strides = array<i32>} : memref<4x32x8192xf32, #tpu.memory_space<vmem>>, vector<1x32x128xf32>,
    %get3A_50 = arith.constant 0 : index
    %get3A_51 = arith.constant 3 : index
    %get3A_52 = arith.constant 0 : index
    %get3A_53 = vector.load %arg2[%get3A_50, %get3A_51, %get3A_52] : memref<4x64x128xi32, #tpu.memory_space<vmem>>, vector<1x1x128xi32>
    %get3A_54 = vector.shape_cast %get3A_53 : vector<1x1x128xi32> to vector<1x128xi32>
    %broadcast_in_dim3A_55 = vector.shape_cast %get3A_54 : vector<1x128xi32> to vector<1x128xi32>
    %broadcast_in_dim3A_56 = vector.broadcast %broadcast_in_dim3A_55 : vector<1x128xi32> to vector<32x128xi32>
    %eq3A_57 = arith.cmpi eq, %broadcast_in_dim3A_56, %iota3A : vector<32x128xi32>
    %broadcast_in_dim3A_58 = vector.broadcast %get3A_2 : f32 to vector<32x128xf32>
    %broadcast_in_dim3A_59 = vector.broadcast %get3A_0 : f32 to vector<32x128xf32>
    %select_n3A_60 = arith.select %eq3A_57, %broadcast_in_dim3A_58, %broadcast_in_dim3A_59 : vector<32x128xi1>, vector<32x128xf32>
    %swap3A_61 = arith.constant 0 : index
    %swap3A_62 = arith.constant 0 : index
    %swap3A_63 = arith.constant 384 : index
    %swap3A_64 = vector.load %arg3[%swap3A_61, %swap3A_62, %swap3A_63] : memref<4x32x8192xf32, #tpu.memory_space<vmem>>, vector<1x32x128xf32>
    %swap3A_65 = vector.shape_cast %swap3A_64 : vector<1x32x128xf32> to vector<32x128xf32>
    %swap3A_66 = vector.shape_cast %select_n3A_60 : vector<32x128xf32> to vector<1x32x128xf32>
    tpu.vector_store %arg3[%swap3A_61, %swap3A_62, %swap3A_63], %swap3A_66 {strides = array<i32>} : memref<4x32x8192xf32, #tpu.memory_space<vmem>>, vector<1x32x128xf32>,
    %get3A_67 = arith.constant 0 : index
    %get3A_68 = arith.constant 4 : index
    %get3A_69 = arith.constant 0 : index
    %get3A_70 = vector.load %arg2[%get3A_67, %get3A_68, %get3A_69] : memref<4x64x128xi32, #tpu.memory_space<vmem>>, vector<1x1x128xi32>
    %get3A_71 = vector.shape_cast %get3A_70 : vector<1x1x128xi32> to vector<1x128xi32>
    %broadcast_in_dim3A_72 = vector.shape_cast %get3A_71 : vector<1x128xi32> to vector<1x128xi32>
    %broadcast_in_dim3A_73 = vector.broadcast %broadcast_in_dim3A_72 : vector<1x128xi32> to vector<32x128xi32>
    %eq3A_74 = arith.cmpi eq, %broadcast_in_dim3A_73, %iota3A : vector<32x128xi32>
    %broadcast_in_dim3A_75 = vector.broadcast %get3A_2 : f32 to vector<32x128xf32>
    %broadcast_in_dim3A_76 = vector.broadcast %get3A_0 : f32 to vector<32x128xf32>
    %select_n3A_77 = arith.select %eq3A_74, %broadcast_in_dim3A_75, %broadcast_in_dim3A_76 : vector<32x128xi1>, vector<32x128xf32>
    %swap3A_78 = arith.constant 0 : index
    %swap3A_79 = arith.constant 0 : index
    %swap3A_80 = arith.constant 512 : index
    %swap3A_81 = vector.load %arg3[%swap3A_78, %swap3A_79, %swap3A_80] : memref<4x32x8192xf32, #tpu.memory_space<vmem>>, vector<1x32x128xf32>
    %swap3A_82 = vector.shape_cast %swap3A_81 : vector<1x32x128xf32> to vector<32x128xf32>
    %swap3A_83 = vector.shape_cast %select_n3A_77 : vector<32x128xf32> to vector<1x32x128xf32>
    tpu.vector_store %arg3[%swap3A_78, %swap3A_79, %swap3A_80], %swap3A_83 {strides = array<i32>} : memref<4x32x8192xf32, #tpu.memory_space<vmem>>, vector<1x32x128xf32>,
    %get3A_84 = arith.constant 0 : index
    %get3A_85 = arith.constant 5 : index
    %get3A_86 = arith.constant 0 : index
    %get3A_87 = vector.load %arg2[%get3A_84, %get3A_85, %get3A_86] : memref<4x64x128xi32, #tpu.memory_space<vmem>>, vector<1x1x128xi32>
    %get3A_88 = vector.shape_cast %get3A_87 : vector<1x1x128xi32> to vector<1x128xi32>
    %broadcast_in_dim3A_89 = vector.shape_cast %get3A_88 : vector<1x128xi32> to vector<1x128xi32>
    %broadcast_in_dim3A_90 = vector.broadcast %broadcast_in_dim3A_89 : vector<1x128xi32> to vector<32x128xi32>
    %eq3A_91 = arith.cmpi eq, %broadcast_in_dim3A_90, %iota3A : vector<32x128xi32>
    %broadcast_in_dim3A_92 = vector.broadcast %get3A_2 : f32 to vector<32x128xf32>
    %broadcast_in_dim3A_93 = vector.broadcast %get3A_0 : f32 to vector<32x128xf32>
    %select_n3A_94 = arith.select %eq3A_91, %broadcast_in_dim3A_92, %broadcast_in_dim3A_93 : vector<32x128xi1>, vector<32x128xf32>
    %swap3A_95 = arith.constant 0 : index
    %swap3A_96 = arith.constant 0 : index
    %swap3A_97 = arith.constant 640 : index
    %swap3A_98 = vector.load %arg3[%swap3A_95, %swap3A_96, %swap3A_97] : memref<4x32x8192xf32, #tpu.memory_space<vmem>>, vector<1x32x128xf32>
    %swap3A_99 = vector.shape_cast %swap3A_98 : vector<1x32x128xf32> to vector<32x128xf32>
    %swap3A_100 = vector.shape_cast %select_n3A_94 : vector<32x128xf32> to vector<1x32x128xf32>
    tpu.vector_store %arg3[%swap3A_95, %swap3A_96, %swap3A_97], %swap3A_100 {strides = array<i32>} : memref<4x32x8192xf32, #tpu.memory_space<vmem>>, vector<1x32x128xf32>,
    %get3A_101 = arith.constant 0 : index
    %get3A_102 = arith.constant 6 : index
    %get3A_103 = arith.constant 0 : index
    %get3A_104 = vector.load %arg2[%get3A_101, %get3A_102, %get3A_103] : memref<4x64x128xi32, #tpu.memory_space<vmem>>, vector<1x1x128xi32>
    %get3A_105 = vector.shape_cast %get3A_104 : vector<1x1x128xi32> to vector<1x128xi32>
    %broadcast_in_dim3A_106 = vector.shape_cast %get3A_105 : vector<1x128xi32> to vector<1x128xi32>
    %broadcast_in_dim3A_107 = vector.broadcast %broadcast_in_dim3A_106 : vector<1x128xi32> to vector<32x128xi32>
    %eq3A_108 = arith.cmpi eq, %broadcast_in_dim3A_107, %iota3A : vector<32x128xi32>
    %broadcast_in_dim3A_109 = vector.broadcast %get3A_2 : f32 to vector<32x128xf32>
    %broadcast_in_dim3A_110 = vector.broadcast %get3A_0 : f32 to vector<32x128xf32>
    %select_n3A_111 = arith.select %eq3A_108, %broadcast_in_dim3A_109, %broadcast_in_dim3A_110 : vector<32x128xi1>, vector<32x128xf32>
    %swap3A_112 = arith.constant 0 : index
    %swap3A_113 = arith.constant 0 : index
    %swap3A_114 = arith.constant 768 : index
    %swap3A_115 = vector.load %arg3[%swap3A_112, %swap3A_113, %swap3A_114] : memref<4x32x8192xf32, #tpu.memory_space<vmem>>, vector<1x32x128xf32>
    %swap3A_116 = vector.shape_cast %swap3A_115 : vector<1x32x128xf32> to vector<32x128xf32>
    %swap3A_117 = vector.shape_cast %select_n3A_111 : vector<32x128xf32> to vector<1x32x128xf32>
    tpu.vector_store %arg3[%swap3A_112, %swap3A_113, %swap3A_114], %swap3A_117 {strides = array<i32>} : memref<4x32x8192xf32, #tpu.memory_space<vmem>>, vector<1x32x128xf32>,
    %get3A_118 = arith.constant 0 : index
    %get3A_119 = arith.constant 7 : index
    %get3A_120 = arith.constant 0 : index
    %get3A_121 = vector.load %arg2[%get3A_118, %get3A_119, %get3A_120] : memref<4x64x128xi32, #tpu.memory_space<vmem>>, vector<1x1x128xi32>
    %get3A_122 = vector.shape_cast %get3A_121 : vector<1x1x128xi32> to vector<1x128xi32>
    %broadcast_in_dim3A_123 = vector.shape_cast %get3A_122 : vector<1x128xi32> to vector<1x128xi32>
    %broadcast_in_dim3A_124 = vector.broadcast %broadcast_in_dim3A_123 : vector<1x128xi32> to vector<32x128xi32>
    %eq3A_125 = arith.cmpi eq, %broadcast_in_dim3A_124, %iota3A : vector<32x128xi32>
    %broadcast_in_dim3A_126 = vector.broadcast %get3A_2 : f32 to vector<32x128xf32>
    %broadcast_in_dim3A_127 = vector.broadcast %get3A_0 : f32 to vector<32x128xf32>
    %select_n3A_128 = arith.select %eq3A_125, %broadcast_in_dim3A_126, %broadcast_in_dim3A_127 : vector<32x128xi1>, vector<32x128xf32>
    %swap3A_129 = arith.constant 0 : index
    %swap3A_130 = arith.constant 0 : index
    %swap3A_131 = arith.constant 896 : index
    %swap3A_132 = vector.load %arg3[%swap3A_129, %swap3A_130, %swap3A_131] : memref<4x32x8192xf32, #tpu.memory_space<vmem>>, vector<1x32x128xf32>
    %swap3A_133 = vector.shape_cast %swap3A_132 : vector<1x32x128xf32> to vector<32x128xf32>
    %swap3A_134 = vector.shape_cast %select_n3A_128 : vector<32x128xf32> to vector<1x32x128xf32>
    tpu.vector_store %arg3[%swap3A_129, %swap3A_130, %swap3A_131], %swap3A_134 {strides = array<i32>} : memref<4x32x8192xf32, #tpu.memory_space<vmem>>, vector<1x32x128xf32>,
    %get3A_135 = arith.constant 0 : index
    %get3A_136 = arith.constant 8 : index
    %get3A_137 = arith.constant 0 : index
    %get3A_138 = vector.load %arg2[%get3A_135, %get3A_136, %get3A_137] : memref<4x64x128xi32, #tpu.memory_space<vmem>>, vector<1x1x128xi32>
    %get3A_139 = vector.shape_cast %get3A_138 : vector<1x1x128xi32> to vector<1x128xi32>
    %broadcast_in_dim3A_140 = vector.shape_cast %get3A_139 : vector<1x128xi32> to vector<1x128xi32>
    %broadcast_in_dim3A_141 = vector.broadcast %broadcast_in_dim3A_140 : vector<1x128xi32> to vector<32x128xi32>
    %eq3A_142 = arith.cmpi eq, %broadcast_in_dim3A_141, %iota3A : vector<32x128xi32>
    %broadcast_in_dim3A_143 = vector.broadcast %get3A_2 : f32 to vector<32x128xf32>
    %broadcast_in_dim3A_144 = vector.broadcast %get3A_0 : f32 to vector<32x128xf32>
    %select_n3A_145 = arith.select %eq3A_142, %broadcast_in_dim3A_143, %broadcast_in_dim3A_144 : vector<32x128xi1>, vector<32x128xf32>
    %swap3A_146 = arith.constant 0 : index
    %swap3A_147 = arith.constant 0 : index
    %swap3A_148 = arith.constant 1024 : index
    %swap3A_149 = vector.load %arg3[%swap3A_146, %swap3A_147, %swap3A_148] : memref<4x32x8192xf32, #tpu.memory_space<vmem>>, vector<1x32x128xf32>
    %swap3A_150 = vector.shape_cast %swap3A_149 : vector<1x32x128xf32> to vector<32x128xf32>
    %swap3A_151 = vector.shape_cast %select_n3A_145 : vector<32x128xf32> to vector<1x32x128xf32>
    tpu.vector_store %arg3[%swap3A_146, %swap3A_147, %swap3A_148], %swap3A_151 {strides = array<i32>} : memref<4x32x8192xf32, #tpu.memory_space<vmem>>, vector<1x32x128xf32>,
    %get3A_152 = arith.constant 0 : index
    %get3A_153 = arith.constant 9 : index
    %get3A_154 = arith.constant 0 : index
    %get3A_155 = vector.load %arg2[%get3A_152, %get3A_153, %get3A_154] : memref<4x64x128xi32, #tpu.memory_space<vmem>>, vector<1x1x128xi32>
    %get3A_156 = vector.shape_cast %get3A_155 : vector<1x1x128xi32> to vector<1x128xi32>
    %broadcast_in_dim3A_157 = vector.shape_cast %get3A_156 : vector<1x128xi32> to vector<1x128xi32>
    %broadcast_in_dim3A_158 = vector.broadcast %broadcast_in_dim3A_157 : vector<1x128xi32> to vector<32x128xi32>
    %eq3A_159 = arith.cmpi eq, %broadcast_in_dim3A_158, %iota3A : vector<32x128xi32>
    %broadcast_in_dim3A_160 = vector.broadcast %get3A_2 : f32 to vector<32x128xf32>
    %broadcast_in_dim3A_161 = vector.broadcast %get3A_0 : f32 to vector<32x128xf32>
    %select_n3A_162 = arith.select %eq3A_159, %broadcast_in_dim3A_160, %broadcast_in_dim3A_161 : vector<32x128xi1>, vector<32x128xf32>
    %swap3A_163 = arith.constant 0 : index
    %swap3A_164 = arith.constant 0 : index
    %swap3A_165 = arith.constant 1152 : index
    %swap3A_166 = vector.load %arg3[%swap3A_163, %swap3A_164, %swap3A_165] : memref<4x32x8192xf32, #tpu.memory_space<vmem>>, vector<1x32x128xf32>
    %swap3A_167 = vector.shape_cast %swap3A_166 : vector<1x32x128xf32> to vector<32x128xf32>
    %swap3A_168 = vector.shape_cast %select_n3A_162 : vector<32x128xf32> to vector<1x32x128xf32>
    tpu.vector_store %arg3[%swap3A_163, %swap3A_164, %swap3A_165], %swap3A_168 {strides = array<i32>} : memref<4x32x8192xf32, #tpu.memory_space<vmem>>, vector<1x32x128xf32>,
    %get3A_169 = arith.constant 0 : index
    %get3A_170 = arith.constant 10 : index
    %get3A_171 = arith.constant 0 : index
    %get3A_172 = vector.load %arg2[%get3A_169, %get3A_170, %get3A_171] : memref<4x64x128xi32, #tpu.memory_space<vmem>>, vector<1x1x128xi32>
    %get3A_173 = vector.shape_cast %get3A_172 : vector<1x1x128xi32> to vector<1x128xi32>
    %broadcast_in_dim3A_174 = vector.shape_cast %get3A_173 : vector<1x128xi32> to vector<1x128xi32>
    %broadcast_in_dim3A_175 = vector.broadcast %broadcast_in_dim3A_174 : vector<1x128xi32> to vector<32x128xi32>
    %eq3A_176 = arith.cmpi eq, %broadcast_in_dim3A_175, %iota3A : vector<32x128xi32>
    %broadcast_in_dim3A_177 = vector.broadcast %get3A_2 : f32 to vector<32x128xf32>
    %broadcast_in_dim3A_178 = vector.broadcast %get3A_0 : f32 to vector<32x128xf32>
    %select_n3A_179 = arith.select %eq3A_176, %broadcast_in_dim3A_177, %broadcast_in_dim3A_178 : vector<32x128xi1>, vector<32x128xf32>
    %swap3A_180 = arith.constant 0 : index
    %swap3A_181 = arith.constant 0 : index
    %swap3A_182 = arith.constant 1280 : index
    %swap3A_183 = vector.load %arg3[%swap3A_180, %swap3A_181, %swap3A_182] : memref<4x32x8192xf32, #tpu.memory_space<vmem>>, vector<1x32x128xf32>
    %swap3A_184 = vector.shape_cast %swap3A_183 : vector<1x32x128xf32> to vector<32x128xf32>
    %swap3A_185 = vector.shape_cast %select_n3A_179 : vector<32x128xf32> to vector<1x32x128xf32>
    tpu.vector_store %arg3[%swap3A_180, %swap3A_181, %swap3A_182], %swap3A_185 {strides = array<i32>} : memref<4x32x8192xf32, #tpu.memory_space<vmem>>, vector<1x32x128xf32>,
    %get3A_186 = arith.constant 0 : index
    %get3A_187 = arith.constant 11 : index
    %get3A_188 = arith.constant 0 : index
    %get3A_189 = vector.load %arg2[%get3A_186, %get3A_187, %get3A_188] : memref<4x64x128xi32, #tpu.memory_space<vmem>>, vector<1x1x128xi32>
    %get3A_190 = vector.shape_cast %get3A_189 : vector<1x1x128xi32> to vector<1x128xi32>
    %broadcast_in_dim3A_191 = vector.shape_cast %get3A_190 : vector<1x128xi32> to vector<1x128xi32>
    %broadcast_in_dim3A_192 = vector.broadcast %broadcast_in_dim3A_191 : vector<1x128xi32> to vector<32x128xi32>
    %eq3A_193 = arith.cmpi eq, %broadcast_in_dim3A_192, %iota3A : vector<32x128xi32>
    %broadcast_in_dim3A_194 = vector.broadcast %get3A_2 : f32 to vector<32x128xf32>
    %broadcast_in_dim3A_195 = vector.broadcast %get3A_0 : f32 to vector<32x128xf32>
    %select_n3A_196 = arith.select %eq3A_193, %broadcast_in_dim3A_194, %broadcast_in_dim3A_195 : vector<32x128xi1>, vector<32x128xf32>
    %swap3A_197 = arith.constant 0 : index
    %swap3A_198 = arith.constant 0 : index
    %swap3A_199 = arith.constant 1408 : index
    %swap3A_200 = vector.load %arg3[%swap3A_197, %swap3A_198, %swap3A_199] : memref<4x32x8192xf32, #tpu.memory_space<vmem>>, vector<1x32x128xf32>
    %swap3A_201 = vector.shape_cast %swap3A_200 : vector<1x32x128xf32> to vector<32x128xf32>
    %swap3A_202 = vector.shape_cast %select_n3A_196 : vector<32x128xf32> to vector<1x32x128xf32>
    tpu.vector_store %arg3[%swap3A_197, %swap3A_198, %swap3A_199], %swap3A_202 {strides = array<i32>} : memref<4x32x8192xf32, #tpu.memory_space<vmem>>, vector<1x32x128xf32>,
    %get3A_203 = arith.constant 0 : index
    %get3A_204 = arith.constant 12 : index
    %get3A_205 = arith.constant 0 : index
    %get3A_206 = vector.load %arg2[%get3A_203, %get3A_204, %get3A_205] : memref<4x64x128xi32, #tpu.memory_space<vmem>>, vector<1x1x128xi32>
    %get3A_207 = vector.shape_cast %get3A_206 : vector<1x1x128xi32> to vector<1x128xi32>
    %broadcast_in_dim3A_208 = vector.shape_cast %get3A_207 : vector<1x128xi32> to vector<1x128xi32>
    %broadcast_in_dim3A_209 = vector.broadcast %broadcast_in_dim3A_208 : vector<1x128xi32> to vector<32x128xi32>
    %eq3A_210 = arith.cmpi eq, %broadcast_in_dim3A_209, %iota3A : vector<32x128xi32>
    %broadcast_in_dim3A_211 = vector.broadcast %get3A_2 : f32 to vector<32x128xf32>
    %broadcast_in_dim3A_212 = vector.broadcast %get3A_0 : f32 to vector<32x128xf32>
    %select_n3A_213 = arith.select %eq3A_210, %broadcast_in_dim3A_211, %broadcast_in_dim3A_212 : vector<32x128xi1>, vector<32x128xf32>
    %swap3A_214 = arith.constant 0 : index
    %swap3A_215 = arith.constant 0 : index
    %swap3A_216 = arith.constant 1536 : index
    %swap3A_217 = vector.load %arg3[%swap3A_214, %swap3A_215, %swap3A_216] : memref<4x32x8192xf32, #tpu.memory_space<vmem>>, vector<1x32x128xf32>
    %swap3A_218 = vector.shape_cast %swap3A_217 : vector<1x32x128xf32> to vector<32x128xf32>
    %swap3A_219 = vector.shape_cast %select_n3A_213 : vector<32x128xf32> to vector<1x32x128xf32>
    tpu.vector_store %arg3[%swap3A_214, %swap3A_215, %swap3A_216], %swap3A_219 {strides = array<i32>} : memref<4x32x8192xf32, #tpu.memory_space<vmem>>, vector<1x32x128xf32>,
    %get3A_220 = arith.constant 0 : index
    %get3A_221 = arith.constant 13 : index
    %get3A_222 = arith.constant 0 : index
    %get3A_223 = vector.load %arg2[%get3A_220, %get3A_221, %get3A_222] : memref<4x64x128xi32, #tpu.memory_space<vmem>>, vector<1x1x128xi32>
    %get3A_224 = vector.shape_cast %get3A_223 : vector<1x1x128xi32> to vector<1x128xi32>
    %broadcast_in_dim3A_225 = vector.shape_cast %get3A_224 : vector<1x128xi32> to vector<1x128xi32>
    %broadcast_in_dim3A_226 = vector.broadcast %broadcast_in_dim3A_225 : vector<1x128xi32> to vector<32x128xi32>
    %eq3A_227 = arith.cmpi eq, %broadcast_in_dim3A_226, %iota3A : vector<32x128xi32>
    %broadcast_in_dim3A_228 = vector.broadcast %get3A_2 : f32 to vector<32x128xf32>
    %broadcast_in_dim3A_229 = vector.broadcast %get3A_0 : f32 to vector<32x128xf32>
    %select_n3A_230 = arith.select %eq3A_227, %broadcast_in_dim3A_228, %broadcast_in_dim3A_229 : vector<32x128xi1>, vector<32x128xf32>
    %swap3A_231 = arith.constant 0 : index
    %swap3A_232 = arith.constant 0 : index
    %swap3A_233 = arith.constant 1664 : index
    %swap3A_234 = vector.load %arg3[%swap3A_231, %swap3A_232, %swap3A_233] : memref<4x32x8192xf32, #tpu.memory_space<vmem>>, vector<1x32x128xf32>
    %swap3A_235 = vector.shape_cast %swap3A_234 : vector<1x32x128xf32> to vector<32x128xf32>
    %swap3A_236 = vector.shape_cast %select_n3A_230 : vector<32x128xf32> to vector<1x32x128xf32>
    tpu.vector_store %arg3[%swap3A_231, %swap3A_232, %swap3A_233], %swap3A_236 {strides = array<i32>} : memref<4x32x8192xf32, #tpu.memory_space<vmem>>, vector<1x32x128xf32>,
    %get3A_237 = arith.constant 0 : index
    %get3A_238 = arith.constant 14 : index
    %get3A_239 = arith.constant 0 : index
    %get3A_240 = vector.load %arg2[%get3A_237, %get3A_238, %get3A_239] : memref<4x64x128xi32, #tpu.memory_space<vmem>>, vector<1x1x128xi32>
    %get3A_241 = vector.shape_cast %get3A_240 : vector<1x1x128xi32> to vector<1x128xi32>
    %broadcast_in_dim3A_242 = vector.shape_cast %get3A_241 : vector<1x128xi32> to vector<1x128xi32>
    %broadcast_in_dim3A_243 = vector.broadcast %broadcast_in_dim3A_242 : vector<1x128xi32> to vector<32x128xi32>
    %eq3A_244 = arith.cmpi eq, %broadcast_in_dim3A_243, %iota3A : vector<32x128xi32>
    %broadcast_in_dim3A_245 = vector.broadcast %get3A_2 : f32 to vector<32x128xf32>
    %broadcast_in_dim3A_246 = vector.broadcast %get3A_0 : f32 to vector<32x128xf32>
    %select_n3A_247 = arith.select %eq3A_244, %broadcast_in_dim3A_245, %broadcast_in_dim3A_246 : vector<32x128xi1>, vector<32x128xf32>
    %swap3A_248 = arith.constant 0 : index
    %swap3A_249 = arith.constant 0 : index
    %swap3A_250 = arith.constant 1792 : index
    %swap3A_251 = vector.load %arg3[%swap3A_248, %swap3A_249, %swap3A_250] : memref<4x32x8192xf32, #tpu.memory_space<vmem>>, vector<1x32x128xf32>
    %swap3A_252 = vector.shape_cast %swap3A_251 : vector<1x32x128xf32> to vector<32x128xf32>
    %swap3A_253 = vector.shape_cast %select_n3A_247 : vector<32x128xf32> to vector<1x32x128xf32>
    tpu.vector_store %arg3[%swap3A_248, %swap3A_249, %swap3A_250], %swap3A_253 {strides = array<i32>} : memref<4x32x8192xf32, #tpu.memory_space<vmem>>, vector<1x32x128xf32>,
    %get3A_254 = arith.constant 0 : index
    %get3A_255 = arith.constant 15 : index
    %get3A_256 = arith.constant 0 : index
    %get3A_257 = vector.load %arg2[%get3A_254, %get3A_255, %get3A_256] : memref<4x64x128xi32, #tpu.memory_space<vmem>>, vector<1x1x128xi32>
    %get3A_258 = vector.shape_cast %get3A_257 : vector<1x1x128xi32> to vector<1x128xi32>
    %broadcast_in_dim3A_259 = vector.shape_cast %get3A_258 : vector<1x128xi32> to vector<1x128xi32>
    %broadcast_in_dim3A_260 = vector.broadcast %broadcast_in_dim3A_259 : vector<1x128xi32> to vector<32x128xi32>
    %eq3A_261 = arith.cmpi eq, %broadcast_in_dim3A_260, %iota3A : vector<32x128xi32>
    %broadcast_in_dim3A_262 = vector.broadcast %get3A_2 : f32 to vector<32x128xf32>
    %broadcast_in_dim3A_263 = vector.broadcast %get3A_0 : f32 to vector<32x128xf32>
    %select_n3A_264 = arith.select %eq3A_261, %broadcast_in_dim3A_262, %broadcast_in_dim3A_263 : vector<32x128xi1>, vector<32x128xf32>
    %swap3A_265 = arith.constant 0 : index
    %swap3A_266 = arith.constant 0 : index
    %swap3A_267 = arith.constant 1920 : index
    %swap3A_268 = vector.load %arg3[%swap3A_265, %swap3A_266, %swap3A_267] : memref<4x32x8192xf32, #tpu.memory_space<vmem>>, vector<1x32x128xf32>
    %swap3A_269 = vector.shape_cast %swap3A_268 : vector<1x32x128xf32> to vector<32x128xf32>
    %swap3A_270 = vector.shape_cast %select_n3A_264 : vector<32x128xf32> to vector<1x32x128xf32>
    tpu.vector_store %arg3[%swap3A_265, %swap3A_266, %swap3A_267], %swap3A_270 {strides = array<i32>} : memref<4x32x8192xf32, #tpu.memory_space<vmem>>, vector<1x32x128xf32>,
    %get3A_271 = arith.constant 0 : index
    %get3A_272 = arith.constant 16 : index
    %get3A_273 = arith.constant 0 : index
    %get3A_274 = vector.load %arg2[%get3A_271, %get3A_272, %get3A_273] : memref<4x64x128xi32, #tpu.memory_space<vmem>>, vector<1x1x128xi32>
    %get3A_275 = vector.shape_cast %get3A_274 : vector<1x1x128xi32> to vector<1x128xi32>
    %broadcast_in_dim3A_276 = vector.shape_cast %get3A_275 : vector<1x128xi32> to vector<1x128xi32>
    %broadcast_in_dim3A_277 = vector.broadcast %broadcast_in_dim3A_276 : vector<1x128xi32> to vector<32x128xi32>
    %eq3A_278 = arith.cmpi eq, %broadcast_in_dim3A_277, %iota3A : vector<32x128xi32>
    %broadcast_in_dim3A_279 = vector.broadcast %get3A_2 : f32 to vector<32x128xf32>
    %broadcast_in_dim3A_280 = vector.broadcast %get3A_0 : f32 to vector<32x128xf32>
    %select_n3A_281 = arith.select %eq3A_278, %broadcast_in_dim3A_279, %broadcast_in_dim3A_280 : vector<32x128xi1>, vector<32x128xf32>
    %swap3A_282 = arith.constant 0 : index
    %swap3A_283 = arith.constant 0 : index
    %swap3A_284 = arith.constant 2048 : index
    %swap3A_285 = vector.load %arg3[%swap3A_282, %swap3A_283, %swap3A_284] : memref<4x32x8192xf32, #tpu.memory_space<vmem>>, vector<1x32x128xf32>
    %swap3A_286 = vector.shape_cast %swap3A_285 : vector<1x32x128xf32> to vector<32x128xf32>
    %swap3A_287 = vector.shape_cast %select_n3A_281 : vector<32x128xf32> to vector<1x32x128xf32>
    tpu.vector_store %arg3[%swap3A_282, %swap3A_283, %swap3A_284], %swap3A_287 {strides = array<i32>} : memref<4x32x8192xf32, #tpu.memory_space<vmem>>, vector<1x32x128xf32>,
    %get3A_288 = arith.constant 0 : index
    %get3A_289 = arith.constant 17 : index
    %get3A_290 = arith.constant 0 : index
    %get3A_291 = vector.load %arg2[%get3A_288, %get3A_289, %get3A_290] : memref<4x64x128xi32, #tpu.memory_space<vmem>>, vector<1x1x128xi32>
    %get3A_292 = vector.shape_cast %get3A_291 : vector<1x1x128xi32> to vector<1x128xi32>
    %broadcast_in_dim3A_293 = vector.shape_cast %get3A_292 : vector<1x128xi32> to vector<1x128xi32>
    %broadcast_in_dim3A_294 = vector.broadcast %broadcast_in_dim3A_293 : vector<1x128xi32> to vector<32x128xi32>
    %eq3A_295 = arith.cmpi eq, %broadcast_in_dim3A_294, %iota3A : vector<32x128xi32>
    %broadcast_in_dim3A_296 = vector.broadcast %get3A_2 : f32 to vector<32x128xf32>
    %broadcast_in_dim3A_297 = vector.broadcast %get3A_0 : f32 to vector<32x128xf32>
    %select_n3A_298 = arith.select %eq3A_295, %broadcast_in_dim3A_296, %broadcast_in_dim3A_297 : vector<32x128xi1>, vector<32x128xf32>
    %swap3A_299 = arith.constant 0 : index
    %swap3A_300 = arith.constant 0 : index
    %swap3A_301 = arith.constant 2176 : index
    %swap3A_302 = vector.load %arg3[%swap3A_299, %swap3A_300, %swap3A_301] : memref<4x32x8192xf32, #tpu.memory_space<vmem>>, vector<1x32x128xf32>
    %swap3A_303 = vector.shape_cast %swap3A_302 : vector<1x32x128xf32> to vector<32x128xf32>
    %swap3A_304 = vector.shape_cast %select_n3A_298 : vector<32x128xf32> to vector<1x32x128xf32>
    tpu.vector_store %arg3[%swap3A_299, %swap3A_300, %swap3A_301], %swap3A_304 {strides = array<i32>} : memref<4x32x8192xf32, #tpu.memory_space<vmem>>, vector<1x32x128xf32>,
    %get3A_305 = arith.constant 0 : index
    %get3A_306 = arith.constant 18 : index
    %get3A_307 = arith.constant 0 : index
    %get3A_308 = vector.load %arg2[%get3A_305, %get3A_306, %get3A_307] : memref<4x64x128xi32, #tpu.memory_space<vmem>>, vector<1x1x128xi32>
    %get3A_309 = vector.shape_cast %get3A_308 : vector<1x1x128xi32> to vector<1x128xi32>
    %broadcast_in_dim3A_310 = vector.shape_cast %get3A_309 : vector<1x128xi32> to vector<1x128xi32>
    %broadcast_in_dim3A_311 = vector.broadcast %broadcast_in_dim3A_310 : vector<1x128xi32> to vector<32x128xi32>
    %eq3A_312 = arith.cmpi eq, %broadcast_in_dim3A_311, %iota3A : vector<32x128xi32>
    %broadcast_in_dim3A_313 = vector.broadcast %get3A_2 : f32 to vector<32x128xf32>
    %broadcast_in_dim3A_314 = vector.broadcast %get3A_0 : f32 to vector<32x128xf32>
    %select_n3A_315 = arith.select %eq3A_312, %broadcast_in_dim3A_313, %broadcast_in_dim3A_314 : vector<32x128xi1>, vector<32x128xf32>
    %swap3A_316 = arith.constant 0 : index
    %swap3A_317 = arith.constant 0 : index
    %swap3A_318 = arith.constant 2304 : index
    %swap3A_319 = vector.load %arg3[%swap3A_316, %swap3A_317, %swap3A_318] : memref<4x32x8192xf32, #tpu.memory_space<vmem>>, vector<1x32x128xf32>
    %swap3A_320 = vector.shape_cast %swap3A_319 : vector<1x32x128xf32> to vector<32x128xf32>
    %swap3A_321 = vector.shape_cast %select_n3A_315 : vector<32x128xf32> to vector<1x32x128xf32>
    tpu.vector_store %arg3[%swap3A_316, %swap3A_317, %swap3A_318], %swap3A_321 {strides = array<i32>} : memref<4x32x8192xf32, #tpu.memory_space<vmem>>, vector<1x32x128xf32>,
    %get3A_322 = arith.constant 0 : index
    %get3A_323 = arith.constant 19 : index
    %get3A_324 = arith.constant 0 : index
    %get3A_325 = vector.load %arg2[%get3A_322, %get3A_323, %get3A_324] : memref<4x64x128xi32, #tpu.memory_space<vmem>>, vector<1x1x128xi32>
    %get3A_326 = vector.shape_cast %get3A_325 : vector<1x1x128xi32> to vector<1x128xi32>
    %broadcast_in_dim3A_327 = vector.shape_cast %get3A_326 : vector<1x128xi32> to vector<1x128xi32>
    %broadcast_in_dim3A_328 = vector.broadcast %broadcast_in_dim3A_327 : vector<1x128xi32> to vector<32x128xi32>
    %eq3A_329 = arith.cmpi eq, %broadcast_in_dim3A_328, %iota3A : vector<32x128xi32>
    %broadcast_in_dim3A_330 = vector.broadcast %get3A_2 : f32 to vector<32x128xf32>
    %broadcast_in_dim3A_331 = vector.broadcast %get3A_0 : f32 to vector<32x128xf32>
    %select_n3A_332 = arith.select %eq3A_329, %broadcast_in_dim3A_330, %broadcast_in_dim3A_331 : vector<32x128xi1>, vector<32x128xf32>
    %swap3A_333 = arith.constant 0 : index
    %swap3A_334 = arith.constant 0 : index
    %swap3A_335 = arith.constant 2432 : index
    %swap3A_336 = vector.load %arg3[%swap3A_333, %swap3A_334, %swap3A_335] : memref<4x32x8192xf32, #tpu.memory_space<vmem>>, vector<1x32x128xf32>
    %swap3A_337 = vector.shape_cast %swap3A_336 : vector<1x32x128xf32> to vector<32x128xf32>
    %swap3A_338 = vector.shape_cast %select_n3A_332 : vector<32x128xf32> to vector<1x32x128xf32>
    tpu.vector_store %arg3[%swap3A_333, %swap3A_334, %swap3A_335], %swap3A_338 {strides = array<i32>} : memref<4x32x8192xf32, #tpu.memory_space<vmem>>, vector<1x32x128xf32>,
    %get3A_339 = arith.constant 0 : index
    %get3A_340 = arith.constant 20 : index
    %get3A_341 = arith.constant 0 : index
    %get3A_342 = vector.load %arg2[%get3A_339, %get3A_340, %get3A_341] : memref<4x64x128xi32, #tpu.memory_space<vmem>>, vector<1x1x128xi32>
    %get3A_343 = vector.shape_cast %get3A_342 : vector<1x1x128xi32> to vector<1x128xi32>
    %broadcast_in_dim3A_344 = vector.shape_cast %get3A_343 : vector<1x128xi32> to vector<1x128xi32>
    %broadcast_in_dim3A_345 = vector.broadcast %broadcast_in_dim3A_344 : vector<1x128xi32> to vector<32x128xi32>
    %eq3A_346 = arith.cmpi eq, %broadcast_in_dim3A_345, %iota3A : vector<32x128xi32>
    %broadcast_in_dim3A_347 = vector.broadcast %get3A_2 : f32 to vector<32x128xf32>
    %broadcast_in_dim3A_348 = vector.broadcast %get3A_0 : f32 to vector<32x128xf32>
    %select_n3A_349 = arith.select %eq3A_346, %broadcast_in_dim3A_347, %broadcast_in_dim3A_348 : vector<32x128xi1>, vector<32x128xf32>
    %swap3A_350 = arith.constant 0 : index
    %swap3A_351 = arith.constant 0 : index
    %swap3A_352 = arith.constant 2560 : index
    %swap3A_353 = vector.load %arg3[%swap3A_350, %swap3A_351, %swap3A_352] : memref<4x32x8192xf32, #tpu.memory_space<vmem>>, vector<1x32x128xf32>
    %swap3A_354 = vector.shape_cast %swap3A_353 : vector<1x32x128xf32> to vector<32x128xf32>
    %swap3A_355 = vector.shape_cast %select_n3A_349 : vector<32x128xf32> to vector<1x32x128xf32>
    tpu.vector_store %arg3[%swap3A_350, %swap3A_351, %swap3A_352], %swap3A_355 {strides = array<i32>} : memref<4x32x8192xf32, #tpu.memory_space<vmem>>, vector<1x32x128xf32>,
    %get3A_356 = arith.constant 0 : index
    %get3A_357 = arith.constant 21 : index
    %get3A_358 = arith.constant 0 : index
    %get3A_359 = vector.load %arg2[%get3A_356, %get3A_357, %get3A_358] : memref<4x64x128xi32, #tpu.memory_space<vmem>>, vector<1x1x128xi32>
    %get3A_360 = vector.shape_cast %get3A_359 : vector<1x1x128xi32> to vector<1x128xi32>
    %broadcast_in_dim3A_361 = vector.shape_cast %get3A_360 : vector<1x128xi32> to vector<1x128xi32>
    %broadcast_in_dim3A_362 = vector.broadcast %broadcast_in_dim3A_361 : vector<1x128xi32> to vector<32x128xi32>
    %eq3A_363 = arith.cmpi eq, %broadcast_in_dim3A_362, %iota3A : vector<32x128xi32>
    %broadcast_in_dim3A_364 = vector.broadcast %get3A_2 : f32 to vector<32x128xf32>
    %broadcast_in_dim3A_365 = vector.broadcast %get3A_0 : f32 to vector<32x128xf32>
    %select_n3A_366 = arith.select %eq3A_363, %broadcast_in_dim3A_364, %broadcast_in_dim3A_365 : vector<32x128xi1>, vector<32x128xf32>
    %swap3A_367 = arith.constant 0 : index
    %swap3A_368 = arith.constant 0 : index
    %swap3A_369 = arith.constant 2688 : index
    %swap3A_370 = vector.load %arg3[%swap3A_367, %swap3A_368, %swap3A_369] : memref<4x32x8192xf32, #tpu.memory_space<vmem>>, vector<1x32x128xf32>
    %swap3A_371 = vector.shape_cast %swap3A_370 : vector<1x32x128xf32> to vector<32x128xf32>
    %swap3A_372 = vector.shape_cast %select_n3A_366 : vector<32x128xf32> to vector<1x32x128xf32>
    tpu.vector_store %arg3[%swap3A_367, %swap3A_368, %swap3A_369], %swap3A_372 {strides = array<i32>} : memref<4x32x8192xf32, #tpu.memory_space<vmem>>, vector<1x32x128xf32>,
    %get3A_373 = arith.constant 0 : index
    %get3A_374 = arith.constant 22 : index
    %get3A_375 = arith.constant 0 : index
    %get3A_376 = vector.load %arg2[%get3A_373, %get3A_374, %get3A_375] : memref<4x64x128xi32, #tpu.memory_space<vmem>>, vector<1x1x128xi32>
    %get3A_377 = vector.shape_cast %get3A_376 : vector<1x1x128xi32> to vector<1x128xi32>
    %broadcast_in_dim3A_378 = vector.shape_cast %get3A_377 : vector<1x128xi32> to vector<1x128xi32>
    %broadcast_in_dim3A_379 = vector.broadcast %broadcast_in_dim3A_378 : vector<1x128xi32> to vector<32x128xi32>
    %eq3A_380 = arith.cmpi eq, %broadcast_in_dim3A_379, %iota3A : vector<32x128xi32>
    %broadcast_in_dim3A_381 = vector.broadcast %get3A_2 : f32 to vector<32x128xf32>
    %broadcast_in_dim3A_382 = vector.broadcast %get3A_0 : f32 to vector<32x128xf32>
    %select_n3A_383 = arith.select %eq3A_380, %broadcast_in_dim3A_381, %broadcast_in_dim3A_382 : vector<32x128xi1>, vector<32x128xf32>
    %swap3A_384 = arith.constant 0 : index
    %swap3A_385 = arith.constant 0 : index
    %swap3A_386 = arith.constant 2816 : index
    %swap3A_387 = vector.load %arg3[%swap3A_384, %swap3A_385, %swap3A_386] : memref<4x32x8192xf32, #tpu.memory_space<vmem>>, vector<1x32x128xf32>
    %swap3A_388 = vector.shape_cast %swap3A_387 : vector<1x32x128xf32> to vector<32x128xf32>
    %swap3A_389 = vector.shape_cast %select_n3A_383 : vector<32x128xf32> to vector<1x32x128xf32>
    tpu.vector_store %arg3[%swap3A_384, %swap3A_385, %swap3A_386], %swap3A_389 {strides = array<i32>} : memref<4x32x8192xf32, #tpu.memory_space<vmem>>, vector<1x32x128xf32>,
    %get3A_390 = arith.constant 0 : index
    %get3A_391 = arith.constant 23 : index
    %get3A_392 = arith.constant 0 : index
    %get3A_393 = vector.load %arg2[%get3A_390, %get3A_391, %get3A_392] : memref<4x64x128xi32, #tpu.memory_space<vmem>>, vector<1x1x128xi32>
    %get3A_394 = vector.shape_cast %get3A_393 : vector<1x1x128xi32> to vector<1x128xi32>
    %broadcast_in_dim3A_395 = vector.shape_cast %get3A_394 : vector<1x128xi32> to vector<1x128xi32>
    %broadcast_in_dim3A_396 = vector.broadcast %broadcast_in_dim3A_395 : vector<1x128xi32> to vector<32x128xi32>
    %eq3A_397 = arith.cmpi eq, %broadcast_in_dim3A_396, %iota3A : vector<32x128xi32>
    %broadcast_in_dim3A_398 = vector.broadcast %get3A_2 : f32 to vector<32x128xf32>
    %broadcast_in_dim3A_399 = vector.broadcast %get3A_0 : f32 to vector<32x128xf32>
    %select_n3A_400 = arith.select %eq3A_397, %broadcast_in_dim3A_398, %broadcast_in_dim3A_399 : vector<32x128xi1>, vector<32x128xf32>
    %swap3A_401 = arith.constant 0 : index
    %swap3A_402 = arith.constant 0 : index
    %swap3A_403 = arith.constant 2944 : index
    %swap3A_404 = vector.load %arg3[%swap3A_401, %swap3A_402, %swap3A_403] : memref<4x32x8192xf32, #tpu.memory_space<vmem>>, vector<1x32x128xf32>
    %swap3A_405 = vector.shape_cast %swap3A_404 : vector<1x32x128xf32> to vector<32x128xf32>
    %swap3A_406 = vector.shape_cast %select_n3A_400 : vector<32x128xf32> to vector<1x32x128xf32>
    tpu.vector_store %arg3[%swap3A_401, %swap3A_402, %swap3A_403], %swap3A_406 {strides = array<i32>} : memref<4x32x8192xf32, #tpu.memory_space<vmem>>, vector<1x32x128xf32>,
    %get3A_407 = arith.constant 0 : index
    %get3A_408 = arith.constant 24 : index
    %get3A_409 = arith.constant 0 : index
    %get3A_410 = vector.load %arg2[%get3A_407, %get3A_408, %get3A_409] : memref<4x64x128xi32, #tpu.memory_space<vmem>>, vector<1x1x128xi32>
    %get3A_411 = vector.shape_cast %get3A_410 : vector<1x1x128xi32> to vector<1x128xi32>
    %broadcast_in_dim3A_412 = vector.shape_cast %get3A_411 : vector<1x128xi32> to vector<1x128xi32>
    %broadcast_in_dim3A_413 = vector.broadcast %broadcast_in_dim3A_412 : vector<1x128xi32> to vector<32x128xi32>
    %eq3A_414 = arith.cmpi eq, %broadcast_in_dim3A_413, %iota3A : vector<32x128xi32>
    %broadcast_in_dim3A_415 = vector.broadcast %get3A_2 : f32 to vector<32x128xf32>
    %broadcast_in_dim3A_416 = vector.broadcast %get3A_0 : f32 to vector<32x128xf32>
    %select_n3A_417 = arith.select %eq3A_414, %broadcast_in_dim3A_415, %broadcast_in_dim3A_416 : vector<32x128xi1>, vector<32x128xf32>
    %swap3A_418 = arith.constant 0 : index
    %swap3A_419 = arith.constant 0 : index
    %swap3A_420 = arith.constant 3072 : index
    %swap3A_421 = vector.load %arg3[%swap3A_418, %swap3A_419, %swap3A_420] : memref<4x32x8192xf32, #tpu.memory_space<vmem>>, vector<1x32x128xf32>
    %swap3A_422 = vector.shape_cast %swap3A_421 : vector<1x32x128xf32> to vector<32x128xf32>
    %swap3A_423 = vector.shape_cast %select_n3A_417 : vector<32x128xf32> to vector<1x32x128xf32>
    tpu.vector_store %arg3[%swap3A_418, %swap3A_419, %swap3A_420], %swap3A_423 {strides = array<i32>} : memref<4x32x8192xf32, #tpu.memory_space<vmem>>, vector<1x32x128xf32>,
    %get3A_424 = arith.constant 0 : index
    %get3A_425 = arith.constant 25 : index
    %get3A_426 = arith.constant 0 : index
    %get3A_427 = vector.load %arg2[%get3A_424, %get3A_425, %get3A_426] : memref<4x64x128xi32, #tpu.memory_space<vmem>>, vector<1x1x128xi32>
    %get3A_428 = vector.shape_cast %get3A_427 : vector<1x1x128xi32> to vector<1x128xi32>
    %broadcast_in_dim3A_429 = vector.shape_cast %get3A_428 : vector<1x128xi32> to vector<1x128xi32>
    %broadcast_in_dim3A_430 = vector.broadcast %broadcast_in_dim3A_429 : vector<1x128xi32> to vector<32x128xi32>
    %eq3A_431 = arith.cmpi eq, %broadcast_in_dim3A_430, %iota3A : vector<32x128xi32>
    %broadcast_in_dim3A_432 = vector.broadcast %get3A_2 : f32 to vector<32x128xf32>
    %broadcast_in_dim3A_433 = vector.broadcast %get3A_0 : f32 to vector<32x128xf32>
    %select_n3A_434 = arith.select %eq3A_431, %broadcast_in_dim3A_432, %broadcast_in_dim3A_433 : vector<32x128xi1>, vector<32x128xf32>
    %swap3A_435 = arith.constant 0 : index
    %swap3A_436 = arith.constant 0 : index
    %swap3A_437 = arith.constant 3200 : index
    %swap3A_438 = vector.load %arg3[%swap3A_435, %swap3A_436, %swap3A_437] : memref<4x32x8192xf32, #tpu.memory_space<vmem>>, vector<1x32x128xf32>
    %swap3A_439 = vector.shape_cast %swap3A_438 : vector<1x32x128xf32> to vector<32x128xf32>
    %swap3A_440 = vector.shape_cast %select_n3A_434 : vector<32x128xf32> to vector<1x32x128xf32>
    tpu.vector_store %arg3[%swap3A_435, %swap3A_436, %swap3A_437], %swap3A_440 {strides = array<i32>} : memref<4x32x8192xf32, #tpu.memory_space<vmem>>, vector<1x32x128xf32>,
    %get3A_441 = arith.constant 0 : index
    %get3A_442 = arith.constant 26 : index
    %get3A_443 = arith.constant 0 : index
    %get3A_444 = vector.load %arg2[%get3A_441, %get3A_442, %get3A_443] : memref<4x64x128xi32, #tpu.memory_space<vmem>>, vector<1x1x128xi32>
    %get3A_445 = vector.shape_cast %get3A_444 : vector<1x1x128xi32> to vector<1x128xi32>
    %broadcast_in_dim3A_446 = vector.shape_cast %get3A_445 : vector<1x128xi32> to vector<1x128xi32>
    %broadcast_in_dim3A_447 = vector.broadcast %broadcast_in_dim3A_446 : vector<1x128xi32> to vector<32x128xi32>
    %eq3A_448 = arith.cmpi eq, %broadcast_in_dim3A_447, %iota3A : vector<32x128xi32>
    %broadcast_in_dim3A_449 = vector.broadcast %get3A_2 : f32 to vector<32x128xf32>
    %broadcast_in_dim3A_450 = vector.broadcast %get3A_0 : f32 to vector<32x128xf32>
    %select_n3A_451 = arith.select %eq3A_448, %broadcast_in_dim3A_449, %broadcast_in_dim3A_450 : vector<32x128xi1>, vector<32x128xf32>
    %swap3A_452 = arith.constant 0 : index
    %swap3A_453 = arith.constant 0 : index
    %swap3A_454 = arith.constant 3328 : index
    %swap3A_455 = vector.load %arg3[%swap3A_452, %swap3A_453, %swap3A_454] : memref<4x32x8192xf32, #tpu.memory_space<vmem>>, vector<1x32x128xf32>
    %swap3A_456 = vector.shape_cast %swap3A_455 : vector<1x32x128xf32> to vector<32x128xf32>
    %swap3A_457 = vector.shape_cast %select_n3A_451 : vector<32x128xf32> to vector<1x32x128xf32>
    tpu.vector_store %arg3[%swap3A_452, %swap3A_453, %swap3A_454], %swap3A_457 {strides = array<i32>} : memref<4x32x8192xf32, #tpu.memory_space<vmem>>, vector<1x32x128xf32>,
    %get3A_458 = arith.constant 0 : index
    %get3A_459 = arith.constant 27 : index
    %get3A_460 = arith.constant 0 : index
    %get3A_461 = vector.load %arg2[%get3A_458, %get3A_459, %get3A_460] : memref<4x64x128xi32, #tpu.memory_space<vmem>>, vector<1x1x128xi32>
    %get3A_462 = vector.shape_cast %get3A_461 : vector<1x1x128xi32> to vector<1x128xi32>
    %broadcast_in_dim3A_463 = vector.shape_cast %get3A_462 : vector<1x128xi32> to vector<1x128xi32>
    %broadcast_in_dim3A_464 = vector.broadcast %broadcast_in_dim3A_463 : vector<1x128xi32> to vector<32x128xi32>
    %eq3A_465 = arith.cmpi eq, %broadcast_in_dim3A_464, %iota3A : vector<32x128xi32>
    %broadcast_in_dim3A_466 = vector.broadcast %get3A_2 : f32 to vector<32x128xf32>
    %broadcast_in_dim3A_467 = vector.broadcast %get3A_0 : f32 to vector<32x128xf32>
    %select_n3A_468 = arith.select %eq3A_465, %broadcast_in_dim3A_466, %broadcast_in_dim3A_467 : vector<32x128xi1>, vector<32x128xf32>
    %swap3A_469 = arith.constant 0 : index
    %swap3A_470 = arith.constant 0 : index
    %swap3A_471 = arith.constant 3456 : index
    %swap3A_472 = vector.load %arg3[%swap3A_469, %swap3A_470, %swap3A_471] : memref<4x32x8192xf32, #tpu.memory_space<vmem>>, vector<1x32x128xf32>
    %swap3A_473 = vector.shape_cast %swap3A_472 : vector<1x32x128xf32> to vector<32x128xf32>
    %swap3A_474 = vector.shape_cast %select_n3A_468 : vector<32x128xf32> to vector<1x32x128xf32>
    tpu.vector_store %arg3[%swap3A_469, %swap3A_470, %swap3A_471], %swap3A_474 {strides = array<i32>} : memref<4x32x8192xf32, #tpu.memory_space<vmem>>, vector<1x32x128xf32>,
    %get3A_475 = arith.constant 0 : index
    %get3A_476 = arith.constant 28 : index
    %get3A_477 = arith.constant 0 : index
    %get3A_478 = vector.load %arg2[%get3A_475, %get3A_476, %get3A_477] : memref<4x64x128xi32, #tpu.memory_space<vmem>>, vector<1x1x128xi32>
    %get3A_479 = vector.shape_cast %get3A_478 : vector<1x1x128xi32> to vector<1x128xi32>
    %broadcast_in_dim3A_480 = vector.shape_cast %get3A_479 : vector<1x128xi32> to vector<1x128xi32>
    %broadcast_in_dim3A_481 = vector.broadcast %broadcast_in_dim3A_480 : vector<1x128xi32> to vector<32x128xi32>
    %eq3A_482 = arith.cmpi eq, %broadcast_in_dim3A_481, %iota3A : vector<32x128xi32>
    %broadcast_in_dim3A_483 = vector.broadcast %get3A_2 : f32 to vector<32x128xf32>
    %broadcast_in_dim3A_484 = vector.broadcast %get3A_0 : f32 to vector<32x128xf32>
    %select_n3A_485 = arith.select %eq3A_482, %broadcast_in_dim3A_483, %broadcast_in_dim3A_484 : vector<32x128xi1>, vector<32x128xf32>
    %swap3A_486 = arith.constant 0 : index
    %swap3A_487 = arith.constant 0 : index
    %swap3A_488 = arith.constant 3584 : index
    %swap3A_489 = vector.load %arg3[%swap3A_486, %swap3A_487, %swap3A_488] : memref<4x32x8192xf32, #tpu.memory_space<vmem>>, vector<1x32x128xf32>
    %swap3A_490 = vector.shape_cast %swap3A_489 : vector<1x32x128xf32> to vector<32x128xf32>
    %swap3A_491 = vector.shape_cast %select_n3A_485 : vector<32x128xf32> to vector<1x32x128xf32>
    tpu.vector_store %arg3[%swap3A_486, %swap3A_487, %swap3A_488], %swap3A_491 {strides = array<i32>} : memref<4x32x8192xf32, #tpu.memory_space<vmem>>, vector<1x32x128xf32>,
    %get3A_492 = arith.constant 0 : index
    %get3A_493 = arith.constant 29 : index
    %get3A_494 = arith.constant 0 : index
    %get3A_495 = vector.load %arg2[%get3A_492, %get3A_493, %get3A_494] : memref<4x64x128xi32, #tpu.memory_space<vmem>>, vector<1x1x128xi32>
    %get3A_496 = vector.shape_cast %get3A_495 : vector<1x1x128xi32> to vector<1x128xi32>
    %broadcast_in_dim3A_497 = vector.shape_cast %get3A_496 : vector<1x128xi32> to vector<1x128xi32>
    %broadcast_in_dim3A_498 = vector.broadcast %broadcast_in_dim3A_497 : vector<1x128xi32> to vector<32x128xi32>
    %eq3A_499 = arith.cmpi eq, %broadcast_in_dim3A_498, %iota3A : vector<32x128xi32>
    %broadcast_in_dim3A_500 = vector.broadcast %get3A_2 : f32 to vector<32x128xf32>
    %broadcast_in_dim3A_501 = vector.broadcast %get3A_0 : f32 to vector<32x128xf32>
    %select_n3A_502 = arith.select %eq3A_499, %broadcast_in_dim3A_500, %broadcast_in_dim3A_501 : vector<32x128xi1>, vector<32x128xf32>
    %swap3A_503 = arith.constant 0 : index
    %swap3A_504 = arith.constant 0 : index
    %swap3A_505 = arith.constant 3712 : index
    %swap3A_506 = vector.load %arg3[%swap3A_503, %swap3A_504, %swap3A_505] : memref<4x32x8192xf32, #tpu.memory_space<vmem>>, vector<1x32x128xf32>
    %swap3A_507 = vector.shape_cast %swap3A_506 : vector<1x32x128xf32> to vector<32x128xf32>
    %swap3A_508 = vector.shape_cast %select_n3A_502 : vector<32x128xf32> to vector<1x32x128xf32>
    tpu.vector_store %arg3[%swap3A_503, %swap3A_504, %swap3A_505], %swap3A_508 {strides = array<i32>} : memref<4x32x8192xf32, #tpu.memory_space<vmem>>, vector<1x32x128xf32>,
    %get3A_509 = arith.constant 0 : index
    %get3A_510 = arith.constant 30 : index
    %get3A_511 = arith.constant 0 : index
    %get3A_512 = vector.load %arg2[%get3A_509, %get3A_510, %get3A_511] : memref<4x64x128xi32, #tpu.memory_space<vmem>>, vector<1x1x128xi32>
    %get3A_513 = vector.shape_cast %get3A_512 : vector<1x1x128xi32> to vector<1x128xi32>
    %broadcast_in_dim3A_514 = vector.shape_cast %get3A_513 : vector<1x128xi32> to vector<1x128xi32>
    %broadcast_in_dim3A_515 = vector.broadcast %broadcast_in_dim3A_514 : vector<1x128xi32> to vector<32x128xi32>
    %eq3A_516 = arith.cmpi eq, %broadcast_in_dim3A_515, %iota3A : vector<32x128xi32>
    %broadcast_in_dim3A_517 = vector.broadcast %get3A_2 : f32 to vector<32x128xf32>
    %broadcast_in_dim3A_518 = vector.broadcast %get3A_0 : f32 to vector<32x128xf32>
    %select_n3A_519 = arith.select %eq3A_516, %broadcast_in_dim3A_517, %broadcast_in_dim3A_518 : vector<32x128xi1>, vector<32x128xf32>
    %swap3A_520 = arith.constant 0 : index
    %swap3A_521 = arith.constant 0 : index
    %swap3A_522 = arith.constant 3840 : index
    %swap3A_523 = vector.load %arg3[%swap3A_520, %swap3A_521, %swap3A_522] : memref<4x32x8192xf32, #tpu.memory_space<vmem>>, vector<1x32x128xf32>
    %swap3A_524 = vector.shape_cast %swap3A_523 : vector<1x32x128xf32> to vector<32x128xf32>
    %swap3A_525 = vector.shape_cast %select_n3A_519 : vector<32x128xf32> to vector<1x32x128xf32>
    tpu.vector_store %arg3[%swap3A_520, %swap3A_521, %swap3A_522], %swap3A_525 {strides = array<i32>} : memref<4x32x8192xf32, #tpu.memory_space<vmem>>, vector<1x32x128xf32>,
    %get3A_526 = arith.constant 0 : index
    %get3A_527 = arith.constant 31 : index
    %get3A_528 = arith.constant 0 : index
    %get3A_529 = vector.load %arg2[%get3A_526, %get3A_527, %get3A_528] : memref<4x64x128xi32, #tpu.memory_space<vmem>>, vector<1x1x128xi32>
    %get3A_530 = vector.shape_cast %get3A_529 : vector<1x1x128xi32> to vector<1x128xi32>
    %broadcast_in_dim3A_531 = vector.shape_cast %get3A_530 : vector<1x128xi32> to vector<1x128xi32>
    %broadcast_in_dim3A_532 = vector.broadcast %broadcast_in_dim3A_531 : vector<1x128xi32> to vector<32x128xi32>
    %eq3A_533 = arith.cmpi eq, %broadcast_in_dim3A_532, %iota3A : vector<32x128xi32>
    %broadcast_in_dim3A_534 = vector.broadcast %get3A_2 : f32 to vector<32x128xf32>
    %broadcast_in_dim3A_535 = vector.broadcast %get3A_0 : f32 to vector<32x128xf32>
    %select_n3A_536 = arith.select %eq3A_533, %broadcast_in_dim3A_534, %broadcast_in_dim3A_535 : vector<32x128xi1>, vector<32x128xf32>
    %swap3A_537 = arith.constant 0 : index
    %swap3A_538 = arith.constant 0 : index
    %swap3A_539 = arith.constant 3968 : index
    %swap3A_540 = vector.load %arg3[%swap3A_537, %swap3A_538, %swap3A_539] : memref<4x32x8192xf32, #tpu.memory_space<vmem>>, vector<1x32x128xf32>
    %swap3A_541 = vector.shape_cast %swap3A_540 : vector<1x32x128xf32> to vector<32x128xf32>
    %swap3A_542 = vector.shape_cast %select_n3A_536 : vector<32x128xf32> to vector<1x32x128xf32>
    tpu.vector_store %arg3[%swap3A_537, %swap3A_538, %swap3A_539], %swap3A_542 {strides = array<i32>} : memref<4x32x8192xf32, #tpu.memory_space<vmem>>, vector<1x32x128xf32>,
    %get3A_543 = arith.constant 0 : index
    %get3A_544 = arith.constant 32 : index
    %get3A_545 = arith.constant 0 : index
    %get3A_546 = vector.load %arg2[%get3A_543, %get3A_544, %get3A_545] : memref<4x64x128xi32, #tpu.memory_space<vmem>>, vector<1x1x128xi32>
    %get3A_547 = vector.shape_cast %get3A_546 : vector<1x1x128xi32> to vector<1x128xi32>
    %broadcast_in_dim3A_548 = vector.shape_cast %get3A_547 : vector<1x128xi32> to vector<1x128xi32>
    %broadcast_in_dim3A_549 = vector.broadcast %broadcast_in_dim3A_548 : vector<1x128xi32> to vector<32x128xi32>
    %eq3A_550 = arith.cmpi eq, %broadcast_in_dim3A_549, %iota3A : vector<32x128xi32>
    %broadcast_in_dim3A_551 = vector.broadcast %get3A_2 : f32 to vector<32x128xf32>
    %broadcast_in_dim3A_552 = vector.broadcast %get3A_0 : f32 to vector<32x128xf32>
    %select_n3A_553 = arith.select %eq3A_550, %broadcast_in_dim3A_551, %broadcast_in_dim3A_552 : vector<32x128xi1>, vector<32x128xf32>
    %swap3A_554 = arith.constant 0 : index
    %swap3A_555 = arith.constant 0 : index
    %swap3A_556 = arith.constant 4096 : index
    %swap3A_557 = vector.load %arg3[%swap3A_554, %swap3A_555, %swap3A_556] : memref<4x32x8192xf32, #tpu.memory_space<vmem>>, vector<1x32x128xf32>
    %swap3A_558 = vector.shape_cast %swap3A_557 : vector<1x32x128xf32> to vector<32x128xf32>
    %swap3A_559 = vector.shape_cast %select_n3A_553 : vector<32x128xf32> to vector<1x32x128xf32>
    tpu.vector_store %arg3[%swap3A_554, %swap3A_555, %swap3A_556], %swap3A_559 {strides = array<i32>} : memref<4x32x8192xf32, #tpu.memory_space<vmem>>, vector<1x32x128xf32>,
    %get3A_560 = arith.constant 0 : index
    %get3A_561 = arith.constant 33 : index
    %get3A_562 = arith.constant 0 : index
    %get3A_563 = vector.load %arg2[%get3A_560, %get3A_561, %get3A_562] : memref<4x64x128xi32, #tpu.memory_space<vmem>>, vector<1x1x128xi32>
    %get3A_564 = vector.shape_cast %get3A_563 : vector<1x1x128xi32> to vector<1x128xi32>
    %broadcast_in_dim3A_565 = vector.shape_cast %get3A_564 : vector<1x128xi32> to vector<1x128xi32>
    %broadcast_in_dim3A_566 = vector.broadcast %broadcast_in_dim3A_565 : vector<1x128xi32> to vector<32x128xi32>
    %eq3A_567 = arith.cmpi eq, %broadcast_in_dim3A_566, %iota3A : vector<32x128xi32>
    %broadcast_in_dim3A_568 = vector.broadcast %get3A_2 : f32 to vector<32x128xf32>
    %broadcast_in_dim3A_569 = vector.broadcast %get3A_0 : f32 to vector<32x128xf32>
    %select_n3A_570 = arith.select %eq3A_567, %broadcast_in_dim3A_568, %broadcast_in_dim3A_569 : vector<32x128xi1>, vector<32x128xf32>
    %swap3A_571 = arith.constant 0 : index
    %swap3A_572 = arith.constant 0 : index
    %swap3A_573 = arith.constant 4224 : index
    %swap3A_574 = vector.load %arg3[%swap3A_571, %swap3A_572, %swap3A_573] : memref<4x32x8192xf32, #tpu.memory_space<vmem>>, vector<1x32x128xf32>
    %swap3A_575 = vector.shape_cast %swap3A_574 : vector<1x32x128xf32> to vector<32x128xf32>
    %swap3A_576 = vector.shape_cast %select_n3A_570 : vector<32x128xf32> to vector<1x32x128xf32>
    tpu.vector_store %arg3[%swap3A_571, %swap3A_572, %swap3A_573], %swap3A_576 {strides = array<i32>} : memref<4x32x8192xf32, #tpu.memory_space<vmem>>, vector<1x32x128xf32>,
    %get3A_577 = arith.constant 0 : index
    %get3A_578 = arith.constant 34 : index
    %get3A_579 = arith.constant 0 : index
    %get3A_580 = vector.load %arg2[%get3A_577, %get3A_578, %get3A_579] : memref<4x64x128xi32, #tpu.memory_space<vmem>>, vector<1x1x128xi32>
    %get3A_581 = vector.shape_cast %get3A_580 : vector<1x1x128xi32> to vector<1x128xi32>
    %broadcast_in_dim3A_582 = vector.shape_cast %get3A_581 : vector<1x128xi32> to vector<1x128xi32>
    %broadcast_in_dim3A_583 = vector.broadcast %broadcast_in_dim3A_582 : vector<1x128xi32> to vector<32x128xi32>
    %eq3A_584 = arith.cmpi eq, %broadcast_in_dim3A_583, %iota3A : vector<32x128xi32>
    %broadcast_in_dim3A_585 = vector.broadcast %get3A_2 : f32 to vector<32x128xf32>
    %broadcast_in_dim3A_586 = vector.broadcast %get3A_0 : f32 to vector<32x128xf32>
    %select_n3A_587 = arith.select %eq3A_584, %broadcast_in_dim3A_585, %broadcast_in_dim3A_586 : vector<32x128xi1>, vector<32x128xf32>
    %swap3A_588 = arith.constant 0 : index
    %swap3A_589 = arith.constant 0 : index
    %swap3A_590 = arith.constant 4352 : index
    %swap3A_591 = vector.load %arg3[%swap3A_588, %swap3A_589, %swap3A_590] : memref<4x32x8192xf32, #tpu.memory_space<vmem>>, vector<1x32x128xf32>
    %swap3A_592 = vector.shape_cast %swap3A_591 : vector<1x32x128xf32> to vector<32x128xf32>
    %swap3A_593 = vector.shape_cast %select_n3A_587 : vector<32x128xf32> to vector<1x32x128xf32>
    tpu.vector_store %arg3[%swap3A_588, %swap3A_589, %swap3A_590], %swap3A_593 {strides = array<i32>} : memref<4x32x8192xf32, #tpu.memory_space<vmem>>, vector<1x32x128xf32>,
    %get3A_594 = arith.constant 0 : index
    %get3A_595 = arith.constant 35 : index
    %get3A_596 = arith.constant 0 : index
    %get3A_597 = vector.load %arg2[%get3A_594, %get3A_595, %get3A_596] : memref<4x64x128xi32, #tpu.memory_space<vmem>>, vector<1x1x128xi32>
    %get3A_598 = vector.shape_cast %get3A_597 : vector<1x1x128xi32> to vector<1x128xi32>
    %broadcast_in_dim3A_599 = vector.shape_cast %get3A_598 : vector<1x128xi32> to vector<1x128xi32>
    %broadcast_in_dim3A_600 = vector.broadcast %broadcast_in_dim3A_599 : vector<1x128xi32> to vector<32x128xi32>
    %eq3A_601 = arith.cmpi eq, %broadcast_in_dim3A_600, %iota3A : vector<32x128xi32>
    %broadcast_in_dim3A_602 = vector.broadcast %get3A_2 : f32 to vector<32x128xf32>
    %broadcast_in_dim3A_603 = vector.broadcast %get3A_0 : f32 to vector<32x128xf32>
    %select_n3A_604 = arith.select %eq3A_601, %broadcast_in_dim3A_602, %broadcast_in_dim3A_603 : vector<32x128xi1>, vector<32x128xf32>
    %swap3A_605 = arith.constant 0 : index
    %swap3A_606 = arith.constant 0 : index
    %swap3A_607 = arith.constant 4480 : index
    %swap3A_608 = vector.load %arg3[%swap3A_605, %swap3A_606, %swap3A_607] : memref<4x32x8192xf32, #tpu.memory_space<vmem>>, vector<1x32x128xf32>
    %swap3A_609 = vector.shape_cast %swap3A_608 : vector<1x32x128xf32> to vector<32x128xf32>
    %swap3A_610 = vector.shape_cast %select_n3A_604 : vector<32x128xf32> to vector<1x32x128xf32>
    tpu.vector_store %arg3[%swap3A_605, %swap3A_606, %swap3A_607], %swap3A_610 {strides = array<i32>} : memref<4x32x8192xf32, #tpu.memory_space<vmem>>, vector<1x32x128xf32>,
    %get3A_611 = arith.constant 0 : index
    %get3A_612 = arith.constant 36 : index
    %get3A_613 = arith.constant 0 : index
    %get3A_614 = vector.load %arg2[%get3A_611, %get3A_612, %get3A_613] : memref<4x64x128xi32, #tpu.memory_space<vmem>>, vector<1x1x128xi32>
    %get3A_615 = vector.shape_cast %get3A_614 : vector<1x1x128xi32> to vector<1x128xi32>
    %broadcast_in_dim3A_616 = vector.shape_cast %get3A_615 : vector<1x128xi32> to vector<1x128xi32>
    %broadcast_in_dim3A_617 = vector.broadcast %broadcast_in_dim3A_616 : vector<1x128xi32> to vector<32x128xi32>
    %eq3A_618 = arith.cmpi eq, %broadcast_in_dim3A_617, %iota3A : vector<32x128xi32>
    %broadcast_in_dim3A_619 = vector.broadcast %get3A_2 : f32 to vector<32x128xf32>
    %broadcast_in_dim3A_620 = vector.broadcast %get3A_0 : f32 to vector<32x128xf32>
    %select_n3A_621 = arith.select %eq3A_618, %broadcast_in_dim3A_619, %broadcast_in_dim3A_620 : vector<32x128xi1>, vector<32x128xf32>
    %swap3A_622 = arith.constant 0 : index
    %swap3A_623 = arith.constant 0 : index
    %swap3A_624 = arith.constant 4608 : index
    %swap3A_625 = vector.load %arg3[%swap3A_622, %swap3A_623, %swap3A_624] : memref<4x32x8192xf32, #tpu.memory_space<vmem>>, vector<1x32x128xf32>
    %swap3A_626 = vector.shape_cast %swap3A_625 : vector<1x32x128xf32> to vector<32x128xf32>
    %swap3A_627 = vector.shape_cast %select_n3A_621 : vector<32x128xf32> to vector<1x32x128xf32>
    tpu.vector_store %arg3[%swap3A_622, %swap3A_623, %swap3A_624], %swap3A_627 {strides = array<i32>} : memref<4x32x8192xf32, #tpu.memory_space<vmem>>, vector<1x32x128xf32>,
    %get3A_628 = arith.constant 0 : index
    %get3A_629 = arith.constant 37 : index
    %get3A_630 = arith.constant 0 : index
    %get3A_631 = vector.load %arg2[%get3A_628, %get3A_629, %get3A_630] : memref<4x64x128xi32, #tpu.memory_space<vmem>>, vector<1x1x128xi32>
    %get3A_632 = vector.shape_cast %get3A_631 : vector<1x1x128xi32> to vector<1x128xi32>
    %broadcast_in_dim3A_633 = vector.shape_cast %get3A_632 : vector<1x128xi32> to vector<1x128xi32>
    %broadcast_in_dim3A_634 = vector.broadcast %broadcast_in_dim3A_633 : vector<1x128xi32> to vector<32x128xi32>
    %eq3A_635 = arith.cmpi eq, %broadcast_in_dim3A_634, %iota3A : vector<32x128xi32>
    %broadcast_in_dim3A_636 = vector.broadcast %get3A_2 : f32 to vector<32x128xf32>
    %broadcast_in_dim3A_637 = vector.broadcast %get3A_0 : f32 to vector<32x128xf32>
    %select_n3A_638 = arith.select %eq3A_635, %broadcast_in_dim3A_636, %broadcast_in_dim3A_637 : vector<32x128xi1>, vector<32x128xf32>
    %swap3A_639 = arith.constant 0 : index
    %swap3A_640 = arith.constant 0 : index
    %swap3A_641 = arith.constant 4736 : index
    %swap3A_642 = vector.load %arg3[%swap3A_639, %swap3A_640, %swap3A_641] : memref<4x32x8192xf32, #tpu.memory_space<vmem>>, vector<1x32x128xf32>
    %swap3A_643 = vector.shape_cast %swap3A_642 : vector<1x32x128xf32> to vector<32x128xf32>
    %swap3A_644 = vector.shape_cast %select_n3A_638 : vector<32x128xf32> to vector<1x32x128xf32>
    tpu.vector_store %arg3[%swap3A_639, %swap3A_640, %swap3A_641], %swap3A_644 {strides = array<i32>} : memref<4x32x8192xf32, #tpu.memory_space<vmem>>, vector<1x32x128xf32>,
    %get3A_645 = arith.constant 0 : index
    %get3A_646 = arith.constant 38 : index
    %get3A_647 = arith.constant 0 : index
    %get3A_648 = vector.load %arg2[%get3A_645, %get3A_646, %get3A_647] : memref<4x64x128xi32, #tpu.memory_space<vmem>>, vector<1x1x128xi32>
    %get3A_649 = vector.shape_cast %get3A_648 : vector<1x1x128xi32> to vector<1x128xi32>
    %broadcast_in_dim3A_650 = vector.shape_cast %get3A_649 : vector<1x128xi32> to vector<1x128xi32>
    %broadcast_in_dim3A_651 = vector.broadcast %broadcast_in_dim3A_650 : vector<1x128xi32> to vector<32x128xi32>
    %eq3A_652 = arith.cmpi eq, %broadcast_in_dim3A_651, %iota3A : vector<32x128xi32>
    %broadcast_in_dim3A_653 = vector.broadcast %get3A_2 : f32 to vector<32x128xf32>
    %broadcast_in_dim3A_654 = vector.broadcast %get3A_0 : f32 to vector<32x128xf32>
    %select_n3A_655 = arith.select %eq3A_652, %broadcast_in_dim3A_653, %broadcast_in_dim3A_654 : vector<32x128xi1>, vector<32x128xf32>
    %swap3A_656 = arith.constant 0 : index
    %swap3A_657 = arith.constant 0 : index
    %swap3A_658 = arith.constant 4864 : index
    %swap3A_659 = vector.load %arg3[%swap3A_656, %swap3A_657, %swap3A_658] : memref<4x32x8192xf32, #tpu.memory_space<vmem>>, vector<1x32x128xf32>
    %swap3A_660 = vector.shape_cast %swap3A_659 : vector<1x32x128xf32> to vector<32x128xf32>
    %swap3A_661 = vector.shape_cast %select_n3A_655 : vector<32x128xf32> to vector<1x32x128xf32>
    tpu.vector_store %arg3[%swap3A_656, %swap3A_657, %swap3A_658], %swap3A_661 {strides = array<i32>} : memref<4x32x8192xf32, #tpu.memory_space<vmem>>, vector<1x32x128xf32>,
    %get3A_662 = arith.constant 0 : index
    %get3A_663 = arith.constant 39 : index
    %get3A_664 = arith.constant 0 : index
    %get3A_665 = vector.load %arg2[%get3A_662, %get3A_663, %get3A_664] : memref<4x64x128xi32, #tpu.memory_space<vmem>>, vector<1x1x128xi32>
    %get3A_666 = vector.shape_cast %get3A_665 : vector<1x1x128xi32> to vector<1x128xi32>
    %broadcast_in_dim3A_667 = vector.shape_cast %get3A_666 : vector<1x128xi32> to vector<1x128xi32>
    %broadcast_in_dim3A_668 = vector.broadcast %broadcast_in_dim3A_667 : vector<1x128xi32> to vector<32x128xi32>
    %eq3A_669 = arith.cmpi eq, %broadcast_in_dim3A_668, %iota3A : vector<32x128xi32>
    %broadcast_in_dim3A_670 = vector.broadcast %get3A_2 : f32 to vector<32x128xf32>
    %broadcast_in_dim3A_671 = vector.broadcast %get3A_0 : f32 to vector<32x128xf32>
    %select_n3A_672 = arith.select %eq3A_669, %broadcast_in_dim3A_670, %broadcast_in_dim3A_671 : vector<32x128xi1>, vector<32x128xf32>
    %swap3A_673 = arith.constant 0 : index
    %swap3A_674 = arith.constant 0 : index
    %swap3A_675 = arith.constant 4992 : index
    %swap3A_676 = vector.load %arg3[%swap3A_673, %swap3A_674, %swap3A_675] : memref<4x32x8192xf32, #tpu.memory_space<vmem>>, vector<1x32x128xf32>
    %swap3A_677 = vector.shape_cast %swap3A_676 : vector<1x32x128xf32> to vector<32x128xf32>
    %swap3A_678 = vector.shape_cast %select_n3A_672 : vector<32x128xf32> to vector<1x32x128xf32>
    tpu.vector_store %arg3[%swap3A_673, %swap3A_674, %swap3A_675], %swap3A_678 {strides = array<i32>} : memref<4x32x8192xf32, #tpu.memory_space<vmem>>, vector<1x32x128xf32>,
    %get3A_679 = arith.constant 0 : index
    %get3A_680 = arith.constant 40 : index
    %get3A_681 = arith.constant 0 : index
    %get3A_682 = vector.load %arg2[%get3A_679, %get3A_680, %get3A_681] : memref<4x64x128xi32, #tpu.memory_space<vmem>>, vector<1x1x128xi32>
    %get3A_683 = vector.shape_cast %get3A_682 : vector<1x1x128xi32> to vector<1x128xi32>
    %broadcast_in_dim3A_684 = vector.shape_cast %get3A_683 : vector<1x128xi32> to vector<1x128xi32>
    %broadcast_in_dim3A_685 = vector.broadcast %broadcast_in_dim3A_684 : vector<1x128xi32> to vector<32x128xi32>
    %eq3A_686 = arith.cmpi eq, %broadcast_in_dim3A_685, %iota3A : vector<32x128xi32>
    %broadcast_in_dim3A_687 = vector.broadcast %get3A_2 : f32 to vector<32x128xf32>
    %broadcast_in_dim3A_688 = vector.broadcast %get3A_0 : f32 to vector<32x128xf32>
    %select_n3A_689 = arith.select %eq3A_686, %broadcast_in_dim3A_687, %broadcast_in_dim3A_688 : vector<32x128xi1>, vector<32x128xf32>
    %swap3A_690 = arith.constant 0 : index
    %swap3A_691 = arith.constant 0 : index
    %swap3A_692 = arith.constant 5120 : index
    %swap3A_693 = vector.load %arg3[%swap3A_690, %swap3A_691, %swap3A_692] : memref<4x32x8192xf32, #tpu.memory_space<vmem>>, vector<1x32x128xf32>
    %swap3A_694 = vector.shape_cast %swap3A_693 : vector<1x32x128xf32> to vector<32x128xf32>
    %swap3A_695 = vector.shape_cast %select_n3A_689 : vector<32x128xf32> to vector<1x32x128xf32>
    tpu.vector_store %arg3[%swap3A_690, %swap3A_691, %swap3A_692], %swap3A_695 {strides = array<i32>} : memref<4x32x8192xf32, #tpu.memory_space<vmem>>, vector<1x32x128xf32>,
    %get3A_696 = arith.constant 0 : index
    %get3A_697 = arith.constant 41 : index
    %get3A_698 = arith.constant 0 : index
    %get3A_699 = vector.load %arg2[%get3A_696, %get3A_697, %get3A_698] : memref<4x64x128xi32, #tpu.memory_space<vmem>>, vector<1x1x128xi32>
    %get3A_700 = vector.shape_cast %get3A_699 : vector<1x1x128xi32> to vector<1x128xi32>
    %broadcast_in_dim3A_701 = vector.shape_cast %get3A_700 : vector<1x128xi32> to vector<1x128xi32>
    %broadcast_in_dim3A_702 = vector.broadcast %broadcast_in_dim3A_701 : vector<1x128xi32> to vector<32x128xi32>
    %eq3A_703 = arith.cmpi eq, %broadcast_in_dim3A_702, %iota3A : vector<32x128xi32>
    %broadcast_in_dim3A_704 = vector.broadcast %get3A_2 : f32 to vector<32x128xf32>
    %broadcast_in_dim3A_705 = vector.broadcast %get3A_0 : f32 to vector<32x128xf32>
    %select_n3A_706 = arith.select %eq3A_703, %broadcast_in_dim3A_704, %broadcast_in_dim3A_705 : vector<32x128xi1>, vector<32x128xf32>
    %swap3A_707 = arith.constant 0 : index
    %swap3A_708 = arith.constant 0 : index
    %swap3A_709 = arith.constant 5248 : index
    %swap3A_710 = vector.load %arg3[%swap3A_707, %swap3A_708, %swap3A_709] : memref<4x32x8192xf32, #tpu.memory_space<vmem>>, vector<1x32x128xf32>
    %swap3A_711 = vector.shape_cast %swap3A_710 : vector<1x32x128xf32> to vector<32x128xf32>
    %swap3A_712 = vector.shape_cast %select_n3A_706 : vector<32x128xf32> to vector<1x32x128xf32>
    tpu.vector_store %arg3[%swap3A_707, %swap3A_708, %swap3A_709], %swap3A_712 {strides = array<i32>} : memref<4x32x8192xf32, #tpu.memory_space<vmem>>, vector<1x32x128xf32>,
    %get3A_713 = arith.constant 0 : index
    %get3A_714 = arith.constant 42 : index
    %get3A_715 = arith.constant 0 : index
    %get3A_716 = vector.load %arg2[%get3A_713, %get3A_714, %get3A_715] : memref<4x64x128xi32, #tpu.memory_space<vmem>>, vector<1x1x128xi32>
    %get3A_717 = vector.shape_cast %get3A_716 : vector<1x1x128xi32> to vector<1x128xi32>
    %broadcast_in_dim3A_718 = vector.shape_cast %get3A_717 : vector<1x128xi32> to vector<1x128xi32>
    %broadcast_in_dim3A_719 = vector.broadcast %broadcast_in_dim3A_718 : vector<1x128xi32> to vector<32x128xi32>
    %eq3A_720 = arith.cmpi eq, %broadcast_in_dim3A_719, %iota3A : vector<32x128xi32>
    %broadcast_in_dim3A_721 = vector.broadcast %get3A_2 : f32 to vector<32x128xf32>
    %broadcast_in_dim3A_722 = vector.broadcast %get3A_0 : f32 to vector<32x128xf32>
    %select_n3A_723 = arith.select %eq3A_720, %broadcast_in_dim3A_721, %broadcast_in_dim3A_722 : vector<32x128xi1>, vector<32x128xf32>
    %swap3A_724 = arith.constant 0 : index
    %swap3A_725 = arith.constant 0 : index
    %swap3A_726 = arith.constant 5376 : index
    %swap3A_727 = vector.load %arg3[%swap3A_724, %swap3A_725, %swap3A_726] : memref<4x32x8192xf32, #tpu.memory_space<vmem>>, vector<1x32x128xf32>
    %swap3A_728 = vector.shape_cast %swap3A_727 : vector<1x32x128xf32> to vector<32x128xf32>
    %swap3A_729 = vector.shape_cast %select_n3A_723 : vector<32x128xf32> to vector<1x32x128xf32>
    tpu.vector_store %arg3[%swap3A_724, %swap3A_725, %swap3A_726], %swap3A_729 {strides = array<i32>} : memref<4x32x8192xf32, #tpu.memory_space<vmem>>, vector<1x32x128xf32>,
    %get3A_730 = arith.constant 0 : index
    %get3A_731 = arith.constant 43 : index
    %get3A_732 = arith.constant 0 : index
    %get3A_733 = vector.load %arg2[%get3A_730, %get3A_731, %get3A_732] : memref<4x64x128xi32, #tpu.memory_space<vmem>>, vector<1x1x128xi32>
    %get3A_734 = vector.shape_cast %get3A_733 : vector<1x1x128xi32> to vector<1x128xi32>
    %broadcast_in_dim3A_735 = vector.shape_cast %get3A_734 : vector<1x128xi32> to vector<1x128xi32>
    %broadcast_in_dim3A_736 = vector.broadcast %broadcast_in_dim3A_735 : vector<1x128xi32> to vector<32x128xi32>
    %eq3A_737 = arith.cmpi eq, %broadcast_in_dim3A_736, %iota3A : vector<32x128xi32>
    %broadcast_in_dim3A_738 = vector.broadcast %get3A_2 : f32 to vector<32x128xf32>
    %broadcast_in_dim3A_739 = vector.broadcast %get3A_0 : f32 to vector<32x128xf32>
    %select_n3A_740 = arith.select %eq3A_737, %broadcast_in_dim3A_738, %broadcast_in_dim3A_739 : vector<32x128xi1>, vector<32x128xf32>
    %swap3A_741 = arith.constant 0 : index
    %swap3A_742 = arith.constant 0 : index
    %swap3A_743 = arith.constant 5504 : index
    %swap3A_744 = vector.load %arg3[%swap3A_741, %swap3A_742, %swap3A_743] : memref<4x32x8192xf32, #tpu.memory_space<vmem>>, vector<1x32x128xf32>
    %swap3A_745 = vector.shape_cast %swap3A_744 : vector<1x32x128xf32> to vector<32x128xf32>
    %swap3A_746 = vector.shape_cast %select_n3A_740 : vector<32x128xf32> to vector<1x32x128xf32>
    tpu.vector_store %arg3[%swap3A_741, %swap3A_742, %swap3A_743], %swap3A_746 {strides = array<i32>} : memref<4x32x8192xf32, #tpu.memory_space<vmem>>, vector<1x32x128xf32>,
    %get3A_747 = arith.constant 0 : index
    %get3A_748 = arith.constant 44 : index
    %get3A_749 = arith.constant 0 : index
    %get3A_750 = vector.load %arg2[%get3A_747, %get3A_748, %get3A_749] : memref<4x64x128xi32, #tpu.memory_space<vmem>>, vector<1x1x128xi32>
    %get3A_751 = vector.shape_cast %get3A_750 : vector<1x1x128xi32> to vector<1x128xi32>
    %broadcast_in_dim3A_752 = vector.shape_cast %get3A_751 : vector<1x128xi32> to vector<1x128xi32>
    %broadcast_in_dim3A_753 = vector.broadcast %broadcast_in_dim3A_752 : vector<1x128xi32> to vector<32x128xi32>
    %eq3A_754 = arith.cmpi eq, %broadcast_in_dim3A_753, %iota3A : vector<32x128xi32>
    %broadcast_in_dim3A_755 = vector.broadcast %get3A_2 : f32 to vector<32x128xf32>
    %broadcast_in_dim3A_756 = vector.broadcast %get3A_0 : f32 to vector<32x128xf32>
    %select_n3A_757 = arith.select %eq3A_754, %broadcast_in_dim3A_755, %broadcast_in_dim3A_756 : vector<32x128xi1>, vector<32x128xf32>
    %swap3A_758 = arith.constant 0 : index
    %swap3A_759 = arith.constant 0 : index
    %swap3A_760 = arith.constant 5632 : index
    %swap3A_761 = vector.load %arg3[%swap3A_758, %swap3A_759, %swap3A_760] : memref<4x32x8192xf32, #tpu.memory_space<vmem>>, vector<1x32x128xf32>
    %swap3A_762 = vector.shape_cast %swap3A_761 : vector<1x32x128xf32> to vector<32x128xf32>
    %swap3A_763 = vector.shape_cast %select_n3A_757 : vector<32x128xf32> to vector<1x32x128xf32>
    tpu.vector_store %arg3[%swap3A_758, %swap3A_759, %swap3A_760], %swap3A_763 {strides = array<i32>} : memref<4x32x8192xf32, #tpu.memory_space<vmem>>, vector<1x32x128xf32>,
    %get3A_764 = arith.constant 0 : index
    %get3A_765 = arith.constant 45 : index
    %get3A_766 = arith.constant 0 : index
    %get3A_767 = vector.load %arg2[%get3A_764, %get3A_765, %get3A_766] : memref<4x64x128xi32, #tpu.memory_space<vmem>>, vector<1x1x128xi32>
    %get3A_768 = vector.shape_cast %get3A_767 : vector<1x1x128xi32> to vector<1x128xi32>
    %broadcast_in_dim3A_769 = vector.shape_cast %get3A_768 : vector<1x128xi32> to vector<1x128xi32>
    %broadcast_in_dim3A_770 = vector.broadcast %broadcast_in_dim3A_769 : vector<1x128xi32> to vector<32x128xi32>
    %eq3A_771 = arith.cmpi eq, %broadcast_in_dim3A_770, %iota3A : vector<32x128xi32>
    %broadcast_in_dim3A_772 = vector.broadcast %get3A_2 : f32 to vector<32x128xf32>
    %broadcast_in_dim3A_773 = vector.broadcast %get3A_0 : f32 to vector<32x128xf32>
    %select_n3A_774 = arith.select %eq3A_771, %broadcast_in_dim3A_772, %broadcast_in_dim3A_773 : vector<32x128xi1>, vector<32x128xf32>
    %swap3A_775 = arith.constant 0 : index
    %swap3A_776 = arith.constant 0 : index
    %swap3A_777 = arith.constant 5760 : index
    %swap3A_778 = vector.load %arg3[%swap3A_775, %swap3A_776, %swap3A_777] : memref<4x32x8192xf32, #tpu.memory_space<vmem>>, vector<1x32x128xf32>
    %swap3A_779 = vector.shape_cast %swap3A_778 : vector<1x32x128xf32> to vector<32x128xf32>
    %swap3A_780 = vector.shape_cast %select_n3A_774 : vector<32x128xf32> to vector<1x32x128xf32>
    tpu.vector_store %arg3[%swap3A_775, %swap3A_776, %swap3A_777], %swap3A_780 {strides = array<i32>} : memref<4x32x8192xf32, #tpu.memory_space<vmem>>, vector<1x32x128xf32>,
    %get3A_781 = arith.constant 0 : index
    %get3A_782 = arith.constant 46 : index
    %get3A_783 = arith.constant 0 : index
    %get3A_784 = vector.load %arg2[%get3A_781, %get3A_782, %get3A_783] : memref<4x64x128xi32, #tpu.memory_space<vmem>>, vector<1x1x128xi32>
    %get3A_785 = vector.shape_cast %get3A_784 : vector<1x1x128xi32> to vector<1x128xi32>
    %broadcast_in_dim3A_786 = vector.shape_cast %get3A_785 : vector<1x128xi32> to vector<1x128xi32>
    %broadcast_in_dim3A_787 = vector.broadcast %broadcast_in_dim3A_786 : vector<1x128xi32> to vector<32x128xi32>
    %eq3A_788 = arith.cmpi eq, %broadcast_in_dim3A_787, %iota3A : vector<32x128xi32>
    %broadcast_in_dim3A_789 = vector.broadcast %get3A_2 : f32 to vector<32x128xf32>
    %broadcast_in_dim3A_790 = vector.broadcast %get3A_0 : f32 to vector<32x128xf32>
    %select_n3A_791 = arith.select %eq3A_788, %broadcast_in_dim3A_789, %broadcast_in_dim3A_790 : vector<32x128xi1>, vector<32x128xf32>
    %swap3A_792 = arith.constant 0 : index
    %swap3A_793 = arith.constant 0 : index
    %swap3A_794 = arith.constant 5888 : index
    %swap3A_795 = vector.load %arg3[%swap3A_792, %swap3A_793, %swap3A_794] : memref<4x32x8192xf32, #tpu.memory_space<vmem>>, vector<1x32x128xf32>
    %swap3A_796 = vector.shape_cast %swap3A_795 : vector<1x32x128xf32> to vector<32x128xf32>
    %swap3A_797 = vector.shape_cast %select_n3A_791 : vector<32x128xf32> to vector<1x32x128xf32>
    tpu.vector_store %arg3[%swap3A_792, %swap3A_793, %swap3A_794], %swap3A_797 {strides = array<i32>} : memref<4x32x8192xf32, #tpu.memory_space<vmem>>, vector<1x32x128xf32>,
    %get3A_798 = arith.constant 0 : index
    %get3A_799 = arith.constant 47 : index
    %get3A_800 = arith.constant 0 : index
    %get3A_801 = vector.load %arg2[%get3A_798, %get3A_799, %get3A_800] : memref<4x64x128xi32, #tpu.memory_space<vmem>>, vector<1x1x128xi32>
    %get3A_802 = vector.shape_cast %get3A_801 : vector<1x1x128xi32> to vector<1x128xi32>
    %broadcast_in_dim3A_803 = vector.shape_cast %get3A_802 : vector<1x128xi32> to vector<1x128xi32>
    %broadcast_in_dim3A_804 = vector.broadcast %broadcast_in_dim3A_803 : vector<1x128xi32> to vector<32x128xi32>
    %eq3A_805 = arith.cmpi eq, %broadcast_in_dim3A_804, %iota3A : vector<32x128xi32>
    %broadcast_in_dim3A_806 = vector.broadcast %get3A_2 : f32 to vector<32x128xf32>
    %broadcast_in_dim3A_807 = vector.broadcast %get3A_0 : f32 to vector<32x128xf32>
    %select_n3A_808 = arith.select %eq3A_805, %broadcast_in_dim3A_806, %broadcast_in_dim3A_807 : vector<32x128xi1>, vector<32x128xf32>
    %swap3A_809 = arith.constant 0 : index
    %swap3A_810 = arith.constant 0 : index
    %swap3A_811 = arith.constant 6016 : index
    %swap3A_812 = vector.load %arg3[%swap3A_809, %swap3A_810, %swap3A_811] : memref<4x32x8192xf32, #tpu.memory_space<vmem>>, vector<1x32x128xf32>
    %swap3A_813 = vector.shape_cast %swap3A_812 : vector<1x32x128xf32> to vector<32x128xf32>
    %swap3A_814 = vector.shape_cast %select_n3A_808 : vector<32x128xf32> to vector<1x32x128xf32>
    tpu.vector_store %arg3[%swap3A_809, %swap3A_810, %swap3A_811], %swap3A_814 {strides = array<i32>} : memref<4x32x8192xf32, #tpu.memory_space<vmem>>, vector<1x32x128xf32>,
    %get3A_815 = arith.constant 0 : index
    %get3A_816 = arith.constant 48 : index
    %get3A_817 = arith.constant 0 : index
    %get3A_818 = vector.load %arg2[%get3A_815, %get3A_816, %get3A_817] : memref<4x64x128xi32, #tpu.memory_space<vmem>>, vector<1x1x128xi32>
    %get3A_819 = vector.shape_cast %get3A_818 : vector<1x1x128xi32> to vector<1x128xi32>
    %broadcast_in_dim3A_820 = vector.shape_cast %get3A_819 : vector<1x128xi32> to vector<1x128xi32>
    %broadcast_in_dim3A_821 = vector.broadcast %broadcast_in_dim3A_820 : vector<1x128xi32> to vector<32x128xi32>
    %eq3A_822 = arith.cmpi eq, %broadcast_in_dim3A_821, %iota3A : vector<32x128xi32>
    %broadcast_in_dim3A_823 = vector.broadcast %get3A_2 : f32 to vector<32x128xf32>
    %broadcast_in_dim3A_824 = vector.broadcast %get3A_0 : f32 to vector<32x128xf32>
    %select_n3A_825 = arith.select %eq3A_822, %broadcast_in_dim3A_823, %broadcast_in_dim3A_824 : vector<32x128xi1>, vector<32x128xf32>
    %swap3A_826 = arith.constant 0 : index
    %swap3A_827 = arith.constant 0 : index
    %swap3A_828 = arith.constant 6144 : index
    %swap3A_829 = vector.load %arg3[%swap3A_826, %swap3A_827, %swap3A_828] : memref<4x32x8192xf32, #tpu.memory_space<vmem>>, vector<1x32x128xf32>
    %swap3A_830 = vector.shape_cast %swap3A_829 : vector<1x32x128xf32> to vector<32x128xf32>
    %swap3A_831 = vector.shape_cast %select_n3A_825 : vector<32x128xf32> to vector<1x32x128xf32>
    tpu.vector_store %arg3[%swap3A_826, %swap3A_827, %swap3A_828], %swap3A_831 {strides = array<i32>} : memref<4x32x8192xf32, #tpu.memory_space<vmem>>, vector<1x32x128xf32>,
    %get3A_832 = arith.constant 0 : index
    %get3A_833 = arith.constant 49 : index
    %get3A_834 = arith.constant 0 : index
    %get3A_835 = vector.load %arg2[%get3A_832, %get3A_833, %get3A_834] : memref<4x64x128xi32, #tpu.memory_space<vmem>>, vector<1x1x128xi32>
    %get3A_836 = vector.shape_cast %get3A_835 : vector<1x1x128xi32> to vector<1x128xi32>
    %broadcast_in_dim3A_837 = vector.shape_cast %get3A_836 : vector<1x128xi32> to vector<1x128xi32>
    %broadcast_in_dim3A_838 = vector.broadcast %broadcast_in_dim3A_837 : vector<1x128xi32> to vector<32x128xi32>
    %eq3A_839 = arith.cmpi eq, %broadcast_in_dim3A_838, %iota3A : vector<32x128xi32>
    %broadcast_in_dim3A_840 = vector.broadcast %get3A_2 : f32 to vector<32x128xf32>
    %broadcast_in_dim3A_841 = vector.broadcast %get3A_0 : f32 to vector<32x128xf32>
    %select_n3A_842 = arith.select %eq3A_839, %broadcast_in_dim3A_840, %broadcast_in_dim3A_841 : vector<32x128xi1>, vector<32x128xf32>
    %swap3A_843 = arith.constant 0 : index
    %swap3A_844 = arith.constant 0 : index
    %swap3A_845 = arith.constant 6272 : index
    %swap3A_846 = vector.load %arg3[%swap3A_843, %swap3A_844, %swap3A_845] : memref<4x32x8192xf32, #tpu.memory_space<vmem>>, vector<1x32x128xf32>
    %swap3A_847 = vector.shape_cast %swap3A_846 : vector<1x32x128xf32> to vector<32x128xf32>
    %swap3A_848 = vector.shape_cast %select_n3A_842 : vector<32x128xf32> to vector<1x32x128xf32>
    tpu.vector_store %arg3[%swap3A_843, %swap3A_844, %swap3A_845], %swap3A_848 {strides = array<i32>} : memref<4x32x8192xf32, #tpu.memory_space<vmem>>, vector<1x32x128xf32>,
    %get3A_849 = arith.constant 0 : index
    %get3A_850 = arith.constant 50 : index
    %get3A_851 = arith.constant 0 : index
    %get3A_852 = vector.load %arg2[%get3A_849, %get3A_850, %get3A_851] : memref<4x64x128xi32, #tpu.memory_space<vmem>>, vector<1x1x128xi32>
    %get3A_853 = vector.shape_cast %get3A_852 : vector<1x1x128xi32> to vector<1x128xi32>
    %broadcast_in_dim3A_854 = vector.shape_cast %get3A_853 : vector<1x128xi32> to vector<1x128xi32>
    %broadcast_in_dim3A_855 = vector.broadcast %broadcast_in_dim3A_854 : vector<1x128xi32> to vector<32x128xi32>
    %eq3A_856 = arith.cmpi eq, %broadcast_in_dim3A_855, %iota3A : vector<32x128xi32>
    %broadcast_in_dim3A_857 = vector.broadcast %get3A_2 : f32 to vector<32x128xf32>
    %broadcast_in_dim3A_858 = vector.broadcast %get3A_0 : f32 to vector<32x128xf32>
    %select_n3A_859 = arith.select %eq3A_856, %broadcast_in_dim3A_857, %broadcast_in_dim3A_858 : vector<32x128xi1>, vector<32x128xf32>
    %swap3A_860 = arith.constant 0 : index
    %swap3A_861 = arith.constant 0 : index
    %swap3A_862 = arith.constant 6400 : index
    %swap3A_863 = vector.load %arg3[%swap3A_860, %swap3A_861, %swap3A_862] : memref<4x32x8192xf32, #tpu.memory_space<vmem>>, vector<1x32x128xf32>
    %swap3A_864 = vector.shape_cast %swap3A_863 : vector<1x32x128xf32> to vector<32x128xf32>
    %swap3A_865 = vector.shape_cast %select_n3A_859 : vector<32x128xf32> to vector<1x32x128xf32>
    tpu.vector_store %arg3[%swap3A_860, %swap3A_861, %swap3A_862], %swap3A_865 {strides = array<i32>} : memref<4x32x8192xf32, #tpu.memory_space<vmem>>, vector<1x32x128xf32>,
    %get3A_866 = arith.constant 0 : index
    %get3A_867 = arith.constant 51 : index
    %get3A_868 = arith.constant 0 : index
    %get3A_869 = vector.load %arg2[%get3A_866, %get3A_867, %get3A_868] : memref<4x64x128xi32, #tpu.memory_space<vmem>>, vector<1x1x128xi32>
    %get3A_870 = vector.shape_cast %get3A_869 : vector<1x1x128xi32> to vector<1x128xi32>
    %broadcast_in_dim3A_871 = vector.shape_cast %get3A_870 : vector<1x128xi32> to vector<1x128xi32>
    %broadcast_in_dim3A_872 = vector.broadcast %broadcast_in_dim3A_871 : vector<1x128xi32> to vector<32x128xi32>
    %eq3A_873 = arith.cmpi eq, %broadcast_in_dim3A_872, %iota3A : vector<32x128xi32>
    %broadcast_in_dim3A_874 = vector.broadcast %get3A_2 : f32 to vector<32x128xf32>
    %broadcast_in_dim3A_875 = vector.broadcast %get3A_0 : f32 to vector<32x128xf32>
    %select_n3A_876 = arith.select %eq3A_873, %broadcast_in_dim3A_874, %broadcast_in_dim3A_875 : vector<32x128xi1>, vector<32x128xf32>
    %swap3A_877 = arith.constant 0 : index
    %swap3A_878 = arith.constant 0 : index
    %swap3A_879 = arith.constant 6528 : index
    %swap3A_880 = vector.load %arg3[%swap3A_877, %swap3A_878, %swap3A_879] : memref<4x32x8192xf32, #tpu.memory_space<vmem>>, vector<1x32x128xf32>
    %swap3A_881 = vector.shape_cast %swap3A_880 : vector<1x32x128xf32> to vector<32x128xf32>
    %swap3A_882 = vector.shape_cast %select_n3A_876 : vector<32x128xf32> to vector<1x32x128xf32>
    tpu.vector_store %arg3[%swap3A_877, %swap3A_878, %swap3A_879], %swap3A_882 {strides = array<i32>} : memref<4x32x8192xf32, #tpu.memory_space<vmem>>, vector<1x32x128xf32>,
    %get3A_883 = arith.constant 0 : index
    %get3A_884 = arith.constant 52 : index
    %get3A_885 = arith.constant 0 : index
    %get3A_886 = vector.load %arg2[%get3A_883, %get3A_884, %get3A_885] : memref<4x64x128xi32, #tpu.memory_space<vmem>>, vector<1x1x128xi32>
    %get3A_887 = vector.shape_cast %get3A_886 : vector<1x1x128xi32> to vector<1x128xi32>
    %broadcast_in_dim3A_888 = vector.shape_cast %get3A_887 : vector<1x128xi32> to vector<1x128xi32>
    %broadcast_in_dim3A_889 = vector.broadcast %broadcast_in_dim3A_888 : vector<1x128xi32> to vector<32x128xi32>
    %eq3A_890 = arith.cmpi eq, %broadcast_in_dim3A_889, %iota3A : vector<32x128xi32>
    %broadcast_in_dim3A_891 = vector.broadcast %get3A_2 : f32 to vector<32x128xf32>
    %broadcast_in_dim3A_892 = vector.broadcast %get3A_0 : f32 to vector<32x128xf32>
    %select_n3A_893 = arith.select %eq3A_890, %broadcast_in_dim3A_891, %broadcast_in_dim3A_892 : vector<32x128xi1>, vector<32x128xf32>
    %swap3A_894 = arith.constant 0 : index
    %swap3A_895 = arith.constant 0 : index
    %swap3A_896 = arith.constant 6656 : index
    %swap3A_897 = vector.load %arg3[%swap3A_894, %swap3A_895, %swap3A_896] : memref<4x32x8192xf32, #tpu.memory_space<vmem>>, vector<1x32x128xf32>
    %swap3A_898 = vector.shape_cast %swap3A_897 : vector<1x32x128xf32> to vector<32x128xf32>
    %swap3A_899 = vector.shape_cast %select_n3A_893 : vector<32x128xf32> to vector<1x32x128xf32>
    tpu.vector_store %arg3[%swap3A_894, %swap3A_895, %swap3A_896], %swap3A_899 {strides = array<i32>} : memref<4x32x8192xf32, #tpu.memory_space<vmem>>, vector<1x32x128xf32>,
    %get3A_900 = arith.constant 0 : index
    %get3A_901 = arith.constant 53 : index
    %get3A_902 = arith.constant 0 : index
    %get3A_903 = vector.load %arg2[%get3A_900, %get3A_901, %get3A_902] : memref<4x64x128xi32, #tpu.memory_space<vmem>>, vector<1x1x128xi32>
    %get3A_904 = vector.shape_cast %get3A_903 : vector<1x1x128xi32> to vector<1x128xi32>
    %broadcast_in_dim3A_905 = vector.shape_cast %get3A_904 : vector<1x128xi32> to vector<1x128xi32>
    %broadcast_in_dim3A_906 = vector.broadcast %broadcast_in_dim3A_905 : vector<1x128xi32> to vector<32x128xi32>
    %eq3A_907 = arith.cmpi eq, %broadcast_in_dim3A_906, %iota3A : vector<32x128xi32>
    %broadcast_in_dim3A_908 = vector.broadcast %get3A_2 : f32 to vector<32x128xf32>
    %broadcast_in_dim3A_909 = vector.broadcast %get3A_0 : f32 to vector<32x128xf32>
    %select_n3A_910 = arith.select %eq3A_907, %broadcast_in_dim3A_908, %broadcast_in_dim3A_909 : vector<32x128xi1>, vector<32x128xf32>
    %swap3A_911 = arith.constant 0 : index
    %swap3A_912 = arith.constant 0 : index
    %swap3A_913 = arith.constant 6784 : index
    %swap3A_914 = vector.load %arg3[%swap3A_911, %swap3A_912, %swap3A_913] : memref<4x32x8192xf32, #tpu.memory_space<vmem>>, vector<1x32x128xf32>
    %swap3A_915 = vector.shape_cast %swap3A_914 : vector<1x32x128xf32> to vector<32x128xf32>
    %swap3A_916 = vector.shape_cast %select_n3A_910 : vector<32x128xf32> to vector<1x32x128xf32>
    tpu.vector_store %arg3[%swap3A_911, %swap3A_912, %swap3A_913], %swap3A_916 {strides = array<i32>} : memref<4x32x8192xf32, #tpu.memory_space<vmem>>, vector<1x32x128xf32>,
    %get3A_917 = arith.constant 0 : index
    %get3A_918 = arith.constant 54 : index
    %get3A_919 = arith.constant 0 : index
    %get3A_920 = vector.load %arg2[%get3A_917, %get3A_918, %get3A_919] : memref<4x64x128xi32, #tpu.memory_space<vmem>>, vector<1x1x128xi32>
    %get3A_921 = vector.shape_cast %get3A_920 : vector<1x1x128xi32> to vector<1x128xi32>
    %broadcast_in_dim3A_922 = vector.shape_cast %get3A_921 : vector<1x128xi32> to vector<1x128xi32>
    %broadcast_in_dim3A_923 = vector.broadcast %broadcast_in_dim3A_922 : vector<1x128xi32> to vector<32x128xi32>
    %eq3A_924 = arith.cmpi eq, %broadcast_in_dim3A_923, %iota3A : vector<32x128xi32>
    %broadcast_in_dim3A_925 = vector.broadcast %get3A_2 : f32 to vector<32x128xf32>
    %broadcast_in_dim3A_926 = vector.broadcast %get3A_0 : f32 to vector<32x128xf32>
    %select_n3A_927 = arith.select %eq3A_924, %broadcast_in_dim3A_925, %broadcast_in_dim3A_926 : vector<32x128xi1>, vector<32x128xf32>
    %swap3A_928 = arith.constant 0 : index
    %swap3A_929 = arith.constant 0 : index
    %swap3A_930 = arith.constant 6912 : index
    %swap3A_931 = vector.load %arg3[%swap3A_928, %swap3A_929, %swap3A_930] : memref<4x32x8192xf32, #tpu.memory_space<vmem>>, vector<1x32x128xf32>
    %swap3A_932 = vector.shape_cast %swap3A_931 : vector<1x32x128xf32> to vector<32x128xf32>
    %swap3A_933 = vector.shape_cast %select_n3A_927 : vector<32x128xf32> to vector<1x32x128xf32>
    tpu.vector_store %arg3[%swap3A_928, %swap3A_929, %swap3A_930], %swap3A_933 {strides = array<i32>} : memref<4x32x8192xf32, #tpu.memory_space<vmem>>, vector<1x32x128xf32>,
    %get3A_934 = arith.constant 0 : index
    %get3A_935 = arith.constant 55 : index
    %get3A_936 = arith.constant 0 : index
    %get3A_937 = vector.load %arg2[%get3A_934, %get3A_935, %get3A_936] : memref<4x64x128xi32, #tpu.memory_space<vmem>>, vector<1x1x128xi32>
    %get3A_938 = vector.shape_cast %get3A_937 : vector<1x1x128xi32> to vector<1x128xi32>
    %broadcast_in_dim3A_939 = vector.shape_cast %get3A_938 : vector<1x128xi32> to vector<1x128xi32>
    %broadcast_in_dim3A_940 = vector.broadcast %broadcast_in_dim3A_939 : vector<1x128xi32> to vector<32x128xi32>
    %eq3A_941 = arith.cmpi eq, %broadcast_in_dim3A_940, %iota3A : vector<32x128xi32>
    %broadcast_in_dim3A_942 = vector.broadcast %get3A_2 : f32 to vector<32x128xf32>
    %broadcast_in_dim3A_943 = vector.broadcast %get3A_0 : f32 to vector<32x128xf32>
    %select_n3A_944 = arith.select %eq3A_941, %broadcast_in_dim3A_942, %broadcast_in_dim3A_943 : vector<32x128xi1>, vector<32x128xf32>
    %swap3A_945 = arith.constant 0 : index
    %swap3A_946 = arith.constant 0 : index
    %swap3A_947 = arith.constant 7040 : index
    %swap3A_948 = vector.load %arg3[%swap3A_945, %swap3A_946, %swap3A_947] : memref<4x32x8192xf32, #tpu.memory_space<vmem>>, vector<1x32x128xf32>
    %swap3A_949 = vector.shape_cast %swap3A_948 : vector<1x32x128xf32> to vector<32x128xf32>
    %swap3A_950 = vector.shape_cast %select_n3A_944 : vector<32x128xf32> to vector<1x32x128xf32>
    tpu.vector_store %arg3[%swap3A_945, %swap3A_946, %swap3A_947], %swap3A_950 {strides = array<i32>} : memref<4x32x8192xf32, #tpu.memory_space<vmem>>, vector<1x32x128xf32>,
    %get3A_951 = arith.constant 0 : index
    %get3A_952 = arith.constant 56 : index
    %get3A_953 = arith.constant 0 : index
    %get3A_954 = vector.load %arg2[%get3A_951, %get3A_952, %get3A_953] : memref<4x64x128xi32, #tpu.memory_space<vmem>>, vector<1x1x128xi32>
    %get3A_955 = vector.shape_cast %get3A_954 : vector<1x1x128xi32> to vector<1x128xi32>
    %broadcast_in_dim3A_956 = vector.shape_cast %get3A_955 : vector<1x128xi32> to vector<1x128xi32>
    %broadcast_in_dim3A_957 = vector.broadcast %broadcast_in_dim3A_956 : vector<1x128xi32> to vector<32x128xi32>
    %eq3A_958 = arith.cmpi eq, %broadcast_in_dim3A_957, %iota3A : vector<32x128xi32>
    %broadcast_in_dim3A_959 = vector.broadcast %get3A_2 : f32 to vector<32x128xf32>
    %broadcast_in_dim3A_960 = vector.broadcast %get3A_0 : f32 to vector<32x128xf32>
    %select_n3A_961 = arith.select %eq3A_958, %broadcast_in_dim3A_959, %broadcast_in_dim3A_960 : vector<32x128xi1>, vector<32x128xf32>
    %swap3A_962 = arith.constant 0 : index
    %swap3A_963 = arith.constant 0 : index
    %swap3A_964 = arith.constant 7168 : index
    %swap3A_965 = vector.load %arg3[%swap3A_962, %swap3A_963, %swap3A_964] : memref<4x32x8192xf32, #tpu.memory_space<vmem>>, vector<1x32x128xf32>
    %swap3A_966 = vector.shape_cast %swap3A_965 : vector<1x32x128xf32> to vector<32x128xf32>
    %swap3A_967 = vector.shape_cast %select_n3A_961 : vector<32x128xf32> to vector<1x32x128xf32>
    tpu.vector_store %arg3[%swap3A_962, %swap3A_963, %swap3A_964], %swap3A_967 {strides = array<i32>} : memref<4x32x8192xf32, #tpu.memory_space<vmem>>, vector<1x32x128xf32>,
    %get3A_968 = arith.constant 0 : index
    %get3A_969 = arith.constant 57 : index
    %get3A_970 = arith.constant 0 : index
    %get3A_971 = vector.load %arg2[%get3A_968, %get3A_969, %get3A_970] : memref<4x64x128xi32, #tpu.memory_space<vmem>>, vector<1x1x128xi32>
    %get3A_972 = vector.shape_cast %get3A_971 : vector<1x1x128xi32> to vector<1x128xi32>
    %broadcast_in_dim3A_973 = vector.shape_cast %get3A_972 : vector<1x128xi32> to vector<1x128xi32>
    %broadcast_in_dim3A_974 = vector.broadcast %broadcast_in_dim3A_973 : vector<1x128xi32> to vector<32x128xi32>
    %eq3A_975 = arith.cmpi eq, %broadcast_in_dim3A_974, %iota3A : vector<32x128xi32>
    %broadcast_in_dim3A_976 = vector.broadcast %get3A_2 : f32 to vector<32x128xf32>
    %broadcast_in_dim3A_977 = vector.broadcast %get3A_0 : f32 to vector<32x128xf32>
    %select_n3A_978 = arith.select %eq3A_975, %broadcast_in_dim3A_976, %broadcast_in_dim3A_977 : vector<32x128xi1>, vector<32x128xf32>
    %swap3A_979 = arith.constant 0 : index
    %swap3A_980 = arith.constant 0 : index
    %swap3A_981 = arith.constant 7296 : index
    %swap3A_982 = vector.load %arg3[%swap3A_979, %swap3A_980, %swap3A_981] : memref<4x32x8192xf32, #tpu.memory_space<vmem>>, vector<1x32x128xf32>
    %swap3A_983 = vector.shape_cast %swap3A_982 : vector<1x32x128xf32> to vector<32x128xf32>
    %swap3A_984 = vector.shape_cast %select_n3A_978 : vector<32x128xf32> to vector<1x32x128xf32>
    tpu.vector_store %arg3[%swap3A_979, %swap3A_980, %swap3A_981], %swap3A_984 {strides = array<i32>} : memref<4x32x8192xf32, #tpu.memory_space<vmem>>, vector<1x32x128xf32>,
    %get3A_985 = arith.constant 0 : index
    %get3A_986 = arith.constant 58 : index
    %get3A_987 = arith.constant 0 : index
    %get3A_988 = vector.load %arg2[%get3A_985, %get3A_986, %get3A_987] : memref<4x64x128xi32, #tpu.memory_space<vmem>>, vector<1x1x128xi32>
    %get3A_989 = vector.shape_cast %get3A_988 : vector<1x1x128xi32> to vector<1x128xi32>
    %broadcast_in_dim3A_990 = vector.shape_cast %get3A_989 : vector<1x128xi32> to vector<1x128xi32>
    %broadcast_in_dim3A_991 = vector.broadcast %broadcast_in_dim3A_990 : vector<1x128xi32> to vector<32x128xi32>
    %eq3A_992 = arith.cmpi eq, %broadcast_in_dim3A_991, %iota3A : vector<32x128xi32>
    %broadcast_in_dim3A_993 = vector.broadcast %get3A_2 : f32 to vector<32x128xf32>
    %broadcast_in_dim3A_994 = vector.broadcast %get3A_0 : f32 to vector<32x128xf32>
    %select_n3A_995 = arith.select %eq3A_992, %broadcast_in_dim3A_993, %broadcast_in_dim3A_994 : vector<32x128xi1>, vector<32x128xf32>
    %swap3A_996 = arith.constant 0 : index
    %swap3A_997 = arith.constant 0 : index
    %swap3A_998 = arith.constant 7424 : index
    %swap3A_999 = vector.load %arg3[%swap3A_996, %swap3A_997, %swap3A_998] : memref<4x32x8192xf32, #tpu.memory_space<vmem>>, vector<1x32x128xf32>
    %swap3A_1000 = vector.shape_cast %swap3A_999 : vector<1x32x128xf32> to vector<32x128xf32>
    %swap3A_1001 = vector.shape_cast %select_n3A_995 : vector<32x128xf32> to vector<1x32x128xf32>
    tpu.vector_store %arg3[%swap3A_996, %swap3A_997, %swap3A_998], %swap3A_1001 {strides = array<i32>} : memref<4x32x8192xf32, #tpu.memory_space<vmem>>, vector<1x32x128xf32>,
    %get3A_1002 = arith.constant 0 : index
    %get3A_1003 = arith.constant 59 : index
    %get3A_1004 = arith.constant 0 : index
    %get3A_1005 = vector.load %arg2[%get3A_1002, %get3A_1003, %get3A_1004] : memref<4x64x128xi32, #tpu.memory_space<vmem>>, vector<1x1x128xi32>
    %get3A_1006 = vector.shape_cast %get3A_1005 : vector<1x1x128xi32> to vector<1x128xi32>
    %broadcast_in_dim3A_1007 = vector.shape_cast %get3A_1006 : vector<1x128xi32> to vector<1x128xi32>
    %broadcast_in_dim3A_1008 = vector.broadcast %broadcast_in_dim3A_1007 : vector<1x128xi32> to vector<32x128xi32>
    %eq3A_1009 = arith.cmpi eq, %broadcast_in_dim3A_1008, %iota3A : vector<32x128xi32>
    %broadcast_in_dim3A_1010 = vector.broadcast %get3A_2 : f32 to vector<32x128xf32>
    %broadcast_in_dim3A_1011 = vector.broadcast %get3A_0 : f32 to vector<32x128xf32>
    %select_n3A_1012 = arith.select %eq3A_1009, %broadcast_in_dim3A_1010, %broadcast_in_dim3A_1011 : vector<32x128xi1>, vector<32x128xf32>
    %swap3A_1013 = arith.constant 0 : index
    %swap3A_1014 = arith.constant 0 : index
    %swap3A_1015 = arith.constant 7552 : index
    %swap3A_1016 = vector.load %arg3[%swap3A_1013, %swap3A_1014, %swap3A_1015] : memref<4x32x8192xf32, #tpu.memory_space<vmem>>, vector<1x32x128xf32>
    %swap3A_1017 = vector.shape_cast %swap3A_1016 : vector<1x32x128xf32> to vector<32x128xf32>
    %swap3A_1018 = vector.shape_cast %select_n3A_1012 : vector<32x128xf32> to vector<1x32x128xf32>
    tpu.vector_store %arg3[%swap3A_1013, %swap3A_1014, %swap3A_1015], %swap3A_1018 {strides = array<i32>} : memref<4x32x8192xf32, #tpu.memory_space<vmem>>, vector<1x32x128xf32>,
    %get3A_1019 = arith.constant 0 : index
    %get3A_1020 = arith.constant 60 : index
    %get3A_1021 = arith.constant 0 : index
    %get3A_1022 = vector.load %arg2[%get3A_1019, %get3A_1020, %get3A_1021] : memref<4x64x128xi32, #tpu.memory_space<vmem>>, vector<1x1x128xi32>
    %get3A_1023 = vector.shape_cast %get3A_1022 : vector<1x1x128xi32> to vector<1x128xi32>
    %broadcast_in_dim3A_1024 = vector.shape_cast %get3A_1023 : vector<1x128xi32> to vector<1x128xi32>
    %broadcast_in_dim3A_1025 = vector.broadcast %broadcast_in_dim3A_1024 : vector<1x128xi32> to vector<32x128xi32>
    %eq3A_1026 = arith.cmpi eq, %broadcast_in_dim3A_1025, %iota3A : vector<32x128xi32>
    %broadcast_in_dim3A_1027 = vector.broadcast %get3A_2 : f32 to vector<32x128xf32>
    %broadcast_in_dim3A_1028 = vector.broadcast %get3A_0 : f32 to vector<32x128xf32>
    %select_n3A_1029 = arith.select %eq3A_1026, %broadcast_in_dim3A_1027, %broadcast_in_dim3A_1028 : vector<32x128xi1>, vector<32x128xf32>
    %swap3A_1030 = arith.constant 0 : index
    %swap3A_1031 = arith.constant 0 : index
    %swap3A_1032 = arith.constant 7680 : index
    %swap3A_1033 = vector.load %arg3[%swap3A_1030, %swap3A_1031, %swap3A_1032] : memref<4x32x8192xf32, #tpu.memory_space<vmem>>, vector<1x32x128xf32>
    %swap3A_1034 = vector.shape_cast %swap3A_1033 : vector<1x32x128xf32> to vector<32x128xf32>
    %swap3A_1035 = vector.shape_cast %select_n3A_1029 : vector<32x128xf32> to vector<1x32x128xf32>
    tpu.vector_store %arg3[%swap3A_1030, %swap3A_1031, %swap3A_1032], %swap3A_1035 {strides = array<i32>} : memref<4x32x8192xf32, #tpu.memory_space<vmem>>, vector<1x32x128xf32>,
    %get3A_1036 = arith.constant 0 : index
    %get3A_1037 = arith.constant 61 : index
    %get3A_1038 = arith.constant 0 : index
    %get3A_1039 = vector.load %arg2[%get3A_1036, %get3A_1037, %get3A_1038] : memref<4x64x128xi32, #tpu.memory_space<vmem>>, vector<1x1x128xi32>
    %get3A_1040 = vector.shape_cast %get3A_1039 : vector<1x1x128xi32> to vector<1x128xi32>
    %broadcast_in_dim3A_1041 = vector.shape_cast %get3A_1040 : vector<1x128xi32> to vector<1x128xi32>
    %broadcast_in_dim3A_1042 = vector.broadcast %broadcast_in_dim3A_1041 : vector<1x128xi32> to vector<32x128xi32>
    %eq3A_1043 = arith.cmpi eq, %broadcast_in_dim3A_1042, %iota3A : vector<32x128xi32>
    %broadcast_in_dim3A_1044 = vector.broadcast %get3A_2 : f32 to vector<32x128xf32>
    %broadcast_in_dim3A_1045 = vector.broadcast %get3A_0 : f32 to vector<32x128xf32>
    %select_n3A_1046 = arith.select %eq3A_1043, %broadcast_in_dim3A_1044, %broadcast_in_dim3A_1045 : vector<32x128xi1>, vector<32x128xf32>
    %swap3A_1047 = arith.constant 0 : index
    %swap3A_1048 = arith.constant 0 : index
    %swap3A_1049 = arith.constant 7808 : index
    %swap3A_1050 = vector.load %arg3[%swap3A_1047, %swap3A_1048, %swap3A_1049] : memref<4x32x8192xf32, #tpu.memory_space<vmem>>, vector<1x32x128xf32>
    %swap3A_1051 = vector.shape_cast %swap3A_1050 : vector<1x32x128xf32> to vector<32x128xf32>
    %swap3A_1052 = vector.shape_cast %select_n3A_1046 : vector<32x128xf32> to vector<1x32x128xf32>
    tpu.vector_store %arg3[%swap3A_1047, %swap3A_1048, %swap3A_1049], %swap3A_1052 {strides = array<i32>} : memref<4x32x8192xf32, #tpu.memory_space<vmem>>, vector<1x32x128xf32>,
    %get3A_1053 = arith.constant 0 : index
    %get3A_1054 = arith.constant 62 : index
    %get3A_1055 = arith.constant 0 : index
    %get3A_1056 = vector.load %arg2[%get3A_1053, %get3A_1054, %get3A_1055] : memref<4x64x128xi32, #tpu.memory_space<vmem>>, vector<1x1x128xi32>
    %get3A_1057 = vector.shape_cast %get3A_1056 : vector<1x1x128xi32> to vector<1x128xi32>
    %broadcast_in_dim3A_1058 = vector.shape_cast %get3A_1057 : vector<1x128xi32> to vector<1x128xi32>
    %broadcast_in_dim3A_1059 = vector.broadcast %broadcast_in_dim3A_1058 : vector<1x128xi32> to vector<32x128xi32>
    %eq3A_1060 = arith.cmpi eq, %broadcast_in_dim3A_1059, %iota3A : vector<32x128xi32>
    %broadcast_in_dim3A_1061 = vector.broadcast %get3A_2 : f32 to vector<32x128xf32>
    %broadcast_in_dim3A_1062 = vector.broadcast %get3A_0 : f32 to vector<32x128xf32>
    %select_n3A_1063 = arith.select %eq3A_1060, %broadcast_in_dim3A_1061, %broadcast_in_dim3A_1062 : vector<32x128xi1>, vector<32x128xf32>
    %swap3A_1064 = arith.constant 0 : index
    %swap3A_1065 = arith.constant 0 : index
    %swap3A_1066 = arith.constant 7936 : index
    %swap3A_1067 = vector.load %arg3[%swap3A_1064, %swap3A_1065, %swap3A_1066] : memref<4x32x8192xf32, #tpu.memory_space<vmem>>, vector<1x32x128xf32>
    %swap3A_1068 = vector.shape_cast %swap3A_1067 : vector<1x32x128xf32> to vector<32x128xf32>
    %swap3A_1069 = vector.shape_cast %select_n3A_1063 : vector<32x128xf32> to vector<1x32x128xf32>
    tpu.vector_store %arg3[%swap3A_1064, %swap3A_1065, %swap3A_1066], %swap3A_1069 {strides = array<i32>} : memref<4x32x8192xf32, #tpu.memory_space<vmem>>, vector<1x32x128xf32>,
    %get3A_1070 = arith.constant 0 : index
    %get3A_1071 = arith.constant 63 : index
    %get3A_1072 = arith.constant 0 : index
    %get3A_1073 = vector.load %arg2[%get3A_1070, %get3A_1071, %get3A_1072] : memref<4x64x128xi32, #tpu.memory_space<vmem>>, vector<1x1x128xi32>
    %get3A_1074 = vector.shape_cast %get3A_1073 : vector<1x1x128xi32> to vector<1x128xi32>
    %broadcast_in_dim3A_1075 = vector.shape_cast %get3A_1074 : vector<1x128xi32> to vector<1x128xi32>
    %broadcast_in_dim3A_1076 = vector.broadcast %broadcast_in_dim3A_1075 : vector<1x128xi32> to vector<32x128xi32>
    %eq3A_1077 = arith.cmpi eq, %broadcast_in_dim3A_1076, %iota3A : vector<32x128xi32>
    %broadcast_in_dim3A_1078 = vector.broadcast %get3A_2 : f32 to vector<32x128xf32>
    %broadcast_in_dim3A_1079 = vector.broadcast %get3A_0 : f32 to vector<32x128xf32>
    %select_n3A_1080 = arith.select %eq3A_1077, %broadcast_in_dim3A_1078, %broadcast_in_dim3A_1079 : vector<32x128xi1>, vector<32x128xf32>
    %swap3A_1081 = arith.constant 0 : index
    %swap3A_1082 = arith.constant 0 : index
    %swap3A_1083 = arith.constant 8064 : index
    %swap3A_1084 = vector.load %arg3[%swap3A_1081, %swap3A_1082, %swap3A_1083] : memref<4x32x8192xf32, #tpu.memory_space<vmem>>, vector<1x32x128xf32>
    %swap3A_1085 = vector.shape_cast %swap3A_1084 : vector<1x32x128xf32> to vector<32x128xf32>
    %swap3A_1086 = vector.shape_cast %select_n3A_1080 : vector<32x128xf32> to vector<1x32x128xf32>
    tpu.vector_store %arg3[%swap3A_1081, %swap3A_1082, %swap3A_1083], %swap3A_1086 {strides = array<i32>} : memref<4x32x8192xf32, #tpu.memory_space<vmem>>, vector<1x32x128xf32>,
    %get3A_1087 = arith.constant 1 : index
    %get3A_1088 = arith.constant 0 : index
    %get3A_1089 = arith.constant 0 : index
    %get3A_1090 = vector.load %arg2[%get3A_1087, %get3A_1088, %get3A_1089] : memref<4x64x128xi32, #tpu.memory_space<vmem>>, vector<1x1x128xi32>
    %get3A_1091 = vector.shape_cast %get3A_1090 : vector<1x1x128xi32> to vector<1x128xi32>
    %broadcast_in_dim3A_1092 = vector.shape_cast %get3A_1091 : vector<1x128xi32> to vector<1x128xi32>
    %broadcast_in_dim3A_1093 = vector.broadcast %broadcast_in_dim3A_1092 : vector<1x128xi32> to vector<32x128xi32>
    %eq3A_1094 = arith.cmpi eq, %broadcast_in_dim3A_1093, %iota3A : vector<32x128xi32>
    %broadcast_in_dim3A_1095 = vector.broadcast %get3A_2 : f32 to vector<32x128xf32>
    %broadcast_in_dim3A_1096 = vector.broadcast %get3A_0 : f32 to vector<32x128xf32>
    %select_n3A_1097 = arith.select %eq3A_1094, %broadcast_in_dim3A_1095, %broadcast_in_dim3A_1096 : vector<32x128xi1>, vector<32x128xf32>
    %swap3A_1098 = arith.constant 1 : index
    %swap3A_1099 = arith.constant 0 : index
    %swap3A_1100 = arith.constant 0 : index
    %swap3A_1101 = vector.load %arg3[%swap3A_1098, %swap3A_1099, %swap3A_1100] : memref<4x32x8192xf32, #tpu.memory_space<vmem>>, vector<1x32x128xf32>
    %swap3A_1102 = vector.shape_cast %swap3A_1101 : vector<1x32x128xf32> to vector<32x128xf32>
    %swap3A_1103 = vector.shape_cast %select_n3A_1097 : vector<32x128xf32> to vector<1x32x128xf32>
    tpu.vector_store %arg3[%swap3A_1098, %swap3A_1099, %swap3A_1100], %swap3A_1103 {strides = array<i32>} : memref<4x32x8192xf32, #tpu.memory_space<vmem>>, vector<1x32x128xf32>,
    %get3A_1104 = arith.constant 1 : index
    %get3A_1105 = arith.constant 1 : index
    %get3A_1106 = arith.constant 0 : index
    %get3A_1107 = vector.load %arg2[%get3A_1104, %get3A_1105, %get3A_1106] : memref<4x64x128xi32, #tpu.memory_space<vmem>>, vector<1x1x128xi32>
    %get3A_1108 = vector.shape_cast %get3A_1107 : vector<1x1x128xi32> to vector<1x128xi32>
    %broadcast_in_dim3A_1109 = vector.shape_cast %get3A_1108 : vector<1x128xi32> to vector<1x128xi32>
    %broadcast_in_dim3A_1110 = vector.broadcast %broadcast_in_dim3A_1109 : vector<1x128xi32> to vector<32x128xi32>
    %eq3A_1111 = arith.cmpi eq, %broadcast_in_dim3A_1110, %iota3A : vector<32x128xi32>
    %broadcast_in_dim3A_1112 = vector.broadcast %get3A_2 : f32 to vector<32x128xf32>
    %broadcast_in_dim3A_1113 = vector.broadcast %get3A_0 : f32 to vector<32x128xf32>
    %select_n3A_1114 = arith.select %eq3A_1111, %broadcast_in_dim3A_1112, %broadcast_in_dim3A_1113 : vector<32x128xi1>, vector<32x128xf32>
    %swap3A_1115 = arith.constant 1 : index
    %swap3A_1116 = arith.constant 0 : index
    %swap3A_1117 = arith.constant 128 : index
    %swap3A_1118 = vector.load %arg3[%swap3A_1115, %swap3A_1116, %swap3A_1117] : memref<4x32x8192xf32, #tpu.memory_space<vmem>>, vector<1x32x128xf32>
    %swap3A_1119 = vector.shape_cast %swap3A_1118 : vector<1x32x128xf32> to vector<32x128xf32>
    %swap3A_1120 = vector.shape_cast %select_n3A_1114 : vector<32x128xf32> to vector<1x32x128xf32>
    tpu.vector_store %arg3[%swap3A_1115, %swap3A_1116, %swap3A_1117], %swap3A_1120 {strides = array<i32>} : memref<4x32x8192xf32, #tpu.memory_space<vmem>>, vector<1x32x128xf32>,
    %get3A_1121 = arith.constant 1 : index
    %get3A_1122 = arith.constant 2 : index
    %get3A_1123 = arith.constant 0 : index
    %get3A_1124 = vector.load %arg2[%get3A_1121, %get3A_1122, %get3A_1123] : memref<4x64x128xi32, #tpu.memory_space<vmem>>, vector<1x1x128xi32>
    %get3A_1125 = vector.shape_cast %get3A_1124 : vector<1x1x128xi32> to vector<1x128xi32>
    %broadcast_in_dim3A_1126 = vector.shape_cast %get3A_1125 : vector<1x128xi32> to vector<1x128xi32>
    %broadcast_in_dim3A_1127 = vector.broadcast %broadcast_in_dim3A_1126 : vector<1x128xi32> to vector<32x128xi32>
    %eq3A_1128 = arith.cmpi eq, %broadcast_in_dim3A_1127, %iota3A : vector<32x128xi32>
    %broadcast_in_dim3A_1129 = vector.broadcast %get3A_2 : f32 to vector<32x128xf32>
    %broadcast_in_dim3A_1130 = vector.broadcast %get3A_0 : f32 to vector<32x128xf32>
    %select_n3A_1131 = arith.select %eq3A_1128, %broadcast_in_dim3A_1129, %broadcast_in_dim3A_1130 : vector<32x128xi1>, vector<32x128xf32>
    %swap3A_1132 = arith.constant 1 : index
    %swap3A_1133 = arith.constant 0 : index
    %swap3A_1134 = arith.constant 256 : index
    %swap3A_1135 = vector.load %arg3[%swap3A_1132, %swap3A_1133, %swap3A_1134] : memref<4x32x8192xf32, #tpu.memory_space<vmem>>, vector<1x32x128xf32>
    %swap3A_1136 = vector.shape_cast %swap3A_1135 : vector<1x32x128xf32> to vector<32x128xf32>
    %swap3A_1137 = vector.shape_cast %select_n3A_1131 : vector<32x128xf32> to vector<1x32x128xf32>
    tpu.vector_store %arg3[%swap3A_1132, %swap3A_1133, %swap3A_1134], %swap3A_1137 {strides = array<i32>} : memref<4x32x8192xf32, #tpu.memory_space<vmem>>, vector<1x32x128xf32>,
    %get3A_1138 = arith.constant 1 : index
    %get3A_1139 = arith.constant 3 : index
    %get3A_1140 = arith.constant 0 : index
    %get3A_1141 = vector.load %arg2[%get3A_1138, %get3A_1139, %get3A_1140] : memref<4x64x128xi32, #tpu.memory_space<vmem>>, vector<1x1x128xi32>
    %get3A_1142 = vector.shape_cast %get3A_1141 : vector<1x1x128xi32> to vector<1x128xi32>
    %broadcast_in_dim3A_1143 = vector.shape_cast %get3A_1142 : vector<1x128xi32> to vector<1x128xi32>
    %broadcast_in_dim3A_1144 = vector.broadcast %broadcast_in_dim3A_1143 : vector<1x128xi32> to vector<32x128xi32>
    %eq3A_1145 = arith.cmpi eq, %broadcast_in_dim3A_1144, %iota3A : vector<32x128xi32>
    %broadcast_in_dim3A_1146 = vector.broadcast %get3A_2 : f32 to vector<32x128xf32>
    %broadcast_in_dim3A_1147 = vector.broadcast %get3A_0 : f32 to vector<32x128xf32>
    %select_n3A_1148 = arith.select %eq3A_1145, %broadcast_in_dim3A_1146, %broadcast_in_dim3A_1147 : vector<32x128xi1>, vector<32x128xf32>
    %swap3A_1149 = arith.constant 1 : index
    %swap3A_1150 = arith.constant 0 : index
    %swap3A_1151 = arith.constant 384 : index
    %swap3A_1152 = vector.load %arg3[%swap3A_1149, %swap3A_1150, %swap3A_1151] : memref<4x32x8192xf32, #tpu.memory_space<vmem>>, vector<1x32x128xf32>
    %swap3A_1153 = vector.shape_cast %swap3A_1152 : vector<1x32x128xf32> to vector<32x128xf32>
    %swap3A_1154 = vector.shape_cast %select_n3A_1148 : vector<32x128xf32> to vector<1x32x128xf32>
    tpu.vector_store %arg3[%swap3A_1149, %swap3A_1150, %swap3A_1151], %swap3A_1154 {strides = array<i32>} : memref<4x32x8192xf32, #tpu.memory_space<vmem>>, vector<1x32x128xf32>,
    %get3A_1155 = arith.constant 1 : index
    %get3A_1156 = arith.constant 4 : index
    %get3A_1157 = arith.constant 0 : index
    %get3A_1158 = vector.load %arg2[%get3A_1155, %get3A_1156, %get3A_1157] : memref<4x64x128xi32, #tpu.memory_space<vmem>>, vector<1x1x128xi32>
    %get3A_1159 = vector.shape_cast %get3A_1158 : vector<1x1x128xi32> to vector<1x128xi32>
    %broadcast_in_dim3A_1160 = vector.shape_cast %get3A_1159 : vector<1x128xi32> to vector<1x128xi32>
    %broadcast_in_dim3A_1161 = vector.broadcast %broadcast_in_dim3A_1160 : vector<1x128xi32> to vector<32x128xi32>
    %eq3A_1162 = arith.cmpi eq, %broadcast_in_dim3A_1161, %iota3A : vector<32x128xi32>
    %broadcast_in_dim3A_1163 = vector.broadcast %get3A_2 : f32 to vector<32x128xf32>
    %broadcast_in_dim3A_1164 = vector.broadcast %get3A_0 : f32 to vector<32x128xf32>
    %select_n3A_1165 = arith.select %eq3A_1162, %broadcast_in_dim3A_1163, %broadcast_in_dim3A_1164 : vector<32x128xi1>, vector<32x128xf32>
    %swap3A_1166 = arith.constant 1 : index
    %swap3A_1167 = arith.constant 0 : index
    %swap3A_1168 = arith.constant 512 : index
    %swap3A_1169 = vector.load %arg3[%swap3A_1166, %swap3A_1167, %swap3A_1168] : memref<4x32x8192xf32, #tpu.memory_space<vmem>>, vector<1x32x128xf32>
    %swap3A_1170 = vector.shape_cast %swap3A_1169 : vector<1x32x128xf32> to vector<32x128xf32>
    %swap3A_1171 = vector.shape_cast %select_n3A_1165 : vector<32x128xf32> to vector<1x32x128xf32>
    tpu.vector_store %arg3[%swap3A_1166, %swap3A_1167, %swap3A_1168], %swap3A_1171 {strides = array<i32>} : memref<4x32x8192xf32, #tpu.memory_space<vmem>>, vector<1x32x128xf32>,
    %get3A_1172 = arith.constant 1 : index
    %get3A_1173 = arith.constant 5 : index
    %get3A_1174 = arith.constant 0 : index
    %get3A_1175 = vector.load %arg2[%get3A_1172, %get3A_1173, %get3A_1174] : memref<4x64x128xi32, #tpu.memory_space<vmem>>, vector<1x1x128xi32>
    %get3A_1176 = vector.shape_cast %get3A_1175 : vector<1x1x128xi32> to vector<1x128xi32>
    %broadcast_in_dim3A_1177 = vector.shape_cast %get3A_1176 : vector<1x128xi32> to vector<1x128xi32>
    %broadcast_in_dim3A_1178 = vector.broadcast %broadcast_in_dim3A_1177 : vector<1x128xi32> to vector<32x128xi32>
    %eq3A_1179 = arith.cmpi eq, %broadcast_in_dim3A_1178, %iota3A : vector<32x128xi32>
    %broadcast_in_dim3A_1180 = vector.broadcast %get3A_2 : f32 to vector<32x128xf32>
    %broadcast_in_dim3A_1181 = vector.broadcast %get3A_0 : f32 to vector<32x128xf32>
    %select_n3A_1182 = arith.select %eq3A_1179, %broadcast_in_dim3A_1180, %broadcast_in_dim3A_1181 : vector<32x128xi1>, vector<32x128xf32>
    %swap3A_1183 = arith.constant 1 : index
    %swap3A_1184 = arith.constant 0 : index
    %swap3A_1185 = arith.constant 640 : index
    %swap3A_1186 = vector.load %arg3[%swap3A_1183, %swap3A_1184, %swap3A_1185] : memref<4x32x8192xf32, #tpu.memory_space<vmem>>, vector<1x32x128xf32>
    %swap3A_1187 = vector.shape_cast %swap3A_1186 : vector<1x32x128xf32> to vector<32x128xf32>
    %swap3A_1188 = vector.shape_cast %select_n3A_1182 : vector<32x128xf32> to vector<1x32x128xf32>
    tpu.vector_store %arg3[%swap3A_1183, %swap3A_1184, %swap3A_1185], %swap3A_1188 {strides = array<i32>} : memref<4x32x8192xf32, #tpu.memory_space<vmem>>, vector<1x32x128xf32>,
    %get3A_1189 = arith.constant 1 : index
    %get3A_1190 = arith.constant 6 : index
    %get3A_1191 = arith.constant 0 : index
    %get3A_1192 = vector.load %arg2[%get3A_1189, %get3A_1190, %get3A_1191] : memref<4x64x128xi32, #tpu.memory_space<vmem>>, vector<1x1x128xi32>
    %get3A_1193 = vector.shape_cast %get3A_1192 : vector<1x1x128xi32> to vector<1x128xi32>
    %broadcast_in_dim3A_1194 = vector.shape_cast %get3A_1193 : vector<1x128xi32> to vector<1x128xi32>
    %broadcast_in_dim3A_1195 = vector.broadcast %broadcast_in_dim3A_1194 : vector<1x128xi32> to vector<32x128xi32>
    %eq3A_1196 = arith.cmpi eq, %broadcast_in_dim3A_1195, %iota3A : vector<32x128xi32>
    %broadcast_in_dim3A_1197 = vector.broadcast %get3A_2 : f32 to vector<32x128xf32>
    %broadcast_in_dim3A_1198 = vector.broadcast %get3A_0 : f32 to vector<32x128xf32>
    %select_n3A_1199 = arith.select %eq3A_1196, %broadcast_in_dim3A_1197, %broadcast_in_dim3A_1198 : vector<32x128xi1>, vector<32x128xf32>
    %swap3A_1200 = arith.constant 1 : index
    %swap3A_1201 = arith.constant 0 : index
    %swap3A_1202 = arith.constant 768 : index
    %swap3A_1203 = vector.load %arg3[%swap3A_1200, %swap3A_1201, %swap3A_1202] : memref<4x32x8192xf32, #tpu.memory_space<vmem>>, vector<1x32x128xf32>
    %swap3A_1204 = vector.shape_cast %swap3A_1203 : vector<1x32x128xf32> to vector<32x128xf32>
    %swap3A_1205 = vector.shape_cast %select_n3A_1199 : vector<32x128xf32> to vector<1x32x128xf32>
    tpu.vector_store %arg3[%swap3A_1200, %swap3A_1201, %swap3A_1202], %swap3A_1205 {strides = array<i32>} : memref<4x32x8192xf32, #tpu.memory_space<vmem>>, vector<1x32x128xf32>,
    %get3A_1206 = arith.constant 1 : index
    %get3A_1207 = arith.constant 7 : index
    %get3A_1208 = arith.constant 0 : index
    %get3A_1209 = vector.load %arg2[%get3A_1206, %get3A_1207, %get3A_1208] : memref<4x64x128xi32, #tpu.memory_space<vmem>>, vector<1x1x128xi32>
    %get3A_1210 = vector.shape_cast %get3A_1209 : vector<1x1x128xi32> to vector<1x128xi32>
    %broadcast_in_dim3A_1211 = vector.shape_cast %get3A_1210 : vector<1x128xi32> to vector<1x128xi32>
    %broadcast_in_dim3A_1212 = vector.broadcast %broadcast_in_dim3A_1211 : vector<1x128xi32> to vector<32x128xi32>
    %eq3A_1213 = arith.cmpi eq, %broadcast_in_dim3A_1212, %iota3A : vector<32x128xi32>
    %broadcast_in_dim3A_1214 = vector.broadcast %get3A_2 : f32 to vector<32x128xf32>
    %broadcast_in_dim3A_1215 = vector.broadcast %get3A_0 : f32 to vector<32x128xf32>
    %select_n3A_1216 = arith.select %eq3A_1213, %broadcast_in_dim3A_1214, %broadcast_in_dim3A_1215 : vector<32x128xi1>, vector<32x128xf32>
    %swap3A_1217 = arith.constant 1 : index
    %swap3A_1218 = arith.constant 0 : index
    %swap3A_1219 = arith.constant 896 : index
    %swap3A_1220 = vector.load %arg3[%swap3A_1217, %swap3A_1218, %swap3A_1219] : memref<4x32x8192xf32, #tpu.memory_space<vmem>>, vector<1x32x128xf32>
    %swap3A_1221 = vector.shape_cast %swap3A_1220 : vector<1x32x128xf32> to vector<32x128xf32>
    %swap3A_1222 = vector.shape_cast %select_n3A_1216 : vector<32x128xf32> to vector<1x32x128xf32>
    tpu.vector_store %arg3[%swap3A_1217, %swap3A_1218, %swap3A_1219], %swap3A_1222 {strides = array<i32>} : memref<4x32x8192xf32, #tpu.memory_space<vmem>>, vector<1x32x128xf32>,
    %get3A_1223 = arith.constant 1 : index
    %get3A_1224 = arith.constant 8 : index
    %get3A_1225 = arith.constant 0 : index
    %get3A_1226 = vector.load %arg2[%get3A_1223, %get3A_1224, %get3A_1225] : memref<4x64x128xi32, #tpu.memory_space<vmem>>, vector<1x1x128xi32>
    %get3A_1227 = vector.shape_cast %get3A_1226 : vector<1x1x128xi32> to vector<1x128xi32>
    %broadcast_in_dim3A_1228 = vector.shape_cast %get3A_1227 : vector<1x128xi32> to vector<1x128xi32>
    %broadcast_in_dim3A_1229 = vector.broadcast %broadcast_in_dim3A_1228 : vector<1x128xi32> to vector<32x128xi32>
    %eq3A_1230 = arith.cmpi eq, %broadcast_in_dim3A_1229, %iota3A : vector<32x128xi32>
    %broadcast_in_dim3A_1231 = vector.broadcast %get3A_2 : f32 to vector<32x128xf32>
    %broadcast_in_dim3A_1232 = vector.broadcast %get3A_0 : f32 to vector<32x128xf32>
    %select_n3A_1233 = arith.select %eq3A_1230, %broadcast_in_dim3A_1231, %broadcast_in_dim3A_1232 : vector<32x128xi1>, vector<32x128xf32>
    %swap3A_1234 = arith.constant 1 : index
    %swap3A_1235 = arith.constant 0 : index
    %swap3A_1236 = arith.constant 1024 : index
    %swap3A_1237 = vector.load %arg3[%swap3A_1234, %swap3A_1235, %swap3A_1236] : memref<4x32x8192xf32, #tpu.memory_space<vmem>>, vector<1x32x128xf32>
    %swap3A_1238 = vector.shape_cast %swap3A_1237 : vector<1x32x128xf32> to vector<32x128xf32>
    %swap3A_1239 = vector.shape_cast %select_n3A_1233 : vector<32x128xf32> to vector<1x32x128xf32>
    tpu.vector_store %arg3[%swap3A_1234, %swap3A_1235, %swap3A_1236], %swap3A_1239 {strides = array<i32>} : memref<4x32x8192xf32, #tpu.memory_space<vmem>>, vector<1x32x128xf32>,
    %get3A_1240 = arith.constant 1 : index
    %get3A_1241 = arith.constant 9 : index
    %get3A_1242 = arith.constant 0 : index
    %get3A_1243 = vector.load %arg2[%get3A_1240, %get3A_1241, %get3A_1242] : memref<4x64x128xi32, #tpu.memory_space<vmem>>, vector<1x1x128xi32>
    %get3A_1244 = vector.shape_cast %get3A_1243 : vector<1x1x128xi32> to vector<1x128xi32>
    %broadcast_in_dim3A_1245 = vector.shape_cast %get3A_1244 : vector<1x128xi32> to vector<1x128xi32>
    %broadcast_in_dim3A_1246 = vector.broadcast %broadcast_in_dim3A_1245 : vector<1x128xi32> to vector<32x128xi32>
    %eq3A_1247 = arith.cmpi eq, %broadcast_in_dim3A_1246, %iota3A : vector<32x128xi32>
    %broadcast_in_dim3A_1248 = vector.broadcast %get3A_2 : f32 to vector<32x128xf32>
    %broadcast_in_dim3A_1249 = vector.broadcast %get3A_0 : f32 to vector<32x128xf32>
    %select_n3A_1250 = arith.select %eq3A_1247, %broadcast_in_dim3A_1248, %broadcast_in_dim3A_1249 : vector<32x128xi1>, vector<32x128xf32>
    %swap3A_1251 = arith.constant 1 : index
    %swap3A_1252 = arith.constant 0 : index
    %swap3A_1253 = arith.constant 1152 : index
    %swap3A_1254 = vector.load %arg3[%swap3A_1251, %swap3A_1252, %swap3A_1253] : memref<4x32x8192xf32, #tpu.memory_space<vmem>>, vector<1x32x128xf32>
    %swap3A_1255 = vector.shape_cast %swap3A_1254 : vector<1x32x128xf32> to vector<32x128xf32>
    %swap3A_1256 = vector.shape_cast %select_n3A_1250 : vector<32x128xf32> to vector<1x32x128xf32>
    tpu.vector_store %arg3[%swap3A_1251, %swap3A_1252, %swap3A_1253], %swap3A_1256 {strides = array<i32>} : memref<4x32x8192xf32, #tpu.memory_space<vmem>>, vector<1x32x128xf32>,
    %get3A_1257 = arith.constant 1 : index
    %get3A_1258 = arith.constant 10 : index
    %get3A_1259 = arith.constant 0 : index
    %get3A_1260 = vector.load %arg2[%get3A_1257, %get3A_1258, %get3A_1259] : memref<4x64x128xi32, #tpu.memory_space<vmem>>, vector<1x1x128xi32>
    %get3A_1261 = vector.shape_cast %get3A_1260 : vector<1x1x128xi32> to vector<1x128xi32>
    %broadcast_in_dim3A_1262 = vector.shape_cast %get3A_1261 : vector<1x128xi32> to vector<1x128xi32>
    %broadcast_in_dim3A_1263 = vector.broadcast %broadcast_in_dim3A_1262 : vector<1x128xi32> to vector<32x128xi32>
    %eq3A_1264 = arith.cmpi eq, %broadcast_in_dim3A_1263, %iota3A : vector<32x128xi32>
    %broadcast_in_dim3A_1265 = vector.broadcast %get3A_2 : f32 to vector<32x128xf32>
    %broadcast_in_dim3A_1266 = vector.broadcast %get3A_0 : f32 to vector<32x128xf32>
    %select_n3A_1267 = arith.select %eq3A_1264, %broadcast_in_dim3A_1265, %broadcast_in_dim3A_1266 : vector<32x128xi1>, vector<32x128xf32>
    %swap3A_1268 = arith.constant 1 : index
    %swap3A_1269 = arith.constant 0 : index
    %swap3A_1270 = arith.constant 1280 : index
    %swap3A_1271 = vector.load %arg3[%swap3A_1268, %swap3A_1269, %swap3A_1270] : memref<4x32x8192xf32, #tpu.memory_space<vmem>>, vector<1x32x128xf32>
    %swap3A_1272 = vector.shape_cast %swap3A_1271 : vector<1x32x128xf32> to vector<32x128xf32>
    %swap3A_1273 = vector.shape_cast %select_n3A_1267 : vector<32x128xf32> to vector<1x32x128xf32>
    tpu.vector_store %arg3[%swap3A_1268, %swap3A_1269, %swap3A_1270], %swap3A_1273 {strides = array<i32>} : memref<4x32x8192xf32, #tpu.memory_space<vmem>>, vector<1x32x128xf32>,
    %get3A_1274 = arith.constant 1 : index
    %get3A_1275 = arith.constant 11 : index
    %get3A_1276 = arith.constant 0 : index
    %get3A_1277 = vector.load %arg2[%get3A_1274, %get3A_1275, %get3A_1276] : memref<4x64x128xi32, #tpu.memory_space<vmem>>, vector<1x1x128xi32>
    %get3A_1278 = vector.shape_cast %get3A_1277 : vector<1x1x128xi32> to vector<1x128xi32>
    %broadcast_in_dim3A_1279 = vector.shape_cast %get3A_1278 : vector<1x128xi32> to vector<1x128xi32>
    %broadcast_in_dim3A_1280 = vector.broadcast %broadcast_in_dim3A_1279 : vector<1x128xi32> to vector<32x128xi32>
    %eq3A_1281 = arith.cmpi eq, %broadcast_in_dim3A_1280, %iota3A : vector<32x128xi32>
    %broadcast_in_dim3A_1282 = vector.broadcast %get3A_2 : f32 to vector<32x128xf32>
    %broadcast_in_dim3A_1283 = vector.broadcast %get3A_0 : f32 to vector<32x128xf32>
    %select_n3A_1284 = arith.select %eq3A_1281, %broadcast_in_dim3A_1282, %broadcast_in_dim3A_1283 : vector<32x128xi1>, vector<32x128xf32>
    %swap3A_1285 = arith.constant 1 : index
    %swap3A_1286 = arith.constant 0 : index
    %swap3A_1287 = arith.constant 1408 : index
    %swap3A_1288 = vector.load %arg3[%swap3A_1285, %swap3A_1286, %swap3A_1287] : memref<4x32x8192xf32, #tpu.memory_space<vmem>>, vector<1x32x128xf32>
    %swap3A_1289 = vector.shape_cast %swap3A_1288 : vector<1x32x128xf32> to vector<32x128xf32>
    %swap3A_1290 = vector.shape_cast %select_n3A_1284 : vector<32x128xf32> to vector<1x32x128xf32>
    tpu.vector_store %arg3[%swap3A_1285, %swap3A_1286, %swap3A_1287], %swap3A_1290 {strides = array<i32>} : memref<4x32x8192xf32, #tpu.memory_space<vmem>>, vector<1x32x128xf32>,
    %get3A_1291 = arith.constant 1 : index
    %get3A_1292 = arith.constant 12 : index
    %get3A_1293 = arith.constant 0 : index
    %get3A_1294 = vector.load %arg2[%get3A_1291, %get3A_1292, %get3A_1293] : memref<4x64x128xi32, #tpu.memory_space<vmem>>, vector<1x1x128xi32>
    %get3A_1295 = vector.shape_cast %get3A_1294 : vector<1x1x128xi32> to vector<1x128xi32>
    %broadcast_in_dim3A_1296 = vector.shape_cast %get3A_1295 : vector<1x128xi32> to vector<1x128xi32>
    %broadcast_in_dim3A_1297 = vector.broadcast %broadcast_in_dim3A_1296 : vector<1x128xi32> to vector<32x128xi32>
    %eq3A_1298 = arith.cmpi eq, %broadcast_in_dim3A_1297, %iota3A : vector<32x128xi32>
    %broadcast_in_dim3A_1299 = vector.broadcast %get3A_2 : f32 to vector<32x128xf32>
    %broadcast_in_dim3A_1300 = vector.broadcast %get3A_0 : f32 to vector<32x128xf32>
    %select_n3A_1301 = arith.select %eq3A_1298, %broadcast_in_dim3A_1299, %broadcast_in_dim3A_1300 : vector<32x128xi1>, vector<32x128xf32>
    %swap3A_1302 = arith.constant 1 : index
    %swap3A_1303 = arith.constant 0 : index
    %swap3A_1304 = arith.constant 1536 : index
    %swap3A_1305 = vector.load %arg3[%swap3A_1302, %swap3A_1303, %swap3A_1304] : memref<4x32x8192xf32, #tpu.memory_space<vmem>>, vector<1x32x128xf32>
    %swap3A_1306 = vector.shape_cast %swap3A_1305 : vector<1x32x128xf32> to vector<32x128xf32>
    %swap3A_1307 = vector.shape_cast %select_n3A_1301 : vector<32x128xf32> to vector<1x32x128xf32>
    tpu.vector_store %arg3[%swap3A_1302, %swap3A_1303, %swap3A_1304], %swap3A_1307 {strides = array<i32>} : memref<4x32x8192xf32, #tpu.memory_space<vmem>>, vector<1x32x128xf32>,
    %get3A_1308 = arith.constant 1 : index
    %get3A_1309 = arith.constant 13 : index
    %get3A_1310 = arith.constant 0 : index
    %get3A_1311 = vector.load %arg2[%get3A_1308, %get3A_1309, %get3A_1310] : memref<4x64x128xi32, #tpu.memory_space<vmem>>, vector<1x1x128xi32>
    %get3A_1312 = vector.shape_cast %get3A_1311 : vector<1x1x128xi32> to vector<1x128xi32>
    %broadcast_in_dim3A_1313 = vector.shape_cast %get3A_1312 : vector<1x128xi32> to vector<1x128xi32>
    %broadcast_in_dim3A_1314 = vector.broadcast %broadcast_in_dim3A_1313 : vector<1x128xi32> to vector<32x128xi32>
    %eq3A_1315 = arith.cmpi eq, %broadcast_in_dim3A_1314, %iota3A : vector<32x128xi32>
    %broadcast_in_dim3A_1316 = vector.broadcast %get3A_2 : f32 to vector<32x128xf32>
    %broadcast_in_dim3A_1317 = vector.broadcast %get3A_0 : f32 to vector<32x128xf32>
    %select_n3A_1318 = arith.select %eq3A_1315, %broadcast_in_dim3A_1316, %broadcast_in_dim3A_1317 : vector<32x128xi1>, vector<32x128xf32>
    %swap3A_1319 = arith.constant 1 : index
    %swap3A_1320 = arith.constant 0 : index
    %swap3A_1321 = arith.constant 1664 : index
    %swap3A_1322 = vector.load %arg3[%swap3A_1319, %swap3A_1320, %swap3A_1321] : memref<4x32x8192xf32, #tpu.memory_space<vmem>>, vector<1x32x128xf32>
    %swap3A_1323 = vector.shape_cast %swap3A_1322 : vector<1x32x128xf32> to vector<32x128xf32>
    %swap3A_1324 = vector.shape_cast %select_n3A_1318 : vector<32x128xf32> to vector<1x32x128xf32>
    tpu.vector_store %arg3[%swap3A_1319, %swap3A_1320, %swap3A_1321], %swap3A_1324 {strides = array<i32>} : memref<4x32x8192xf32, #tpu.memory_space<vmem>>, vector<1x32x128xf32>,
    %get3A_1325 = arith.constant 1 : index
    %get3A_1326 = arith.constant 14 : index
    %get3A_1327 = arith.constant 0 : index
    %get3A_1328 = vector.load %arg2[%get3A_1325, %get3A_1326, %get3A_1327] : memref<4x64x128xi32, #tpu.memory_space<vmem>>, vector<1x1x128xi32>
    %get3A_1329 = vector.shape_cast %get3A_1328 : vector<1x1x128xi32> to vector<1x128xi32>
    %broadcast_in_dim3A_1330 = vector.shape_cast %get3A_1329 : vector<1x128xi32> to vector<1x128xi32>
    %broadcast_in_dim3A_1331 = vector.broadcast %broadcast_in_dim3A_1330 : vector<1x128xi32> to vector<32x128xi32>
    %eq3A_1332 = arith.cmpi eq, %broadcast_in_dim3A_1331, %iota3A : vector<32x128xi32>
    %broadcast_in_dim3A_1333 = vector.broadcast %get3A_2 : f32 to vector<32x128xf32>
    %broadcast_in_dim3A_1334 = vector.broadcast %get3A_0 : f32 to vector<32x128xf32>
    %select_n3A_1335 = arith.select %eq3A_1332, %broadcast_in_dim3A_1333, %broadcast_in_dim3A_1334 : vector<32x128xi1>, vector<32x128xf32>
    %swap3A_1336 = arith.constant 1 : index
    %swap3A_1337 = arith.constant 0 : index
    %swap3A_1338 = arith.constant 1792 : index
    %swap3A_1339 = vector.load %arg3[%swap3A_1336, %swap3A_1337, %swap3A_1338] : memref<4x32x8192xf32, #tpu.memory_space<vmem>>, vector<1x32x128xf32>
    %swap3A_1340 = vector.shape_cast %swap3A_1339 : vector<1x32x128xf32> to vector<32x128xf32>
    %swap3A_1341 = vector.shape_cast %select_n3A_1335 : vector<32x128xf32> to vector<1x32x128xf32>
    tpu.vector_store %arg3[%swap3A_1336, %swap3A_1337, %swap3A_1338], %swap3A_1341 {strides = array<i32>} : memref<4x32x8192xf32, #tpu.memory_space<vmem>>, vector<1x32x128xf32>,
    %get3A_1342 = arith.constant 1 : index
    %get3A_1343 = arith.constant 15 : index
    %get3A_1344 = arith.constant 0 : index
    %get3A_1345 = vector.load %arg2[%get3A_1342, %get3A_1343, %get3A_1344] : memref<4x64x128xi32, #tpu.memory_space<vmem>>, vector<1x1x128xi32>
    %get3A_1346 = vector.shape_cast %get3A_1345 : vector<1x1x128xi32> to vector<1x128xi32>
    %broadcast_in_dim3A_1347 = vector.shape_cast %get3A_1346 : vector<1x128xi32> to vector<1x128xi32>
    %broadcast_in_dim3A_1348 = vector.broadcast %broadcast_in_dim3A_1347 : vector<1x128xi32> to vector<32x128xi32>
    %eq3A_1349 = arith.cmpi eq, %broadcast_in_dim3A_1348, %iota3A : vector<32x128xi32>
    %broadcast_in_dim3A_1350 = vector.broadcast %get3A_2 : f32 to vector<32x128xf32>
    %broadcast_in_dim3A_1351 = vector.broadcast %get3A_0 : f32 to vector<32x128xf32>
    %select_n3A_1352 = arith.select %eq3A_1349, %broadcast_in_dim3A_1350, %broadcast_in_dim3A_1351 : vector<32x128xi1>, vector<32x128xf32>
    %swap3A_1353 = arith.constant 1 : index
    %swap3A_1354 = arith.constant 0 : index
    %swap3A_1355 = arith.constant 1920 : index
    %swap3A_1356 = vector.load %arg3[%swap3A_1353, %swap3A_1354, %swap3A_1355] : memref<4x32x8192xf32, #tpu.memory_space<vmem>>, vector<1x32x128xf32>
    %swap3A_1357 = vector.shape_cast %swap3A_1356 : vector<1x32x128xf32> to vector<32x128xf32>
    %swap3A_1358 = vector.shape_cast %select_n3A_1352 : vector<32x128xf32> to vector<1x32x128xf32>
    tpu.vector_store %arg3[%swap3A_1353, %swap3A_1354, %swap3A_1355], %swap3A_1358 {strides = array<i32>} : memref<4x32x8192xf32, #tpu.memory_space<vmem>>, vector<1x32x128xf32>,
    %get3A_1359 = arith.constant 1 : index
    %get3A_1360 = arith.constant 16 : index
    %get3A_1361 = arith.constant 0 : index
    %get3A_1362 = vector.load %arg2[%get3A_1359, %get3A_1360, %get3A_1361] : memref<4x64x128xi32, #tpu.memory_space<vmem>>, vector<1x1x128xi32>
    %get3A_1363 = vector.shape_cast %get3A_1362 : vector<1x1x128xi32> to vector<1x128xi32>
    %broadcast_in_dim3A_1364 = vector.shape_cast %get3A_1363 : vector<1x128xi32> to vector<1x128xi32>
    %broadcast_in_dim3A_1365 = vector.broadcast %broadcast_in_dim3A_1364 : vector<1x128xi32> to vector<32x128xi32>
    %eq3A_1366 = arith.cmpi eq, %broadcast_in_dim3A_1365, %iota3A : vector<32x128xi32>
    %broadcast_in_dim3A_1367 = vector.broadcast %get3A_2 : f32 to vector<32x128xf32>
    %broadcast_in_dim3A_1368 = vector.broadcast %get3A_0 : f32 to vector<32x128xf32>
    %select_n3A_1369 = arith.select %eq3A_1366, %broadcast_in_dim3A_1367, %broadcast_in_dim3A_1368 : vector<32x128xi1>, vector<32x128xf32>
    %swap3A_1370 = arith.constant 1 : index
    %swap3A_1371 = arith.constant 0 : index
    %swap3A_1372 = arith.constant 2048 : index
    %swap3A_1373 = vector.load %arg3[%swap3A_1370, %swap3A_1371, %swap3A_1372] : memref<4x32x8192xf32, #tpu.memory_space<vmem>>, vector<1x32x128xf32>
    %swap3A_1374 = vector.shape_cast %swap3A_1373 : vector<1x32x128xf32> to vector<32x128xf32>
    %swap3A_1375 = vector.shape_cast %select_n3A_1369 : vector<32x128xf32> to vector<1x32x128xf32>
    tpu.vector_store %arg3[%swap3A_1370, %swap3A_1371, %swap3A_1372], %swap3A_1375 {strides = array<i32>} : memref<4x32x8192xf32, #tpu.memory_space<vmem>>, vector<1x32x128xf32>,
    %get3A_1376 = arith.constant 1 : index
    %get3A_1377 = arith.constant 17 : index
    %get3A_1378 = arith.constant 0 : index
    %get3A_1379 = vector.load %arg2[%get3A_1376, %get3A_1377, %get3A_1378] : memref<4x64x128xi32, #tpu.memory_space<vmem>>, vector<1x1x128xi32>
    %get3A_1380 = vector.shape_cast %get3A_1379 : vector<1x1x128xi32> to vector<1x128xi32>
    %broadcast_in_dim3A_1381 = vector.shape_cast %get3A_1380 : vector<1x128xi32> to vector<1x128xi32>
    %broadcast_in_dim3A_1382 = vector.broadcast %broadcast_in_dim3A_1381 : vector<1x128xi32> to vector<32x128xi32>
    %eq3A_1383 = arith.cmpi eq, %broadcast_in_dim3A_1382, %iota3A : vector<32x128xi32>
    %broadcast_in_dim3A_1384 = vector.broadcast %get3A_2 : f32 to vector<32x128xf32>
    %broadcast_in_dim3A_1385 = vector.broadcast %get3A_0 : f32 to vector<32x128xf32>
    %select_n3A_1386 = arith.select %eq3A_1383, %broadcast_in_dim3A_1384, %broadcast_in_dim3A_1385 : vector<32x128xi1>, vector<32x128xf32>
    %swap3A_1387 = arith.constant 1 : index
    %swap3A_1388 = arith.constant 0 : index
    %swap3A_1389 = arith.constant 2176 : index
    %swap3A_1390 = vector.load %arg3[%swap3A_1387, %swap3A_1388, %swap3A_1389] : memref<4x32x8192xf32, #tpu.memory_space<vmem>>, vector<1x32x128xf32>
    %swap3A_1391 = vector.shape_cast %swap3A_1390 : vector<1x32x128xf32> to vector<32x128xf32>
    %swap3A_1392 = vector.shape_cast %select_n3A_1386 : vector<32x128xf32> to vector<1x32x128xf32>
    tpu.vector_store %arg3[%swap3A_1387, %swap3A_1388, %swap3A_1389], %swap3A_1392 {strides = array<i32>} : memref<4x32x8192xf32, #tpu.memory_space<vmem>>, vector<1x32x128xf32>,
    %get3A_1393 = arith.constant 1 : index
    %get3A_1394 = arith.constant 18 : index
    %get3A_1395 = arith.constant 0 : index
    %get3A_1396 = vector.load %arg2[%get3A_1393, %get3A_1394, %get3A_1395] : memref<4x64x128xi32, #tpu.memory_space<vmem>>, vector<1x1x128xi32>
    %get3A_1397 = vector.shape_cast %get3A_1396 : vector<1x1x128xi32> to vector<1x128xi32>
    %broadcast_in_dim3A_1398 = vector.shape_cast %get3A_1397 : vector<1x128xi32> to vector<1x128xi32>
    %broadcast_in_dim3A_1399 = vector.broadcast %broadcast_in_dim3A_1398 : vector<1x128xi32> to vector<32x128xi32>
    %eq3A_1400 = arith.cmpi eq, %broadcast_in_dim3A_1399, %iota3A : vector<32x128xi32>
    %broadcast_in_dim3A_1401 = vector.broadcast %get3A_2 : f32 to vector<32x128xf32>
    %broadcast_in_dim3A_1402 = vector.broadcast %get3A_0 : f32 to vector<32x128xf32>
    %select_n3A_1403 = arith.select %eq3A_1400, %broadcast_in_dim3A_1401, %broadcast_in_dim3A_1402 : vector<32x128xi1>, vector<32x128xf32>
    %swap3A_1404 = arith.constant 1 : index
    %swap3A_1405 = arith.constant 0 : index
    %swap3A_1406 = arith.constant 2304 : index
    %swap3A_1407 = vector.load %arg3[%swap3A_1404, %swap3A_1405, %swap3A_1406] : memref<4x32x8192xf32, #tpu.memory_space<vmem>>, vector<1x32x128xf32>
    %swap3A_1408 = vector.shape_cast %swap3A_1407 : vector<1x32x128xf32> to vector<32x128xf32>
    %swap3A_1409 = vector.shape_cast %select_n3A_1403 : vector<32x128xf32> to vector<1x32x128xf32>
    tpu.vector_store %arg3[%swap3A_1404, %swap3A_1405, %swap3A_1406], %swap3A_1409 {strides = array<i32>} : memref<4x32x8192xf32, #tpu.memory_space<vmem>>, vector<1x32x128xf32>,
    %get3A_1410 = arith.constant 1 : index
    %get3A_1411 = arith.constant 19 : index
    %get3A_1412 = arith.constant 0 : index
    %get3A_1413 = vector.load %arg2[%get3A_1410, %get3A_1411, %get3A_1412] : memref<4x64x128xi32, #tpu.memory_space<vmem>>, vector<1x1x128xi32>
    %get3A_1414 = vector.shape_cast %get3A_1413 : vector<1x1x128xi32> to vector<1x128xi32>
    %broadcast_in_dim3A_1415 = vector.shape_cast %get3A_1414 : vector<1x128xi32> to vector<1x128xi32>
    %broadcast_in_dim3A_1416 = vector.broadcast %broadcast_in_dim3A_1415 : vector<1x128xi32> to vector<32x128xi32>
    %eq3A_1417 = arith.cmpi eq, %broadcast_in_dim3A_1416, %iota3A : vector<32x128xi32>
    %broadcast_in_dim3A_1418 = vector.broadcast %get3A_2 : f32 to vector<32x128xf32>
    %broadcast_in_dim3A_1419 = vector.broadcast %get3A_0 : f32 to vector<32x128xf32>
    %select_n3A_1420 = arith.select %eq3A_1417, %broadcast_in_dim3A_1418, %broadcast_in_dim3A_1419 : vector<32x128xi1>, vector<32x128xf32>
    %swap3A_1421 = arith.constant 1 : index
    %swap3A_1422 = arith.constant 0 : index
    %swap3A_1423 = arith.constant 2432 : index
    %swap3A_1424 = vector.load %arg3[%swap3A_1421, %swap3A_1422, %swap3A_1423] : memref<4x32x8192xf32, #tpu.memory_space<vmem>>, vector<1x32x128xf32>
    %swap3A_1425 = vector.shape_cast %swap3A_1424 : vector<1x32x128xf32> to vector<32x128xf32>
    %swap3A_1426 = vector.shape_cast %select_n3A_1420 : vector<32x128xf32> to vector<1x32x128xf32>
    tpu.vector_store %arg3[%swap3A_1421, %swap3A_1422, %swap3A_1423], %swap3A_1426 {strides = array<i32>} : memref<4x32x8192xf32, #tpu.memory_space<vmem>>, vector<1x32x128xf32>,
    %get3A_1427 = arith.constant 1 : index
    %get3A_1428 = arith.constant 20 : index
    %get3A_1429 = arith.constant 0 : index
    %get3A_1430 = vector.load %arg2[%get3A_1427, %get3A_1428, %get3A_1429] : memref<4x64x128xi32, #tpu.memory_space<vmem>>, vector<1x1x128xi32>
    %get3A_1431 = vector.shape_cast %get3A_1430 : vector<1x1x128xi32> to vector<1x128xi32>
    %broadcast_in_dim3A_1432 = vector.shape_cast %get3A_1431 : vector<1x128xi32> to vector<1x128xi32>
    %broadcast_in_dim3A_1433 = vector.broadcast %broadcast_in_dim3A_1432 : vector<1x128xi32> to vector<32x128xi32>
    %eq3A_1434 = arith.cmpi eq, %broadcast_in_dim3A_1433, %iota3A : vector<32x128xi32>
    %broadcast_in_dim3A_1435 = vector.broadcast %get3A_2 : f32 to vector<32x128xf32>
    %broadcast_in_dim3A_1436 = vector.broadcast %get3A_0 : f32 to vector<32x128xf32>
    %select_n3A_1437 = arith.select %eq3A_1434, %broadcast_in_dim3A_1435, %broadcast_in_dim3A_1436 : vector<32x128xi1>, vector<32x128xf32>
    %swap3A_1438 = arith.constant 1 : index
    %swap3A_1439 = arith.constant 0 : index
    %swap3A_1440 = arith.constant 2560 : index
    %swap3A_1441 = vector.load %arg3[%swap3A_1438, %swap3A_1439, %swap3A_1440] : memref<4x32x8192xf32, #tpu.memory_space<vmem>>, vector<1x32x128xf32>
    %swap3A_1442 = vector.shape_cast %swap3A_1441 : vector<1x32x128xf32> to vector<32x128xf32>
    %swap3A_1443 = vector.shape_cast %select_n3A_1437 : vector<32x128xf32> to vector<1x32x128xf32>
    tpu.vector_store %arg3[%swap3A_1438, %swap3A_1439, %swap3A_1440], %swap3A_1443 {strides = array<i32>} : memref<4x32x8192xf32, #tpu.memory_space<vmem>>, vector<1x32x128xf32>,
    %get3A_1444 = arith.constant 1 : index
    %get3A_1445 = arith.constant 21 : index
    %get3A_1446 = arith.constant 0 : index
    %get3A_1447 = vector.load %arg2[%get3A_1444, %get3A_1445, %get3A_1446] : memref<4x64x128xi32, #tpu.memory_space<vmem>>, vector<1x1x128xi32>
    %get3A_1448 = vector.shape_cast %get3A_1447 : vector<1x1x128xi32> to vector<1x128xi32>
    %broadcast_in_dim3A_1449 = vector.shape_cast %get3A_1448 : vector<1x128xi32> to vector<1x128xi32>
    %broadcast_in_dim3A_1450 = vector.broadcast %broadcast_in_dim3A_1449 : vector<1x128xi32> to vector<32x128xi32>
    %eq3A_1451 = arith.cmpi eq, %broadcast_in_dim3A_1450, %iota3A : vector<32x128xi32>
    %broadcast_in_dim3A_1452 = vector.broadcast %get3A_2 : f32 to vector<32x128xf32>
    %broadcast_in_dim3A_1453 = vector.broadcast %get3A_0 : f32 to vector<32x128xf32>
    %select_n3A_1454 = arith.select %eq3A_1451, %broadcast_in_dim3A_1452, %broadcast_in_dim3A_1453 : vector<32x128xi1>, vector<32x128xf32>
    %swap3A_1455 = arith.constant 1 : index
    %swap3A_1456 = arith.constant 0 : index
    %swap3A_1457 = arith.constant 2688 : index
    %swap3A_1458 = vector.load %arg3[%swap3A_1455, %swap3A_1456, %swap3A_1457] : memref<4x32x8192xf32, #tpu.memory_space<vmem>>, vector<1x32x128xf32>
    %swap3A_1459 = vector.shape_cast %swap3A_1458 : vector<1x32x128xf32> to vector<32x128xf32>
    %swap3A_1460 = vector.shape_cast %select_n3A_1454 : vector<32x128xf32> to vector<1x32x128xf32>
    tpu.vector_store %arg3[%swap3A_1455, %swap3A_1456, %swap3A_1457], %swap3A_1460 {strides = array<i32>} : memref<4x32x8192xf32, #tpu.memory_space<vmem>>, vector<1x32x128xf32>,
    %get3A_1461 = arith.constant 1 : index
    %get3A_1462 = arith.constant 22 : index
    %get3A_1463 = arith.constant 0 : index
    %get3A_1464 = vector.load %arg2[%get3A_1461, %get3A_1462, %get3A_1463] : memref<4x64x128xi32, #tpu.memory_space<vmem>>, vector<1x1x128xi32>
    %get3A_1465 = vector.shape_cast %get3A_1464 : vector<1x1x128xi32> to vector<1x128xi32>
    %broadcast_in_dim3A_1466 = vector.shape_cast %get3A_1465 : vector<1x128xi32> to vector<1x128xi32>
    %broadcast_in_dim3A_1467 = vector.broadcast %broadcast_in_dim3A_1466 : vector<1x128xi32> to vector<32x128xi32>
    %eq3A_1468 = arith.cmpi eq, %broadcast_in_dim3A_1467, %iota3A : vector<32x128xi32>
    %broadcast_in_dim3A_1469 = vector.broadcast %get3A_2 : f32 to vector<32x128xf32>
    %broadcast_in_dim3A_1470 = vector.broadcast %get3A_0 : f32 to vector<32x128xf32>
    %select_n3A_1471 = arith.select %eq3A_1468, %broadcast_in_dim3A_1469, %broadcast_in_dim3A_1470 : vector<32x128xi1>, vector<32x128xf32>
    %swap3A_1472 = arith.constant 1 : index
    %swap3A_1473 = arith.constant 0 : index
    %swap3A_1474 = arith.constant 2816 : index
    %swap3A_1475 = vector.load %arg3[%swap3A_1472, %swap3A_1473, %swap3A_1474] : memref<4x32x8192xf32, #tpu.memory_space<vmem>>, vector<1x32x128xf32>
    %swap3A_1476 = vector.shape_cast %swap3A_1475 : vector<1x32x128xf32> to vector<32x128xf32>
    %swap3A_1477 = vector.shape_cast %select_n3A_1471 : vector<32x128xf32> to vector<1x32x128xf32>
    tpu.vector_store %arg3[%swap3A_1472, %swap3A_1473, %swap3A_1474], %swap3A_1477 {strides = array<i32>} : memref<4x32x8192xf32, #tpu.memory_space<vmem>>, vector<1x32x128xf32>,
    %get3A_1478 = arith.constant 1 : index
    %get3A_1479 = arith.constant 23 : index
    %get3A_1480 = arith.constant 0 : index
    %get3A_1481 = vector.load %arg2[%get3A_1478, %get3A_1479, %get3A_1480] : memref<4x64x128xi32, #tpu.memory_space<vmem>>, vector<1x1x128xi32>
    %get3A_1482 = vector.shape_cast %get3A_1481 : vector<1x1x128xi32> to vector<1x128xi32>
    %broadcast_in_dim3A_1483 = vector.shape_cast %get3A_1482 : vector<1x128xi32> to vector<1x128xi32>
    %broadcast_in_dim3A_1484 = vector.broadcast %broadcast_in_dim3A_1483 : vector<1x128xi32> to vector<32x128xi32>
    %eq3A_1485 = arith.cmpi eq, %broadcast_in_dim3A_1484, %iota3A : vector<32x128xi32>
    %broadcast_in_dim3A_1486 = vector.broadcast %get3A_2 : f32 to vector<32x128xf32>
    %broadcast_in_dim3A_1487 = vector.broadcast %get3A_0 : f32 to vector<32x128xf32>
    %select_n3A_1488 = arith.select %eq3A_1485, %broadcast_in_dim3A_1486, %broadcast_in_dim3A_1487 : vector<32x128xi1>, vector<32x128xf32>
    %swap3A_1489 = arith.constant 1 : index
    %swap3A_1490 = arith.constant 0 : index
    %swap3A_1491 = arith.constant 2944 : index
    %swap3A_1492 = vector.load %arg3[%swap3A_1489, %swap3A_1490, %swap3A_1491] : memref<4x32x8192xf32, #tpu.memory_space<vmem>>, vector<1x32x128xf32>
    %swap3A_1493 = vector.shape_cast %swap3A_1492 : vector<1x32x128xf32> to vector<32x128xf32>
    %swap3A_1494 = vector.shape_cast %select_n3A_1488 : vector<32x128xf32> to vector<1x32x128xf32>
    tpu.vector_store %arg3[%swap3A_1489, %swap3A_1490, %swap3A_1491], %swap3A_1494 {strides = array<i32>} : memref<4x32x8192xf32, #tpu.memory_space<vmem>>, vector<1x32x128xf32>,
    %get3A_1495 = arith.constant 1 : index
    %get3A_1496 = arith.constant 24 : index
    %get3A_1497 = arith.constant 0 : index
    %get3A_1498 = vector.load %arg2[%get3A_1495, %get3A_1496, %get3A_1497] : memref<4x64x128xi32, #tpu.memory_space<vmem>>, vector<1x1x128xi32>
    %get3A_1499 = vector.shape_cast %get3A_1498 : vector<1x1x128xi32> to vector<1x128xi32>
    %broadcast_in_dim3A_1500 = vector.shape_cast %get3A_1499 : vector<1x128xi32> to vector<1x128xi32>
    %broadcast_in_dim3A_1501 = vector.broadcast %broadcast_in_dim3A_1500 : vector<1x128xi32> to vector<32x128xi32>
    %eq3A_1502 = arith.cmpi eq, %broadcast_in_dim3A_1501, %iota3A : vector<32x128xi32>
    %broadcast_in_dim3A_1503 = vector.broadcast %get3A_2 : f32 to vector<32x128xf32>
    %broadcast_in_dim3A_1504 = vector.broadcast %get3A_0 : f32 to vector<32x128xf32>
    %select_n3A_1505 = arith.select %eq3A_1502, %broadcast_in_dim3A_1503, %broadcast_in_dim3A_1504 : vector<32x128xi1>, vector<32x128xf32>
    %swap3A_1506 = arith.constant 1 : index
    %swap3A_1507 = arith.constant 0 : index
    %swap3A_1508 = arith.constant 3072 : index
    %swap3A_1509 = vector.load %arg3[%swap3A_1506, %swap3A_1507, %swap3A_1508] : memref<4x32x8192xf32, #tpu.memory_space<vmem>>, vector<1x32x128xf32>
    %swap3A_1510 = vector.shape_cast %swap3A_1509 : vector<1x32x128xf32> to vector<32x128xf32>
    %swap3A_1511 = vector.shape_cast %select_n3A_1505 : vector<32x128xf32> to vector<1x32x128xf32>
    tpu.vector_store %arg3[%swap3A_1506, %swap3A_1507, %swap3A_1508], %swap3A_1511 {strides = array<i32>} : memref<4x32x8192xf32, #tpu.memory_space<vmem>>, vector<1x32x128xf32>,
    %get3A_1512 = arith.constant 1 : index
    %get3A_1513 = arith.constant 25 : index
    %get3A_1514 = arith.constant 0 : index
    %get3A_1515 = vector.load %arg2[%get3A_1512, %get3A_1513, %get3A_1514] : memref<4x64x128xi32, #tpu.memory_space<vmem>>, vector<1x1x128xi32>
    %get3A_1516 = vector.shape_cast %get3A_1515 : vector<1x1x128xi32> to vector<1x128xi32>
    %broadcast_in_dim3A_1517 = vector.shape_cast %get3A_1516 : vector<1x128xi32> to vector<1x128xi32>
    %broadcast_in_dim3A_1518 = vector.broadcast %broadcast_in_dim3A_1517 : vector<1x128xi32> to vector<32x128xi32>
    %eq3A_1519 = arith.cmpi eq, %broadcast_in_dim3A_1518, %iota3A : vector<32x128xi32>
    %broadcast_in_dim3A_1520 = vector.broadcast %get3A_2 : f32 to vector<32x128xf32>
    %broadcast_in_dim3A_1521 = vector.broadcast %get3A_0 : f32 to vector<32x128xf32>
    %select_n3A_1522 = arith.select %eq3A_1519, %broadcast_in_dim3A_1520, %broadcast_in_dim3A_1521 : vector<32x128xi1>, vector<32x128xf32>
    %swap3A_1523 = arith.constant 1 : index
    %swap3A_1524 = arith.constant 0 : index
    %swap3A_1525 = arith.constant 3200 : index
    %swap3A_1526 = vector.load %arg3[%swap3A_1523, %swap3A_1524, %swap3A_1525] : memref<4x32x8192xf32, #tpu.memory_space<vmem>>, vector<1x32x128xf32>
    %swap3A_1527 = vector.shape_cast %swap3A_1526 : vector<1x32x128xf32> to vector<32x128xf32>
    %swap3A_1528 = vector.shape_cast %select_n3A_1522 : vector<32x128xf32> to vector<1x32x128xf32>
    tpu.vector_store %arg3[%swap3A_1523, %swap3A_1524, %swap3A_1525], %swap3A_1528 {strides = array<i32>} : memref<4x32x8192xf32, #tpu.memory_space<vmem>>, vector<1x32x128xf32>,
    %get3A_1529 = arith.constant 1 : index
    %get3A_1530 = arith.constant 26 : index
    %get3A_1531 = arith.constant 0 : index
    %get3A_1532 = vector.load %arg2[%get3A_1529, %get3A_1530, %get3A_1531] : memref<4x64x128xi32, #tpu.memory_space<vmem>>, vector<1x1x128xi32>
    %get3A_1533 = vector.shape_cast %get3A_1532 : vector<1x1x128xi32> to vector<1x128xi32>
    %broadcast_in_dim3A_1534 = vector.shape_cast %get3A_1533 : vector<1x128xi32> to vector<1x128xi32>
    %broadcast_in_dim3A_1535 = vector.broadcast %broadcast_in_dim3A_1534 : vector<1x128xi32> to vector<32x128xi32>
    %eq3A_1536 = arith.cmpi eq, %broadcast_in_dim3A_1535, %iota3A : vector<32x128xi32>
    %broadcast_in_dim3A_1537 = vector.broadcast %get3A_2 : f32 to vector<32x128xf32>
    %broadcast_in_dim3A_1538 = vector.broadcast %get3A_0 : f32 to vector<32x128xf32>
    %select_n3A_1539 = arith.select %eq3A_1536, %broadcast_in_dim3A_1537, %broadcast_in_dim3A_1538 : vector<32x128xi1>, vector<32x128xf32>
    %swap3A_1540 = arith.constant 1 : index
    %swap3A_1541 = arith.constant 0 : index
    %swap3A_1542 = arith.constant 3328 : index
    %swap3A_1543 = vector.load %arg3[%swap3A_1540, %swap3A_1541, %swap3A_1542] : memref<4x32x8192xf32, #tpu.memory_space<vmem>>, vector<1x32x128xf32>
    %swap3A_1544 = vector.shape_cast %swap3A_1543 : vector<1x32x128xf32> to vector<32x128xf32>
    %swap3A_1545 = vector.shape_cast %select_n3A_1539 : vector<32x128xf32> to vector<1x32x128xf32>
    tpu.vector_store %arg3[%swap3A_1540, %swap3A_1541, %swap3A_1542], %swap3A_1545 {strides = array<i32>} : memref<4x32x8192xf32, #tpu.memory_space<vmem>>, vector<1x32x128xf32>,
    %get3A_1546 = arith.constant 1 : index
    %get3A_1547 = arith.constant 27 : index
    %get3A_1548 = arith.constant 0 : index
    %get3A_1549 = vector.load %arg2[%get3A_1546, %get3A_1547, %get3A_1548] : memref<4x64x128xi32, #tpu.memory_space<vmem>>, vector<1x1x128xi32>
    %get3A_1550 = vector.shape_cast %get3A_1549 : vector<1x1x128xi32> to vector<1x128xi32>
    %broadcast_in_dim3A_1551 = vector.shape_cast %get3A_1550 : vector<1x128xi32> to vector<1x128xi32>
    %broadcast_in_dim3A_1552 = vector.broadcast %broadcast_in_dim3A_1551 : vector<1x128xi32> to vector<32x128xi32>
    %eq3A_1553 = arith.cmpi eq, %broadcast_in_dim3A_1552, %iota3A : vector<32x128xi32>
    %broadcast_in_dim3A_1554 = vector.broadcast %get3A_2 : f32 to vector<32x128xf32>
    %broadcast_in_dim3A_1555 = vector.broadcast %get3A_0 : f32 to vector<32x128xf32>
    %select_n3A_1556 = arith.select %eq3A_1553, %broadcast_in_dim3A_1554, %broadcast_in_dim3A_1555 : vector<32x128xi1>, vector<32x128xf32>
    %swap3A_1557 = arith.constant 1 : index
    %swap3A_1558 = arith.constant 0 : index
    %swap3A_1559 = arith.constant 3456 : index
    %swap3A_1560 = vector.load %arg3[%swap3A_1557, %swap3A_1558, %swap3A_1559] : memref<4x32x8192xf32, #tpu.memory_space<vmem>>, vector<1x32x128xf32>
    %swap3A_1561 = vector.shape_cast %swap3A_1560 : vector<1x32x128xf32> to vector<32x128xf32>
    %swap3A_1562 = vector.shape_cast %select_n3A_1556 : vector<32x128xf32> to vector<1x32x128xf32>
    tpu.vector_store %arg3[%swap3A_1557, %swap3A_1558, %swap3A_1559], %swap3A_1562 {strides = array<i32>} : memref<4x32x8192xf32, #tpu.memory_space<vmem>>, vector<1x32x128xf32>,
    %get3A_1563 = arith.constant 1 : index
    %get3A_1564 = arith.constant 28 : index
    %get3A_1565 = arith.constant 0 : index
    %get3A_1566 = vector.load %arg2[%get3A_1563, %get3A_1564, %get3A_1565] : memref<4x64x128xi32, #tpu.memory_space<vmem>>, vector<1x1x128xi32>
    %get3A_1567 = vector.shape_cast %get3A_1566 : vector<1x1x128xi32> to vector<1x128xi32>
    %broadcast_in_dim3A_1568 = vector.shape_cast %get3A_1567 : vector<1x128xi32> to vector<1x128xi32>
    %broadcast_in_dim3A_1569 = vector.broadcast %broadcast_in_dim3A_1568 : vector<1x128xi32> to vector<32x128xi32>
    %eq3A_1570 = arith.cmpi eq, %broadcast_in_dim3A_1569, %iota3A : vector<32x128xi32>
    %broadcast_in_dim3A_1571 = vector.broadcast %get3A_2 : f32 to vector<32x128xf32>
    %broadcast_in_dim3A_1572 = vector.broadcast %get3A_0 : f32 to vector<32x128xf32>
    %select_n3A_1573 = arith.select %eq3A_1570, %broadcast_in_dim3A_1571, %broadcast_in_dim3A_1572 : vector<32x128xi1>, vector<32x128xf32>
    %swap3A_1574 = arith.constant 1 : index
    %swap3A_1575 = arith.constant 0 : index
    %swap3A_1576 = arith.constant 3584 : index
    %swap3A_1577 = vector.load %arg3[%swap3A_1574, %swap3A_1575, %swap3A_1576] : memref<4x32x8192xf32, #tpu.memory_space<vmem>>, vector<1x32x128xf32>
    %swap3A_1578 = vector.shape_cast %swap3A_1577 : vector<1x32x128xf32> to vector<32x128xf32>
    %swap3A_1579 = vector.shape_cast %select_n3A_1573 : vector<32x128xf32> to vector<1x32x128xf32>
    tpu.vector_store %arg3[%swap3A_1574, %swap3A_1575, %swap3A_1576], %swap3A_1579 {strides = array<i32>} : memref<4x32x8192xf32, #tpu.memory_space<vmem>>, vector<1x32x128xf32>,
    %get3A_1580 = arith.constant 1 : index
    %get3A_1581 = arith.constant 29 : index
    %get3A_1582 = arith.constant 0 : index
    %get3A_1583 = vector.load %arg2[%get3A_1580, %get3A_1581, %get3A_1582] : memref<4x64x128xi32, #tpu.memory_space<vmem>>, vector<1x1x128xi32>
    %get3A_1584 = vector.shape_cast %get3A_1583 : vector<1x1x128xi32> to vector<1x128xi32>
    %broadcast_in_dim3A_1585 = vector.shape_cast %get3A_1584 : vector<1x128xi32> to vector<1x128xi32>
    %broadcast_in_dim3A_1586 = vector.broadcast %broadcast_in_dim3A_1585 : vector<1x128xi32> to vector<32x128xi32>
    %eq3A_1587 = arith.cmpi eq, %broadcast_in_dim3A_1586, %iota3A : vector<32x128xi32>
    %broadcast_in_dim3A_1588 = vector.broadcast %get3A_2 : f32 to vector<32x128xf32>
    %broadcast_in_dim3A_1589 = vector.broadcast %get3A_0 : f32 to vector<32x128xf32>
    %select_n3A_1590 = arith.select %eq3A_1587, %broadcast_in_dim3A_1588, %broadcast_in_dim3A_1589 : vector<32x128xi1>, vector<32x128xf32>
    %swap3A_1591 = arith.constant 1 : index
    %swap3A_1592 = arith.constant 0 : index
    %swap3A_1593 = arith.constant 3712 : index
    %swap3A_1594 = vector.load %arg3[%swap3A_1591, %swap3A_1592, %swap3A_1593] : memref<4x32x8192xf32, #tpu.memory_space<vmem>>, vector<1x32x128xf32>
    %swap3A_1595 = vector.shape_cast %swap3A_1594 : vector<1x32x128xf32> to vector<32x128xf32>
    %swap3A_1596 = vector.shape_cast %select_n3A_1590 : vector<32x128xf32> to vector<1x32x128xf32>
    tpu.vector_store %arg3[%swap3A_1591, %swap3A_1592, %swap3A_1593], %swap3A_1596 {strides = array<i32>} : memref<4x32x8192xf32, #tpu.memory_space<vmem>>, vector<1x32x128xf32>,
    %get3A_1597 = arith.constant 1 : index
    %get3A_1598 = arith.constant 30 : index
    %get3A_1599 = arith.constant 0 : index
    %get3A_1600 = vector.load %arg2[%get3A_1597, %get3A_1598, %get3A_1599] : memref<4x64x128xi32, #tpu.memory_space<vmem>>, vector<1x1x128xi32>
    %get3A_1601 = vector.shape_cast %get3A_1600 : vector<1x1x128xi32> to vector<1x128xi32>
    %broadcast_in_dim3A_1602 = vector.shape_cast %get3A_1601 : vector<1x128xi32> to vector<1x128xi32>
    %broadcast_in_dim3A_1603 = vector.broadcast %broadcast_in_dim3A_1602 : vector<1x128xi32> to vector<32x128xi32>
    %eq3A_1604 = arith.cmpi eq, %broadcast_in_dim3A_1603, %iota3A : vector<32x128xi32>
    %broadcast_in_dim3A_1605 = vector.broadcast %get3A_2 : f32 to vector<32x128xf32>
    %broadcast_in_dim3A_1606 = vector.broadcast %get3A_0 : f32 to vector<32x128xf32>
    %select_n3A_1607 = arith.select %eq3A_1604, %broadcast_in_dim3A_1605, %broadcast_in_dim3A_1606 : vector<32x128xi1>, vector<32x128xf32>
    %swap3A_1608 = arith.constant 1 : index
    %swap3A_1609 = arith.constant 0 : index
    %swap3A_1610 = arith.constant 3840 : index
    %swap3A_1611 = vector.load %arg3[%swap3A_1608, %swap3A_1609, %swap3A_1610] : memref<4x32x8192xf32, #tpu.memory_space<vmem>>, vector<1x32x128xf32>
    %swap3A_1612 = vector.shape_cast %swap3A_1611 : vector<1x32x128xf32> to vector<32x128xf32>
    %swap3A_1613 = vector.shape_cast %select_n3A_1607 : vector<32x128xf32> to vector<1x32x128xf32>
    tpu.vector_store %arg3[%swap3A_1608, %swap3A_1609, %swap3A_1610], %swap3A_1613 {strides = array<i32>} : memref<4x32x8192xf32, #tpu.memory_space<vmem>>, vector<1x32x128xf32>,
    %get3A_1614 = arith.constant 1 : index
    %get3A_1615 = arith.constant 31 : index
    %get3A_1616 = arith.constant 0 : index
    %get3A_1617 = vector.load %arg2[%get3A_1614, %get3A_1615, %get3A_1616] : memref<4x64x128xi32, #tpu.memory_space<vmem>>, vector<1x1x128xi32>
    %get3A_1618 = vector.shape_cast %get3A_1617 : vector<1x1x128xi32> to vector<1x128xi32>
    %broadcast_in_dim3A_1619 = vector.shape_cast %get3A_1618 : vector<1x128xi32> to vector<1x128xi32>
    %broadcast_in_dim3A_1620 = vector.broadcast %broadcast_in_dim3A_1619 : vector<1x128xi32> to vector<32x128xi32>
    %eq3A_1621 = arith.cmpi eq, %broadcast_in_dim3A_1620, %iota3A : vector<32x128xi32>
    %broadcast_in_dim3A_1622 = vector.broadcast %get3A_2 : f32 to vector<32x128xf32>
    %broadcast_in_dim3A_1623 = vector.broadcast %get3A_0 : f32 to vector<32x128xf32>
    %select_n3A_1624 = arith.select %eq3A_1621, %broadcast_in_dim3A_1622, %broadcast_in_dim3A_1623 : vector<32x128xi1>, vector<32x128xf32>
    %swap3A_1625 = arith.constant 1 : index
    %swap3A_1626 = arith.constant 0 : index
    %swap3A_1627 = arith.constant 3968 : index
    %swap3A_1628 = vector.load %arg3[%swap3A_1625, %swap3A_1626, %swap3A_1627] : memref<4x32x8192xf32, #tpu.memory_space<vmem>>, vector<1x32x128xf32>
    %swap3A_1629 = vector.shape_cast %swap3A_1628 : vector<1x32x128xf32> to vector<32x128xf32>
    %swap3A_1630 = vector.shape_cast %select_n3A_1624 : vector<32x128xf32> to vector<1x32x128xf32>
    tpu.vector_store %arg3[%swap3A_1625, %swap3A_1626, %swap3A_1627], %swap3A_1630 {strides = array<i32>} : memref<4x32x8192xf32, #tpu.memory_space<vmem>>, vector<1x32x128xf32>,
    %get3A_1631 = arith.constant 1 : index
    %get3A_1632 = arith.constant 32 : index
    %get3A_1633 = arith.constant 0 : index
    %get3A_1634 = vector.load %arg2[%get3A_1631, %get3A_1632, %get3A_1633] : memref<4x64x128xi32, #tpu.memory_space<vmem>>, vector<1x1x128xi32>
    %get3A_1635 = vector.shape_cast %get3A_1634 : vector<1x1x128xi32> to vector<1x128xi32>
    %broadcast_in_dim3A_1636 = vector.shape_cast %get3A_1635 : vector<1x128xi32> to vector<1x128xi32>
    %broadcast_in_dim3A_1637 = vector.broadcast %broadcast_in_dim3A_1636 : vector<1x128xi32> to vector<32x128xi32>
    %eq3A_1638 = arith.cmpi eq, %broadcast_in_dim3A_1637, %iota3A : vector<32x128xi32>
    %broadcast_in_dim3A_1639 = vector.broadcast %get3A_2 : f32 to vector<32x128xf32>
    %broadcast_in_dim3A_1640 = vector.broadcast %get3A_0 : f32 to vector<32x128xf32>
    %select_n3A_1641 = arith.select %eq3A_1638, %broadcast_in_dim3A_1639, %broadcast_in_dim3A_1640 : vector<32x128xi1>, vector<32x128xf32>
    %swap3A_1642 = arith.constant 1 : index
    %swap3A_1643 = arith.constant 0 : index
    %swap3A_1644 = arith.constant 4096 : index
    %swap3A_1645 = vector.load %arg3[%swap3A_1642, %swap3A_1643, %swap3A_1644] : memref<4x32x8192xf32, #tpu.memory_space<vmem>>, vector<1x32x128xf32>
    %swap3A_1646 = vector.shape_cast %swap3A_1645 : vector<1x32x128xf32> to vector<32x128xf32>
    %swap3A_1647 = vector.shape_cast %select_n3A_1641 : vector<32x128xf32> to vector<1x32x128xf32>
    tpu.vector_store %arg3[%swap3A_1642, %swap3A_1643, %swap3A_1644], %swap3A_1647 {strides = array<i32>} : memref<4x32x8192xf32, #tpu.memory_space<vmem>>, vector<1x32x128xf32>,
    %get3A_1648 = arith.constant 1 : index
    %get3A_1649 = arith.constant 33 : index
    %get3A_1650 = arith.constant 0 : index
    %get3A_1651 = vector.load %arg2[%get3A_1648, %get3A_1649, %get3A_1650] : memref<4x64x128xi32, #tpu.memory_space<vmem>>, vector<1x1x128xi32>
    %get3A_1652 = vector.shape_cast %get3A_1651 : vector<1x1x128xi32> to vector<1x128xi32>
    %broadcast_in_dim3A_1653 = vector.shape_cast %get3A_1652 : vector<1x128xi32> to vector<1x128xi32>
    %broadcast_in_dim3A_1654 = vector.broadcast %broadcast_in_dim3A_1653 : vector<1x128xi32> to vector<32x128xi32>
    %eq3A_1655 = arith.cmpi eq, %broadcast_in_dim3A_1654, %iota3A : vector<32x128xi32>
    %broadcast_in_dim3A_1656 = vector.broadcast %get3A_2 : f32 to vector<32x128xf32>
    %broadcast_in_dim3A_1657 = vector.broadcast %get3A_0 : f32 to vector<32x128xf32>
    %select_n3A_1658 = arith.select %eq3A_1655, %broadcast_in_dim3A_1656, %broadcast_in_dim3A_1657 : vector<32x128xi1>, vector<32x128xf32>
    %swap3A_1659 = arith.constant 1 : index
    %swap3A_1660 = arith.constant 0 : index
    %swap3A_1661 = arith.constant 4224 : index
    %swap3A_1662 = vector.load %arg3[%swap3A_1659, %swap3A_1660, %swap3A_1661] : memref<4x32x8192xf32, #tpu.memory_space<vmem>>, vector<1x32x128xf32>
    %swap3A_1663 = vector.shape_cast %swap3A_1662 : vector<1x32x128xf32> to vector<32x128xf32>
    %swap3A_1664 = vector.shape_cast %select_n3A_1658 : vector<32x128xf32> to vector<1x32x128xf32>
    tpu.vector_store %arg3[%swap3A_1659, %swap3A_1660, %swap3A_1661], %swap3A_1664 {strides = array<i32>} : memref<4x32x8192xf32, #tpu.memory_space<vmem>>, vector<1x32x128xf32>,
    %get3A_1665 = arith.constant 1 : index
    %get3A_1666 = arith.constant 34 : index
    %get3A_1667 = arith.constant 0 : index
    %get3A_1668 = vector.load %arg2[%get3A_1665, %get3A_1666, %get3A_1667] : memref<4x64x128xi32, #tpu.memory_space<vmem>>, vector<1x1x128xi32>
    %get3A_1669 = vector.shape_cast %get3A_1668 : vector<1x1x128xi32> to vector<1x128xi32>
    %broadcast_in_dim3A_1670 = vector.shape_cast %get3A_1669 : vector<1x128xi32> to vector<1x128xi32>
    %broadcast_in_dim3A_1671 = vector.broadcast %broadcast_in_dim3A_1670 : vector<1x128xi32> to vector<32x128xi32>
    %eq3A_1672 = arith.cmpi eq, %broadcast_in_dim3A_1671, %iota3A : vector<32x128xi32>
    %broadcast_in_dim3A_1673 = vector.broadcast %get3A_2 : f32 to vector<32x128xf32>
    %broadcast_in_dim3A_1674 = vector.broadcast %get3A_0 : f32 to vector<32x128xf32>
    %select_n3A_1675 = arith.select %eq3A_1672, %broadcast_in_dim3A_1673, %broadcast_in_dim3A_1674 : vector<32x128xi1>, vector<32x128xf32>
    %swap3A_1676 = arith.constant 1 : index
    %swap3A_1677 = arith.constant 0 : index
    %swap3A_1678 = arith.constant 4352 : index
    %swap3A_1679 = vector.load %arg3[%swap3A_1676, %swap3A_1677, %swap3A_1678] : memref<4x32x8192xf32, #tpu.memory_space<vmem>>, vector<1x32x128xf32>
    %swap3A_1680 = vector.shape_cast %swap3A_1679 : vector<1x32x128xf32> to vector<32x128xf32>
    %swap3A_1681 = vector.shape_cast %select_n3A_1675 : vector<32x128xf32> to vector<1x32x128xf32>
    tpu.vector_store %arg3[%swap3A_1676, %swap3A_1677, %swap3A_1678], %swap3A_1681 {strides = array<i32>} : memref<4x32x8192xf32, #tpu.memory_space<vmem>>, vector<1x32x128xf32>,
    %get3A_1682 = arith.constant 1 : index
    %get3A_1683 = arith.constant 35 : index
    %get3A_1684 = arith.constant 0 : index
    %get3A_1685 = vector.load %arg2[%get3A_1682, %get3A_1683, %get3A_1684] : memref<4x64x128xi32, #tpu.memory_space<vmem>>, vector<1x1x128xi32>
    %get3A_1686 = vector.shape_cast %get3A_1685 : vector<1x1x128xi32> to vector<1x128xi32>
    %broadcast_in_dim3A_1687 = vector.shape_cast %get3A_1686 : vector<1x128xi32> to vector<1x128xi32>
    %broadcast_in_dim3A_1688 = vector.broadcast %broadcast_in_dim3A_1687 : vector<1x128xi32> to vector<32x128xi32>
    %eq3A_1689 = arith.cmpi eq, %broadcast_in_dim3A_1688, %iota3A : vector<32x128xi32>
    %broadcast_in_dim3A_1690 = vector.broadcast %get3A_2 : f32 to vector<32x128xf32>
    %broadcast_in_dim3A_1691 = vector.broadcast %get3A_0 : f32 to vector<32x128xf32>
    %select_n3A_1692 = arith.select %eq3A_1689, %broadcast_in_dim3A_1690, %broadcast_in_dim3A_1691 : vector<32x128xi1>, vector<32x128xf32>
    %swap3A_1693 = arith.constant 1 : index
    %swap3A_1694 = arith.constant 0 : index
    %swap3A_1695 = arith.constant 4480 : index
    %swap3A_1696 = vector.load %arg3[%swap3A_1693, %swap3A_1694, %swap3A_1695] : memref<4x32x8192xf32, #tpu.memory_space<vmem>>, vector<1x32x128xf32>
    %swap3A_1697 = vector.shape_cast %swap3A_1696 : vector<1x32x128xf32> to vector<32x128xf32>
    %swap3A_1698 = vector.shape_cast %select_n3A_1692 : vector<32x128xf32> to vector<1x32x128xf32>
    tpu.vector_store %arg3[%swap3A_1693, %swap3A_1694, %swap3A_1695], %swap3A_1698 {strides = array<i32>} : memref<4x32x8192xf32, #tpu.memory_space<vmem>>, vector<1x32x128xf32>,
    %get3A_1699 = arith.constant 1 : index
    %get3A_1700 = arith.constant 36 : index
    %get3A_1701 = arith.constant 0 : index
    %get3A_1702 = vector.load %arg2[%get3A_1699, %get3A_1700, %get3A_1701] : memref<4x64x128xi32, #tpu.memory_space<vmem>>, vector<1x1x128xi32>
    %get3A_1703 = vector.shape_cast %get3A_1702 : vector<1x1x128xi32> to vector<1x128xi32>
    %broadcast_in_dim3A_1704 = vector.shape_cast %get3A_1703 : vector<1x128xi32> to vector<1x128xi32>
    %broadcast_in_dim3A_1705 = vector.broadcast %broadcast_in_dim3A_1704 : vector<1x128xi32> to vector<32x128xi32>
    %eq3A_1706 = arith.cmpi eq, %broadcast_in_dim3A_1705, %iota3A : vector<32x128xi32>
    %broadcast_in_dim3A_1707 = vector.broadcast %get3A_2 : f32 to vector<32x128xf32>
    %broadcast_in_dim3A_1708 = vector.broadcast %get3A_0 : f32 to vector<32x128xf32>
    %select_n3A_1709 = arith.select %eq3A_1706, %broadcast_in_dim3A_1707, %broadcast_in_dim3A_1708 : vector<32x128xi1>, vector<32x128xf32>
    %swap3A_1710 = arith.constant 1 : index
    %swap3A_1711 = arith.constant 0 : index
    %swap3A_1712 = arith.constant 4608 : index
    %swap3A_1713 = vector.load %arg3[%swap3A_1710, %swap3A_1711, %swap3A_1712] : memref<4x32x8192xf32, #tpu.memory_space<vmem>>, vector<1x32x128xf32>
    %swap3A_1714 = vector.shape_cast %swap3A_1713 : vector<1x32x128xf32> to vector<32x128xf32>
    %swap3A_1715 = vector.shape_cast %select_n3A_1709 : vector<32x128xf32> to vector<1x32x128xf32>
    tpu.vector_store %arg3[%swap3A_1710, %swap3A_1711, %swap3A_1712], %swap3A_1715 {strides = array<i32>} : memref<4x32x8192xf32, #tpu.memory_space<vmem>>, vector<1x32x128xf32>,
    %get3A_1716 = arith.constant 1 : index
    %get3A_1717 = arith.constant 37 : index
    %get3A_1718 = arith.constant 0 : index
    %get3A_1719 = vector.load %arg2[%get3A_1716, %get3A_1717, %get3A_1718] : memref<4x64x128xi32, #tpu.memory_space<vmem>>, vector<1x1x128xi32>
    %get3A_1720 = vector.shape_cast %get3A_1719 : vector<1x1x128xi32> to vector<1x128xi32>
    %broadcast_in_dim3A_1721 = vector.shape_cast %get3A_1720 : vector<1x128xi32> to vector<1x128xi32>
    %broadcast_in_dim3A_1722 = vector.broadcast %broadcast_in_dim3A_1721 : vector<1x128xi32> to vector<32x128xi32>
    %eq3A_1723 = arith.cmpi eq, %broadcast_in_dim3A_1722, %iota3A : vector<32x128xi32>
    %broadcast_in_dim3A_1724 = vector.broadcast %get3A_2 : f32 to vector<32x128xf32>
    %broadcast_in_dim3A_1725 = vector.broadcast %get3A_0 : f32 to vector<32x128xf32>
    %select_n3A_1726 = arith.select %eq3A_1723, %broadcast_in_dim3A_1724, %broadcast_in_dim3A_1725 : vector<32x128xi1>, vector<32x128xf32>
    %swap3A_1727 = arith.constant 1 : index
    %swap3A_1728 = arith.constant 0 : index
    %swap3A_1729 = arith.constant 4736 : index
    %swap3A_1730 = vector.load %arg3[%swap3A_1727, %swap3A_1728, %swap3A_1729] : memref<4x32x8192xf32, #tpu.memory_space<vmem>>, vector<1x32x128xf32>
    %swap3A_1731 = vector.shape_cast %swap3A_1730 : vector<1x32x128xf32> to vector<32x128xf32>
    %swap3A_1732 = vector.shape_cast %select_n3A_1726 : vector<32x128xf32> to vector<1x32x128xf32>
    tpu.vector_store %arg3[%swap3A_1727, %swap3A_1728, %swap3A_1729], %swap3A_1732 {strides = array<i32>} : memref<4x32x8192xf32, #tpu.memory_space<vmem>>, vector<1x32x128xf32>,
    %get3A_1733 = arith.constant 1 : index
    %get3A_1734 = arith.constant 38 : index
    %get3A_1735 = arith.constant 0 : index
    %get3A_1736 = vector.load %arg2[%get3A_1733, %get3A_1734, %get3A_1735] : memref<4x64x128xi32, #tpu.memory_space<vmem>>, vector<1x1x128xi32>
    %get3A_1737 = vector.shape_cast %get3A_1736 : vector<1x1x128xi32> to vector<1x128xi32>
    %broadcast_in_dim3A_1738 = vector.shape_cast %get3A_1737 : vector<1x128xi32> to vector<1x128xi32>
    %broadcast_in_dim3A_1739 = vector.broadcast %broadcast_in_dim3A_1738 : vector<1x128xi32> to vector<32x128xi32>
    %eq3A_1740 = arith.cmpi eq, %broadcast_in_dim3A_1739, %iota3A : vector<32x128xi32>
    %broadcast_in_dim3A_1741 = vector.broadcast %get3A_2 : f32 to vector<32x128xf32>
    %broadcast_in_dim3A_1742 = vector.broadcast %get3A_0 : f32 to vector<32x128xf32>
    %select_n3A_1743 = arith.select %eq3A_1740, %broadcast_in_dim3A_1741, %broadcast_in_dim3A_1742 : vector<32x128xi1>, vector<32x128xf32>
    %swap3A_1744 = arith.constant 1 : index
    %swap3A_1745 = arith.constant 0 : index
    %swap3A_1746 = arith.constant 4864 : index
    %swap3A_1747 = vector.load %arg3[%swap3A_1744, %swap3A_1745, %swap3A_1746] : memref<4x32x8192xf32, #tpu.memory_space<vmem>>, vector<1x32x128xf32>
    %swap3A_1748 = vector.shape_cast %swap3A_1747 : vector<1x32x128xf32> to vector<32x128xf32>
    %swap3A_1749 = vector.shape_cast %select_n3A_1743 : vector<32x128xf32> to vector<1x32x128xf32>
    tpu.vector_store %arg3[%swap3A_1744, %swap3A_1745, %swap3A_1746], %swap3A_1749 {strides = array<i32>} : memref<4x32x8192xf32, #tpu.memory_space<vmem>>, vector<1x32x128xf32>,
    %get3A_1750 = arith.constant 1 : index
    %get3A_1751 = arith.constant 39 : index
    %get3A_1752 = arith.constant 0 : index
    %get3A_1753 = vector.load %arg2[%get3A_1750, %get3A_1751, %get3A_1752] : memref<4x64x128xi32, #tpu.memory_space<vmem>>, vector<1x1x128xi32>
    %get3A_1754 = vector.shape_cast %get3A_1753 : vector<1x1x128xi32> to vector<1x128xi32>
    %broadcast_in_dim3A_1755 = vector.shape_cast %get3A_1754 : vector<1x128xi32> to vector<1x128xi32>
    %broadcast_in_dim3A_1756 = vector.broadcast %broadcast_in_dim3A_1755 : vector<1x128xi32> to vector<32x128xi32>
    %eq3A_1757 = arith.cmpi eq, %broadcast_in_dim3A_1756, %iota3A : vector<32x128xi32>
    %broadcast_in_dim3A_1758 = vector.broadcast %get3A_2 : f32 to vector<32x128xf32>
    %broadcast_in_dim3A_1759 = vector.broadcast %get3A_0 : f32 to vector<32x128xf32>
    %select_n3A_1760 = arith.select %eq3A_1757, %broadcast_in_dim3A_1758, %broadcast_in_dim3A_1759 : vector<32x128xi1>, vector<32x128xf32>
    %swap3A_1761 = arith.constant 1 : index
    %swap3A_1762 = arith.constant 0 : index
    %swap3A_1763 = arith.constant 4992 : index
    %swap3A_1764 = vector.load %arg3[%swap3A_1761, %swap3A_1762, %swap3A_1763] : memref<4x32x8192xf32, #tpu.memory_space<vmem>>, vector<1x32x128xf32>
    %swap3A_1765 = vector.shape_cast %swap3A_1764 : vector<1x32x128xf32> to vector<32x128xf32>
    %swap3A_1766 = vector.shape_cast %select_n3A_1760 : vector<32x128xf32> to vector<1x32x128xf32>
    tpu.vector_store %arg3[%swap3A_1761, %swap3A_1762, %swap3A_1763], %swap3A_1766 {strides = array<i32>} : memref<4x32x8192xf32, #tpu.memory_space<vmem>>, vector<1x32x128xf32>,
    %get3A_1767 = arith.constant 1 : index
    %get3A_1768 = arith.constant 40 : index
    %get3A_1769 = arith.constant 0 : index
    %get3A_1770 = vector.load %arg2[%get3A_1767, %get3A_1768, %get3A_1769] : memref<4x64x128xi32, #tpu.memory_space<vmem>>, vector<1x1x128xi32>
    %get3A_1771 = vector.shape_cast %get3A_1770 : vector<1x1x128xi32> to vector<1x128xi32>
    %broadcast_in_dim3A_1772 = vector.shape_cast %get3A_1771 : vector<1x128xi32> to vector<1x128xi32>
    %broadcast_in_dim3A_1773 = vector.broadcast %broadcast_in_dim3A_1772 : vector<1x128xi32> to vector<32x128xi32>
    %eq3A_1774 = arith.cmpi eq, %broadcast_in_dim3A_1773, %iota3A : vector<32x128xi32>
    %broadcast_in_dim3A_1775 = vector.broadcast %get3A_2 : f32 to vector<32x128xf32>
    %broadcast_in_dim3A_1776 = vector.broadcast %get3A_0 : f32 to vector<32x128xf32>
    %select_n3A_1777 = arith.select %eq3A_1774, %broadcast_in_dim3A_1775, %broadcast_in_dim3A_1776 : vector<32x128xi1>, vector<32x128xf32>
    %swap3A_1778 = arith.constant 1 : index
    %swap3A_1779 = arith.constant 0 : index
    %swap3A_1780 = arith.constant 5120 : index
    %swap3A_1781 = vector.load %arg3[%swap3A_1778, %swap3A_1779, %swap3A_1780] : memref<4x32x8192xf32, #tpu.memory_space<vmem>>, vector<1x32x128xf32>
    %swap3A_1782 = vector.shape_cast %swap3A_1781 : vector<1x32x128xf32> to vector<32x128xf32>
    %swap3A_1783 = vector.shape_cast %select_n3A_1777 : vector<32x128xf32> to vector<1x32x128xf32>
    tpu.vector_store %arg3[%swap3A_1778, %swap3A_1779, %swap3A_1780], %swap3A_1783 {strides = array<i32>} : memref<4x32x8192xf32, #tpu.memory_space<vmem>>, vector<1x32x128xf32>,
    %get3A_1784 = arith.constant 1 : index
    %get3A_1785 = arith.constant 41 : index
    %get3A_1786 = arith.constant 0 : index
    %get3A_1787 = vector.load %arg2[%get3A_1784, %get3A_1785, %get3A_1786] : memref<4x64x128xi32, #tpu.memory_space<vmem>>, vector<1x1x128xi32>
    %get3A_1788 = vector.shape_cast %get3A_1787 : vector<1x1x128xi32> to vector<1x128xi32>
    %broadcast_in_dim3A_1789 = vector.shape_cast %get3A_1788 : vector<1x128xi32> to vector<1x128xi32>
    %broadcast_in_dim3A_1790 = vector.broadcast %broadcast_in_dim3A_1789 : vector<1x128xi32> to vector<32x128xi32>
    %eq3A_1791 = arith.cmpi eq, %broadcast_in_dim3A_1790, %iota3A : vector<32x128xi32>
    %broadcast_in_dim3A_1792 = vector.broadcast %get3A_2 : f32 to vector<32x128xf32>
    %broadcast_in_dim3A_1793 = vector.broadcast %get3A_0 : f32 to vector<32x128xf32>
    %select_n3A_1794 = arith.select %eq3A_1791, %broadcast_in_dim3A_1792, %broadcast_in_dim3A_1793 : vector<32x128xi1>, vector<32x128xf32>
    %swap3A_1795 = arith.constant 1 : index
    %swap3A_1796 = arith.constant 0 : index
    %swap3A_1797 = arith.constant 5248 : index
    %swap3A_1798 = vector.load %arg3[%swap3A_1795, %swap3A_1796, %swap3A_1797] : memref<4x32x8192xf32, #tpu.memory_space<vmem>>, vector<1x32x128xf32>
    %swap3A_1799 = vector.shape_cast %swap3A_1798 : vector<1x32x128xf32> to vector<32x128xf32>
    %swap3A_1800 = vector.shape_cast %select_n3A_1794 : vector<32x128xf32> to vector<1x32x128xf32>
    tpu.vector_store %arg3[%swap3A_1795, %swap3A_1796, %swap3A_1797], %swap3A_1800 {strides = array<i32>} : memref<4x32x8192xf32, #tpu.memory_space<vmem>>, vector<1x32x128xf32>,
    %get3A_1801 = arith.constant 1 : index
    %get3A_1802 = arith.constant 42 : index
    %get3A_1803 = arith.constant 0 : index
    %get3A_1804 = vector.load %arg2[%get3A_1801, %get3A_1802, %get3A_1803] : memref<4x64x128xi32, #tpu.memory_space<vmem>>, vector<1x1x128xi32>
    %get3A_1805 = vector.shape_cast %get3A_1804 : vector<1x1x128xi32> to vector<1x128xi32>
    %broadcast_in_dim3A_1806 = vector.shape_cast %get3A_1805 : vector<1x128xi32> to vector<1x128xi32>
    %broadcast_in_dim3A_1807 = vector.broadcast %broadcast_in_dim3A_1806 : vector<1x128xi32> to vector<32x128xi32>
    %eq3A_1808 = arith.cmpi eq, %broadcast_in_dim3A_1807, %iota3A : vector<32x128xi32>
    %broadcast_in_dim3A_1809 = vector.broadcast %get3A_2 : f32 to vector<32x128xf32>
    %broadcast_in_dim3A_1810 = vector.broadcast %get3A_0 : f32 to vector<32x128xf32>
    %select_n3A_1811 = arith.select %eq3A_1808, %broadcast_in_dim3A_1809, %broadcast_in_dim3A_1810 : vector<32x128xi1>, vector<32x128xf32>
    %swap3A_1812 = arith.constant 1 : index
    %swap3A_1813 = arith.constant 0 : index
    %swap3A_1814 = arith.constant 5376 : index
    %swap3A_1815 = vector.load %arg3[%swap3A_1812, %swap3A_1813, %swap3A_1814] : memref<4x32x8192xf32, #tpu.memory_space<vmem>>, vector<1x32x128xf32>
    %swap3A_1816 = vector.shape_cast %swap3A_1815 : vector<1x32x128xf32> to vector<32x128xf32>
    %swap3A_1817 = vector.shape_cast %select_n3A_1811 : vector<32x128xf32> to vector<1x32x128xf32>
    tpu.vector_store %arg3[%swap3A_1812, %swap3A_1813, %swap3A_1814], %swap3A_1817 {strides = array<i32>} : memref<4x32x8192xf32, #tpu.memory_space<vmem>>, vector<1x32x128xf32>,
    %get3A_1818 = arith.constant 1 : index
    %get3A_1819 = arith.constant 43 : index
    %get3A_1820 = arith.constant 0 : index
    %get3A_1821 = vector.load %arg2[%get3A_1818, %get3A_1819, %get3A_1820] : memref<4x64x128xi32, #tpu.memory_space<vmem>>, vector<1x1x128xi32>
    %get3A_1822 = vector.shape_cast %get3A_1821 : vector<1x1x128xi32> to vector<1x128xi32>
    %broadcast_in_dim3A_1823 = vector.shape_cast %get3A_1822 : vector<1x128xi32> to vector<1x128xi32>
    %broadcast_in_dim3A_1824 = vector.broadcast %broadcast_in_dim3A_1823 : vector<1x128xi32> to vector<32x128xi32>
    %eq3A_1825 = arith.cmpi eq, %broadcast_in_dim3A_1824, %iota3A : vector<32x128xi32>
    %broadcast_in_dim3A_1826 = vector.broadcast %get3A_2 : f32 to vector<32x128xf32>
    %broadcast_in_dim3A_1827 = vector.broadcast %get3A_0 : f32 to vector<32x128xf32>
    %select_n3A_1828 = arith.select %eq3A_1825, %broadcast_in_dim3A_1826, %broadcast_in_dim3A_1827 : vector<32x128xi1>, vector<32x128xf32>
    %swap3A_1829 = arith.constant 1 : index
    %swap3A_1830 = arith.constant 0 : index
    %swap3A_1831 = arith.constant 5504 : index
    %swap3A_1832 = vector.load %arg3[%swap3A_1829, %swap3A_1830, %swap3A_1831] : memref<4x32x8192xf32, #tpu.memory_space<vmem>>, vector<1x32x128xf32>
    %swap3A_1833 = vector.shape_cast %swap3A_1832 : vector<1x32x128xf32> to vector<32x128xf32>
    %swap3A_1834 = vector.shape_cast %select_n3A_1828 : vector<32x128xf32> to vector<1x32x128xf32>
    tpu.vector_store %arg3[%swap3A_1829, %swap3A_1830, %swap3A_1831], %swap3A_1834 {strides = array<i32>} : memref<4x32x8192xf32, #tpu.memory_space<vmem>>, vector<1x32x128xf32>,
    %get3A_1835 = arith.constant 1 : index
    %get3A_1836 = arith.constant 44 : index
    %get3A_1837 = arith.constant 0 : index
    %get3A_1838 = vector.load %arg2[%get3A_1835, %get3A_1836, %get3A_1837] : memref<4x64x128xi32, #tpu.memory_space<vmem>>, vector<1x1x128xi32>
    %get3A_1839 = vector.shape_cast %get3A_1838 : vector<1x1x128xi32> to vector<1x128xi32>
    %broadcast_in_dim3A_1840 = vector.shape_cast %get3A_1839 : vector<1x128xi32> to vector<1x128xi32>
    %broadcast_in_dim3A_1841 = vector.broadcast %broadcast_in_dim3A_1840 : vector<1x128xi32> to vector<32x128xi32>
    %eq3A_1842 = arith.cmpi eq, %broadcast_in_dim3A_1841, %iota3A : vector<32x128xi32>
    %broadcast_in_dim3A_1843 = vector.broadcast %get3A_2 : f32 to vector<32x128xf32>
    %broadcast_in_dim3A_1844 = vector.broadcast %get3A_0 : f32 to vector<32x128xf32>
    %select_n3A_1845 = arith.select %eq3A_1842, %broadcast_in_dim3A_1843, %broadcast_in_dim3A_1844 : vector<32x128xi1>, vector<32x128xf32>
    %swap3A_1846 = arith.constant 1 : index
    %swap3A_1847 = arith.constant 0 : index
    %swap3A_1848 = arith.constant 5632 : index
    %swap3A_1849 = vector.load %arg3[%swap3A_1846, %swap3A_1847, %swap3A_1848] : memref<4x32x8192xf32, #tpu.memory_space<vmem>>, vector<1x32x128xf32>
    %swap3A_1850 = vector.shape_cast %swap3A_1849 : vector<1x32x128xf32> to vector<32x128xf32>
    %swap3A_1851 = vector.shape_cast %select_n3A_1845 : vector<32x128xf32> to vector<1x32x128xf32>
    tpu.vector_store %arg3[%swap3A_1846, %swap3A_1847, %swap3A_1848], %swap3A_1851 {strides = array<i32>} : memref<4x32x8192xf32, #tpu.memory_space<vmem>>, vector<1x32x128xf32>,
    %get3A_1852 = arith.constant 1 : index
    %get3A_1853 = arith.constant 45 : index
    %get3A_1854 = arith.constant 0 : index
    %get3A_1855 = vector.load %arg2[%get3A_1852, %get3A_1853, %get3A_1854] : memref<4x64x128xi32, #tpu.memory_space<vmem>>, vector<1x1x128xi32>
    %get3A_1856 = vector.shape_cast %get3A_1855 : vector<1x1x128xi32> to vector<1x128xi32>
    %broadcast_in_dim3A_1857 = vector.shape_cast %get3A_1856 : vector<1x128xi32> to vector<1x128xi32>
    %broadcast_in_dim3A_1858 = vector.broadcast %broadcast_in_dim3A_1857 : vector<1x128xi32> to vector<32x128xi32>
    %eq3A_1859 = arith.cmpi eq, %broadcast_in_dim3A_1858, %iota3A : vector<32x128xi32>
    %broadcast_in_dim3A_1860 = vector.broadcast %get3A_2 : f32 to vector<32x128xf32>
    %broadcast_in_dim3A_1861 = vector.broadcast %get3A_0 : f32 to vector<32x128xf32>
    %select_n3A_1862 = arith.select %eq3A_1859, %broadcast_in_dim3A_1860, %broadcast_in_dim3A_1861 : vector<32x128xi1>, vector<32x128xf32>
    %swap3A_1863 = arith.constant 1 : index
    %swap3A_1864 = arith.constant 0 : index
    %swap3A_1865 = arith.constant 5760 : index
    %swap3A_1866 = vector.load %arg3[%swap3A_1863, %swap3A_1864, %swap3A_1865] : memref<4x32x8192xf32, #tpu.memory_space<vmem>>, vector<1x32x128xf32>
    %swap3A_1867 = vector.shape_cast %swap3A_1866 : vector<1x32x128xf32> to vector<32x128xf32>
    %swap3A_1868 = vector.shape_cast %select_n3A_1862 : vector<32x128xf32> to vector<1x32x128xf32>
    tpu.vector_store %arg3[%swap3A_1863, %swap3A_1864, %swap3A_1865], %swap3A_1868 {strides = array<i32>} : memref<4x32x8192xf32, #tpu.memory_space<vmem>>, vector<1x32x128xf32>,
    %get3A_1869 = arith.constant 1 : index
    %get3A_1870 = arith.constant 46 : index
    %get3A_1871 = arith.constant 0 : index
    %get3A_1872 = vector.load %arg2[%get3A_1869, %get3A_1870, %get3A_1871] : memref<4x64x128xi32, #tpu.memory_space<vmem>>, vector<1x1x128xi32>
    %get3A_1873 = vector.shape_cast %get3A_1872 : vector<1x1x128xi32> to vector<1x128xi32>
    %broadcast_in_dim3A_1874 = vector.shape_cast %get3A_1873 : vector<1x128xi32> to vector<1x128xi32>
    %broadcast_in_dim3A_1875 = vector.broadcast %broadcast_in_dim3A_1874 : vector<1x128xi32> to vector<32x128xi32>
    %eq3A_1876 = arith.cmpi eq, %broadcast_in_dim3A_1875, %iota3A : vector<32x128xi32>
    %broadcast_in_dim3A_1877 = vector.broadcast %get3A_2 : f32 to vector<32x128xf32>
    %broadcast_in_dim3A_1878 = vector.broadcast %get3A_0 : f32 to vector<32x128xf32>
    %select_n3A_1879 = arith.select %eq3A_1876, %broadcast_in_dim3A_1877, %broadcast_in_dim3A_1878 : vector<32x128xi1>, vector<32x128xf32>
    %swap3A_1880 = arith.constant 1 : index
    %swap3A_1881 = arith.constant 0 : index
    %swap3A_1882 = arith.constant 5888 : index
    %swap3A_1883 = vector.load %arg3[%swap3A_1880, %swap3A_1881, %swap3A_1882] : memref<4x32x8192xf32, #tpu.memory_space<vmem>>, vector<1x32x128xf32>
    %swap3A_1884 = vector.shape_cast %swap3A_1883 : vector<1x32x128xf32> to vector<32x128xf32>
    %swap3A_1885 = vector.shape_cast %select_n3A_1879 : vector<32x128xf32> to vector<1x32x128xf32>
    tpu.vector_store %arg3[%swap3A_1880, %swap3A_1881, %swap3A_1882], %swap3A_1885 {strides = array<i32>} : memref<4x32x8192xf32, #tpu.memory_space<vmem>>, vector<1x32x128xf32>,
    %get3A_1886 = arith.constant 1 : index
    %get3A_1887 = arith.constant 47 : index
    %get3A_1888 = arith.constant 0 : index
    %get3A_1889 = vector.load %arg2[%get3A_1886, %get3A_1887, %get3A_1888] : memref<4x64x128xi32, #tpu.memory_space<vmem>>, vector<1x1x128xi32>
    %get3A_1890 = vector.shape_cast %get3A_1889 : vector<1x1x128xi32> to vector<1x128xi32>
    %broadcast_in_dim3A_1891 = vector.shape_cast %get3A_1890 : vector<1x128xi32> to vector<1x128xi32>
    %broadcast_in_dim3A_1892 = vector.broadcast %broadcast_in_dim3A_1891 : vector<1x128xi32> to vector<32x128xi32>
    %eq3A_1893 = arith.cmpi eq, %broadcast_in_dim3A_1892, %iota3A : vector<32x128xi32>
    %broadcast_in_dim3A_1894 = vector.broadcast %get3A_2 : f32 to vector<32x128xf32>
    %broadcast_in_dim3A_1895 = vector.broadcast %get3A_0 : f32 to vector<32x128xf32>
    %select_n3A_1896 = arith.select %eq3A_1893, %broadcast_in_dim3A_1894, %broadcast_in_dim3A_1895 : vector<32x128xi1>, vector<32x128xf32>
    %swap3A_1897 = arith.constant 1 : index
    %swap3A_1898 = arith.constant 0 : index
    %swap3A_1899 = arith.constant 6016 : index
    %swap3A_1900 = vector.load %arg3[%swap3A_1897, %swap3A_1898, %swap3A_1899] : memref<4x32x8192xf32, #tpu.memory_space<vmem>>, vector<1x32x128xf32>
    %swap3A_1901 = vector.shape_cast %swap3A_1900 : vector<1x32x128xf32> to vector<32x128xf32>
    %swap3A_1902 = vector.shape_cast %select_n3A_1896 : vector<32x128xf32> to vector<1x32x128xf32>
    tpu.vector_store %arg3[%swap3A_1897, %swap3A_1898, %swap3A_1899], %swap3A_1902 {strides = array<i32>} : memref<4x32x8192xf32, #tpu.memory_space<vmem>>, vector<1x32x128xf32>,
    %get3A_1903 = arith.constant 1 : index
    %get3A_1904 = arith.constant 48 : index
    %get3A_1905 = arith.constant 0 : index
    %get3A_1906 = vector.load %arg2[%get3A_1903, %get3A_1904, %get3A_1905] : memref<4x64x128xi32, #tpu.memory_space<vmem>>, vector<1x1x128xi32>
    %get3A_1907 = vector.shape_cast %get3A_1906 : vector<1x1x128xi32> to vector<1x128xi32>
    %broadcast_in_dim3A_1908 = vector.shape_cast %get3A_1907 : vector<1x128xi32> to vector<1x128xi32>
    %broadcast_in_dim3A_1909 = vector.broadcast %broadcast_in_dim3A_1908 : vector<1x128xi32> to vector<32x128xi32>
    %eq3A_1910 = arith.cmpi eq, %broadcast_in_dim3A_1909, %iota3A : vector<32x128xi32>
    %broadcast_in_dim3A_1911 = vector.broadcast %get3A_2 : f32 to vector<32x128xf32>
    %broadcast_in_dim3A_1912 = vector.broadcast %get3A_0 : f32 to vector<32x128xf32>
    %select_n3A_1913 = arith.select %eq3A_1910, %broadcast_in_dim3A_1911, %broadcast_in_dim3A_1912 : vector<32x128xi1>, vector<32x128xf32>
    %swap3A_1914 = arith.constant 1 : index
    %swap3A_1915 = arith.constant 0 : index
    %swap3A_1916 = arith.constant 6144 : index
    %swap3A_1917 = vector.load %arg3[%swap3A_1914, %swap3A_1915, %swap3A_1916] : memref<4x32x8192xf32, #tpu.memory_space<vmem>>, vector<1x32x128xf32>
    %swap3A_1918 = vector.shape_cast %swap3A_1917 : vector<1x32x128xf32> to vector<32x128xf32>
    %swap3A_1919 = vector.shape_cast %select_n3A_1913 : vector<32x128xf32> to vector<1x32x128xf32>
    tpu.vector_store %arg3[%swap3A_1914, %swap3A_1915, %swap3A_1916], %swap3A_1919 {strides = array<i32>} : memref<4x32x8192xf32, #tpu.memory_space<vmem>>, vector<1x32x128xf32>,
    %get3A_1920 = arith.constant 1 : index
    %get3A_1921 = arith.constant 49 : index
    %get3A_1922 = arith.constant 0 : index
    %get3A_1923 = vector.load %arg2[%get3A_1920, %get3A_1921, %get3A_1922] : memref<4x64x128xi32, #tpu.memory_space<vmem>>, vector<1x1x128xi32>
    %get3A_1924 = vector.shape_cast %get3A_1923 : vector<1x1x128xi32> to vector<1x128xi32>
    %broadcast_in_dim3A_1925 = vector.shape_cast %get3A_1924 : vector<1x128xi32> to vector<1x128xi32>
    %broadcast_in_dim3A_1926 = vector.broadcast %broadcast_in_dim3A_1925 : vector<1x128xi32> to vector<32x128xi32>
    %eq3A_1927 = arith.cmpi eq, %broadcast_in_dim3A_1926, %iota3A : vector<32x128xi32>
    %broadcast_in_dim3A_1928 = vector.broadcast %get3A_2 : f32 to vector<32x128xf32>
    %broadcast_in_dim3A_1929 = vector.broadcast %get3A_0 : f32 to vector<32x128xf32>
    %select_n3A_1930 = arith.select %eq3A_1927, %broadcast_in_dim3A_1928, %broadcast_in_dim3A_1929 : vector<32x128xi1>, vector<32x128xf32>
    %swap3A_1931 = arith.constant 1 : index
    %swap3A_1932 = arith.constant 0 : index
    %swap3A_1933 = arith.constant 6272 : index
    %swap3A_1934 = vector.load %arg3[%swap3A_1931, %swap3A_1932, %swap3A_1933] : memref<4x32x8192xf32, #tpu.memory_space<vmem>>, vector<1x32x128xf32>
    %swap3A_1935 = vector.shape_cast %swap3A_1934 : vector<1x32x128xf32> to vector<32x128xf32>
    %swap3A_1936 = vector.shape_cast %select_n3A_1930 : vector<32x128xf32> to vector<1x32x128xf32>
    tpu.vector_store %arg3[%swap3A_1931, %swap3A_1932, %swap3A_1933], %swap3A_1936 {strides = array<i32>} : memref<4x32x8192xf32, #tpu.memory_space<vmem>>, vector<1x32x128xf32>,
    %get3A_1937 = arith.constant 1 : index
    %get3A_1938 = arith.constant 50 : index
    %get3A_1939 = arith.constant 0 : index
    %get3A_1940 = vector.load %arg2[%get3A_1937, %get3A_1938, %get3A_1939] : memref<4x64x128xi32, #tpu.memory_space<vmem>>, vector<1x1x128xi32>
    %get3A_1941 = vector.shape_cast %get3A_1940 : vector<1x1x128xi32> to vector<1x128xi32>
    %broadcast_in_dim3A_1942 = vector.shape_cast %get3A_1941 : vector<1x128xi32> to vector<1x128xi32>
    %broadcast_in_dim3A_1943 = vector.broadcast %broadcast_in_dim3A_1942 : vector<1x128xi32> to vector<32x128xi32>
    %eq3A_1944 = arith.cmpi eq, %broadcast_in_dim3A_1943, %iota3A : vector<32x128xi32>
    %broadcast_in_dim3A_1945 = vector.broadcast %get3A_2 : f32 to vector<32x128xf32>
    %broadcast_in_dim3A_1946 = vector.broadcast %get3A_0 : f32 to vector<32x128xf32>
    %select_n3A_1947 = arith.select %eq3A_1944, %broadcast_in_dim3A_1945, %broadcast_in_dim3A_1946 : vector<32x128xi1>, vector<32x128xf32>
    %swap3A_1948 = arith.constant 1 : index
    %swap3A_1949 = arith.constant 0 : index
    %swap3A_1950 = arith.constant 6400 : index
    %swap3A_1951 = vector.load %arg3[%swap3A_1948, %swap3A_1949, %swap3A_1950] : memref<4x32x8192xf32, #tpu.memory_space<vmem>>, vector<1x32x128xf32>
    %swap3A_1952 = vector.shape_cast %swap3A_1951 : vector<1x32x128xf32> to vector<32x128xf32>
    %swap3A_1953 = vector.shape_cast %select_n3A_1947 : vector<32x128xf32> to vector<1x32x128xf32>
    tpu.vector_store %arg3[%swap3A_1948, %swap3A_1949, %swap3A_1950], %swap3A_1953 {strides = array<i32>} : memref<4x32x8192xf32, #tpu.memory_space<vmem>>, vector<1x32x128xf32>,
    %get3A_1954 = arith.constant 1 : index
    %get3A_1955 = arith.constant 51 : index
    %get3A_1956 = arith.constant 0 : index
    %get3A_1957 = vector.load %arg2[%get3A_1954, %get3A_1955, %get3A_1956] : memref<4x64x128xi32, #tpu.memory_space<vmem>>, vector<1x1x128xi32>
    %get3A_1958 = vector.shape_cast %get3A_1957 : vector<1x1x128xi32> to vector<1x128xi32>
    %broadcast_in_dim3A_1959 = vector.shape_cast %get3A_1958 : vector<1x128xi32> to vector<1x128xi32>
    %broadcast_in_dim3A_1960 = vector.broadcast %broadcast_in_dim3A_1959 : vector<1x128xi32> to vector<32x128xi32>
    %eq3A_1961 = arith.cmpi eq, %broadcast_in_dim3A_1960, %iota3A : vector<32x128xi32>
    %broadcast_in_dim3A_1962 = vector.broadcast %get3A_2 : f32 to vector<32x128xf32>
    %broadcast_in_dim3A_1963 = vector.broadcast %get3A_0 : f32 to vector<32x128xf32>
    %select_n3A_1964 = arith.select %eq3A_1961, %broadcast_in_dim3A_1962, %broadcast_in_dim3A_1963 : vector<32x128xi1>, vector<32x128xf32>
    %swap3A_1965 = arith.constant 1 : index
    %swap3A_1966 = arith.constant 0 : index
    %swap3A_1967 = arith.constant 6528 : index
    %swap3A_1968 = vector.load %arg3[%swap3A_1965, %swap3A_1966, %swap3A_1967] : memref<4x32x8192xf32, #tpu.memory_space<vmem>>, vector<1x32x128xf32>
    %swap3A_1969 = vector.shape_cast %swap3A_1968 : vector<1x32x128xf32> to vector<32x128xf32>
    %swap3A_1970 = vector.shape_cast %select_n3A_1964 : vector<32x128xf32> to vector<1x32x128xf32>
    tpu.vector_store %arg3[%swap3A_1965, %swap3A_1966, %swap3A_1967], %swap3A_1970 {strides = array<i32>} : memref<4x32x8192xf32, #tpu.memory_space<vmem>>, vector<1x32x128xf32>,
    %get3A_1971 = arith.constant 1 : index
    %get3A_1972 = arith.constant 52 : index
    %get3A_1973 = arith.constant 0 : index
    %get3A_1974 = vector.load %arg2[%get3A_1971, %get3A_1972, %get3A_1973] : memref<4x64x128xi32, #tpu.memory_space<vmem>>, vector<1x1x128xi32>
    %get3A_1975 = vector.shape_cast %get3A_1974 : vector<1x1x128xi32> to vector<1x128xi32>
    %broadcast_in_dim3A_1976 = vector.shape_cast %get3A_1975 : vector<1x128xi32> to vector<1x128xi32>
    %broadcast_in_dim3A_1977 = vector.broadcast %broadcast_in_dim3A_1976 : vector<1x128xi32> to vector<32x128xi32>
    %eq3A_1978 = arith.cmpi eq, %broadcast_in_dim3A_1977, %iota3A : vector<32x128xi32>
    %broadcast_in_dim3A_1979 = vector.broadcast %get3A_2 : f32 to vector<32x128xf32>
    %broadcast_in_dim3A_1980 = vector.broadcast %get3A_0 : f32 to vector<32x128xf32>
    %select_n3A_1981 = arith.select %eq3A_1978, %broadcast_in_dim3A_1979, %broadcast_in_dim3A_1980 : vector<32x128xi1>, vector<32x128xf32>
    %swap3A_1982 = arith.constant 1 : index
    %swap3A_1983 = arith.constant 0 : index
    %swap3A_1984 = arith.constant 6656 : index
    %swap3A_1985 = vector.load %arg3[%swap3A_1982, %swap3A_1983, %swap3A_1984] : memref<4x32x8192xf32, #tpu.memory_space<vmem>>, vector<1x32x128xf32>
    %swap3A_1986 = vector.shape_cast %swap3A_1985 : vector<1x32x128xf32> to vector<32x128xf32>
    %swap3A_1987 = vector.shape_cast %select_n3A_1981 : vector<32x128xf32> to vector<1x32x128xf32>
    tpu.vector_store %arg3[%swap3A_1982, %swap3A_1983, %swap3A_1984], %swap3A_1987 {strides = array<i32>} : memref<4x32x8192xf32, #tpu.memory_space<vmem>>, vector<1x32x128xf32>,
    %get3A_1988 = arith.constant 1 : index
    %get3A_1989 = arith.constant 53 : index
    %get3A_1990 = arith.constant 0 : index
    %get3A_1991 = vector.load %arg2[%get3A_1988, %get3A_1989, %get3A_1990] : memref<4x64x128xi32, #tpu.memory_space<vmem>>, vector<1x1x128xi32>
    %get3A_1992 = vector.shape_cast %get3A_1991 : vector<1x1x128xi32> to vector<1x128xi32>
    %broadcast_in_dim3A_1993 = vector.shape_cast %get3A_1992 : vector<1x128xi32> to vector<1x128xi32>
    %broadcast_in_dim3A_1994 = vector.broadcast %broadcast_in_dim3A_1993 : vector<1x128xi32> to vector<32x128xi32>
    %eq3A_1995 = arith.cmpi eq, %broadcast_in_dim3A_1994, %iota3A : vector<32x128xi32>
    %broadcast_in_dim3A_1996 = vector.broadcast %get3A_2 : f32 to vector<32x128xf32>
    %broadcast_in_dim3A_1997 = vector.broadcast %get3A_0 : f32 to vector<32x128xf32>
    %select_n3A_1998 = arith.select %eq3A_1995, %broadcast_in_dim3A_1996, %broadcast_in_dim3A_1997 : vector<32x128xi1>, vector<32x128xf32>
    %swap3A_1999 = arith.constant 1 : index
    %swap3A_2000 = arith.constant 0 : index
    %swap3A_2001 = arith.constant 6784 : index
    %swap3A_2002 = vector.load %arg3[%swap3A_1999, %swap3A_2000, %swap3A_2001] : memref<4x32x8192xf32, #tpu.memory_space<vmem>>, vector<1x32x128xf32>
    %swap3A_2003 = vector.shape_cast %swap3A_2002 : vector<1x32x128xf32> to vector<32x128xf32>
    %swap3A_2004 = vector.shape_cast %select_n3A_1998 : vector<32x128xf32> to vector<1x32x128xf32>
    tpu.vector_store %arg3[%swap3A_1999, %swap3A_2000, %swap3A_2001], %swap3A_2004 {strides = array<i32>} : memref<4x32x8192xf32, #tpu.memory_space<vmem>>, vector<1x32x128xf32>,
    %get3A_2005 = arith.constant 1 : index
    %get3A_2006 = arith.constant 54 : index
    %get3A_2007 = arith.constant 0 : index
    %get3A_2008 = vector.load %arg2[%get3A_2005, %get3A_2006, %get3A_2007] : memref<4x64x128xi32, #tpu.memory_space<vmem>>, vector<1x1x128xi32>
    %get3A_2009 = vector.shape_cast %get3A_2008 : vector<1x1x128xi32> to vector<1x128xi32>
    %broadcast_in_dim3A_2010 = vector.shape_cast %get3A_2009 : vector<1x128xi32> to vector<1x128xi32>
    %broadcast_in_dim3A_2011 = vector.broadcast %broadcast_in_dim3A_2010 : vector<1x128xi32> to vector<32x128xi32>
    %eq3A_2012 = arith.cmpi eq, %broadcast_in_dim3A_2011, %iota3A : vector<32x128xi32>
    %broadcast_in_dim3A_2013 = vector.broadcast %get3A_2 : f32 to vector<32x128xf32>
    %broadcast_in_dim3A_2014 = vector.broadcast %get3A_0 : f32 to vector<32x128xf32>
    %select_n3A_2015 = arith.select %eq3A_2012, %broadcast_in_dim3A_2013, %broadcast_in_dim3A_2014 : vector<32x128xi1>, vector<32x128xf32>
    %swap3A_2016 = arith.constant 1 : index
    %swap3A_2017 = arith.constant 0 : index
    %swap3A_2018 = arith.constant 6912 : index
    %swap3A_2019 = vector.load %arg3[%swap3A_2016, %swap3A_2017, %swap3A_2018] : memref<4x32x8192xf32, #tpu.memory_space<vmem>>, vector<1x32x128xf32>
    %swap3A_2020 = vector.shape_cast %swap3A_2019 : vector<1x32x128xf32> to vector<32x128xf32>
    %swap3A_2021 = vector.shape_cast %select_n3A_2015 : vector<32x128xf32> to vector<1x32x128xf32>
    tpu.vector_store %arg3[%swap3A_2016, %swap3A_2017, %swap3A_2018], %swap3A_2021 {strides = array<i32>} : memref<4x32x8192xf32, #tpu.memory_space<vmem>>, vector<1x32x128xf32>,
    %get3A_2022 = arith.constant 1 : index
    %get3A_2023 = arith.constant 55 : index
    %get3A_2024 = arith.constant 0 : index
    %get3A_2025 = vector.load %arg2[%get3A_2022, %get3A_2023, %get3A_2024] : memref<4x64x128xi32, #tpu.memory_space<vmem>>, vector<1x1x128xi32>
    %get3A_2026 = vector.shape_cast %get3A_2025 : vector<1x1x128xi32> to vector<1x128xi32>
    %broadcast_in_dim3A_2027 = vector.shape_cast %get3A_2026 : vector<1x128xi32> to vector<1x128xi32>
    %broadcast_in_dim3A_2028 = vector.broadcast %broadcast_in_dim3A_2027 : vector<1x128xi32> to vector<32x128xi32>
    %eq3A_2029 = arith.cmpi eq, %broadcast_in_dim3A_2028, %iota3A : vector<32x128xi32>
    %broadcast_in_dim3A_2030 = vector.broadcast %get3A_2 : f32 to vector<32x128xf32>
    %broadcast_in_dim3A_2031 = vector.broadcast %get3A_0 : f32 to vector<32x128xf32>
    %select_n3A_2032 = arith.select %eq3A_2029, %broadcast_in_dim3A_2030, %broadcast_in_dim3A_2031 : vector<32x128xi1>, vector<32x128xf32>
    %swap3A_2033 = arith.constant 1 : index
    %swap3A_2034 = arith.constant 0 : index
    %swap3A_2035 = arith.constant 7040 : index
    %swap3A_2036 = vector.load %arg3[%swap3A_2033, %swap3A_2034, %swap3A_2035] : memref<4x32x8192xf32, #tpu.memory_space<vmem>>, vector<1x32x128xf32>
    %swap3A_2037 = vector.shape_cast %swap3A_2036 : vector<1x32x128xf32> to vector<32x128xf32>
    %swap3A_2038 = vector.shape_cast %select_n3A_2032 : vector<32x128xf32> to vector<1x32x128xf32>
    tpu.vector_store %arg3[%swap3A_2033, %swap3A_2034, %swap3A_2035], %swap3A_2038 {strides = array<i32>} : memref<4x32x8192xf32, #tpu.memory_space<vmem>>, vector<1x32x128xf32>,
    %get3A_2039 = arith.constant 1 : index
    %get3A_2040 = arith.constant 56 : index
    %get3A_2041 = arith.constant 0 : index
    %get3A_2042 = vector.load %arg2[%get3A_2039, %get3A_2040, %get3A_2041] : memref<4x64x128xi32, #tpu.memory_space<vmem>>, vector<1x1x128xi32>
    %get3A_2043 = vector.shape_cast %get3A_2042 : vector<1x1x128xi32> to vector<1x128xi32>
    %broadcast_in_dim3A_2044 = vector.shape_cast %get3A_2043 : vector<1x128xi32> to vector<1x128xi32>
    %broadcast_in_dim3A_2045 = vector.broadcast %broadcast_in_dim3A_2044 : vector<1x128xi32> to vector<32x128xi32>
    %eq3A_2046 = arith.cmpi eq, %broadcast_in_dim3A_2045, %iota3A : vector<32x128xi32>
    %broadcast_in_dim3A_2047 = vector.broadcast %get3A_2 : f32 to vector<32x128xf32>
    %broadcast_in_dim3A_2048 = vector.broadcast %get3A_0 : f32 to vector<32x128xf32>
    %select_n3A_2049 = arith.select %eq3A_2046, %broadcast_in_dim3A_2047, %broadcast_in_dim3A_2048 : vector<32x128xi1>, vector<32x128xf32>
    %swap3A_2050 = arith.constant 1 : index
    %swap3A_2051 = arith.constant 0 : index
    %swap3A_2052 = arith.constant 7168 : index
    %swap3A_2053 = vector.load %arg3[%swap3A_2050, %swap3A_2051, %swap3A_2052] : memref<4x32x8192xf32, #tpu.memory_space<vmem>>, vector<1x32x128xf32>
    %swap3A_2054 = vector.shape_cast %swap3A_2053 : vector<1x32x128xf32> to vector<32x128xf32>
    %swap3A_2055 = vector.shape_cast %select_n3A_2049 : vector<32x128xf32> to vector<1x32x128xf32>
    tpu.vector_store %arg3[%swap3A_2050, %swap3A_2051, %swap3A_2052], %swap3A_2055 {strides = array<i32>} : memref<4x32x8192xf32, #tpu.memory_space<vmem>>, vector<1x32x128xf32>,
    %get3A_2056 = arith.constant 1 : index
    %get3A_2057 = arith.constant 57 : index
    %get3A_2058 = arith.constant 0 : index
    %get3A_2059 = vector.load %arg2[%get3A_2056, %get3A_2057, %get3A_2058] : memref<4x64x128xi32, #tpu.memory_space<vmem>>, vector<1x1x128xi32>
    %get3A_2060 = vector.shape_cast %get3A_2059 : vector<1x1x128xi32> to vector<1x128xi32>
    %broadcast_in_dim3A_2061 = vector.shape_cast %get3A_2060 : vector<1x128xi32> to vector<1x128xi32>
    %broadcast_in_dim3A_2062 = vector.broadcast %broadcast_in_dim3A_2061 : vector<1x128xi32> to vector<32x128xi32>
    %eq3A_2063 = arith.cmpi eq, %broadcast_in_dim3A_2062, %iota3A : vector<32x128xi32>
    %broadcast_in_dim3A_2064 = vector.broadcast %get3A_2 : f32 to vector<32x128xf32>
    %broadcast_in_dim3A_2065 = vector.broadcast %get3A_0 : f32 to vector<32x128xf32>
    %select_n3A_2066 = arith.select %eq3A_2063, %broadcast_in_dim3A_2064, %broadcast_in_dim3A_2065 : vector<32x128xi1>, vector<32x128xf32>
    %swap3A_2067 = arith.constant 1 : index
    %swap3A_2068 = arith.constant 0 : index
    %swap3A_2069 = arith.constant 7296 : index
    %swap3A_2070 = vector.load %arg3[%swap3A_2067, %swap3A_2068, %swap3A_2069] : memref<4x32x8192xf32, #tpu.memory_space<vmem>>, vector<1x32x128xf32>
    %swap3A_2071 = vector.shape_cast %swap3A_2070 : vector<1x32x128xf32> to vector<32x128xf32>
    %swap3A_2072 = vector.shape_cast %select_n3A_2066 : vector<32x128xf32> to vector<1x32x128xf32>
    tpu.vector_store %arg3[%swap3A_2067, %swap3A_2068, %swap3A_2069], %swap3A_2072 {strides = array<i32>} : memref<4x32x8192xf32, #tpu.memory_space<vmem>>, vector<1x32x128xf32>,
    %get3A_2073 = arith.constant 1 : index
    %get3A_2074 = arith.constant 58 : index
    %get3A_2075 = arith.constant 0 : index
    %get3A_2076 = vector.load %arg2[%get3A_2073, %get3A_2074, %get3A_2075] : memref<4x64x128xi32, #tpu.memory_space<vmem>>, vector<1x1x128xi32>
    %get3A_2077 = vector.shape_cast %get3A_2076 : vector<1x1x128xi32> to vector<1x128xi32>
    %broadcast_in_dim3A_2078 = vector.shape_cast %get3A_2077 : vector<1x128xi32> to vector<1x128xi32>
    %broadcast_in_dim3A_2079 = vector.broadcast %broadcast_in_dim3A_2078 : vector<1x128xi32> to vector<32x128xi32>
    %eq3A_2080 = arith.cmpi eq, %broadcast_in_dim3A_2079, %iota3A : vector<32x128xi32>
    %broadcast_in_dim3A_2081 = vector.broadcast %get3A_2 : f32 to vector<32x128xf32>
    %broadcast_in_dim3A_2082 = vector.broadcast %get3A_0 : f32 to vector<32x128xf32>
    %select_n3A_2083 = arith.select %eq3A_2080, %broadcast_in_dim3A_2081, %broadcast_in_dim3A_2082 : vector<32x128xi1>, vector<32x128xf32>
    %swap3A_2084 = arith.constant 1 : index
    %swap3A_2085 = arith.constant 0 : index
    %swap3A_2086 = arith.constant 7424 : index
    %swap3A_2087 = vector.load %arg3[%swap3A_2084, %swap3A_2085, %swap3A_2086] : memref<4x32x8192xf32, #tpu.memory_space<vmem>>, vector<1x32x128xf32>
    %swap3A_2088 = vector.shape_cast %swap3A_2087 : vector<1x32x128xf32> to vector<32x128xf32>
    %swap3A_2089 = vector.shape_cast %select_n3A_2083 : vector<32x128xf32> to vector<1x32x128xf32>
    tpu.vector_store %arg3[%swap3A_2084, %swap3A_2085, %swap3A_2086], %swap3A_2089 {strides = array<i32>} : memref<4x32x8192xf32, #tpu.memory_space<vmem>>, vector<1x32x128xf32>,
    %get3A_2090 = arith.constant 1 : index
    %get3A_2091 = arith.constant 59 : index
    %get3A_2092 = arith.constant 0 : index
    %get3A_2093 = vector.load %arg2[%get3A_2090, %get3A_2091, %get3A_2092] : memref<4x64x128xi32, #tpu.memory_space<vmem>>, vector<1x1x128xi32>
    %get3A_2094 = vector.shape_cast %get3A_2093 : vector<1x1x128xi32> to vector<1x128xi32>
    %broadcast_in_dim3A_2095 = vector.shape_cast %get3A_2094 : vector<1x128xi32> to vector<1x128xi32>
    %broadcast_in_dim3A_2096 = vector.broadcast %broadcast_in_dim3A_2095 : vector<1x128xi32> to vector<32x128xi32>
    %eq3A_2097 = arith.cmpi eq, %broadcast_in_dim3A_2096, %iota3A : vector<32x128xi32>
    %broadcast_in_dim3A_2098 = vector.broadcast %get3A_2 : f32 to vector<32x128xf32>
    %broadcast_in_dim3A_2099 = vector.broadcast %get3A_0 : f32 to vector<32x128xf32>
    %select_n3A_2100 = arith.select %eq3A_2097, %broadcast_in_dim3A_2098, %broadcast_in_dim3A_2099 : vector<32x128xi1>, vector<32x128xf32>
    %swap3A_2101 = arith.constant 1 : index
    %swap3A_2102 = arith.constant 0 : index
    %swap3A_2103 = arith.constant 7552 : index
    %swap3A_2104 = vector.load %arg3[%swap3A_2101, %swap3A_2102, %swap3A_2103] : memref<4x32x8192xf32, #tpu.memory_space<vmem>>, vector<1x32x128xf32>
    %swap3A_2105 = vector.shape_cast %swap3A_2104 : vector<1x32x128xf32> to vector<32x128xf32>
    %swap3A_2106 = vector.shape_cast %select_n3A_2100 : vector<32x128xf32> to vector<1x32x128xf32>
    tpu.vector_store %arg3[%swap3A_2101, %swap3A_2102, %swap3A_2103], %swap3A_2106 {strides = array<i32>} : memref<4x32x8192xf32, #tpu.memory_space<vmem>>, vector<1x32x128xf32>,
    %get3A_2107 = arith.constant 1 : index
    %get3A_2108 = arith.constant 60 : index
    %get3A_2109 = arith.constant 0 : index
    %get3A_2110 = vector.load %arg2[%get3A_2107, %get3A_2108, %get3A_2109] : memref<4x64x128xi32, #tpu.memory_space<vmem>>, vector<1x1x128xi32>
    %get3A_2111 = vector.shape_cast %get3A_2110 : vector<1x1x128xi32> to vector<1x128xi32>
    %broadcast_in_dim3A_2112 = vector.shape_cast %get3A_2111 : vector<1x128xi32> to vector<1x128xi32>
    %broadcast_in_dim3A_2113 = vector.broadcast %broadcast_in_dim3A_2112 : vector<1x128xi32> to vector<32x128xi32>
    %eq3A_2114 = arith.cmpi eq, %broadcast_in_dim3A_2113, %iota3A : vector<32x128xi32>
    %broadcast_in_dim3A_2115 = vector.broadcast %get3A_2 : f32 to vector<32x128xf32>
    %broadcast_in_dim3A_2116 = vector.broadcast %get3A_0 : f32 to vector<32x128xf32>
    %select_n3A_2117 = arith.select %eq3A_2114, %broadcast_in_dim3A_2115, %broadcast_in_dim3A_2116 : vector<32x128xi1>, vector<32x128xf32>
    %swap3A_2118 = arith.constant 1 : index
    %swap3A_2119 = arith.constant 0 : index
    %swap3A_2120 = arith.constant 7680 : index
    %swap3A_2121 = vector.load %arg3[%swap3A_2118, %swap3A_2119, %swap3A_2120] : memref<4x32x8192xf32, #tpu.memory_space<vmem>>, vector<1x32x128xf32>
    %swap3A_2122 = vector.shape_cast %swap3A_2121 : vector<1x32x128xf32> to vector<32x128xf32>
    %swap3A_2123 = vector.shape_cast %select_n3A_2117 : vector<32x128xf32> to vector<1x32x128xf32>
    tpu.vector_store %arg3[%swap3A_2118, %swap3A_2119, %swap3A_2120], %swap3A_2123 {strides = array<i32>} : memref<4x32x8192xf32, #tpu.memory_space<vmem>>, vector<1x32x128xf32>,
    %get3A_2124 = arith.constant 1 : index
    %get3A_2125 = arith.constant 61 : index
    %get3A_2126 = arith.constant 0 : index
    %get3A_2127 = vector.load %arg2[%get3A_2124, %get3A_2125, %get3A_2126] : memref<4x64x128xi32, #tpu.memory_space<vmem>>, vector<1x1x128xi32>
    %get3A_2128 = vector.shape_cast %get3A_2127 : vector<1x1x128xi32> to vector<1x128xi32>
    %broadcast_in_dim3A_2129 = vector.shape_cast %get3A_2128 : vector<1x128xi32> to vector<1x128xi32>
    %broadcast_in_dim3A_2130 = vector.broadcast %broadcast_in_dim3A_2129 : vector<1x128xi32> to vector<32x128xi32>
    %eq3A_2131 = arith.cmpi eq, %broadcast_in_dim3A_2130, %iota3A : vector<32x128xi32>
    %broadcast_in_dim3A_2132 = vector.broadcast %get3A_2 : f32 to vector<32x128xf32>
    %broadcast_in_dim3A_2133 = vector.broadcast %get3A_0 : f32 to vector<32x128xf32>
    %select_n3A_2134 = arith.select %eq3A_2131, %broadcast_in_dim3A_2132, %broadcast_in_dim3A_2133 : vector<32x128xi1>, vector<32x128xf32>
    %swap3A_2135 = arith.constant 1 : index
    %swap3A_2136 = arith.constant 0 : index
    %swap3A_2137 = arith.constant 7808 : index
    %swap3A_2138 = vector.load %arg3[%swap3A_2135, %swap3A_2136, %swap3A_2137] : memref<4x32x8192xf32, #tpu.memory_space<vmem>>, vector<1x32x128xf32>
    %swap3A_2139 = vector.shape_cast %swap3A_2138 : vector<1x32x128xf32> to vector<32x128xf32>
    %swap3A_2140 = vector.shape_cast %select_n3A_2134 : vector<32x128xf32> to vector<1x32x128xf32>
    tpu.vector_store %arg3[%swap3A_2135, %swap3A_2136, %swap3A_2137], %swap3A_2140 {strides = array<i32>} : memref<4x32x8192xf32, #tpu.memory_space<vmem>>, vector<1x32x128xf32>,
    %get3A_2141 = arith.constant 1 : index
    %get3A_2142 = arith.constant 62 : index
    %get3A_2143 = arith.constant 0 : index
    %get3A_2144 = vector.load %arg2[%get3A_2141, %get3A_2142, %get3A_2143] : memref<4x64x128xi32, #tpu.memory_space<vmem>>, vector<1x1x128xi32>
    %get3A_2145 = vector.shape_cast %get3A_2144 : vector<1x1x128xi32> to vector<1x128xi32>
    %broadcast_in_dim3A_2146 = vector.shape_cast %get3A_2145 : vector<1x128xi32> to vector<1x128xi32>
    %broadcast_in_dim3A_2147 = vector.broadcast %broadcast_in_dim3A_2146 : vector<1x128xi32> to vector<32x128xi32>
    %eq3A_2148 = arith.cmpi eq, %broadcast_in_dim3A_2147, %iota3A : vector<32x128xi32>
    %broadcast_in_dim3A_2149 = vector.broadcast %get3A_2 : f32 to vector<32x128xf32>
    %broadcast_in_dim3A_2150 = vector.broadcast %get3A_0 : f32 to vector<32x128xf32>
    %select_n3A_2151 = arith.select %eq3A_2148, %broadcast_in_dim3A_2149, %broadcast_in_dim3A_2150 : vector<32x128xi1>, vector<32x128xf32>
    %swap3A_2152 = arith.constant 1 : index
    %swap3A_2153 = arith.constant 0 : index
    %swap3A_2154 = arith.constant 7936 : index
    %swap3A_2155 = vector.load %arg3[%swap3A_2152, %swap3A_2153, %swap3A_2154] : memref<4x32x8192xf32, #tpu.memory_space<vmem>>, vector<1x32x128xf32>
    %swap3A_2156 = vector.shape_cast %swap3A_2155 : vector<1x32x128xf32> to vector<32x128xf32>
    %swap3A_2157 = vector.shape_cast %select_n3A_2151 : vector<32x128xf32> to vector<1x32x128xf32>
    tpu.vector_store %arg3[%swap3A_2152, %swap3A_2153, %swap3A_2154], %swap3A_2157 {strides = array<i32>} : memref<4x32x8192xf32, #tpu.memory_space<vmem>>, vector<1x32x128xf32>,
    %get3A_2158 = arith.constant 1 : index
    %get3A_2159 = arith.constant 63 : index
    %get3A_2160 = arith.constant 0 : index
    %get3A_2161 = vector.load %arg2[%get3A_2158, %get3A_2159, %get3A_2160] : memref<4x64x128xi32, #tpu.memory_space<vmem>>, vector<1x1x128xi32>
    %get3A_2162 = vector.shape_cast %get3A_2161 : vector<1x1x128xi32> to vector<1x128xi32>
    %broadcast_in_dim3A_2163 = vector.shape_cast %get3A_2162 : vector<1x128xi32> to vector<1x128xi32>
    %broadcast_in_dim3A_2164 = vector.broadcast %broadcast_in_dim3A_2163 : vector<1x128xi32> to vector<32x128xi32>
    %eq3A_2165 = arith.cmpi eq, %broadcast_in_dim3A_2164, %iota3A : vector<32x128xi32>
    %broadcast_in_dim3A_2166 = vector.broadcast %get3A_2 : f32 to vector<32x128xf32>
    %broadcast_in_dim3A_2167 = vector.broadcast %get3A_0 : f32 to vector<32x128xf32>
    %select_n3A_2168 = arith.select %eq3A_2165, %broadcast_in_dim3A_2166, %broadcast_in_dim3A_2167 : vector<32x128xi1>, vector<32x128xf32>
    %swap3A_2169 = arith.constant 1 : index
    %swap3A_2170 = arith.constant 0 : index
    %swap3A_2171 = arith.constant 8064 : index
    %swap3A_2172 = vector.load %arg3[%swap3A_2169, %swap3A_2170, %swap3A_2171] : memref<4x32x8192xf32, #tpu.memory_space<vmem>>, vector<1x32x128xf32>
    %swap3A_2173 = vector.shape_cast %swap3A_2172 : vector<1x32x128xf32> to vector<32x128xf32>
    %swap3A_2174 = vector.shape_cast %select_n3A_2168 : vector<32x128xf32> to vector<1x32x128xf32>
    tpu.vector_store %arg3[%swap3A_2169, %swap3A_2170, %swap3A_2171], %swap3A_2174 {strides = array<i32>} : memref<4x32x8192xf32, #tpu.memory_space<vmem>>, vector<1x32x128xf32>,
    %get3A_2175 = arith.constant 2 : index
    %get3A_2176 = arith.constant 0 : index
    %get3A_2177 = arith.constant 0 : index
    %get3A_2178 = vector.load %arg2[%get3A_2175, %get3A_2176, %get3A_2177] : memref<4x64x128xi32, #tpu.memory_space<vmem>>, vector<1x1x128xi32>
    %get3A_2179 = vector.shape_cast %get3A_2178 : vector<1x1x128xi32> to vector<1x128xi32>
    %broadcast_in_dim3A_2180 = vector.shape_cast %get3A_2179 : vector<1x128xi32> to vector<1x128xi32>
    %broadcast_in_dim3A_2181 = vector.broadcast %broadcast_in_dim3A_2180 : vector<1x128xi32> to vector<32x128xi32>
    %eq3A_2182 = arith.cmpi eq, %broadcast_in_dim3A_2181, %iota3A : vector<32x128xi32>
    %broadcast_in_dim3A_2183 = vector.broadcast %get3A_2 : f32 to vector<32x128xf32>
    %broadcast_in_dim3A_2184 = vector.broadcast %get3A_0 : f32 to vector<32x128xf32>
    %select_n3A_2185 = arith.select %eq3A_2182, %broadcast_in_dim3A_2183, %broadcast_in_dim3A_2184 : vector<32x128xi1>, vector<32x128xf32>
    %swap3A_2186 = arith.constant 2 : index
    %swap3A_2187 = arith.constant 0 : index
    %swap3A_2188 = arith.constant 0 : index
    %swap3A_2189 = vector.load %arg3[%swap3A_2186, %swap3A_2187, %swap3A_2188] : memref<4x32x8192xf32, #tpu.memory_space<vmem>>, vector<1x32x128xf32>
    %swap3A_2190 = vector.shape_cast %swap3A_2189 : vector<1x32x128xf32> to vector<32x128xf32>
    %swap3A_2191 = vector.shape_cast %select_n3A_2185 : vector<32x128xf32> to vector<1x32x128xf32>
    tpu.vector_store %arg3[%swap3A_2186, %swap3A_2187, %swap3A_2188], %swap3A_2191 {strides = array<i32>} : memref<4x32x8192xf32, #tpu.memory_space<vmem>>, vector<1x32x128xf32>,
    %get3A_2192 = arith.constant 2 : index
    %get3A_2193 = arith.constant 1 : index
    %get3A_2194 = arith.constant 0 : index
    %get3A_2195 = vector.load %arg2[%get3A_2192, %get3A_2193, %get3A_2194] : memref<4x64x128xi32, #tpu.memory_space<vmem>>, vector<1x1x128xi32>
    %get3A_2196 = vector.shape_cast %get3A_2195 : vector<1x1x128xi32> to vector<1x128xi32>
    %broadcast_in_dim3A_2197 = vector.shape_cast %get3A_2196 : vector<1x128xi32> to vector<1x128xi32>
    %broadcast_in_dim3A_2198 = vector.broadcast %broadcast_in_dim3A_2197 : vector<1x128xi32> to vector<32x128xi32>
    %eq3A_2199 = arith.cmpi eq, %broadcast_in_dim3A_2198, %iota3A : vector<32x128xi32>
    %broadcast_in_dim3A_2200 = vector.broadcast %get3A_2 : f32 to vector<32x128xf32>
    %broadcast_in_dim3A_2201 = vector.broadcast %get3A_0 : f32 to vector<32x128xf32>
    %select_n3A_2202 = arith.select %eq3A_2199, %broadcast_in_dim3A_2200, %broadcast_in_dim3A_2201 : vector<32x128xi1>, vector<32x128xf32>
    %swap3A_2203 = arith.constant 2 : index
    %swap3A_2204 = arith.constant 0 : index
    %swap3A_2205 = arith.constant 128 : index
    %swap3A_2206 = vector.load %arg3[%swap3A_2203, %swap3A_2204, %swap3A_2205] : memref<4x32x8192xf32, #tpu.memory_space<vmem>>, vector<1x32x128xf32>
    %swap3A_2207 = vector.shape_cast %swap3A_2206 : vector<1x32x128xf32> to vector<32x128xf32>
    %swap3A_2208 = vector.shape_cast %select_n3A_2202 : vector<32x128xf32> to vector<1x32x128xf32>
    tpu.vector_store %arg3[%swap3A_2203, %swap3A_2204, %swap3A_2205], %swap3A_2208 {strides = array<i32>} : memref<4x32x8192xf32, #tpu.memory_space<vmem>>, vector<1x32x128xf32>,
    %get3A_2209 = arith.constant 2 : index
    %get3A_2210 = arith.constant 2 : index
    %get3A_2211 = arith.constant 0 : index
    %get3A_2212 = vector.load %arg2[%get3A_2209, %get3A_2210, %get3A_2211] : memref<4x64x128xi32, #tpu.memory_space<vmem>>, vector<1x1x128xi32>
    %get3A_2213 = vector.shape_cast %get3A_2212 : vector<1x1x128xi32> to vector<1x128xi32>
    %broadcast_in_dim3A_2214 = vector.shape_cast %get3A_2213 : vector<1x128xi32> to vector<1x128xi32>
    %broadcast_in_dim3A_2215 = vector.broadcast %broadcast_in_dim3A_2214 : vector<1x128xi32> to vector<32x128xi32>
    %eq3A_2216 = arith.cmpi eq, %broadcast_in_dim3A_2215, %iota3A : vector<32x128xi32>
    %broadcast_in_dim3A_2217 = vector.broadcast %get3A_2 : f32 to vector<32x128xf32>
    %broadcast_in_dim3A_2218 = vector.broadcast %get3A_0 : f32 to vector<32x128xf32>
    %select_n3A_2219 = arith.select %eq3A_2216, %broadcast_in_dim3A_2217, %broadcast_in_dim3A_2218 : vector<32x128xi1>, vector<32x128xf32>
    %swap3A_2220 = arith.constant 2 : index
    %swap3A_2221 = arith.constant 0 : index
    %swap3A_2222 = arith.constant 256 : index
    %swap3A_2223 = vector.load %arg3[%swap3A_2220, %swap3A_2221, %swap3A_2222] : memref<4x32x8192xf32, #tpu.memory_space<vmem>>, vector<1x32x128xf32>
    %swap3A_2224 = vector.shape_cast %swap3A_2223 : vector<1x32x128xf32> to vector<32x128xf32>
    %swap3A_2225 = vector.shape_cast %select_n3A_2219 : vector<32x128xf32> to vector<1x32x128xf32>
    tpu.vector_store %arg3[%swap3A_2220, %swap3A_2221, %swap3A_2222], %swap3A_2225 {strides = array<i32>} : memref<4x32x8192xf32, #tpu.memory_space<vmem>>, vector<1x32x128xf32>,
    %get3A_2226 = arith.constant 2 : index
    %get3A_2227 = arith.constant 3 : index
    %get3A_2228 = arith.constant 0 : index
    %get3A_2229 = vector.load %arg2[%get3A_2226, %get3A_2227, %get3A_2228] : memref<4x64x128xi32, #tpu.memory_space<vmem>>, vector<1x1x128xi32>
    %get3A_2230 = vector.shape_cast %get3A_2229 : vector<1x1x128xi32> to vector<1x128xi32>
    %broadcast_in_dim3A_2231 = vector.shape_cast %get3A_2230 : vector<1x128xi32> to vector<1x128xi32>
    %broadcast_in_dim3A_2232 = vector.broadcast %broadcast_in_dim3A_2231 : vector<1x128xi32> to vector<32x128xi32>
    %eq3A_2233 = arith.cmpi eq, %broadcast_in_dim3A_2232, %iota3A : vector<32x128xi32>
    %broadcast_in_dim3A_2234 = vector.broadcast %get3A_2 : f32 to vector<32x128xf32>
    %broadcast_in_dim3A_2235 = vector.broadcast %get3A_0 : f32 to vector<32x128xf32>
    %select_n3A_2236 = arith.select %eq3A_2233, %broadcast_in_dim3A_2234, %broadcast_in_dim3A_2235 : vector<32x128xi1>, vector<32x128xf32>
    %swap3A_2237 = arith.constant 2 : index
    %swap3A_2238 = arith.constant 0 : index
    %swap3A_2239 = arith.constant 384 : index
    %swap3A_2240 = vector.load %arg3[%swap3A_2237, %swap3A_2238, %swap3A_2239] : memref<4x32x8192xf32, #tpu.memory_space<vmem>>, vector<1x32x128xf32>
    %swap3A_2241 = vector.shape_cast %swap3A_2240 : vector<1x32x128xf32> to vector<32x128xf32>
    %swap3A_2242 = vector.shape_cast %select_n3A_2236 : vector<32x128xf32> to vector<1x32x128xf32>
    tpu.vector_store %arg3[%swap3A_2237, %swap3A_2238, %swap3A_2239], %swap3A_2242 {strides = array<i32>} : memref<4x32x8192xf32, #tpu.memory_space<vmem>>, vector<1x32x128xf32>,
    %get3A_2243 = arith.constant 2 : index
    %get3A_2244 = arith.constant 4 : index
    %get3A_2245 = arith.constant 0 : index
    %get3A_2246 = vector.load %arg2[%get3A_2243, %get3A_2244, %get3A_2245] : memref<4x64x128xi32, #tpu.memory_space<vmem>>, vector<1x1x128xi32>
    %get3A_2247 = vector.shape_cast %get3A_2246 : vector<1x1x128xi32> to vector<1x128xi32>
    %broadcast_in_dim3A_2248 = vector.shape_cast %get3A_2247 : vector<1x128xi32> to vector<1x128xi32>
    %broadcast_in_dim3A_2249 = vector.broadcast %broadcast_in_dim3A_2248 : vector<1x128xi32> to vector<32x128xi32>
    %eq3A_2250 = arith.cmpi eq, %broadcast_in_dim3A_2249, %iota3A : vector<32x128xi32>
    %broadcast_in_dim3A_2251 = vector.broadcast %get3A_2 : f32 to vector<32x128xf32>
    %broadcast_in_dim3A_2252 = vector.broadcast %get3A_0 : f32 to vector<32x128xf32>
    %select_n3A_2253 = arith.select %eq3A_2250, %broadcast_in_dim3A_2251, %broadcast_in_dim3A_2252 : vector<32x128xi1>, vector<32x128xf32>
    %swap3A_2254 = arith.constant 2 : index
    %swap3A_2255 = arith.constant 0 : index
    %swap3A_2256 = arith.constant 512 : index
    %swap3A_2257 = vector.load %arg3[%swap3A_2254, %swap3A_2255, %swap3A_2256] : memref<4x32x8192xf32, #tpu.memory_space<vmem>>, vector<1x32x128xf32>
    %swap3A_2258 = vector.shape_cast %swap3A_2257 : vector<1x32x128xf32> to vector<32x128xf32>
    %swap3A_2259 = vector.shape_cast %select_n3A_2253 : vector<32x128xf32> to vector<1x32x128xf32>
    tpu.vector_store %arg3[%swap3A_2254, %swap3A_2255, %swap3A_2256], %swap3A_2259 {strides = array<i32>} : memref<4x32x8192xf32, #tpu.memory_space<vmem>>, vector<1x32x128xf32>,
    %get3A_2260 = arith.constant 2 : index
    %get3A_2261 = arith.constant 5 : index
    %get3A_2262 = arith.constant 0 : index
    %get3A_2263 = vector.load %arg2[%get3A_2260, %get3A_2261, %get3A_2262] : memref<4x64x128xi32, #tpu.memory_space<vmem>>, vector<1x1x128xi32>
    %get3A_2264 = vector.shape_cast %get3A_2263 : vector<1x1x128xi32> to vector<1x128xi32>
    %broadcast_in_dim3A_2265 = vector.shape_cast %get3A_2264 : vector<1x128xi32> to vector<1x128xi32>
    %broadcast_in_dim3A_2266 = vector.broadcast %broadcast_in_dim3A_2265 : vector<1x128xi32> to vector<32x128xi32>
    %eq3A_2267 = arith.cmpi eq, %broadcast_in_dim3A_2266, %iota3A : vector<32x128xi32>
    %broadcast_in_dim3A_2268 = vector.broadcast %get3A_2 : f32 to vector<32x128xf32>
    %broadcast_in_dim3A_2269 = vector.broadcast %get3A_0 : f32 to vector<32x128xf32>
    %select_n3A_2270 = arith.select %eq3A_2267, %broadcast_in_dim3A_2268, %broadcast_in_dim3A_2269 : vector<32x128xi1>, vector<32x128xf32>
    %swap3A_2271 = arith.constant 2 : index
    %swap3A_2272 = arith.constant 0 : index
    %swap3A_2273 = arith.constant 640 : index
    %swap3A_2274 = vector.load %arg3[%swap3A_2271, %swap3A_2272, %swap3A_2273] : memref<4x32x8192xf32, #tpu.memory_space<vmem>>, vector<1x32x128xf32>
    %swap3A_2275 = vector.shape_cast %swap3A_2274 : vector<1x32x128xf32> to vector<32x128xf32>
    %swap3A_2276 = vector.shape_cast %select_n3A_2270 : vector<32x128xf32> to vector<1x32x128xf32>
    tpu.vector_store %arg3[%swap3A_2271, %swap3A_2272, %swap3A_2273], %swap3A_2276 {strides = array<i32>} : memref<4x32x8192xf32, #tpu.memory_space<vmem>>, vector<1x32x128xf32>,
    %get3A_2277 = arith.constant 2 : index
    %get3A_2278 = arith.constant 6 : index
    %get3A_2279 = arith.constant 0 : index
    %get3A_2280 = vector.load %arg2[%get3A_2277, %get3A_2278, %get3A_2279] : memref<4x64x128xi32, #tpu.memory_space<vmem>>, vector<1x1x128xi32>
    %get3A_2281 = vector.shape_cast %get3A_2280 : vector<1x1x128xi32> to vector<1x128xi32>
    %broadcast_in_dim3A_2282 = vector.shape_cast %get3A_2281 : vector<1x128xi32> to vector<1x128xi32>
    %broadcast_in_dim3A_2283 = vector.broadcast %broadcast_in_dim3A_2282 : vector<1x128xi32> to vector<32x128xi32>
    %eq3A_2284 = arith.cmpi eq, %broadcast_in_dim3A_2283, %iota3A : vector<32x128xi32>
    %broadcast_in_dim3A_2285 = vector.broadcast %get3A_2 : f32 to vector<32x128xf32>
    %broadcast_in_dim3A_2286 = vector.broadcast %get3A_0 : f32 to vector<32x128xf32>
    %select_n3A_2287 = arith.select %eq3A_2284, %broadcast_in_dim3A_2285, %broadcast_in_dim3A_2286 : vector<32x128xi1>, vector<32x128xf32>
    %swap3A_2288 = arith.constant 2 : index
    %swap3A_2289 = arith.constant 0 : index
    %swap3A_2290 = arith.constant 768 : index
    %swap3A_2291 = vector.load %arg3[%swap3A_2288, %swap3A_2289, %swap3A_2290] : memref<4x32x8192xf32, #tpu.memory_space<vmem>>, vector<1x32x128xf32>
    %swap3A_2292 = vector.shape_cast %swap3A_2291 : vector<1x32x128xf32> to vector<32x128xf32>
    %swap3A_2293 = vector.shape_cast %select_n3A_2287 : vector<32x128xf32> to vector<1x32x128xf32>
    tpu.vector_store %arg3[%swap3A_2288, %swap3A_2289, %swap3A_2290], %swap3A_2293 {strides = array<i32>} : memref<4x32x8192xf32, #tpu.memory_space<vmem>>, vector<1x32x128xf32>,
    %get3A_2294 = arith.constant 2 : index
    %get3A_2295 = arith.constant 7 : index
    %get3A_2296 = arith.constant 0 : index
    %get3A_2297 = vector.load %arg2[%get3A_2294, %get3A_2295, %get3A_2296] : memref<4x64x128xi32, #tpu.memory_space<vmem>>, vector<1x1x128xi32>
    %get3A_2298 = vector.shape_cast %get3A_2297 : vector<1x1x128xi32> to vector<1x128xi32>
    %broadcast_in_dim3A_2299 = vector.shape_cast %get3A_2298 : vector<1x128xi32> to vector<1x128xi32>
    %broadcast_in_dim3A_2300 = vector.broadcast %broadcast_in_dim3A_2299 : vector<1x128xi32> to vector<32x128xi32>
    %eq3A_2301 = arith.cmpi eq, %broadcast_in_dim3A_2300, %iota3A : vector<32x128xi32>
    %broadcast_in_dim3A_2302 = vector.broadcast %get3A_2 : f32 to vector<32x128xf32>
    %broadcast_in_dim3A_2303 = vector.broadcast %get3A_0 : f32 to vector<32x128xf32>
    %select_n3A_2304 = arith.select %eq3A_2301, %broadcast_in_dim3A_2302, %broadcast_in_dim3A_2303 : vector<32x128xi1>, vector<32x128xf32>
    %swap3A_2305 = arith.constant 2 : index
    %swap3A_2306 = arith.constant 0 : index
    %swap3A_2307 = arith.constant 896 : index
    %swap3A_2308 = vector.load %arg3[%swap3A_2305, %swap3A_2306, %swap3A_2307] : memref<4x32x8192xf32, #tpu.memory_space<vmem>>, vector<1x32x128xf32>
    %swap3A_2309 = vector.shape_cast %swap3A_2308 : vector<1x32x128xf32> to vector<32x128xf32>
    %swap3A_2310 = vector.shape_cast %select_n3A_2304 : vector<32x128xf32> to vector<1x32x128xf32>
    tpu.vector_store %arg3[%swap3A_2305, %swap3A_2306, %swap3A_2307], %swap3A_2310 {strides = array<i32>} : memref<4x32x8192xf32, #tpu.memory_space<vmem>>, vector<1x32x128xf32>,
    %get3A_2311 = arith.constant 2 : index
    %get3A_2312 = arith.constant 8 : index
    %get3A_2313 = arith.constant 0 : index
    %get3A_2314 = vector.load %arg2[%get3A_2311, %get3A_2312, %get3A_2313] : memref<4x64x128xi32, #tpu.memory_space<vmem>>, vector<1x1x128xi32>
    %get3A_2315 = vector.shape_cast %get3A_2314 : vector<1x1x128xi32> to vector<1x128xi32>
    %broadcast_in_dim3A_2316 = vector.shape_cast %get3A_2315 : vector<1x128xi32> to vector<1x128xi32>
    %broadcast_in_dim3A_2317 = vector.broadcast %broadcast_in_dim3A_2316 : vector<1x128xi32> to vector<32x128xi32>
    %eq3A_2318 = arith.cmpi eq, %broadcast_in_dim3A_2317, %iota3A : vector<32x128xi32>
    %broadcast_in_dim3A_2319 = vector.broadcast %get3A_2 : f32 to vector<32x128xf32>
    %broadcast_in_dim3A_2320 = vector.broadcast %get3A_0 : f32 to vector<32x128xf32>
    %select_n3A_2321 = arith.select %eq3A_2318, %broadcast_in_dim3A_2319, %broadcast_in_dim3A_2320 : vector<32x128xi1>, vector<32x128xf32>
    %swap3A_2322 = arith.constant 2 : index
    %swap3A_2323 = arith.constant 0 : index
    %swap3A_2324 = arith.constant 1024 : index
    %swap3A_2325 = vector.load %arg3[%swap3A_2322, %swap3A_2323, %swap3A_2324] : memref<4x32x8192xf32, #tpu.memory_space<vmem>>, vector<1x32x128xf32>
    %swap3A_2326 = vector.shape_cast %swap3A_2325 : vector<1x32x128xf32> to vector<32x128xf32>
    %swap3A_2327 = vector.shape_cast %select_n3A_2321 : vector<32x128xf32> to vector<1x32x128xf32>
    tpu.vector_store %arg3[%swap3A_2322, %swap3A_2323, %swap3A_2324], %swap3A_2327 {strides = array<i32>} : memref<4x32x8192xf32, #tpu.memory_space<vmem>>, vector<1x32x128xf32>,
    %get3A_2328 = arith.constant 2 : index
    %get3A_2329 = arith.constant 9 : index
    %get3A_2330 = arith.constant 0 : index
    %get3A_2331 = vector.load %arg2[%get3A_2328, %get3A_2329, %get3A_2330] : memref<4x64x128xi32, #tpu.memory_space<vmem>>, vector<1x1x128xi32>
    %get3A_2332 = vector.shape_cast %get3A_2331 : vector<1x1x128xi32> to vector<1x128xi32>
    %broadcast_in_dim3A_2333 = vector.shape_cast %get3A_2332 : vector<1x128xi32> to vector<1x128xi32>
    %broadcast_in_dim3A_2334 = vector.broadcast %broadcast_in_dim3A_2333 : vector<1x128xi32> to vector<32x128xi32>
    %eq3A_2335 = arith.cmpi eq, %broadcast_in_dim3A_2334, %iota3A : vector<32x128xi32>
    %broadcast_in_dim3A_2336 = vector.broadcast %get3A_2 : f32 to vector<32x128xf32>
    %broadcast_in_dim3A_2337 = vector.broadcast %get3A_0 : f32 to vector<32x128xf32>
    %select_n3A_2338 = arith.select %eq3A_2335, %broadcast_in_dim3A_2336, %broadcast_in_dim3A_2337 : vector<32x128xi1>, vector<32x128xf32>
    %swap3A_2339 = arith.constant 2 : index
    %swap3A_2340 = arith.constant 0 : index
    %swap3A_2341 = arith.constant 1152 : index
    %swap3A_2342 = vector.load %arg3[%swap3A_2339, %swap3A_2340, %swap3A_2341] : memref<4x32x8192xf32, #tpu.memory_space<vmem>>, vector<1x32x128xf32>
    %swap3A_2343 = vector.shape_cast %swap3A_2342 : vector<1x32x128xf32> to vector<32x128xf32>
    %swap3A_2344 = vector.shape_cast %select_n3A_2338 : vector<32x128xf32> to vector<1x32x128xf32>
    tpu.vector_store %arg3[%swap3A_2339, %swap3A_2340, %swap3A_2341], %swap3A_2344 {strides = array<i32>} : memref<4x32x8192xf32, #tpu.memory_space<vmem>>, vector<1x32x128xf32>,
    %get3A_2345 = arith.constant 2 : index
    %get3A_2346 = arith.constant 10 : index
    %get3A_2347 = arith.constant 0 : index
    %get3A_2348 = vector.load %arg2[%get3A_2345, %get3A_2346, %get3A_2347] : memref<4x64x128xi32, #tpu.memory_space<vmem>>, vector<1x1x128xi32>
    %get3A_2349 = vector.shape_cast %get3A_2348 : vector<1x1x128xi32> to vector<1x128xi32>
    %broadcast_in_dim3A_2350 = vector.shape_cast %get3A_2349 : vector<1x128xi32> to vector<1x128xi32>
    %broadcast_in_dim3A_2351 = vector.broadcast %broadcast_in_dim3A_2350 : vector<1x128xi32> to vector<32x128xi32>
    %eq3A_2352 = arith.cmpi eq, %broadcast_in_dim3A_2351, %iota3A : vector<32x128xi32>
    %broadcast_in_dim3A_2353 = vector.broadcast %get3A_2 : f32 to vector<32x128xf32>
    %broadcast_in_dim3A_2354 = vector.broadcast %get3A_0 : f32 to vector<32x128xf32>
    %select_n3A_2355 = arith.select %eq3A_2352, %broadcast_in_dim3A_2353, %broadcast_in_dim3A_2354 : vector<32x128xi1>, vector<32x128xf32>
    %swap3A_2356 = arith.constant 2 : index
    %swap3A_2357 = arith.constant 0 : index
    %swap3A_2358 = arith.constant 1280 : index
    %swap3A_2359 = vector.load %arg3[%swap3A_2356, %swap3A_2357, %swap3A_2358] : memref<4x32x8192xf32, #tpu.memory_space<vmem>>, vector<1x32x128xf32>
    %swap3A_2360 = vector.shape_cast %swap3A_2359 : vector<1x32x128xf32> to vector<32x128xf32>
    %swap3A_2361 = vector.shape_cast %select_n3A_2355 : vector<32x128xf32> to vector<1x32x128xf32>
    tpu.vector_store %arg3[%swap3A_2356, %swap3A_2357, %swap3A_2358], %swap3A_2361 {strides = array<i32>} : memref<4x32x8192xf32, #tpu.memory_space<vmem>>, vector<1x32x128xf32>,
    %get3A_2362 = arith.constant 2 : index
    %get3A_2363 = arith.constant 11 : index
    %get3A_2364 = arith.constant 0 : index
    %get3A_2365 = vector.load %arg2[%get3A_2362, %get3A_2363, %get3A_2364] : memref<4x64x128xi32, #tpu.memory_space<vmem>>, vector<1x1x128xi32>
    %get3A_2366 = vector.shape_cast %get3A_2365 : vector<1x1x128xi32> to vector<1x128xi32>
    %broadcast_in_dim3A_2367 = vector.shape_cast %get3A_2366 : vector<1x128xi32> to vector<1x128xi32>
    %broadcast_in_dim3A_2368 = vector.broadcast %broadcast_in_dim3A_2367 : vector<1x128xi32> to vector<32x128xi32>
    %eq3A_2369 = arith.cmpi eq, %broadcast_in_dim3A_2368, %iota3A : vector<32x128xi32>
    %broadcast_in_dim3A_2370 = vector.broadcast %get3A_2 : f32 to vector<32x128xf32>
    %broadcast_in_dim3A_2371 = vector.broadcast %get3A_0 : f32 to vector<32x128xf32>
    %select_n3A_2372 = arith.select %eq3A_2369, %broadcast_in_dim3A_2370, %broadcast_in_dim3A_2371 : vector<32x128xi1>, vector<32x128xf32>
    %swap3A_2373 = arith.constant 2 : index
    %swap3A_2374 = arith.constant 0 : index
    %swap3A_2375 = arith.constant 1408 : index
    %swap3A_2376 = vector.load %arg3[%swap3A_2373, %swap3A_2374, %swap3A_2375] : memref<4x32x8192xf32, #tpu.memory_space<vmem>>, vector<1x32x128xf32>
    %swap3A_2377 = vector.shape_cast %swap3A_2376 : vector<1x32x128xf32> to vector<32x128xf32>
    %swap3A_2378 = vector.shape_cast %select_n3A_2372 : vector<32x128xf32> to vector<1x32x128xf32>
    tpu.vector_store %arg3[%swap3A_2373, %swap3A_2374, %swap3A_2375], %swap3A_2378 {strides = array<i32>} : memref<4x32x8192xf32, #tpu.memory_space<vmem>>, vector<1x32x128xf32>,
    %get3A_2379 = arith.constant 2 : index
    %get3A_2380 = arith.constant 12 : index
    %get3A_2381 = arith.constant 0 : index
    %get3A_2382 = vector.load %arg2[%get3A_2379, %get3A_2380, %get3A_2381] : memref<4x64x128xi32, #tpu.memory_space<vmem>>, vector<1x1x128xi32>
    %get3A_2383 = vector.shape_cast %get3A_2382 : vector<1x1x128xi32> to vector<1x128xi32>
    %broadcast_in_dim3A_2384 = vector.shape_cast %get3A_2383 : vector<1x128xi32> to vector<1x128xi32>
    %broadcast_in_dim3A_2385 = vector.broadcast %broadcast_in_dim3A_2384 : vector<1x128xi32> to vector<32x128xi32>
    %eq3A_2386 = arith.cmpi eq, %broadcast_in_dim3A_2385, %iota3A : vector<32x128xi32>
    %broadcast_in_dim3A_2387 = vector.broadcast %get3A_2 : f32 to vector<32x128xf32>
    %broadcast_in_dim3A_2388 = vector.broadcast %get3A_0 : f32 to vector<32x128xf32>
    %select_n3A_2389 = arith.select %eq3A_2386, %broadcast_in_dim3A_2387, %broadcast_in_dim3A_2388 : vector<32x128xi1>, vector<32x128xf32>
    %swap3A_2390 = arith.constant 2 : index
    %swap3A_2391 = arith.constant 0 : index
    %swap3A_2392 = arith.constant 1536 : index
    %swap3A_2393 = vector.load %arg3[%swap3A_2390, %swap3A_2391, %swap3A_2392] : memref<4x32x8192xf32, #tpu.memory_space<vmem>>, vector<1x32x128xf32>
    %swap3A_2394 = vector.shape_cast %swap3A_2393 : vector<1x32x128xf32> to vector<32x128xf32>
    %swap3A_2395 = vector.shape_cast %select_n3A_2389 : vector<32x128xf32> to vector<1x32x128xf32>
    tpu.vector_store %arg3[%swap3A_2390, %swap3A_2391, %swap3A_2392], %swap3A_2395 {strides = array<i32>} : memref<4x32x8192xf32, #tpu.memory_space<vmem>>, vector<1x32x128xf32>,
    %get3A_2396 = arith.constant 2 : index
    %get3A_2397 = arith.constant 13 : index
    %get3A_2398 = arith.constant 0 : index
    %get3A_2399 = vector.load %arg2[%get3A_2396, %get3A_2397, %get3A_2398] : memref<4x64x128xi32, #tpu.memory_space<vmem>>, vector<1x1x128xi32>
    %get3A_2400 = vector.shape_cast %get3A_2399 : vector<1x1x128xi32> to vector<1x128xi32>
    %broadcast_in_dim3A_2401 = vector.shape_cast %get3A_2400 : vector<1x128xi32> to vector<1x128xi32>
    %broadcast_in_dim3A_2402 = vector.broadcast %broadcast_in_dim3A_2401 : vector<1x128xi32> to vector<32x128xi32>
    %eq3A_2403 = arith.cmpi eq, %broadcast_in_dim3A_2402, %iota3A : vector<32x128xi32>
    %broadcast_in_dim3A_2404 = vector.broadcast %get3A_2 : f32 to vector<32x128xf32>
    %broadcast_in_dim3A_2405 = vector.broadcast %get3A_0 : f32 to vector<32x128xf32>
    %select_n3A_2406 = arith.select %eq3A_2403, %broadcast_in_dim3A_2404, %broadcast_in_dim3A_2405 : vector<32x128xi1>, vector<32x128xf32>
    %swap3A_2407 = arith.constant 2 : index
    %swap3A_2408 = arith.constant 0 : index
    %swap3A_2409 = arith.constant 1664 : index
    %swap3A_2410 = vector.load %arg3[%swap3A_2407, %swap3A_2408, %swap3A_2409] : memref<4x32x8192xf32, #tpu.memory_space<vmem>>, vector<1x32x128xf32>
    %swap3A_2411 = vector.shape_cast %swap3A_2410 : vector<1x32x128xf32> to vector<32x128xf32>
    %swap3A_2412 = vector.shape_cast %select_n3A_2406 : vector<32x128xf32> to vector<1x32x128xf32>
    tpu.vector_store %arg3[%swap3A_2407, %swap3A_2408, %swap3A_2409], %swap3A_2412 {strides = array<i32>} : memref<4x32x8192xf32, #tpu.memory_space<vmem>>, vector<1x32x128xf32>,
    %get3A_2413 = arith.constant 2 : index
    %get3A_2414 = arith.constant 14 : index
    %get3A_2415 = arith.constant 0 : index
    %get3A_2416 = vector.load %arg2[%get3A_2413, %get3A_2414, %get3A_2415] : memref<4x64x128xi32, #tpu.memory_space<vmem>>, vector<1x1x128xi32>
    %get3A_2417 = vector.shape_cast %get3A_2416 : vector<1x1x128xi32> to vector<1x128xi32>
    %broadcast_in_dim3A_2418 = vector.shape_cast %get3A_2417 : vector<1x128xi32> to vector<1x128xi32>
    %broadcast_in_dim3A_2419 = vector.broadcast %broadcast_in_dim3A_2418 : vector<1x128xi32> to vector<32x128xi32>
    %eq3A_2420 = arith.cmpi eq, %broadcast_in_dim3A_2419, %iota3A : vector<32x128xi32>
    %broadcast_in_dim3A_2421 = vector.broadcast %get3A_2 : f32 to vector<32x128xf32>
    %broadcast_in_dim3A_2422 = vector.broadcast %get3A_0 : f32 to vector<32x128xf32>
    %select_n3A_2423 = arith.select %eq3A_2420, %broadcast_in_dim3A_2421, %broadcast_in_dim3A_2422 : vector<32x128xi1>, vector<32x128xf32>
    %swap3A_2424 = arith.constant 2 : index
    %swap3A_2425 = arith.constant 0 : index
    %swap3A_2426 = arith.constant 1792 : index
    %swap3A_2427 = vector.load %arg3[%swap3A_2424, %swap3A_2425, %swap3A_2426] : memref<4x32x8192xf32, #tpu.memory_space<vmem>>, vector<1x32x128xf32>
    %swap3A_2428 = vector.shape_cast %swap3A_2427 : vector<1x32x128xf32> to vector<32x128xf32>
    %swap3A_2429 = vector.shape_cast %select_n3A_2423 : vector<32x128xf32> to vector<1x32x128xf32>
    tpu.vector_store %arg3[%swap3A_2424, %swap3A_2425, %swap3A_2426], %swap3A_2429 {strides = array<i32>} : memref<4x32x8192xf32, #tpu.memory_space<vmem>>, vector<1x32x128xf32>,
    %get3A_2430 = arith.constant 2 : index
    %get3A_2431 = arith.constant 15 : index
    %get3A_2432 = arith.constant 0 : index
    %get3A_2433 = vector.load %arg2[%get3A_2430, %get3A_2431, %get3A_2432] : memref<4x64x128xi32, #tpu.memory_space<vmem>>, vector<1x1x128xi32>
    %get3A_2434 = vector.shape_cast %get3A_2433 : vector<1x1x128xi32> to vector<1x128xi32>
    %broadcast_in_dim3A_2435 = vector.shape_cast %get3A_2434 : vector<1x128xi32> to vector<1x128xi32>
    %broadcast_in_dim3A_2436 = vector.broadcast %broadcast_in_dim3A_2435 : vector<1x128xi32> to vector<32x128xi32>
    %eq3A_2437 = arith.cmpi eq, %broadcast_in_dim3A_2436, %iota3A : vector<32x128xi32>
    %broadcast_in_dim3A_2438 = vector.broadcast %get3A_2 : f32 to vector<32x128xf32>
    %broadcast_in_dim3A_2439 = vector.broadcast %get3A_0 : f32 to vector<32x128xf32>
    %select_n3A_2440 = arith.select %eq3A_2437, %broadcast_in_dim3A_2438, %broadcast_in_dim3A_2439 : vector<32x128xi1>, vector<32x128xf32>
    %swap3A_2441 = arith.constant 2 : index
    %swap3A_2442 = arith.constant 0 : index
    %swap3A_2443 = arith.constant 1920 : index
    %swap3A_2444 = vector.load %arg3[%swap3A_2441, %swap3A_2442, %swap3A_2443] : memref<4x32x8192xf32, #tpu.memory_space<vmem>>, vector<1x32x128xf32>
    %swap3A_2445 = vector.shape_cast %swap3A_2444 : vector<1x32x128xf32> to vector<32x128xf32>
    %swap3A_2446 = vector.shape_cast %select_n3A_2440 : vector<32x128xf32> to vector<1x32x128xf32>
    tpu.vector_store %arg3[%swap3A_2441, %swap3A_2442, %swap3A_2443], %swap3A_2446 {strides = array<i32>} : memref<4x32x8192xf32, #tpu.memory_space<vmem>>, vector<1x32x128xf32>,
    %get3A_2447 = arith.constant 2 : index
    %get3A_2448 = arith.constant 16 : index
    %get3A_2449 = arith.constant 0 : index
    %get3A_2450 = vector.load %arg2[%get3A_2447, %get3A_2448, %get3A_2449] : memref<4x64x128xi32, #tpu.memory_space<vmem>>, vector<1x1x128xi32>
    %get3A_2451 = vector.shape_cast %get3A_2450 : vector<1x1x128xi32> to vector<1x128xi32>
    %broadcast_in_dim3A_2452 = vector.shape_cast %get3A_2451 : vector<1x128xi32> to vector<1x128xi32>
    %broadcast_in_dim3A_2453 = vector.broadcast %broadcast_in_dim3A_2452 : vector<1x128xi32> to vector<32x128xi32>
    %eq3A_2454 = arith.cmpi eq, %broadcast_in_dim3A_2453, %iota3A : vector<32x128xi32>
    %broadcast_in_dim3A_2455 = vector.broadcast %get3A_2 : f32 to vector<32x128xf32>
    %broadcast_in_dim3A_2456 = vector.broadcast %get3A_0 : f32 to vector<32x128xf32>
    %select_n3A_2457 = arith.select %eq3A_2454, %broadcast_in_dim3A_2455, %broadcast_in_dim3A_2456 : vector<32x128xi1>, vector<32x128xf32>
    %swap3A_2458 = arith.constant 2 : index
    %swap3A_2459 = arith.constant 0 : index
    %swap3A_2460 = arith.constant 2048 : index
    %swap3A_2461 = vector.load %arg3[%swap3A_2458, %swap3A_2459, %swap3A_2460] : memref<4x32x8192xf32, #tpu.memory_space<vmem>>, vector<1x32x128xf32>
    %swap3A_2462 = vector.shape_cast %swap3A_2461 : vector<1x32x128xf32> to vector<32x128xf32>
    %swap3A_2463 = vector.shape_cast %select_n3A_2457 : vector<32x128xf32> to vector<1x32x128xf32>
    tpu.vector_store %arg3[%swap3A_2458, %swap3A_2459, %swap3A_2460], %swap3A_2463 {strides = array<i32>} : memref<4x32x8192xf32, #tpu.memory_space<vmem>>, vector<1x32x128xf32>,
    %get3A_2464 = arith.constant 2 : index
    %get3A_2465 = arith.constant 17 : index
    %get3A_2466 = arith.constant 0 : index
    %get3A_2467 = vector.load %arg2[%get3A_2464, %get3A_2465, %get3A_2466] : memref<4x64x128xi32, #tpu.memory_space<vmem>>, vector<1x1x128xi32>
    %get3A_2468 = vector.shape_cast %get3A_2467 : vector<1x1x128xi32> to vector<1x128xi32>
    %broadcast_in_dim3A_2469 = vector.shape_cast %get3A_2468 : vector<1x128xi32> to vector<1x128xi32>
    %broadcast_in_dim3A_2470 = vector.broadcast %broadcast_in_dim3A_2469 : vector<1x128xi32> to vector<32x128xi32>
    %eq3A_2471 = arith.cmpi eq, %broadcast_in_dim3A_2470, %iota3A : vector<32x128xi32>
    %broadcast_in_dim3A_2472 = vector.broadcast %get3A_2 : f32 to vector<32x128xf32>
    %broadcast_in_dim3A_2473 = vector.broadcast %get3A_0 : f32 to vector<32x128xf32>
    %select_n3A_2474 = arith.select %eq3A_2471, %broadcast_in_dim3A_2472, %broadcast_in_dim3A_2473 : vector<32x128xi1>, vector<32x128xf32>
    %swap3A_2475 = arith.constant 2 : index
    %swap3A_2476 = arith.constant 0 : index
    %swap3A_2477 = arith.constant 2176 : index
    %swap3A_2478 = vector.load %arg3[%swap3A_2475, %swap3A_2476, %swap3A_2477] : memref<4x32x8192xf32, #tpu.memory_space<vmem>>, vector<1x32x128xf32>
    %swap3A_2479 = vector.shape_cast %swap3A_2478 : vector<1x32x128xf32> to vector<32x128xf32>
    %swap3A_2480 = vector.shape_cast %select_n3A_2474 : vector<32x128xf32> to vector<1x32x128xf32>
    tpu.vector_store %arg3[%swap3A_2475, %swap3A_2476, %swap3A_2477], %swap3A_2480 {strides = array<i32>} : memref<4x32x8192xf32, #tpu.memory_space<vmem>>, vector<1x32x128xf32>,
    %get3A_2481 = arith.constant 2 : index
    %get3A_2482 = arith.constant 18 : index
    %get3A_2483 = arith.constant 0 : index
    %get3A_2484 = vector.load %arg2[%get3A_2481, %get3A_2482, %get3A_2483] : memref<4x64x128xi32, #tpu.memory_space<vmem>>, vector<1x1x128xi32>
    %get3A_2485 = vector.shape_cast %get3A_2484 : vector<1x1x128xi32> to vector<1x128xi32>
    %broadcast_in_dim3A_2486 = vector.shape_cast %get3A_2485 : vector<1x128xi32> to vector<1x128xi32>
    %broadcast_in_dim3A_2487 = vector.broadcast %broadcast_in_dim3A_2486 : vector<1x128xi32> to vector<32x128xi32>
    %eq3A_2488 = arith.cmpi eq, %broadcast_in_dim3A_2487, %iota3A : vector<32x128xi32>
    %broadcast_in_dim3A_2489 = vector.broadcast %get3A_2 : f32 to vector<32x128xf32>
    %broadcast_in_dim3A_2490 = vector.broadcast %get3A_0 : f32 to vector<32x128xf32>
    %select_n3A_2491 = arith.select %eq3A_2488, %broadcast_in_dim3A_2489, %broadcast_in_dim3A_2490 : vector<32x128xi1>, vector<32x128xf32>
    %swap3A_2492 = arith.constant 2 : index
    %swap3A_2493 = arith.constant 0 : index
    %swap3A_2494 = arith.constant 2304 : index
    %swap3A_2495 = vector.load %arg3[%swap3A_2492, %swap3A_2493, %swap3A_2494] : memref<4x32x8192xf32, #tpu.memory_space<vmem>>, vector<1x32x128xf32>
    %swap3A_2496 = vector.shape_cast %swap3A_2495 : vector<1x32x128xf32> to vector<32x128xf32>
    %swap3A_2497 = vector.shape_cast %select_n3A_2491 : vector<32x128xf32> to vector<1x32x128xf32>
    tpu.vector_store %arg3[%swap3A_2492, %swap3A_2493, %swap3A_2494], %swap3A_2497 {strides = array<i32>} : memref<4x32x8192xf32, #tpu.memory_space<vmem>>, vector<1x32x128xf32>,
    %get3A_2498 = arith.constant 2 : index
    %get3A_2499 = arith.constant 19 : index
    %get3A_2500 = arith.constant 0 : index
    %get3A_2501 = vector.load %arg2[%get3A_2498, %get3A_2499, %get3A_2500] : memref<4x64x128xi32, #tpu.memory_space<vmem>>, vector<1x1x128xi32>
    %get3A_2502 = vector.shape_cast %get3A_2501 : vector<1x1x128xi32> to vector<1x128xi32>
    %broadcast_in_dim3A_2503 = vector.shape_cast %get3A_2502 : vector<1x128xi32> to vector<1x128xi32>
    %broadcast_in_dim3A_2504 = vector.broadcast %broadcast_in_dim3A_2503 : vector<1x128xi32> to vector<32x128xi32>
    %eq3A_2505 = arith.cmpi eq, %broadcast_in_dim3A_2504, %iota3A : vector<32x128xi32>
    %broadcast_in_dim3A_2506 = vector.broadcast %get3A_2 : f32 to vector<32x128xf32>
    %broadcast_in_dim3A_2507 = vector.broadcast %get3A_0 : f32 to vector<32x128xf32>
    %select_n3A_2508 = arith.select %eq3A_2505, %broadcast_in_dim3A_2506, %broadcast_in_dim3A_2507 : vector<32x128xi1>, vector<32x128xf32>
    %swap3A_2509 = arith.constant 2 : index
    %swap3A_2510 = arith.constant 0 : index
    %swap3A_2511 = arith.constant 2432 : index
    %swap3A_2512 = vector.load %arg3[%swap3A_2509, %swap3A_2510, %swap3A_2511] : memref<4x32x8192xf32, #tpu.memory_space<vmem>>, vector<1x32x128xf32>
    %swap3A_2513 = vector.shape_cast %swap3A_2512 : vector<1x32x128xf32> to vector<32x128xf32>
    %swap3A_2514 = vector.shape_cast %select_n3A_2508 : vector<32x128xf32> to vector<1x32x128xf32>
    tpu.vector_store %arg3[%swap3A_2509, %swap3A_2510, %swap3A_2511], %swap3A_2514 {strides = array<i32>} : memref<4x32x8192xf32, #tpu.memory_space<vmem>>, vector<1x32x128xf32>,
    %get3A_2515 = arith.constant 2 : index
    %get3A_2516 = arith.constant 20 : index
    %get3A_2517 = arith.constant 0 : index
    %get3A_2518 = vector.load %arg2[%get3A_2515, %get3A_2516, %get3A_2517] : memref<4x64x128xi32, #tpu.memory_space<vmem>>, vector<1x1x128xi32>
    %get3A_2519 = vector.shape_cast %get3A_2518 : vector<1x1x128xi32> to vector<1x128xi32>
    %broadcast_in_dim3A_2520 = vector.shape_cast %get3A_2519 : vector<1x128xi32> to vector<1x128xi32>
    %broadcast_in_dim3A_2521 = vector.broadcast %broadcast_in_dim3A_2520 : vector<1x128xi32> to vector<32x128xi32>
    %eq3A_2522 = arith.cmpi eq, %broadcast_in_dim3A_2521, %iota3A : vector<32x128xi32>
    %broadcast_in_dim3A_2523 = vector.broadcast %get3A_2 : f32 to vector<32x128xf32>
    %broadcast_in_dim3A_2524 = vector.broadcast %get3A_0 : f32 to vector<32x128xf32>
    %select_n3A_2525 = arith.select %eq3A_2522, %broadcast_in_dim3A_2523, %broadcast_in_dim3A_2524 : vector<32x128xi1>, vector<32x128xf32>
    %swap3A_2526 = arith.constant 2 : index
    %swap3A_2527 = arith.constant 0 : index
    %swap3A_2528 = arith.constant 2560 : index
    %swap3A_2529 = vector.load %arg3[%swap3A_2526, %swap3A_2527, %swap3A_2528] : memref<4x32x8192xf32, #tpu.memory_space<vmem>>, vector<1x32x128xf32>
    %swap3A_2530 = vector.shape_cast %swap3A_2529 : vector<1x32x128xf32> to vector<32x128xf32>
    %swap3A_2531 = vector.shape_cast %select_n3A_2525 : vector<32x128xf32> to vector<1x32x128xf32>
    tpu.vector_store %arg3[%swap3A_2526, %swap3A_2527, %swap3A_2528], %swap3A_2531 {strides = array<i32>} : memref<4x32x8192xf32, #tpu.memory_space<vmem>>, vector<1x32x128xf32>,
    %get3A_2532 = arith.constant 2 : index
    %get3A_2533 = arith.constant 21 : index
    %get3A_2534 = arith.constant 0 : index
    %get3A_2535 = vector.load %arg2[%get3A_2532, %get3A_2533, %get3A_2534] : memref<4x64x128xi32, #tpu.memory_space<vmem>>, vector<1x1x128xi32>
    %get3A_2536 = vector.shape_cast %get3A_2535 : vector<1x1x128xi32> to vector<1x128xi32>
    %broadcast_in_dim3A_2537 = vector.shape_cast %get3A_2536 : vector<1x128xi32> to vector<1x128xi32>
    %broadcast_in_dim3A_2538 = vector.broadcast %broadcast_in_dim3A_2537 : vector<1x128xi32> to vector<32x128xi32>
    %eq3A_2539 = arith.cmpi eq, %broadcast_in_dim3A_2538, %iota3A : vector<32x128xi32>
    %broadcast_in_dim3A_2540 = vector.broadcast %get3A_2 : f32 to vector<32x128xf32>
    %broadcast_in_dim3A_2541 = vector.broadcast %get3A_0 : f32 to vector<32x128xf32>
    %select_n3A_2542 = arith.select %eq3A_2539, %broadcast_in_dim3A_2540, %broadcast_in_dim3A_2541 : vector<32x128xi1>, vector<32x128xf32>
    %swap3A_2543 = arith.constant 2 : index
    %swap3A_2544 = arith.constant 0 : index
    %swap3A_2545 = arith.constant 2688 : index
    %swap3A_2546 = vector.load %arg3[%swap3A_2543, %swap3A_2544, %swap3A_2545] : memref<4x32x8192xf32, #tpu.memory_space<vmem>>, vector<1x32x128xf32>
    %swap3A_2547 = vector.shape_cast %swap3A_2546 : vector<1x32x128xf32> to vector<32x128xf32>
    %swap3A_2548 = vector.shape_cast %select_n3A_2542 : vector<32x128xf32> to vector<1x32x128xf32>
    tpu.vector_store %arg3[%swap3A_2543, %swap3A_2544, %swap3A_2545], %swap3A_2548 {strides = array<i32>} : memref<4x32x8192xf32, #tpu.memory_space<vmem>>, vector<1x32x128xf32>,
    %get3A_2549 = arith.constant 2 : index
    %get3A_2550 = arith.constant 22 : index
    %get3A_2551 = arith.constant 0 : index
    %get3A_2552 = vector.load %arg2[%get3A_2549, %get3A_2550, %get3A_2551] : memref<4x64x128xi32, #tpu.memory_space<vmem>>, vector<1x1x128xi32>
    %get3A_2553 = vector.shape_cast %get3A_2552 : vector<1x1x128xi32> to vector<1x128xi32>
    %broadcast_in_dim3A_2554 = vector.shape_cast %get3A_2553 : vector<1x128xi32> to vector<1x128xi32>
    %broadcast_in_dim3A_2555 = vector.broadcast %broadcast_in_dim3A_2554 : vector<1x128xi32> to vector<32x128xi32>
    %eq3A_2556 = arith.cmpi eq, %broadcast_in_dim3A_2555, %iota3A : vector<32x128xi32>
    %broadcast_in_dim3A_2557 = vector.broadcast %get3A_2 : f32 to vector<32x128xf32>
    %broadcast_in_dim3A_2558 = vector.broadcast %get3A_0 : f32 to vector<32x128xf32>
    %select_n3A_2559 = arith.select %eq3A_2556, %broadcast_in_dim3A_2557, %broadcast_in_dim3A_2558 : vector<32x128xi1>, vector<32x128xf32>
    %swap3A_2560 = arith.constant 2 : index
    %swap3A_2561 = arith.constant 0 : index
    %swap3A_2562 = arith.constant 2816 : index
    %swap3A_2563 = vector.load %arg3[%swap3A_2560, %swap3A_2561, %swap3A_2562] : memref<4x32x8192xf32, #tpu.memory_space<vmem>>, vector<1x32x128xf32>
    %swap3A_2564 = vector.shape_cast %swap3A_2563 : vector<1x32x128xf32> to vector<32x128xf32>
    %swap3A_2565 = vector.shape_cast %select_n3A_2559 : vector<32x128xf32> to vector<1x32x128xf32>
    tpu.vector_store %arg3[%swap3A_2560, %swap3A_2561, %swap3A_2562], %swap3A_2565 {strides = array<i32>} : memref<4x32x8192xf32, #tpu.memory_space<vmem>>, vector<1x32x128xf32>,
    %get3A_2566 = arith.constant 2 : index
    %get3A_2567 = arith.constant 23 : index
    %get3A_2568 = arith.constant 0 : index
    %get3A_2569 = vector.load %arg2[%get3A_2566, %get3A_2567, %get3A_2568] : memref<4x64x128xi32, #tpu.memory_space<vmem>>, vector<1x1x128xi32>
    %get3A_2570 = vector.shape_cast %get3A_2569 : vector<1x1x128xi32> to vector<1x128xi32>
    %broadcast_in_dim3A_2571 = vector.shape_cast %get3A_2570 : vector<1x128xi32> to vector<1x128xi32>
    %broadcast_in_dim3A_2572 = vector.broadcast %broadcast_in_dim3A_2571 : vector<1x128xi32> to vector<32x128xi32>
    %eq3A_2573 = arith.cmpi eq, %broadcast_in_dim3A_2572, %iota3A : vector<32x128xi32>
    %broadcast_in_dim3A_2574 = vector.broadcast %get3A_2 : f32 to vector<32x128xf32>
    %broadcast_in_dim3A_2575 = vector.broadcast %get3A_0 : f32 to vector<32x128xf32>
    %select_n3A_2576 = arith.select %eq3A_2573, %broadcast_in_dim3A_2574, %broadcast_in_dim3A_2575 : vector<32x128xi1>, vector<32x128xf32>
    %swap3A_2577 = arith.constant 2 : index
    %swap3A_2578 = arith.constant 0 : index
    %swap3A_2579 = arith.constant 2944 : index
    %swap3A_2580 = vector.load %arg3[%swap3A_2577, %swap3A_2578, %swap3A_2579] : memref<4x32x8192xf32, #tpu.memory_space<vmem>>, vector<1x32x128xf32>
    %swap3A_2581 = vector.shape_cast %swap3A_2580 : vector<1x32x128xf32> to vector<32x128xf32>
    %swap3A_2582 = vector.shape_cast %select_n3A_2576 : vector<32x128xf32> to vector<1x32x128xf32>
    tpu.vector_store %arg3[%swap3A_2577, %swap3A_2578, %swap3A_2579], %swap3A_2582 {strides = array<i32>} : memref<4x32x8192xf32, #tpu.memory_space<vmem>>, vector<1x32x128xf32>,
    %get3A_2583 = arith.constant 2 : index
    %get3A_2584 = arith.constant 24 : index
    %get3A_2585 = arith.constant 0 : index
    %get3A_2586 = vector.load %arg2[%get3A_2583, %get3A_2584, %get3A_2585] : memref<4x64x128xi32, #tpu.memory_space<vmem>>, vector<1x1x128xi32>
    %get3A_2587 = vector.shape_cast %get3A_2586 : vector<1x1x128xi32> to vector<1x128xi32>
    %broadcast_in_dim3A_2588 = vector.shape_cast %get3A_2587 : vector<1x128xi32> to vector<1x128xi32>
    %broadcast_in_dim3A_2589 = vector.broadcast %broadcast_in_dim3A_2588 : vector<1x128xi32> to vector<32x128xi32>
    %eq3A_2590 = arith.cmpi eq, %broadcast_in_dim3A_2589, %iota3A : vector<32x128xi32>
    %broadcast_in_dim3A_2591 = vector.broadcast %get3A_2 : f32 to vector<32x128xf32>
    %broadcast_in_dim3A_2592 = vector.broadcast %get3A_0 : f32 to vector<32x128xf32>
    %select_n3A_2593 = arith.select %eq3A_2590, %broadcast_in_dim3A_2591, %broadcast_in_dim3A_2592 : vector<32x128xi1>, vector<32x128xf32>
    %swap3A_2594 = arith.constant 2 : index
    %swap3A_2595 = arith.constant 0 : index
    %swap3A_2596 = arith.constant 3072 : index
    %swap3A_2597 = vector.load %arg3[%swap3A_2594, %swap3A_2595, %swap3A_2596] : memref<4x32x8192xf32, #tpu.memory_space<vmem>>, vector<1x32x128xf32>
    %swap3A_2598 = vector.shape_cast %swap3A_2597 : vector<1x32x128xf32> to vector<32x128xf32>
    %swap3A_2599 = vector.shape_cast %select_n3A_2593 : vector<32x128xf32> to vector<1x32x128xf32>
    tpu.vector_store %arg3[%swap3A_2594, %swap3A_2595, %swap3A_2596], %swap3A_2599 {strides = array<i32>} : memref<4x32x8192xf32, #tpu.memory_space<vmem>>, vector<1x32x128xf32>,
    %get3A_2600 = arith.constant 2 : index
    %get3A_2601 = arith.constant 25 : index
    %get3A_2602 = arith.constant 0 : index
    %get3A_2603 = vector.load %arg2[%get3A_2600, %get3A_2601, %get3A_2602] : memref<4x64x128xi32, #tpu.memory_space<vmem>>, vector<1x1x128xi32>
    %get3A_2604 = vector.shape_cast %get3A_2603 : vector<1x1x128xi32> to vector<1x128xi32>
    %broadcast_in_dim3A_2605 = vector.shape_cast %get3A_2604 : vector<1x128xi32> to vector<1x128xi32>
    %broadcast_in_dim3A_2606 = vector.broadcast %broadcast_in_dim3A_2605 : vector<1x128xi32> to vector<32x128xi32>
    %eq3A_2607 = arith.cmpi eq, %broadcast_in_dim3A_2606, %iota3A : vector<32x128xi32>
    %broadcast_in_dim3A_2608 = vector.broadcast %get3A_2 : f32 to vector<32x128xf32>
    %broadcast_in_dim3A_2609 = vector.broadcast %get3A_0 : f32 to vector<32x128xf32>
    %select_n3A_2610 = arith.select %eq3A_2607, %broadcast_in_dim3A_2608, %broadcast_in_dim3A_2609 : vector<32x128xi1>, vector<32x128xf32>
    %swap3A_2611 = arith.constant 2 : index
    %swap3A_2612 = arith.constant 0 : index
    %swap3A_2613 = arith.constant 3200 : index
    %swap3A_2614 = vector.load %arg3[%swap3A_2611, %swap3A_2612, %swap3A_2613] : memref<4x32x8192xf32, #tpu.memory_space<vmem>>, vector<1x32x128xf32>
    %swap3A_2615 = vector.shape_cast %swap3A_2614 : vector<1x32x128xf32> to vector<32x128xf32>
    %swap3A_2616 = vector.shape_cast %select_n3A_2610 : vector<32x128xf32> to vector<1x32x128xf32>
    tpu.vector_store %arg3[%swap3A_2611, %swap3A_2612, %swap3A_2613], %swap3A_2616 {strides = array<i32>} : memref<4x32x8192xf32, #tpu.memory_space<vmem>>, vector<1x32x128xf32>,
    %get3A_2617 = arith.constant 2 : index
    %get3A_2618 = arith.constant 26 : index
    %get3A_2619 = arith.constant 0 : index
    %get3A_2620 = vector.load %arg2[%get3A_2617, %get3A_2618, %get3A_2619] : memref<4x64x128xi32, #tpu.memory_space<vmem>>, vector<1x1x128xi32>
    %get3A_2621 = vector.shape_cast %get3A_2620 : vector<1x1x128xi32> to vector<1x128xi32>
    %broadcast_in_dim3A_2622 = vector.shape_cast %get3A_2621 : vector<1x128xi32> to vector<1x128xi32>
    %broadcast_in_dim3A_2623 = vector.broadcast %broadcast_in_dim3A_2622 : vector<1x128xi32> to vector<32x128xi32>
    %eq3A_2624 = arith.cmpi eq, %broadcast_in_dim3A_2623, %iota3A : vector<32x128xi32>
    %broadcast_in_dim3A_2625 = vector.broadcast %get3A_2 : f32 to vector<32x128xf32>
    %broadcast_in_dim3A_2626 = vector.broadcast %get3A_0 : f32 to vector<32x128xf32>
    %select_n3A_2627 = arith.select %eq3A_2624, %broadcast_in_dim3A_2625, %broadcast_in_dim3A_2626 : vector<32x128xi1>, vector<32x128xf32>
    %swap3A_2628 = arith.constant 2 : index
    %swap3A_2629 = arith.constant 0 : index
    %swap3A_2630 = arith.constant 3328 : index
    %swap3A_2631 = vector.load %arg3[%swap3A_2628, %swap3A_2629, %swap3A_2630] : memref<4x32x8192xf32, #tpu.memory_space<vmem>>, vector<1x32x128xf32>
    %swap3A_2632 = vector.shape_cast %swap3A_2631 : vector<1x32x128xf32> to vector<32x128xf32>
    %swap3A_2633 = vector.shape_cast %select_n3A_2627 : vector<32x128xf32> to vector<1x32x128xf32>
    tpu.vector_store %arg3[%swap3A_2628, %swap3A_2629, %swap3A_2630], %swap3A_2633 {strides = array<i32>} : memref<4x32x8192xf32, #tpu.memory_space<vmem>>, vector<1x32x128xf32>,
    %get3A_2634 = arith.constant 2 : index
    %get3A_2635 = arith.constant 27 : index
    %get3A_2636 = arith.constant 0 : index
    %get3A_2637 = vector.load %arg2[%get3A_2634, %get3A_2635, %get3A_2636] : memref<4x64x128xi32, #tpu.memory_space<vmem>>, vector<1x1x128xi32>
    %get3A_2638 = vector.shape_cast %get3A_2637 : vector<1x1x128xi32> to vector<1x128xi32>
    %broadcast_in_dim3A_2639 = vector.shape_cast %get3A_2638 : vector<1x128xi32> to vector<1x128xi32>
    %broadcast_in_dim3A_2640 = vector.broadcast %broadcast_in_dim3A_2639 : vector<1x128xi32> to vector<32x128xi32>
    %eq3A_2641 = arith.cmpi eq, %broadcast_in_dim3A_2640, %iota3A : vector<32x128xi32>
    %broadcast_in_dim3A_2642 = vector.broadcast %get3A_2 : f32 to vector<32x128xf32>
    %broadcast_in_dim3A_2643 = vector.broadcast %get3A_0 : f32 to vector<32x128xf32>
    %select_n3A_2644 = arith.select %eq3A_2641, %broadcast_in_dim3A_2642, %broadcast_in_dim3A_2643 : vector<32x128xi1>, vector<32x128xf32>
    %swap3A_2645 = arith.constant 2 : index
    %swap3A_2646 = arith.constant 0 : index
    %swap3A_2647 = arith.constant 3456 : index
    %swap3A_2648 = vector.load %arg3[%swap3A_2645, %swap3A_2646, %swap3A_2647] : memref<4x32x8192xf32, #tpu.memory_space<vmem>>, vector<1x32x128xf32>
    %swap3A_2649 = vector.shape_cast %swap3A_2648 : vector<1x32x128xf32> to vector<32x128xf32>
    %swap3A_2650 = vector.shape_cast %select_n3A_2644 : vector<32x128xf32> to vector<1x32x128xf32>
    tpu.vector_store %arg3[%swap3A_2645, %swap3A_2646, %swap3A_2647], %swap3A_2650 {strides = array<i32>} : memref<4x32x8192xf32, #tpu.memory_space<vmem>>, vector<1x32x128xf32>,
    %get3A_2651 = arith.constant 2 : index
    %get3A_2652 = arith.constant 28 : index
    %get3A_2653 = arith.constant 0 : index
    %get3A_2654 = vector.load %arg2[%get3A_2651, %get3A_2652, %get3A_2653] : memref<4x64x128xi32, #tpu.memory_space<vmem>>, vector<1x1x128xi32>
    %get3A_2655 = vector.shape_cast %get3A_2654 : vector<1x1x128xi32> to vector<1x128xi32>
    %broadcast_in_dim3A_2656 = vector.shape_cast %get3A_2655 : vector<1x128xi32> to vector<1x128xi32>
    %broadcast_in_dim3A_2657 = vector.broadcast %broadcast_in_dim3A_2656 : vector<1x128xi32> to vector<32x128xi32>
    %eq3A_2658 = arith.cmpi eq, %broadcast_in_dim3A_2657, %iota3A : vector<32x128xi32>
    %broadcast_in_dim3A_2659 = vector.broadcast %get3A_2 : f32 to vector<32x128xf32>
    %broadcast_in_dim3A_2660 = vector.broadcast %get3A_0 : f32 to vector<32x128xf32>
    %select_n3A_2661 = arith.select %eq3A_2658, %broadcast_in_dim3A_2659, %broadcast_in_dim3A_2660 : vector<32x128xi1>, vector<32x128xf32>
    %swap3A_2662 = arith.constant 2 : index
    %swap3A_2663 = arith.constant 0 : index
    %swap3A_2664 = arith.constant 3584 : index
    %swap3A_2665 = vector.load %arg3[%swap3A_2662, %swap3A_2663, %swap3A_2664] : memref<4x32x8192xf32, #tpu.memory_space<vmem>>, vector<1x32x128xf32>
    %swap3A_2666 = vector.shape_cast %swap3A_2665 : vector<1x32x128xf32> to vector<32x128xf32>
    %swap3A_2667 = vector.shape_cast %select_n3A_2661 : vector<32x128xf32> to vector<1x32x128xf32>
    tpu.vector_store %arg3[%swap3A_2662, %swap3A_2663, %swap3A_2664], %swap3A_2667 {strides = array<i32>} : memref<4x32x8192xf32, #tpu.memory_space<vmem>>, vector<1x32x128xf32>,
    %get3A_2668 = arith.constant 2 : index
    %get3A_2669 = arith.constant 29 : index
    %get3A_2670 = arith.constant 0 : index
    %get3A_2671 = vector.load %arg2[%get3A_2668, %get3A_2669, %get3A_2670] : memref<4x64x128xi32, #tpu.memory_space<vmem>>, vector<1x1x128xi32>
    %get3A_2672 = vector.shape_cast %get3A_2671 : vector<1x1x128xi32> to vector<1x128xi32>
    %broadcast_in_dim3A_2673 = vector.shape_cast %get3A_2672 : vector<1x128xi32> to vector<1x128xi32>
    %broadcast_in_dim3A_2674 = vector.broadcast %broadcast_in_dim3A_2673 : vector<1x128xi32> to vector<32x128xi32>
    %eq3A_2675 = arith.cmpi eq, %broadcast_in_dim3A_2674, %iota3A : vector<32x128xi32>
    %broadcast_in_dim3A_2676 = vector.broadcast %get3A_2 : f32 to vector<32x128xf32>
    %broadcast_in_dim3A_2677 = vector.broadcast %get3A_0 : f32 to vector<32x128xf32>
    %select_n3A_2678 = arith.select %eq3A_2675, %broadcast_in_dim3A_2676, %broadcast_in_dim3A_2677 : vector<32x128xi1>, vector<32x128xf32>
    %swap3A_2679 = arith.constant 2 : index
    %swap3A_2680 = arith.constant 0 : index
    %swap3A_2681 = arith.constant 3712 : index
    %swap3A_2682 = vector.load %arg3[%swap3A_2679, %swap3A_2680, %swap3A_2681] : memref<4x32x8192xf32, #tpu.memory_space<vmem>>, vector<1x32x128xf32>
    %swap3A_2683 = vector.shape_cast %swap3A_2682 : vector<1x32x128xf32> to vector<32x128xf32>
    %swap3A_2684 = vector.shape_cast %select_n3A_2678 : vector<32x128xf32> to vector<1x32x128xf32>
    tpu.vector_store %arg3[%swap3A_2679, %swap3A_2680, %swap3A_2681], %swap3A_2684 {strides = array<i32>} : memref<4x32x8192xf32, #tpu.memory_space<vmem>>, vector<1x32x128xf32>,
    %get3A_2685 = arith.constant 2 : index
    %get3A_2686 = arith.constant 30 : index
    %get3A_2687 = arith.constant 0 : index
    %get3A_2688 = vector.load %arg2[%get3A_2685, %get3A_2686, %get3A_2687] : memref<4x64x128xi32, #tpu.memory_space<vmem>>, vector<1x1x128xi32>
    %get3A_2689 = vector.shape_cast %get3A_2688 : vector<1x1x128xi32> to vector<1x128xi32>
    %broadcast_in_dim3A_2690 = vector.shape_cast %get3A_2689 : vector<1x128xi32> to vector<1x128xi32>
    %broadcast_in_dim3A_2691 = vector.broadcast %broadcast_in_dim3A_2690 : vector<1x128xi32> to vector<32x128xi32>
    %eq3A_2692 = arith.cmpi eq, %broadcast_in_dim3A_2691, %iota3A : vector<32x128xi32>
    %broadcast_in_dim3A_2693 = vector.broadcast %get3A_2 : f32 to vector<32x128xf32>
    %broadcast_in_dim3A_2694 = vector.broadcast %get3A_0 : f32 to vector<32x128xf32>
    %select_n3A_2695 = arith.select %eq3A_2692, %broadcast_in_dim3A_2693, %broadcast_in_dim3A_2694 : vector<32x128xi1>, vector<32x128xf32>
    %swap3A_2696 = arith.constant 2 : index
    %swap3A_2697 = arith.constant 0 : index
    %swap3A_2698 = arith.constant 3840 : index
    %swap3A_2699 = vector.load %arg3[%swap3A_2696, %swap3A_2697, %swap3A_2698] : memref<4x32x8192xf32, #tpu.memory_space<vmem>>, vector<1x32x128xf32>
    %swap3A_2700 = vector.shape_cast %swap3A_2699 : vector<1x32x128xf32> to vector<32x128xf32>
    %swap3A_2701 = vector.shape_cast %select_n3A_2695 : vector<32x128xf32> to vector<1x32x128xf32>
    tpu.vector_store %arg3[%swap3A_2696, %swap3A_2697, %swap3A_2698], %swap3A_2701 {strides = array<i32>} : memref<4x32x8192xf32, #tpu.memory_space<vmem>>, vector<1x32x128xf32>,
    %get3A_2702 = arith.constant 2 : index
    %get3A_2703 = arith.constant 31 : index
    %get3A_2704 = arith.constant 0 : index
    %get3A_2705 = vector.load %arg2[%get3A_2702, %get3A_2703, %get3A_2704] : memref<4x64x128xi32, #tpu.memory_space<vmem>>, vector<1x1x128xi32>
    %get3A_2706 = vector.shape_cast %get3A_2705 : vector<1x1x128xi32> to vector<1x128xi32>
    %broadcast_in_dim3A_2707 = vector.shape_cast %get3A_2706 : vector<1x128xi32> to vector<1x128xi32>
    %broadcast_in_dim3A_2708 = vector.broadcast %broadcast_in_dim3A_2707 : vector<1x128xi32> to vector<32x128xi32>
    %eq3A_2709 = arith.cmpi eq, %broadcast_in_dim3A_2708, %iota3A : vector<32x128xi32>
    %broadcast_in_dim3A_2710 = vector.broadcast %get3A_2 : f32 to vector<32x128xf32>
    %broadcast_in_dim3A_2711 = vector.broadcast %get3A_0 : f32 to vector<32x128xf32>
    %select_n3A_2712 = arith.select %eq3A_2709, %broadcast_in_dim3A_2710, %broadcast_in_dim3A_2711 : vector<32x128xi1>, vector<32x128xf32>
    %swap3A_2713 = arith.constant 2 : index
    %swap3A_2714 = arith.constant 0 : index
    %swap3A_2715 = arith.constant 3968 : index
    %swap3A_2716 = vector.load %arg3[%swap3A_2713, %swap3A_2714, %swap3A_2715] : memref<4x32x8192xf32, #tpu.memory_space<vmem>>, vector<1x32x128xf32>
    %swap3A_2717 = vector.shape_cast %swap3A_2716 : vector<1x32x128xf32> to vector<32x128xf32>
    %swap3A_2718 = vector.shape_cast %select_n3A_2712 : vector<32x128xf32> to vector<1x32x128xf32>
    tpu.vector_store %arg3[%swap3A_2713, %swap3A_2714, %swap3A_2715], %swap3A_2718 {strides = array<i32>} : memref<4x32x8192xf32, #tpu.memory_space<vmem>>, vector<1x32x128xf32>,
    %get3A_2719 = arith.constant 2 : index
    %get3A_2720 = arith.constant 32 : index
    %get3A_2721 = arith.constant 0 : index
    %get3A_2722 = vector.load %arg2[%get3A_2719, %get3A_2720, %get3A_2721] : memref<4x64x128xi32, #tpu.memory_space<vmem>>, vector<1x1x128xi32>
    %get3A_2723 = vector.shape_cast %get3A_2722 : vector<1x1x128xi32> to vector<1x128xi32>
    %broadcast_in_dim3A_2724 = vector.shape_cast %get3A_2723 : vector<1x128xi32> to vector<1x128xi32>
    %broadcast_in_dim3A_2725 = vector.broadcast %broadcast_in_dim3A_2724 : vector<1x128xi32> to vector<32x128xi32>
    %eq3A_2726 = arith.cmpi eq, %broadcast_in_dim3A_2725, %iota3A : vector<32x128xi32>
    %broadcast_in_dim3A_2727 = vector.broadcast %get3A_2 : f32 to vector<32x128xf32>
    %broadcast_in_dim3A_2728 = vector.broadcast %get3A_0 : f32 to vector<32x128xf32>
    %select_n3A_2729 = arith.select %eq3A_2726, %broadcast_in_dim3A_2727, %broadcast_in_dim3A_2728 : vector<32x128xi1>, vector<32x128xf32>
    %swap3A_2730 = arith.constant 2 : index
    %swap3A_2731 = arith.constant 0 : index
    %swap3A_2732 = arith.constant 4096 : index
    %swap3A_2733 = vector.load %arg3[%swap3A_2730, %swap3A_2731, %swap3A_2732] : memref<4x32x8192xf32, #tpu.memory_space<vmem>>, vector<1x32x128xf32>
    %swap3A_2734 = vector.shape_cast %swap3A_2733 : vector<1x32x128xf32> to vector<32x128xf32>
    %swap3A_2735 = vector.shape_cast %select_n3A_2729 : vector<32x128xf32> to vector<1x32x128xf32>
    tpu.vector_store %arg3[%swap3A_2730, %swap3A_2731, %swap3A_2732], %swap3A_2735 {strides = array<i32>} : memref<4x32x8192xf32, #tpu.memory_space<vmem>>, vector<1x32x128xf32>,
    %get3A_2736 = arith.constant 2 : index
    %get3A_2737 = arith.constant 33 : index
    %get3A_2738 = arith.constant 0 : index
    %get3A_2739 = vector.load %arg2[%get3A_2736, %get3A_2737, %get3A_2738] : memref<4x64x128xi32, #tpu.memory_space<vmem>>, vector<1x1x128xi32>
    %get3A_2740 = vector.shape_cast %get3A_2739 : vector<1x1x128xi32> to vector<1x128xi32>
    %broadcast_in_dim3A_2741 = vector.shape_cast %get3A_2740 : vector<1x128xi32> to vector<1x128xi32>
    %broadcast_in_dim3A_2742 = vector.broadcast %broadcast_in_dim3A_2741 : vector<1x128xi32> to vector<32x128xi32>
    %eq3A_2743 = arith.cmpi eq, %broadcast_in_dim3A_2742, %iota3A : vector<32x128xi32>
    %broadcast_in_dim3A_2744 = vector.broadcast %get3A_2 : f32 to vector<32x128xf32>
    %broadcast_in_dim3A_2745 = vector.broadcast %get3A_0 : f32 to vector<32x128xf32>
    %select_n3A_2746 = arith.select %eq3A_2743, %broadcast_in_dim3A_2744, %broadcast_in_dim3A_2745 : vector<32x128xi1>, vector<32x128xf32>
    %swap3A_2747 = arith.constant 2 : index
    %swap3A_2748 = arith.constant 0 : index
    %swap3A_2749 = arith.constant 4224 : index
    %swap3A_2750 = vector.load %arg3[%swap3A_2747, %swap3A_2748, %swap3A_2749] : memref<4x32x8192xf32, #tpu.memory_space<vmem>>, vector<1x32x128xf32>
    %swap3A_2751 = vector.shape_cast %swap3A_2750 : vector<1x32x128xf32> to vector<32x128xf32>
    %swap3A_2752 = vector.shape_cast %select_n3A_2746 : vector<32x128xf32> to vector<1x32x128xf32>
    tpu.vector_store %arg3[%swap3A_2747, %swap3A_2748, %swap3A_2749], %swap3A_2752 {strides = array<i32>} : memref<4x32x8192xf32, #tpu.memory_space<vmem>>, vector<1x32x128xf32>,
    %get3A_2753 = arith.constant 2 : index
    %get3A_2754 = arith.constant 34 : index
    %get3A_2755 = arith.constant 0 : index
    %get3A_2756 = vector.load %arg2[%get3A_2753, %get3A_2754, %get3A_2755] : memref<4x64x128xi32, #tpu.memory_space<vmem>>, vector<1x1x128xi32>
    %get3A_2757 = vector.shape_cast %get3A_2756 : vector<1x1x128xi32> to vector<1x128xi32>
    %broadcast_in_dim3A_2758 = vector.shape_cast %get3A_2757 : vector<1x128xi32> to vector<1x128xi32>
    %broadcast_in_dim3A_2759 = vector.broadcast %broadcast_in_dim3A_2758 : vector<1x128xi32> to vector<32x128xi32>
    %eq3A_2760 = arith.cmpi eq, %broadcast_in_dim3A_2759, %iota3A : vector<32x128xi32>
    %broadcast_in_dim3A_2761 = vector.broadcast %get3A_2 : f32 to vector<32x128xf32>
    %broadcast_in_dim3A_2762 = vector.broadcast %get3A_0 : f32 to vector<32x128xf32>
    %select_n3A_2763 = arith.select %eq3A_2760, %broadcast_in_dim3A_2761, %broadcast_in_dim3A_2762 : vector<32x128xi1>, vector<32x128xf32>
    %swap3A_2764 = arith.constant 2 : index
    %swap3A_2765 = arith.constant 0 : index
    %swap3A_2766 = arith.constant 4352 : index
    %swap3A_2767 = vector.load %arg3[%swap3A_2764, %swap3A_2765, %swap3A_2766] : memref<4x32x8192xf32, #tpu.memory_space<vmem>>, vector<1x32x128xf32>
    %swap3A_2768 = vector.shape_cast %swap3A_2767 : vector<1x32x128xf32> to vector<32x128xf32>
    %swap3A_2769 = vector.shape_cast %select_n3A_2763 : vector<32x128xf32> to vector<1x32x128xf32>
    tpu.vector_store %arg3[%swap3A_2764, %swap3A_2765, %swap3A_2766], %swap3A_2769 {strides = array<i32>} : memref<4x32x8192xf32, #tpu.memory_space<vmem>>, vector<1x32x128xf32>,
    %get3A_2770 = arith.constant 2 : index
    %get3A_2771 = arith.constant 35 : index
    %get3A_2772 = arith.constant 0 : index
    %get3A_2773 = vector.load %arg2[%get3A_2770, %get3A_2771, %get3A_2772] : memref<4x64x128xi32, #tpu.memory_space<vmem>>, vector<1x1x128xi32>
    %get3A_2774 = vector.shape_cast %get3A_2773 : vector<1x1x128xi32> to vector<1x128xi32>
    %broadcast_in_dim3A_2775 = vector.shape_cast %get3A_2774 : vector<1x128xi32> to vector<1x128xi32>
    %broadcast_in_dim3A_2776 = vector.broadcast %broadcast_in_dim3A_2775 : vector<1x128xi32> to vector<32x128xi32>
    %eq3A_2777 = arith.cmpi eq, %broadcast_in_dim3A_2776, %iota3A : vector<32x128xi32>
    %broadcast_in_dim3A_2778 = vector.broadcast %get3A_2 : f32 to vector<32x128xf32>
    %broadcast_in_dim3A_2779 = vector.broadcast %get3A_0 : f32 to vector<32x128xf32>
    %select_n3A_2780 = arith.select %eq3A_2777, %broadcast_in_dim3A_2778, %broadcast_in_dim3A_2779 : vector<32x128xi1>, vector<32x128xf32>
    %swap3A_2781 = arith.constant 2 : index
    %swap3A_2782 = arith.constant 0 : index
    %swap3A_2783 = arith.constant 4480 : index
    %swap3A_2784 = vector.load %arg3[%swap3A_2781, %swap3A_2782, %swap3A_2783] : memref<4x32x8192xf32, #tpu.memory_space<vmem>>, vector<1x32x128xf32>
    %swap3A_2785 = vector.shape_cast %swap3A_2784 : vector<1x32x128xf32> to vector<32x128xf32>
    %swap3A_2786 = vector.shape_cast %select_n3A_2780 : vector<32x128xf32> to vector<1x32x128xf32>
    tpu.vector_store %arg3[%swap3A_2781, %swap3A_2782, %swap3A_2783], %swap3A_2786 {strides = array<i32>} : memref<4x32x8192xf32, #tpu.memory_space<vmem>>, vector<1x32x128xf32>,
    %get3A_2787 = arith.constant 2 : index
    %get3A_2788 = arith.constant 36 : index
    %get3A_2789 = arith.constant 0 : index
    %get3A_2790 = vector.load %arg2[%get3A_2787, %get3A_2788, %get3A_2789] : memref<4x64x128xi32, #tpu.memory_space<vmem>>, vector<1x1x128xi32>
    %get3A_2791 = vector.shape_cast %get3A_2790 : vector<1x1x128xi32> to vector<1x128xi32>
    %broadcast_in_dim3A_2792 = vector.shape_cast %get3A_2791 : vector<1x128xi32> to vector<1x128xi32>
    %broadcast_in_dim3A_2793 = vector.broadcast %broadcast_in_dim3A_2792 : vector<1x128xi32> to vector<32x128xi32>
    %eq3A_2794 = arith.cmpi eq, %broadcast_in_dim3A_2793, %iota3A : vector<32x128xi32>
    %broadcast_in_dim3A_2795 = vector.broadcast %get3A_2 : f32 to vector<32x128xf32>
    %broadcast_in_dim3A_2796 = vector.broadcast %get3A_0 : f32 to vector<32x128xf32>
    %select_n3A_2797 = arith.select %eq3A_2794, %broadcast_in_dim3A_2795, %broadcast_in_dim3A_2796 : vector<32x128xi1>, vector<32x128xf32>
    %swap3A_2798 = arith.constant 2 : index
    %swap3A_2799 = arith.constant 0 : index
    %swap3A_2800 = arith.constant 4608 : index
    %swap3A_2801 = vector.load %arg3[%swap3A_2798, %swap3A_2799, %swap3A_2800] : memref<4x32x8192xf32, #tpu.memory_space<vmem>>, vector<1x32x128xf32>
    %swap3A_2802 = vector.shape_cast %swap3A_2801 : vector<1x32x128xf32> to vector<32x128xf32>
    %swap3A_2803 = vector.shape_cast %select_n3A_2797 : vector<32x128xf32> to vector<1x32x128xf32>
    tpu.vector_store %arg3[%swap3A_2798, %swap3A_2799, %swap3A_2800], %swap3A_2803 {strides = array<i32>} : memref<4x32x8192xf32, #tpu.memory_space<vmem>>, vector<1x32x128xf32>,
    %get3A_2804 = arith.constant 2 : index
    %get3A_2805 = arith.constant 37 : index
    %get3A_2806 = arith.constant 0 : index
    %get3A_2807 = vector.load %arg2[%get3A_2804, %get3A_2805, %get3A_2806] : memref<4x64x128xi32, #tpu.memory_space<vmem>>, vector<1x1x128xi32>
    %get3A_2808 = vector.shape_cast %get3A_2807 : vector<1x1x128xi32> to vector<1x128xi32>
    %broadcast_in_dim3A_2809 = vector.shape_cast %get3A_2808 : vector<1x128xi32> to vector<1x128xi32>
    %broadcast_in_dim3A_2810 = vector.broadcast %broadcast_in_dim3A_2809 : vector<1x128xi32> to vector<32x128xi32>
    %eq3A_2811 = arith.cmpi eq, %broadcast_in_dim3A_2810, %iota3A : vector<32x128xi32>
    %broadcast_in_dim3A_2812 = vector.broadcast %get3A_2 : f32 to vector<32x128xf32>
    %broadcast_in_dim3A_2813 = vector.broadcast %get3A_0 : f32 to vector<32x128xf32>
    %select_n3A_2814 = arith.select %eq3A_2811, %broadcast_in_dim3A_2812, %broadcast_in_dim3A_2813 : vector<32x128xi1>, vector<32x128xf32>
    %swap3A_2815 = arith.constant 2 : index
    %swap3A_2816 = arith.constant 0 : index
    %swap3A_2817 = arith.constant 4736 : index
    %swap3A_2818 = vector.load %arg3[%swap3A_2815, %swap3A_2816, %swap3A_2817] : memref<4x32x8192xf32, #tpu.memory_space<vmem>>, vector<1x32x128xf32>
    %swap3A_2819 = vector.shape_cast %swap3A_2818 : vector<1x32x128xf32> to vector<32x128xf32>
    %swap3A_2820 = vector.shape_cast %select_n3A_2814 : vector<32x128xf32> to vector<1x32x128xf32>
    tpu.vector_store %arg3[%swap3A_2815, %swap3A_2816, %swap3A_2817], %swap3A_2820 {strides = array<i32>} : memref<4x32x8192xf32, #tpu.memory_space<vmem>>, vector<1x32x128xf32>,
    %get3A_2821 = arith.constant 2 : index
    %get3A_2822 = arith.constant 38 : index
    %get3A_2823 = arith.constant 0 : index
    %get3A_2824 = vector.load %arg2[%get3A_2821, %get3A_2822, %get3A_2823] : memref<4x64x128xi32, #tpu.memory_space<vmem>>, vector<1x1x128xi32>
    %get3A_2825 = vector.shape_cast %get3A_2824 : vector<1x1x128xi32> to vector<1x128xi32>
    %broadcast_in_dim3A_2826 = vector.shape_cast %get3A_2825 : vector<1x128xi32> to vector<1x128xi32>
    %broadcast_in_dim3A_2827 = vector.broadcast %broadcast_in_dim3A_2826 : vector<1x128xi32> to vector<32x128xi32>
    %eq3A_2828 = arith.cmpi eq, %broadcast_in_dim3A_2827, %iota3A : vector<32x128xi32>
    %broadcast_in_dim3A_2829 = vector.broadcast %get3A_2 : f32 to vector<32x128xf32>
    %broadcast_in_dim3A_2830 = vector.broadcast %get3A_0 : f32 to vector<32x128xf32>
    %select_n3A_2831 = arith.select %eq3A_2828, %broadcast_in_dim3A_2829, %broadcast_in_dim3A_2830 : vector<32x128xi1>, vector<32x128xf32>
    %swap3A_2832 = arith.constant 2 : index
    %swap3A_2833 = arith.constant 0 : index
    %swap3A_2834 = arith.constant 4864 : index
    %swap3A_2835 = vector.load %arg3[%swap3A_2832, %swap3A_2833, %swap3A_2834] : memref<4x32x8192xf32, #tpu.memory_space<vmem>>, vector<1x32x128xf32>
    %swap3A_2836 = vector.shape_cast %swap3A_2835 : vector<1x32x128xf32> to vector<32x128xf32>
    %swap3A_2837 = vector.shape_cast %select_n3A_2831 : vector<32x128xf32> to vector<1x32x128xf32>
    tpu.vector_store %arg3[%swap3A_2832, %swap3A_2833, %swap3A_2834], %swap3A_2837 {strides = array<i32>} : memref<4x32x8192xf32, #tpu.memory_space<vmem>>, vector<1x32x128xf32>,
    %get3A_2838 = arith.constant 2 : index
    %get3A_2839 = arith.constant 39 : index
    %get3A_2840 = arith.constant 0 : index
    %get3A_2841 = vector.load %arg2[%get3A_2838, %get3A_2839, %get3A_2840] : memref<4x64x128xi32, #tpu.memory_space<vmem>>, vector<1x1x128xi32>
    %get3A_2842 = vector.shape_cast %get3A_2841 : vector<1x1x128xi32> to vector<1x128xi32>
    %broadcast_in_dim3A_2843 = vector.shape_cast %get3A_2842 : vector<1x128xi32> to vector<1x128xi32>
    %broadcast_in_dim3A_2844 = vector.broadcast %broadcast_in_dim3A_2843 : vector<1x128xi32> to vector<32x128xi32>
    %eq3A_2845 = arith.cmpi eq, %broadcast_in_dim3A_2844, %iota3A : vector<32x128xi32>
    %broadcast_in_dim3A_2846 = vector.broadcast %get3A_2 : f32 to vector<32x128xf32>
    %broadcast_in_dim3A_2847 = vector.broadcast %get3A_0 : f32 to vector<32x128xf32>
    %select_n3A_2848 = arith.select %eq3A_2845, %broadcast_in_dim3A_2846, %broadcast_in_dim3A_2847 : vector<32x128xi1>, vector<32x128xf32>
    %swap3A_2849 = arith.constant 2 : index
    %swap3A_2850 = arith.constant 0 : index
    %swap3A_2851 = arith.constant 4992 : index
    %swap3A_2852 = vector.load %arg3[%swap3A_2849, %swap3A_2850, %swap3A_2851] : memref<4x32x8192xf32, #tpu.memory_space<vmem>>, vector<1x32x128xf32>
    %swap3A_2853 = vector.shape_cast %swap3A_2852 : vector<1x32x128xf32> to vector<32x128xf32>
    %swap3A_2854 = vector.shape_cast %select_n3A_2848 : vector<32x128xf32> to vector<1x32x128xf32>
    tpu.vector_store %arg3[%swap3A_2849, %swap3A_2850, %swap3A_2851], %swap3A_2854 {strides = array<i32>} : memref<4x32x8192xf32, #tpu.memory_space<vmem>>, vector<1x32x128xf32>,
    %get3A_2855 = arith.constant 2 : index
    %get3A_2856 = arith.constant 40 : index
    %get3A_2857 = arith.constant 0 : index
    %get3A_2858 = vector.load %arg2[%get3A_2855, %get3A_2856, %get3A_2857] : memref<4x64x128xi32, #tpu.memory_space<vmem>>, vector<1x1x128xi32>
    %get3A_2859 = vector.shape_cast %get3A_2858 : vector<1x1x128xi32> to vector<1x128xi32>
    %broadcast_in_dim3A_2860 = vector.shape_cast %get3A_2859 : vector<1x128xi32> to vector<1x128xi32>
    %broadcast_in_dim3A_2861 = vector.broadcast %broadcast_in_dim3A_2860 : vector<1x128xi32> to vector<32x128xi32>
    %eq3A_2862 = arith.cmpi eq, %broadcast_in_dim3A_2861, %iota3A : vector<32x128xi32>
    %broadcast_in_dim3A_2863 = vector.broadcast %get3A_2 : f32 to vector<32x128xf32>
    %broadcast_in_dim3A_2864 = vector.broadcast %get3A_0 : f32 to vector<32x128xf32>
    %select_n3A_2865 = arith.select %eq3A_2862, %broadcast_in_dim3A_2863, %broadcast_in_dim3A_2864 : vector<32x128xi1>, vector<32x128xf32>
    %swap3A_2866 = arith.constant 2 : index
    %swap3A_2867 = arith.constant 0 : index
    %swap3A_2868 = arith.constant 5120 : index
    %swap3A_2869 = vector.load %arg3[%swap3A_2866, %swap3A_2867, %swap3A_2868] : memref<4x32x8192xf32, #tpu.memory_space<vmem>>, vector<1x32x128xf32>
    %swap3A_2870 = vector.shape_cast %swap3A_2869 : vector<1x32x128xf32> to vector<32x128xf32>
    %swap3A_2871 = vector.shape_cast %select_n3A_2865 : vector<32x128xf32> to vector<1x32x128xf32>
    tpu.vector_store %arg3[%swap3A_2866, %swap3A_2867, %swap3A_2868], %swap3A_2871 {strides = array<i32>} : memref<4x32x8192xf32, #tpu.memory_space<vmem>>, vector<1x32x128xf32>,
    %get3A_2872 = arith.constant 2 : index
    %get3A_2873 = arith.constant 41 : index
    %get3A_2874 = arith.constant 0 : index
    %get3A_2875 = vector.load %arg2[%get3A_2872, %get3A_2873, %get3A_2874] : memref<4x64x128xi32, #tpu.memory_space<vmem>>, vector<1x1x128xi32>
    %get3A_2876 = vector.shape_cast %get3A_2875 : vector<1x1x128xi32> to vector<1x128xi32>
    %broadcast_in_dim3A_2877 = vector.shape_cast %get3A_2876 : vector<1x128xi32> to vector<1x128xi32>
    %broadcast_in_dim3A_2878 = vector.broadcast %broadcast_in_dim3A_2877 : vector<1x128xi32> to vector<32x128xi32>
    %eq3A_2879 = arith.cmpi eq, %broadcast_in_dim3A_2878, %iota3A : vector<32x128xi32>
    %broadcast_in_dim3A_2880 = vector.broadcast %get3A_2 : f32 to vector<32x128xf32>
    %broadcast_in_dim3A_2881 = vector.broadcast %get3A_0 : f32 to vector<32x128xf32>
    %select_n3A_2882 = arith.select %eq3A_2879, %broadcast_in_dim3A_2880, %broadcast_in_dim3A_2881 : vector<32x128xi1>, vector<32x128xf32>
    %swap3A_2883 = arith.constant 2 : index
    %swap3A_2884 = arith.constant 0 : index
    %swap3A_2885 = arith.constant 5248 : index
    %swap3A_2886 = vector.load %arg3[%swap3A_2883, %swap3A_2884, %swap3A_2885] : memref<4x32x8192xf32, #tpu.memory_space<vmem>>, vector<1x32x128xf32>
    %swap3A_2887 = vector.shape_cast %swap3A_2886 : vector<1x32x128xf32> to vector<32x128xf32>
    %swap3A_2888 = vector.shape_cast %select_n3A_2882 : vector<32x128xf32> to vector<1x32x128xf32>
    tpu.vector_store %arg3[%swap3A_2883, %swap3A_2884, %swap3A_2885], %swap3A_2888 {strides = array<i32>} : memref<4x32x8192xf32, #tpu.memory_space<vmem>>, vector<1x32x128xf32>,
    %get3A_2889 = arith.constant 2 : index
    %get3A_2890 = arith.constant 42 : index
    %get3A_2891 = arith.constant 0 : index
    %get3A_2892 = vector.load %arg2[%get3A_2889, %get3A_2890, %get3A_2891] : memref<4x64x128xi32, #tpu.memory_space<vmem>>, vector<1x1x128xi32>
    %get3A_2893 = vector.shape_cast %get3A_2892 : vector<1x1x128xi32> to vector<1x128xi32>
    %broadcast_in_dim3A_2894 = vector.shape_cast %get3A_2893 : vector<1x128xi32> to vector<1x128xi32>
    %broadcast_in_dim3A_2895 = vector.broadcast %broadcast_in_dim3A_2894 : vector<1x128xi32> to vector<32x128xi32>
    %eq3A_2896 = arith.cmpi eq, %broadcast_in_dim3A_2895, %iota3A : vector<32x128xi32>
    %broadcast_in_dim3A_2897 = vector.broadcast %get3A_2 : f32 to vector<32x128xf32>
    %broadcast_in_dim3A_2898 = vector.broadcast %get3A_0 : f32 to vector<32x128xf32>
    %select_n3A_2899 = arith.select %eq3A_2896, %broadcast_in_dim3A_2897, %broadcast_in_dim3A_2898 : vector<32x128xi1>, vector<32x128xf32>
    %swap3A_2900 = arith.constant 2 : index
    %swap3A_2901 = arith.constant 0 : index
    %swap3A_2902 = arith.constant 5376 : index
    %swap3A_2903 = vector.load %arg3[%swap3A_2900, %swap3A_2901, %swap3A_2902] : memref<4x32x8192xf32, #tpu.memory_space<vmem>>, vector<1x32x128xf32>
    %swap3A_2904 = vector.shape_cast %swap3A_2903 : vector<1x32x128xf32> to vector<32x128xf32>
    %swap3A_2905 = vector.shape_cast %select_n3A_2899 : vector<32x128xf32> to vector<1x32x128xf32>
    tpu.vector_store %arg3[%swap3A_2900, %swap3A_2901, %swap3A_2902], %swap3A_2905 {strides = array<i32>} : memref<4x32x8192xf32, #tpu.memory_space<vmem>>, vector<1x32x128xf32>,
    %get3A_2906 = arith.constant 2 : index
    %get3A_2907 = arith.constant 43 : index
    %get3A_2908 = arith.constant 0 : index
    %get3A_2909 = vector.load %arg2[%get3A_2906, %get3A_2907, %get3A_2908] : memref<4x64x128xi32, #tpu.memory_space<vmem>>, vector<1x1x128xi32>
    %get3A_2910 = vector.shape_cast %get3A_2909 : vector<1x1x128xi32> to vector<1x128xi32>
    %broadcast_in_dim3A_2911 = vector.shape_cast %get3A_2910 : vector<1x128xi32> to vector<1x128xi32>
    %broadcast_in_dim3A_2912 = vector.broadcast %broadcast_in_dim3A_2911 : vector<1x128xi32> to vector<32x128xi32>
    %eq3A_2913 = arith.cmpi eq, %broadcast_in_dim3A_2912, %iota3A : vector<32x128xi32>
    %broadcast_in_dim3A_2914 = vector.broadcast %get3A_2 : f32 to vector<32x128xf32>
    %broadcast_in_dim3A_2915 = vector.broadcast %get3A_0 : f32 to vector<32x128xf32>
    %select_n3A_2916 = arith.select %eq3A_2913, %broadcast_in_dim3A_2914, %broadcast_in_dim3A_2915 : vector<32x128xi1>, vector<32x128xf32>
    %swap3A_2917 = arith.constant 2 : index
    %swap3A_2918 = arith.constant 0 : index
    %swap3A_2919 = arith.constant 5504 : index
    %swap3A_2920 = vector.load %arg3[%swap3A_2917, %swap3A_2918, %swap3A_2919] : memref<4x32x8192xf32, #tpu.memory_space<vmem>>, vector<1x32x128xf32>
    %swap3A_2921 = vector.shape_cast %swap3A_2920 : vector<1x32x128xf32> to vector<32x128xf32>
    %swap3A_2922 = vector.shape_cast %select_n3A_2916 : vector<32x128xf32> to vector<1x32x128xf32>
    tpu.vector_store %arg3[%swap3A_2917, %swap3A_2918, %swap3A_2919], %swap3A_2922 {strides = array<i32>} : memref<4x32x8192xf32, #tpu.memory_space<vmem>>, vector<1x32x128xf32>,
    %get3A_2923 = arith.constant 2 : index
    %get3A_2924 = arith.constant 44 : index
    %get3A_2925 = arith.constant 0 : index
    %get3A_2926 = vector.load %arg2[%get3A_2923, %get3A_2924, %get3A_2925] : memref<4x64x128xi32, #tpu.memory_space<vmem>>, vector<1x1x128xi32>
    %get3A_2927 = vector.shape_cast %get3A_2926 : vector<1x1x128xi32> to vector<1x128xi32>
    %broadcast_in_dim3A_2928 = vector.shape_cast %get3A_2927 : vector<1x128xi32> to vector<1x128xi32>
    %broadcast_in_dim3A_2929 = vector.broadcast %broadcast_in_dim3A_2928 : vector<1x128xi32> to vector<32x128xi32>
    %eq3A_2930 = arith.cmpi eq, %broadcast_in_dim3A_2929, %iota3A : vector<32x128xi32>
    %broadcast_in_dim3A_2931 = vector.broadcast %get3A_2 : f32 to vector<32x128xf32>
    %broadcast_in_dim3A_2932 = vector.broadcast %get3A_0 : f32 to vector<32x128xf32>
    %select_n3A_2933 = arith.select %eq3A_2930, %broadcast_in_dim3A_2931, %broadcast_in_dim3A_2932 : vector<32x128xi1>, vector<32x128xf32>
    %swap3A_2934 = arith.constant 2 : index
    %swap3A_2935 = arith.constant 0 : index
    %swap3A_2936 = arith.constant 5632 : index
    %swap3A_2937 = vector.load %arg3[%swap3A_2934, %swap3A_2935, %swap3A_2936] : memref<4x32x8192xf32, #tpu.memory_space<vmem>>, vector<1x32x128xf32>
    %swap3A_2938 = vector.shape_cast %swap3A_2937 : vector<1x32x128xf32> to vector<32x128xf32>
    %swap3A_2939 = vector.shape_cast %select_n3A_2933 : vector<32x128xf32> to vector<1x32x128xf32>
    tpu.vector_store %arg3[%swap3A_2934, %swap3A_2935, %swap3A_2936], %swap3A_2939 {strides = array<i32>} : memref<4x32x8192xf32, #tpu.memory_space<vmem>>, vector<1x32x128xf32>,
    %get3A_2940 = arith.constant 2 : index
    %get3A_2941 = arith.constant 45 : index
    %get3A_2942 = arith.constant 0 : index
    %get3A_2943 = vector.load %arg2[%get3A_2940, %get3A_2941, %get3A_2942] : memref<4x64x128xi32, #tpu.memory_space<vmem>>, vector<1x1x128xi32>
    %get3A_2944 = vector.shape_cast %get3A_2943 : vector<1x1x128xi32> to vector<1x128xi32>
    %broadcast_in_dim3A_2945 = vector.shape_cast %get3A_2944 : vector<1x128xi32> to vector<1x128xi32>
    %broadcast_in_dim3A_2946 = vector.broadcast %broadcast_in_dim3A_2945 : vector<1x128xi32> to vector<32x128xi32>
    %eq3A_2947 = arith.cmpi eq, %broadcast_in_dim3A_2946, %iota3A : vector<32x128xi32>
    %broadcast_in_dim3A_2948 = vector.broadcast %get3A_2 : f32 to vector<32x128xf32>
    %broadcast_in_dim3A_2949 = vector.broadcast %get3A_0 : f32 to vector<32x128xf32>
    %select_n3A_2950 = arith.select %eq3A_2947, %broadcast_in_dim3A_2948, %broadcast_in_dim3A_2949 : vector<32x128xi1>, vector<32x128xf32>
    %swap3A_2951 = arith.constant 2 : index
    %swap3A_2952 = arith.constant 0 : index
    %swap3A_2953 = arith.constant 5760 : index
    %swap3A_2954 = vector.load %arg3[%swap3A_2951, %swap3A_2952, %swap3A_2953] : memref<4x32x8192xf32, #tpu.memory_space<vmem>>, vector<1x32x128xf32>
    %swap3A_2955 = vector.shape_cast %swap3A_2954 : vector<1x32x128xf32> to vector<32x128xf32>
    %swap3A_2956 = vector.shape_cast %select_n3A_2950 : vector<32x128xf32> to vector<1x32x128xf32>
    tpu.vector_store %arg3[%swap3A_2951, %swap3A_2952, %swap3A_2953], %swap3A_2956 {strides = array<i32>} : memref<4x32x8192xf32, #tpu.memory_space<vmem>>, vector<1x32x128xf32>,
    %get3A_2957 = arith.constant 2 : index
    %get3A_2958 = arith.constant 46 : index
    %get3A_2959 = arith.constant 0 : index
    %get3A_2960 = vector.load %arg2[%get3A_2957, %get3A_2958, %get3A_2959] : memref<4x64x128xi32, #tpu.memory_space<vmem>>, vector<1x1x128xi32>
    %get3A_2961 = vector.shape_cast %get3A_2960 : vector<1x1x128xi32> to vector<1x128xi32>
    %broadcast_in_dim3A_2962 = vector.shape_cast %get3A_2961 : vector<1x128xi32> to vector<1x128xi32>
    %broadcast_in_dim3A_2963 = vector.broadcast %broadcast_in_dim3A_2962 : vector<1x128xi32> to vector<32x128xi32>
    %eq3A_2964 = arith.cmpi eq, %broadcast_in_dim3A_2963, %iota3A : vector<32x128xi32>
    %broadcast_in_dim3A_2965 = vector.broadcast %get3A_2 : f32 to vector<32x128xf32>
    %broadcast_in_dim3A_2966 = vector.broadcast %get3A_0 : f32 to vector<32x128xf32>
    %select_n3A_2967 = arith.select %eq3A_2964, %broadcast_in_dim3A_2965, %broadcast_in_dim3A_2966 : vector<32x128xi1>, vector<32x128xf32>
    %swap3A_2968 = arith.constant 2 : index
    %swap3A_2969 = arith.constant 0 : index
    %swap3A_2970 = arith.constant 5888 : index
    %swap3A_2971 = vector.load %arg3[%swap3A_2968, %swap3A_2969, %swap3A_2970] : memref<4x32x8192xf32, #tpu.memory_space<vmem>>, vector<1x32x128xf32>
    %swap3A_2972 = vector.shape_cast %swap3A_2971 : vector<1x32x128xf32> to vector<32x128xf32>
    %swap3A_2973 = vector.shape_cast %select_n3A_2967 : vector<32x128xf32> to vector<1x32x128xf32>
    tpu.vector_store %arg3[%swap3A_2968, %swap3A_2969, %swap3A_2970], %swap3A_2973 {strides = array<i32>} : memref<4x32x8192xf32, #tpu.memory_space<vmem>>, vector<1x32x128xf32>,
    %get3A_2974 = arith.constant 2 : index
    %get3A_2975 = arith.constant 47 : index
    %get3A_2976 = arith.constant 0 : index
    %get3A_2977 = vector.load %arg2[%get3A_2974, %get3A_2975, %get3A_2976] : memref<4x64x128xi32, #tpu.memory_space<vmem>>, vector<1x1x128xi32>
    %get3A_2978 = vector.shape_cast %get3A_2977 : vector<1x1x128xi32> to vector<1x128xi32>
    %broadcast_in_dim3A_2979 = vector.shape_cast %get3A_2978 : vector<1x128xi32> to vector<1x128xi32>
    %broadcast_in_dim3A_2980 = vector.broadcast %broadcast_in_dim3A_2979 : vector<1x128xi32> to vector<32x128xi32>
    %eq3A_2981 = arith.cmpi eq, %broadcast_in_dim3A_2980, %iota3A : vector<32x128xi32>
    %broadcast_in_dim3A_2982 = vector.broadcast %get3A_2 : f32 to vector<32x128xf32>
    %broadcast_in_dim3A_2983 = vector.broadcast %get3A_0 : f32 to vector<32x128xf32>
    %select_n3A_2984 = arith.select %eq3A_2981, %broadcast_in_dim3A_2982, %broadcast_in_dim3A_2983 : vector<32x128xi1>, vector<32x128xf32>
    %swap3A_2985 = arith.constant 2 : index
    %swap3A_2986 = arith.constant 0 : index
    %swap3A_2987 = arith.constant 6016 : index
    %swap3A_2988 = vector.load %arg3[%swap3A_2985, %swap3A_2986, %swap3A_2987] : memref<4x32x8192xf32, #tpu.memory_space<vmem>>, vector<1x32x128xf32>
    %swap3A_2989 = vector.shape_cast %swap3A_2988 : vector<1x32x128xf32> to vector<32x128xf32>
    %swap3A_2990 = vector.shape_cast %select_n3A_2984 : vector<32x128xf32> to vector<1x32x128xf32>
    tpu.vector_store %arg3[%swap3A_2985, %swap3A_2986, %swap3A_2987], %swap3A_2990 {strides = array<i32>} : memref<4x32x8192xf32, #tpu.memory_space<vmem>>, vector<1x32x128xf32>,
    %get3A_2991 = arith.constant 2 : index
    %get3A_2992 = arith.constant 48 : index
    %get3A_2993 = arith.constant 0 : index
    %get3A_2994 = vector.load %arg2[%get3A_2991, %get3A_2992, %get3A_2993] : memref<4x64x128xi32, #tpu.memory_space<vmem>>, vector<1x1x128xi32>
    %get3A_2995 = vector.shape_cast %get3A_2994 : vector<1x1x128xi32> to vector<1x128xi32>
    %broadcast_in_dim3A_2996 = vector.shape_cast %get3A_2995 : vector<1x128xi32> to vector<1x128xi32>
    %broadcast_in_dim3A_2997 = vector.broadcast %broadcast_in_dim3A_2996 : vector<1x128xi32> to vector<32x128xi32>
    %eq3A_2998 = arith.cmpi eq, %broadcast_in_dim3A_2997, %iota3A : vector<32x128xi32>
    %broadcast_in_dim3A_2999 = vector.broadcast %get3A_2 : f32 to vector<32x128xf32>
    %broadcast_in_dim3A_3000 = vector.broadcast %get3A_0 : f32 to vector<32x128xf32>
    %select_n3A_3001 = arith.select %eq3A_2998, %broadcast_in_dim3A_2999, %broadcast_in_dim3A_3000 : vector<32x128xi1>, vector<32x128xf32>
    %swap3A_3002 = arith.constant 2 : index
    %swap3A_3003 = arith.constant 0 : index
    %swap3A_3004 = arith.constant 6144 : index
    %swap3A_3005 = vector.load %arg3[%swap3A_3002, %swap3A_3003, %swap3A_3004] : memref<4x32x8192xf32, #tpu.memory_space<vmem>>, vector<1x32x128xf32>
    %swap3A_3006 = vector.shape_cast %swap3A_3005 : vector<1x32x128xf32> to vector<32x128xf32>
    %swap3A_3007 = vector.shape_cast %select_n3A_3001 : vector<32x128xf32> to vector<1x32x128xf32>
    tpu.vector_store %arg3[%swap3A_3002, %swap3A_3003, %swap3A_3004], %swap3A_3007 {strides = array<i32>} : memref<4x32x8192xf32, #tpu.memory_space<vmem>>, vector<1x32x128xf32>,
    %get3A_3008 = arith.constant 2 : index
    %get3A_3009 = arith.constant 49 : index
    %get3A_3010 = arith.constant 0 : index
    %get3A_3011 = vector.load %arg2[%get3A_3008, %get3A_3009, %get3A_3010] : memref<4x64x128xi32, #tpu.memory_space<vmem>>, vector<1x1x128xi32>
    %get3A_3012 = vector.shape_cast %get3A_3011 : vector<1x1x128xi32> to vector<1x128xi32>
    %broadcast_in_dim3A_3013 = vector.shape_cast %get3A_3012 : vector<1x128xi32> to vector<1x128xi32>
    %broadcast_in_dim3A_3014 = vector.broadcast %broadcast_in_dim3A_3013 : vector<1x128xi32> to vector<32x128xi32>
    %eq3A_3015 = arith.cmpi eq, %broadcast_in_dim3A_3014, %iota3A : vector<32x128xi32>
    %broadcast_in_dim3A_3016 = vector.broadcast %get3A_2 : f32 to vector<32x128xf32>
    %broadcast_in_dim3A_3017 = vector.broadcast %get3A_0 : f32 to vector<32x128xf32>
    %select_n3A_3018 = arith.select %eq3A_3015, %broadcast_in_dim3A_3016, %broadcast_in_dim3A_3017 : vector<32x128xi1>, vector<32x128xf32>
    %swap3A_3019 = arith.constant 2 : index
    %swap3A_3020 = arith.constant 0 : index
    %swap3A_3021 = arith.constant 6272 : index
    %swap3A_3022 = vector.load %arg3[%swap3A_3019, %swap3A_3020, %swap3A_3021] : memref<4x32x8192xf32, #tpu.memory_space<vmem>>, vector<1x32x128xf32>
    %swap3A_3023 = vector.shape_cast %swap3A_3022 : vector<1x32x128xf32> to vector<32x128xf32>
    %swap3A_3024 = vector.shape_cast %select_n3A_3018 : vector<32x128xf32> to vector<1x32x128xf32>
    tpu.vector_store %arg3[%swap3A_3019, %swap3A_3020, %swap3A_3021], %swap3A_3024 {strides = array<i32>} : memref<4x32x8192xf32, #tpu.memory_space<vmem>>, vector<1x32x128xf32>,
    %get3A_3025 = arith.constant 2 : index
    %get3A_3026 = arith.constant 50 : index
    %get3A_3027 = arith.constant 0 : index
    %get3A_3028 = vector.load %arg2[%get3A_3025, %get3A_3026, %get3A_3027] : memref<4x64x128xi32, #tpu.memory_space<vmem>>, vector<1x1x128xi32>
    %get3A_3029 = vector.shape_cast %get3A_3028 : vector<1x1x128xi32> to vector<1x128xi32>
    %broadcast_in_dim3A_3030 = vector.shape_cast %get3A_3029 : vector<1x128xi32> to vector<1x128xi32>
    %broadcast_in_dim3A_3031 = vector.broadcast %broadcast_in_dim3A_3030 : vector<1x128xi32> to vector<32x128xi32>
    %eq3A_3032 = arith.cmpi eq, %broadcast_in_dim3A_3031, %iota3A : vector<32x128xi32>
    %broadcast_in_dim3A_3033 = vector.broadcast %get3A_2 : f32 to vector<32x128xf32>
    %broadcast_in_dim3A_3034 = vector.broadcast %get3A_0 : f32 to vector<32x128xf32>
    %select_n3A_3035 = arith.select %eq3A_3032, %broadcast_in_dim3A_3033, %broadcast_in_dim3A_3034 : vector<32x128xi1>, vector<32x128xf32>
    %swap3A_3036 = arith.constant 2 : index
    %swap3A_3037 = arith.constant 0 : index
    %swap3A_3038 = arith.constant 6400 : index
    %swap3A_3039 = vector.load %arg3[%swap3A_3036, %swap3A_3037, %swap3A_3038] : memref<4x32x8192xf32, #tpu.memory_space<vmem>>, vector<1x32x128xf32>
    %swap3A_3040 = vector.shape_cast %swap3A_3039 : vector<1x32x128xf32> to vector<32x128xf32>
    %swap3A_3041 = vector.shape_cast %select_n3A_3035 : vector<32x128xf32> to vector<1x32x128xf32>
    tpu.vector_store %arg3[%swap3A_3036, %swap3A_3037, %swap3A_3038], %swap3A_3041 {strides = array<i32>} : memref<4x32x8192xf32, #tpu.memory_space<vmem>>, vector<1x32x128xf32>,
    %get3A_3042 = arith.constant 2 : index
    %get3A_3043 = arith.constant 51 : index
    %get3A_3044 = arith.constant 0 : index
    %get3A_3045 = vector.load %arg2[%get3A_3042, %get3A_3043, %get3A_3044] : memref<4x64x128xi32, #tpu.memory_space<vmem>>, vector<1x1x128xi32>
    %get3A_3046 = vector.shape_cast %get3A_3045 : vector<1x1x128xi32> to vector<1x128xi32>
    %broadcast_in_dim3A_3047 = vector.shape_cast %get3A_3046 : vector<1x128xi32> to vector<1x128xi32>
    %broadcast_in_dim3A_3048 = vector.broadcast %broadcast_in_dim3A_3047 : vector<1x128xi32> to vector<32x128xi32>
    %eq3A_3049 = arith.cmpi eq, %broadcast_in_dim3A_3048, %iota3A : vector<32x128xi32>
    %broadcast_in_dim3A_3050 = vector.broadcast %get3A_2 : f32 to vector<32x128xf32>
    %broadcast_in_dim3A_3051 = vector.broadcast %get3A_0 : f32 to vector<32x128xf32>
    %select_n3A_3052 = arith.select %eq3A_3049, %broadcast_in_dim3A_3050, %broadcast_in_dim3A_3051 : vector<32x128xi1>, vector<32x128xf32>
    %swap3A_3053 = arith.constant 2 : index
    %swap3A_3054 = arith.constant 0 : index
    %swap3A_3055 = arith.constant 6528 : index
    %swap3A_3056 = vector.load %arg3[%swap3A_3053, %swap3A_3054, %swap3A_3055] : memref<4x32x8192xf32, #tpu.memory_space<vmem>>, vector<1x32x128xf32>
    %swap3A_3057 = vector.shape_cast %swap3A_3056 : vector<1x32x128xf32> to vector<32x128xf32>
    %swap3A_3058 = vector.shape_cast %select_n3A_3052 : vector<32x128xf32> to vector<1x32x128xf32>
    tpu.vector_store %arg3[%swap3A_3053, %swap3A_3054, %swap3A_3055], %swap3A_3058 {strides = array<i32>} : memref<4x32x8192xf32, #tpu.memory_space<vmem>>, vector<1x32x128xf32>,
    %get3A_3059 = arith.constant 2 : index
    %get3A_3060 = arith.constant 52 : index
    %get3A_3061 = arith.constant 0 : index
    %get3A_3062 = vector.load %arg2[%get3A_3059, %get3A_3060, %get3A_3061] : memref<4x64x128xi32, #tpu.memory_space<vmem>>, vector<1x1x128xi32>
    %get3A_3063 = vector.shape_cast %get3A_3062 : vector<1x1x128xi32> to vector<1x128xi32>
    %broadcast_in_dim3A_3064 = vector.shape_cast %get3A_3063 : vector<1x128xi32> to vector<1x128xi32>
    %broadcast_in_dim3A_3065 = vector.broadcast %broadcast_in_dim3A_3064 : vector<1x128xi32> to vector<32x128xi32>
    %eq3A_3066 = arith.cmpi eq, %broadcast_in_dim3A_3065, %iota3A : vector<32x128xi32>
    %broadcast_in_dim3A_3067 = vector.broadcast %get3A_2 : f32 to vector<32x128xf32>
    %broadcast_in_dim3A_3068 = vector.broadcast %get3A_0 : f32 to vector<32x128xf32>
    %select_n3A_3069 = arith.select %eq3A_3066, %broadcast_in_dim3A_3067, %broadcast_in_dim3A_3068 : vector<32x128xi1>, vector<32x128xf32>
    %swap3A_3070 = arith.constant 2 : index
    %swap3A_3071 = arith.constant 0 : index
    %swap3A_3072 = arith.constant 6656 : index
    %swap3A_3073 = vector.load %arg3[%swap3A_3070, %swap3A_3071, %swap3A_3072] : memref<4x32x8192xf32, #tpu.memory_space<vmem>>, vector<1x32x128xf32>
    %swap3A_3074 = vector.shape_cast %swap3A_3073 : vector<1x32x128xf32> to vector<32x128xf32>
    %swap3A_3075 = vector.shape_cast %select_n3A_3069 : vector<32x128xf32> to vector<1x32x128xf32>
    tpu.vector_store %arg3[%swap3A_3070, %swap3A_3071, %swap3A_3072], %swap3A_3075 {strides = array<i32>} : memref<4x32x8192xf32, #tpu.memory_space<vmem>>, vector<1x32x128xf32>,
    %get3A_3076 = arith.constant 2 : index
    %get3A_3077 = arith.constant 53 : index
    %get3A_3078 = arith.constant 0 : index
    %get3A_3079 = vector.load %arg2[%get3A_3076, %get3A_3077, %get3A_3078] : memref<4x64x128xi32, #tpu.memory_space<vmem>>, vector<1x1x128xi32>
    %get3A_3080 = vector.shape_cast %get3A_3079 : vector<1x1x128xi32> to vector<1x128xi32>
    %broadcast_in_dim3A_3081 = vector.shape_cast %get3A_3080 : vector<1x128xi32> to vector<1x128xi32>
    %broadcast_in_dim3A_3082 = vector.broadcast %broadcast_in_dim3A_3081 : vector<1x128xi32> to vector<32x128xi32>
    %eq3A_3083 = arith.cmpi eq, %broadcast_in_dim3A_3082, %iota3A : vector<32x128xi32>
    %broadcast_in_dim3A_3084 = vector.broadcast %get3A_2 : f32 to vector<32x128xf32>
    %broadcast_in_dim3A_3085 = vector.broadcast %get3A_0 : f32 to vector<32x128xf32>
    %select_n3A_3086 = arith.select %eq3A_3083, %broadcast_in_dim3A_3084, %broadcast_in_dim3A_3085 : vector<32x128xi1>, vector<32x128xf32>
    %swap3A_3087 = arith.constant 2 : index
    %swap3A_3088 = arith.constant 0 : index
    %swap3A_3089 = arith.constant 6784 : index
    %swap3A_3090 = vector.load %arg3[%swap3A_3087, %swap3A_3088, %swap3A_3089] : memref<4x32x8192xf32, #tpu.memory_space<vmem>>, vector<1x32x128xf32>
    %swap3A_3091 = vector.shape_cast %swap3A_3090 : vector<1x32x128xf32> to vector<32x128xf32>
    %swap3A_3092 = vector.shape_cast %select_n3A_3086 : vector<32x128xf32> to vector<1x32x128xf32>
    tpu.vector_store %arg3[%swap3A_3087, %swap3A_3088, %swap3A_3089], %swap3A_3092 {strides = array<i32>} : memref<4x32x8192xf32, #tpu.memory_space<vmem>>, vector<1x32x128xf32>,
    %get3A_3093 = arith.constant 2 : index
    %get3A_3094 = arith.constant 54 : index
    %get3A_3095 = arith.constant 0 : index
    %get3A_3096 = vector.load %arg2[%get3A_3093, %get3A_3094, %get3A_3095] : memref<4x64x128xi32, #tpu.memory_space<vmem>>, vector<1x1x128xi32>
    %get3A_3097 = vector.shape_cast %get3A_3096 : vector<1x1x128xi32> to vector<1x128xi32>
    %broadcast_in_dim3A_3098 = vector.shape_cast %get3A_3097 : vector<1x128xi32> to vector<1x128xi32>
    %broadcast_in_dim3A_3099 = vector.broadcast %broadcast_in_dim3A_3098 : vector<1x128xi32> to vector<32x128xi32>
    %eq3A_3100 = arith.cmpi eq, %broadcast_in_dim3A_3099, %iota3A : vector<32x128xi32>
    %broadcast_in_dim3A_3101 = vector.broadcast %get3A_2 : f32 to vector<32x128xf32>
    %broadcast_in_dim3A_3102 = vector.broadcast %get3A_0 : f32 to vector<32x128xf32>
    %select_n3A_3103 = arith.select %eq3A_3100, %broadcast_in_dim3A_3101, %broadcast_in_dim3A_3102 : vector<32x128xi1>, vector<32x128xf32>
    %swap3A_3104 = arith.constant 2 : index
    %swap3A_3105 = arith.constant 0 : index
    %swap3A_3106 = arith.constant 6912 : index
    %swap3A_3107 = vector.load %arg3[%swap3A_3104, %swap3A_3105, %swap3A_3106] : memref<4x32x8192xf32, #tpu.memory_space<vmem>>, vector<1x32x128xf32>
    %swap3A_3108 = vector.shape_cast %swap3A_3107 : vector<1x32x128xf32> to vector<32x128xf32>
    %swap3A_3109 = vector.shape_cast %select_n3A_3103 : vector<32x128xf32> to vector<1x32x128xf32>
    tpu.vector_store %arg3[%swap3A_3104, %swap3A_3105, %swap3A_3106], %swap3A_3109 {strides = array<i32>} : memref<4x32x8192xf32, #tpu.memory_space<vmem>>, vector<1x32x128xf32>,
    %get3A_3110 = arith.constant 2 : index
    %get3A_3111 = arith.constant 55 : index
    %get3A_3112 = arith.constant 0 : index
    %get3A_3113 = vector.load %arg2[%get3A_3110, %get3A_3111, %get3A_3112] : memref<4x64x128xi32, #tpu.memory_space<vmem>>, vector<1x1x128xi32>
    %get3A_3114 = vector.shape_cast %get3A_3113 : vector<1x1x128xi32> to vector<1x128xi32>
    %broadcast_in_dim3A_3115 = vector.shape_cast %get3A_3114 : vector<1x128xi32> to vector<1x128xi32>
    %broadcast_in_dim3A_3116 = vector.broadcast %broadcast_in_dim3A_3115 : vector<1x128xi32> to vector<32x128xi32>
    %eq3A_3117 = arith.cmpi eq, %broadcast_in_dim3A_3116, %iota3A : vector<32x128xi32>
    %broadcast_in_dim3A_3118 = vector.broadcast %get3A_2 : f32 to vector<32x128xf32>
    %broadcast_in_dim3A_3119 = vector.broadcast %get3A_0 : f32 to vector<32x128xf32>
    %select_n3A_3120 = arith.select %eq3A_3117, %broadcast_in_dim3A_3118, %broadcast_in_dim3A_3119 : vector<32x128xi1>, vector<32x128xf32>
    %swap3A_3121 = arith.constant 2 : index
    %swap3A_3122 = arith.constant 0 : index
    %swap3A_3123 = arith.constant 7040 : index
    %swap3A_3124 = vector.load %arg3[%swap3A_3121, %swap3A_3122, %swap3A_3123] : memref<4x32x8192xf32, #tpu.memory_space<vmem>>, vector<1x32x128xf32>
    %swap3A_3125 = vector.shape_cast %swap3A_3124 : vector<1x32x128xf32> to vector<32x128xf32>
    %swap3A_3126 = vector.shape_cast %select_n3A_3120 : vector<32x128xf32> to vector<1x32x128xf32>
    tpu.vector_store %arg3[%swap3A_3121, %swap3A_3122, %swap3A_3123], %swap3A_3126 {strides = array<i32>} : memref<4x32x8192xf32, #tpu.memory_space<vmem>>, vector<1x32x128xf32>,
    %get3A_3127 = arith.constant 2 : index
    %get3A_3128 = arith.constant 56 : index
    %get3A_3129 = arith.constant 0 : index
    %get3A_3130 = vector.load %arg2[%get3A_3127, %get3A_3128, %get3A_3129] : memref<4x64x128xi32, #tpu.memory_space<vmem>>, vector<1x1x128xi32>
    %get3A_3131 = vector.shape_cast %get3A_3130 : vector<1x1x128xi32> to vector<1x128xi32>
    %broadcast_in_dim3A_3132 = vector.shape_cast %get3A_3131 : vector<1x128xi32> to vector<1x128xi32>
    %broadcast_in_dim3A_3133 = vector.broadcast %broadcast_in_dim3A_3132 : vector<1x128xi32> to vector<32x128xi32>
    %eq3A_3134 = arith.cmpi eq, %broadcast_in_dim3A_3133, %iota3A : vector<32x128xi32>
    %broadcast_in_dim3A_3135 = vector.broadcast %get3A_2 : f32 to vector<32x128xf32>
    %broadcast_in_dim3A_3136 = vector.broadcast %get3A_0 : f32 to vector<32x128xf32>
    %select_n3A_3137 = arith.select %eq3A_3134, %broadcast_in_dim3A_3135, %broadcast_in_dim3A_3136 : vector<32x128xi1>, vector<32x128xf32>
    %swap3A_3138 = arith.constant 2 : index
    %swap3A_3139 = arith.constant 0 : index
    %swap3A_3140 = arith.constant 7168 : index
    %swap3A_3141 = vector.load %arg3[%swap3A_3138, %swap3A_3139, %swap3A_3140] : memref<4x32x8192xf32, #tpu.memory_space<vmem>>, vector<1x32x128xf32>
    %swap3A_3142 = vector.shape_cast %swap3A_3141 : vector<1x32x128xf32> to vector<32x128xf32>
    %swap3A_3143 = vector.shape_cast %select_n3A_3137 : vector<32x128xf32> to vector<1x32x128xf32>
    tpu.vector_store %arg3[%swap3A_3138, %swap3A_3139, %swap3A_3140], %swap3A_3143 {strides = array<i32>} : memref<4x32x8192xf32, #tpu.memory_space<vmem>>, vector<1x32x128xf32>,
    %get3A_3144 = arith.constant 2 : index
    %get3A_3145 = arith.constant 57 : index
    %get3A_3146 = arith.constant 0 : index
    %get3A_3147 = vector.load %arg2[%get3A_3144, %get3A_3145, %get3A_3146] : memref<4x64x128xi32, #tpu.memory_space<vmem>>, vector<1x1x128xi32>
    %get3A_3148 = vector.shape_cast %get3A_3147 : vector<1x1x128xi32> to vector<1x128xi32>
    %broadcast_in_dim3A_3149 = vector.shape_cast %get3A_3148 : vector<1x128xi32> to vector<1x128xi32>
    %broadcast_in_dim3A_3150 = vector.broadcast %broadcast_in_dim3A_3149 : vector<1x128xi32> to vector<32x128xi32>
    %eq3A_3151 = arith.cmpi eq, %broadcast_in_dim3A_3150, %iota3A : vector<32x128xi32>
    %broadcast_in_dim3A_3152 = vector.broadcast %get3A_2 : f32 to vector<32x128xf32>
    %broadcast_in_dim3A_3153 = vector.broadcast %get3A_0 : f32 to vector<32x128xf32>
    %select_n3A_3154 = arith.select %eq3A_3151, %broadcast_in_dim3A_3152, %broadcast_in_dim3A_3153 : vector<32x128xi1>, vector<32x128xf32>
    %swap3A_3155 = arith.constant 2 : index
    %swap3A_3156 = arith.constant 0 : index
    %swap3A_3157 = arith.constant 7296 : index
    %swap3A_3158 = vector.load %arg3[%swap3A_3155, %swap3A_3156, %swap3A_3157] : memref<4x32x8192xf32, #tpu.memory_space<vmem>>, vector<1x32x128xf32>
    %swap3A_3159 = vector.shape_cast %swap3A_3158 : vector<1x32x128xf32> to vector<32x128xf32>
    %swap3A_3160 = vector.shape_cast %select_n3A_3154 : vector<32x128xf32> to vector<1x32x128xf32>
    tpu.vector_store %arg3[%swap3A_3155, %swap3A_3156, %swap3A_3157], %swap3A_3160 {strides = array<i32>} : memref<4x32x8192xf32, #tpu.memory_space<vmem>>, vector<1x32x128xf32>,
    %get3A_3161 = arith.constant 2 : index
    %get3A_3162 = arith.constant 58 : index
    %get3A_3163 = arith.constant 0 : index
    %get3A_3164 = vector.load %arg2[%get3A_3161, %get3A_3162, %get3A_3163] : memref<4x64x128xi32, #tpu.memory_space<vmem>>, vector<1x1x128xi32>
    %get3A_3165 = vector.shape_cast %get3A_3164 : vector<1x1x128xi32> to vector<1x128xi32>
    %broadcast_in_dim3A_3166 = vector.shape_cast %get3A_3165 : vector<1x128xi32> to vector<1x128xi32>
    %broadcast_in_dim3A_3167 = vector.broadcast %broadcast_in_dim3A_3166 : vector<1x128xi32> to vector<32x128xi32>
    %eq3A_3168 = arith.cmpi eq, %broadcast_in_dim3A_3167, %iota3A : vector<32x128xi32>
    %broadcast_in_dim3A_3169 = vector.broadcast %get3A_2 : f32 to vector<32x128xf32>
    %broadcast_in_dim3A_3170 = vector.broadcast %get3A_0 : f32 to vector<32x128xf32>
    %select_n3A_3171 = arith.select %eq3A_3168, %broadcast_in_dim3A_3169, %broadcast_in_dim3A_3170 : vector<32x128xi1>, vector<32x128xf32>
    %swap3A_3172 = arith.constant 2 : index
    %swap3A_3173 = arith.constant 0 : index
    %swap3A_3174 = arith.constant 7424 : index
    %swap3A_3175 = vector.load %arg3[%swap3A_3172, %swap3A_3173, %swap3A_3174] : memref<4x32x8192xf32, #tpu.memory_space<vmem>>, vector<1x32x128xf32>
    %swap3A_3176 = vector.shape_cast %swap3A_3175 : vector<1x32x128xf32> to vector<32x128xf32>
    %swap3A_3177 = vector.shape_cast %select_n3A_3171 : vector<32x128xf32> to vector<1x32x128xf32>
    tpu.vector_store %arg3[%swap3A_3172, %swap3A_3173, %swap3A_3174], %swap3A_3177 {strides = array<i32>} : memref<4x32x8192xf32, #tpu.memory_space<vmem>>, vector<1x32x128xf32>,
    %get3A_3178 = arith.constant 2 : index
    %get3A_3179 = arith.constant 59 : index
    %get3A_3180 = arith.constant 0 : index
    %get3A_3181 = vector.load %arg2[%get3A_3178, %get3A_3179, %get3A_3180] : memref<4x64x128xi32, #tpu.memory_space<vmem>>, vector<1x1x128xi32>
    %get3A_3182 = vector.shape_cast %get3A_3181 : vector<1x1x128xi32> to vector<1x128xi32>
    %broadcast_in_dim3A_3183 = vector.shape_cast %get3A_3182 : vector<1x128xi32> to vector<1x128xi32>
    %broadcast_in_dim3A_3184 = vector.broadcast %broadcast_in_dim3A_3183 : vector<1x128xi32> to vector<32x128xi32>
    %eq3A_3185 = arith.cmpi eq, %broadcast_in_dim3A_3184, %iota3A : vector<32x128xi32>
    %broadcast_in_dim3A_3186 = vector.broadcast %get3A_2 : f32 to vector<32x128xf32>
    %broadcast_in_dim3A_3187 = vector.broadcast %get3A_0 : f32 to vector<32x128xf32>
    %select_n3A_3188 = arith.select %eq3A_3185, %broadcast_in_dim3A_3186, %broadcast_in_dim3A_3187 : vector<32x128xi1>, vector<32x128xf32>
    %swap3A_3189 = arith.constant 2 : index
    %swap3A_3190 = arith.constant 0 : index
    %swap3A_3191 = arith.constant 7552 : index
    %swap3A_3192 = vector.load %arg3[%swap3A_3189, %swap3A_3190, %swap3A_3191] : memref<4x32x8192xf32, #tpu.memory_space<vmem>>, vector<1x32x128xf32>
    %swap3A_3193 = vector.shape_cast %swap3A_3192 : vector<1x32x128xf32> to vector<32x128xf32>
    %swap3A_3194 = vector.shape_cast %select_n3A_3188 : vector<32x128xf32> to vector<1x32x128xf32>
    tpu.vector_store %arg3[%swap3A_3189, %swap3A_3190, %swap3A_3191], %swap3A_3194 {strides = array<i32>} : memref<4x32x8192xf32, #tpu.memory_space<vmem>>, vector<1x32x128xf32>,
    %get3A_3195 = arith.constant 2 : index
    %get3A_3196 = arith.constant 60 : index
    %get3A_3197 = arith.constant 0 : index
    %get3A_3198 = vector.load %arg2[%get3A_3195, %get3A_3196, %get3A_3197] : memref<4x64x128xi32, #tpu.memory_space<vmem>>, vector<1x1x128xi32>
    %get3A_3199 = vector.shape_cast %get3A_3198 : vector<1x1x128xi32> to vector<1x128xi32>
    %broadcast_in_dim3A_3200 = vector.shape_cast %get3A_3199 : vector<1x128xi32> to vector<1x128xi32>
    %broadcast_in_dim3A_3201 = vector.broadcast %broadcast_in_dim3A_3200 : vector<1x128xi32> to vector<32x128xi32>
    %eq3A_3202 = arith.cmpi eq, %broadcast_in_dim3A_3201, %iota3A : vector<32x128xi32>
    %broadcast_in_dim3A_3203 = vector.broadcast %get3A_2 : f32 to vector<32x128xf32>
    %broadcast_in_dim3A_3204 = vector.broadcast %get3A_0 : f32 to vector<32x128xf32>
    %select_n3A_3205 = arith.select %eq3A_3202, %broadcast_in_dim3A_3203, %broadcast_in_dim3A_3204 : vector<32x128xi1>, vector<32x128xf32>
    %swap3A_3206 = arith.constant 2 : index
    %swap3A_3207 = arith.constant 0 : index
    %swap3A_3208 = arith.constant 7680 : index
    %swap3A_3209 = vector.load %arg3[%swap3A_3206, %swap3A_3207, %swap3A_3208] : memref<4x32x8192xf32, #tpu.memory_space<vmem>>, vector<1x32x128xf32>
    %swap3A_3210 = vector.shape_cast %swap3A_3209 : vector<1x32x128xf32> to vector<32x128xf32>
    %swap3A_3211 = vector.shape_cast %select_n3A_3205 : vector<32x128xf32> to vector<1x32x128xf32>
    tpu.vector_store %arg3[%swap3A_3206, %swap3A_3207, %swap3A_3208], %swap3A_3211 {strides = array<i32>} : memref<4x32x8192xf32, #tpu.memory_space<vmem>>, vector<1x32x128xf32>,
    %get3A_3212 = arith.constant 2 : index
    %get3A_3213 = arith.constant 61 : index
    %get3A_3214 = arith.constant 0 : index
    %get3A_3215 = vector.load %arg2[%get3A_3212, %get3A_3213, %get3A_3214] : memref<4x64x128xi32, #tpu.memory_space<vmem>>, vector<1x1x128xi32>
    %get3A_3216 = vector.shape_cast %get3A_3215 : vector<1x1x128xi32> to vector<1x128xi32>
    %broadcast_in_dim3A_3217 = vector.shape_cast %get3A_3216 : vector<1x128xi32> to vector<1x128xi32>
    %broadcast_in_dim3A_3218 = vector.broadcast %broadcast_in_dim3A_3217 : vector<1x128xi32> to vector<32x128xi32>
    %eq3A_3219 = arith.cmpi eq, %broadcast_in_dim3A_3218, %iota3A : vector<32x128xi32>
    %broadcast_in_dim3A_3220 = vector.broadcast %get3A_2 : f32 to vector<32x128xf32>
    %broadcast_in_dim3A_3221 = vector.broadcast %get3A_0 : f32 to vector<32x128xf32>
    %select_n3A_3222 = arith.select %eq3A_3219, %broadcast_in_dim3A_3220, %broadcast_in_dim3A_3221 : vector<32x128xi1>, vector<32x128xf32>
    %swap3A_3223 = arith.constant 2 : index
    %swap3A_3224 = arith.constant 0 : index
    %swap3A_3225 = arith.constant 7808 : index
    %swap3A_3226 = vector.load %arg3[%swap3A_3223, %swap3A_3224, %swap3A_3225] : memref<4x32x8192xf32, #tpu.memory_space<vmem>>, vector<1x32x128xf32>
    %swap3A_3227 = vector.shape_cast %swap3A_3226 : vector<1x32x128xf32> to vector<32x128xf32>
    %swap3A_3228 = vector.shape_cast %select_n3A_3222 : vector<32x128xf32> to vector<1x32x128xf32>
    tpu.vector_store %arg3[%swap3A_3223, %swap3A_3224, %swap3A_3225], %swap3A_3228 {strides = array<i32>} : memref<4x32x8192xf32, #tpu.memory_space<vmem>>, vector<1x32x128xf32>,
    %get3A_3229 = arith.constant 2 : index
    %get3A_3230 = arith.constant 62 : index
    %get3A_3231 = arith.constant 0 : index
    %get3A_3232 = vector.load %arg2[%get3A_3229, %get3A_3230, %get3A_3231] : memref<4x64x128xi32, #tpu.memory_space<vmem>>, vector<1x1x128xi32>
    %get3A_3233 = vector.shape_cast %get3A_3232 : vector<1x1x128xi32> to vector<1x128xi32>
    %broadcast_in_dim3A_3234 = vector.shape_cast %get3A_3233 : vector<1x128xi32> to vector<1x128xi32>
    %broadcast_in_dim3A_3235 = vector.broadcast %broadcast_in_dim3A_3234 : vector<1x128xi32> to vector<32x128xi32>
    %eq3A_3236 = arith.cmpi eq, %broadcast_in_dim3A_3235, %iota3A : vector<32x128xi32>
    %broadcast_in_dim3A_3237 = vector.broadcast %get3A_2 : f32 to vector<32x128xf32>
    %broadcast_in_dim3A_3238 = vector.broadcast %get3A_0 : f32 to vector<32x128xf32>
    %select_n3A_3239 = arith.select %eq3A_3236, %broadcast_in_dim3A_3237, %broadcast_in_dim3A_3238 : vector<32x128xi1>, vector<32x128xf32>
    %swap3A_3240 = arith.constant 2 : index
    %swap3A_3241 = arith.constant 0 : index
    %swap3A_3242 = arith.constant 7936 : index
    %swap3A_3243 = vector.load %arg3[%swap3A_3240, %swap3A_3241, %swap3A_3242] : memref<4x32x8192xf32, #tpu.memory_space<vmem>>, vector<1x32x128xf32>
    %swap3A_3244 = vector.shape_cast %swap3A_3243 : vector<1x32x128xf32> to vector<32x128xf32>
    %swap3A_3245 = vector.shape_cast %select_n3A_3239 : vector<32x128xf32> to vector<1x32x128xf32>
    tpu.vector_store %arg3[%swap3A_3240, %swap3A_3241, %swap3A_3242], %swap3A_3245 {strides = array<i32>} : memref<4x32x8192xf32, #tpu.memory_space<vmem>>, vector<1x32x128xf32>,
    %get3A_3246 = arith.constant 2 : index
    %get3A_3247 = arith.constant 63 : index
    %get3A_3248 = arith.constant 0 : index
    %get3A_3249 = vector.load %arg2[%get3A_3246, %get3A_3247, %get3A_3248] : memref<4x64x128xi32, #tpu.memory_space<vmem>>, vector<1x1x128xi32>
    %get3A_3250 = vector.shape_cast %get3A_3249 : vector<1x1x128xi32> to vector<1x128xi32>
    %broadcast_in_dim3A_3251 = vector.shape_cast %get3A_3250 : vector<1x128xi32> to vector<1x128xi32>
    %broadcast_in_dim3A_3252 = vector.broadcast %broadcast_in_dim3A_3251 : vector<1x128xi32> to vector<32x128xi32>
    %eq3A_3253 = arith.cmpi eq, %broadcast_in_dim3A_3252, %iota3A : vector<32x128xi32>
    %broadcast_in_dim3A_3254 = vector.broadcast %get3A_2 : f32 to vector<32x128xf32>
    %broadcast_in_dim3A_3255 = vector.broadcast %get3A_0 : f32 to vector<32x128xf32>
    %select_n3A_3256 = arith.select %eq3A_3253, %broadcast_in_dim3A_3254, %broadcast_in_dim3A_3255 : vector<32x128xi1>, vector<32x128xf32>
    %swap3A_3257 = arith.constant 2 : index
    %swap3A_3258 = arith.constant 0 : index
    %swap3A_3259 = arith.constant 8064 : index
    %swap3A_3260 = vector.load %arg3[%swap3A_3257, %swap3A_3258, %swap3A_3259] : memref<4x32x8192xf32, #tpu.memory_space<vmem>>, vector<1x32x128xf32>
    %swap3A_3261 = vector.shape_cast %swap3A_3260 : vector<1x32x128xf32> to vector<32x128xf32>
    %swap3A_3262 = vector.shape_cast %select_n3A_3256 : vector<32x128xf32> to vector<1x32x128xf32>
    tpu.vector_store %arg3[%swap3A_3257, %swap3A_3258, %swap3A_3259], %swap3A_3262 {strides = array<i32>} : memref<4x32x8192xf32, #tpu.memory_space<vmem>>, vector<1x32x128xf32>,
    %get3A_3263 = arith.constant 3 : index
    %get3A_3264 = arith.constant 0 : index
    %get3A_3265 = arith.constant 0 : index
    %get3A_3266 = vector.load %arg2[%get3A_3263, %get3A_3264, %get3A_3265] : memref<4x64x128xi32, #tpu.memory_space<vmem>>, vector<1x1x128xi32>
    %get3A_3267 = vector.shape_cast %get3A_3266 : vector<1x1x128xi32> to vector<1x128xi32>
    %broadcast_in_dim3A_3268 = vector.shape_cast %get3A_3267 : vector<1x128xi32> to vector<1x128xi32>
    %broadcast_in_dim3A_3269 = vector.broadcast %broadcast_in_dim3A_3268 : vector<1x128xi32> to vector<32x128xi32>
    %eq3A_3270 = arith.cmpi eq, %broadcast_in_dim3A_3269, %iota3A : vector<32x128xi32>
    %broadcast_in_dim3A_3271 = vector.broadcast %get3A_2 : f32 to vector<32x128xf32>
    %broadcast_in_dim3A_3272 = vector.broadcast %get3A_0 : f32 to vector<32x128xf32>
    %select_n3A_3273 = arith.select %eq3A_3270, %broadcast_in_dim3A_3271, %broadcast_in_dim3A_3272 : vector<32x128xi1>, vector<32x128xf32>
    %swap3A_3274 = arith.constant 3 : index
    %swap3A_3275 = arith.constant 0 : index
    %swap3A_3276 = arith.constant 0 : index
    %swap3A_3277 = vector.load %arg3[%swap3A_3274, %swap3A_3275, %swap3A_3276] : memref<4x32x8192xf32, #tpu.memory_space<vmem>>, vector<1x32x128xf32>
    %swap3A_3278 = vector.shape_cast %swap3A_3277 : vector<1x32x128xf32> to vector<32x128xf32>
    %swap3A_3279 = vector.shape_cast %select_n3A_3273 : vector<32x128xf32> to vector<1x32x128xf32>
    tpu.vector_store %arg3[%swap3A_3274, %swap3A_3275, %swap3A_3276], %swap3A_3279 {strides = array<i32>} : memref<4x32x8192xf32, #tpu.memory_space<vmem>>, vector<1x32x128xf32>,
    %get3A_3280 = arith.constant 3 : index
    %get3A_3281 = arith.constant 1 : index
    %get3A_3282 = arith.constant 0 : index
    %get3A_3283 = vector.load %arg2[%get3A_3280, %get3A_3281, %get3A_3282] : memref<4x64x128xi32, #tpu.memory_space<vmem>>, vector<1x1x128xi32>
    %get3A_3284 = vector.shape_cast %get3A_3283 : vector<1x1x128xi32> to vector<1x128xi32>
    %broadcast_in_dim3A_3285 = vector.shape_cast %get3A_3284 : vector<1x128xi32> to vector<1x128xi32>
    %broadcast_in_dim3A_3286 = vector.broadcast %broadcast_in_dim3A_3285 : vector<1x128xi32> to vector<32x128xi32>
    %eq3A_3287 = arith.cmpi eq, %broadcast_in_dim3A_3286, %iota3A : vector<32x128xi32>
    %broadcast_in_dim3A_3288 = vector.broadcast %get3A_2 : f32 to vector<32x128xf32>
    %broadcast_in_dim3A_3289 = vector.broadcast %get3A_0 : f32 to vector<32x128xf32>
    %select_n3A_3290 = arith.select %eq3A_3287, %broadcast_in_dim3A_3288, %broadcast_in_dim3A_3289 : vector<32x128xi1>, vector<32x128xf32>
    %swap3A_3291 = arith.constant 3 : index
    %swap3A_3292 = arith.constant 0 : index
    %swap3A_3293 = arith.constant 128 : index
    %swap3A_3294 = vector.load %arg3[%swap3A_3291, %swap3A_3292, %swap3A_3293] : memref<4x32x8192xf32, #tpu.memory_space<vmem>>, vector<1x32x128xf32>
    %swap3A_3295 = vector.shape_cast %swap3A_3294 : vector<1x32x128xf32> to vector<32x128xf32>
    %swap3A_3296 = vector.shape_cast %select_n3A_3290 : vector<32x128xf32> to vector<1x32x128xf32>
    tpu.vector_store %arg3[%swap3A_3291, %swap3A_3292, %swap3A_3293], %swap3A_3296 {strides = array<i32>} : memref<4x32x8192xf32, #tpu.memory_space<vmem>>, vector<1x32x128xf32>,
    %get3A_3297 = arith.constant 3 : index
    %get3A_3298 = arith.constant 2 : index
    %get3A_3299 = arith.constant 0 : index
    %get3A_3300 = vector.load %arg2[%get3A_3297, %get3A_3298, %get3A_3299] : memref<4x64x128xi32, #tpu.memory_space<vmem>>, vector<1x1x128xi32>
    %get3A_3301 = vector.shape_cast %get3A_3300 : vector<1x1x128xi32> to vector<1x128xi32>
    %broadcast_in_dim3A_3302 = vector.shape_cast %get3A_3301 : vector<1x128xi32> to vector<1x128xi32>
    %broadcast_in_dim3A_3303 = vector.broadcast %broadcast_in_dim3A_3302 : vector<1x128xi32> to vector<32x128xi32>
    %eq3A_3304 = arith.cmpi eq, %broadcast_in_dim3A_3303, %iota3A : vector<32x128xi32>
    %broadcast_in_dim3A_3305 = vector.broadcast %get3A_2 : f32 to vector<32x128xf32>
    %broadcast_in_dim3A_3306 = vector.broadcast %get3A_0 : f32 to vector<32x128xf32>
    %select_n3A_3307 = arith.select %eq3A_3304, %broadcast_in_dim3A_3305, %broadcast_in_dim3A_3306 : vector<32x128xi1>, vector<32x128xf32>
    %swap3A_3308 = arith.constant 3 : index
    %swap3A_3309 = arith.constant 0 : index
    %swap3A_3310 = arith.constant 256 : index
    %swap3A_3311 = vector.load %arg3[%swap3A_3308, %swap3A_3309, %swap3A_3310] : memref<4x32x8192xf32, #tpu.memory_space<vmem>>, vector<1x32x128xf32>
    %swap3A_3312 = vector.shape_cast %swap3A_3311 : vector<1x32x128xf32> to vector<32x128xf32>
    %swap3A_3313 = vector.shape_cast %select_n3A_3307 : vector<32x128xf32> to vector<1x32x128xf32>
    tpu.vector_store %arg3[%swap3A_3308, %swap3A_3309, %swap3A_3310], %swap3A_3313 {strides = array<i32>} : memref<4x32x8192xf32, #tpu.memory_space<vmem>>, vector<1x32x128xf32>,
    %get3A_3314 = arith.constant 3 : index
    %get3A_3315 = arith.constant 3 : index
    %get3A_3316 = arith.constant 0 : index
    %get3A_3317 = vector.load %arg2[%get3A_3314, %get3A_3315, %get3A_3316] : memref<4x64x128xi32, #tpu.memory_space<vmem>>, vector<1x1x128xi32>
    %get3A_3318 = vector.shape_cast %get3A_3317 : vector<1x1x128xi32> to vector<1x128xi32>
    %broadcast_in_dim3A_3319 = vector.shape_cast %get3A_3318 : vector<1x128xi32> to vector<1x128xi32>
    %broadcast_in_dim3A_3320 = vector.broadcast %broadcast_in_dim3A_3319 : vector<1x128xi32> to vector<32x128xi32>
    %eq3A_3321 = arith.cmpi eq, %broadcast_in_dim3A_3320, %iota3A : vector<32x128xi32>
    %broadcast_in_dim3A_3322 = vector.broadcast %get3A_2 : f32 to vector<32x128xf32>
    %broadcast_in_dim3A_3323 = vector.broadcast %get3A_0 : f32 to vector<32x128xf32>
    %select_n3A_3324 = arith.select %eq3A_3321, %broadcast_in_dim3A_3322, %broadcast_in_dim3A_3323 : vector<32x128xi1>, vector<32x128xf32>
    %swap3A_3325 = arith.constant 3 : index
    %swap3A_3326 = arith.constant 0 : index
    %swap3A_3327 = arith.constant 384 : index
    %swap3A_3328 = vector.load %arg3[%swap3A_3325, %swap3A_3326, %swap3A_3327] : memref<4x32x8192xf32, #tpu.memory_space<vmem>>, vector<1x32x128xf32>
    %swap3A_3329 = vector.shape_cast %swap3A_3328 : vector<1x32x128xf32> to vector<32x128xf32>
    %swap3A_3330 = vector.shape_cast %select_n3A_3324 : vector<32x128xf32> to vector<1x32x128xf32>
    tpu.vector_store %arg3[%swap3A_3325, %swap3A_3326, %swap3A_3327], %swap3A_3330 {strides = array<i32>} : memref<4x32x8192xf32, #tpu.memory_space<vmem>>, vector<1x32x128xf32>,
    %get3A_3331 = arith.constant 3 : index
    %get3A_3332 = arith.constant 4 : index
    %get3A_3333 = arith.constant 0 : index
    %get3A_3334 = vector.load %arg2[%get3A_3331, %get3A_3332, %get3A_3333] : memref<4x64x128xi32, #tpu.memory_space<vmem>>, vector<1x1x128xi32>
    %get3A_3335 = vector.shape_cast %get3A_3334 : vector<1x1x128xi32> to vector<1x128xi32>
    %broadcast_in_dim3A_3336 = vector.shape_cast %get3A_3335 : vector<1x128xi32> to vector<1x128xi32>
    %broadcast_in_dim3A_3337 = vector.broadcast %broadcast_in_dim3A_3336 : vector<1x128xi32> to vector<32x128xi32>
    %eq3A_3338 = arith.cmpi eq, %broadcast_in_dim3A_3337, %iota3A : vector<32x128xi32>
    %broadcast_in_dim3A_3339 = vector.broadcast %get3A_2 : f32 to vector<32x128xf32>
    %broadcast_in_dim3A_3340 = vector.broadcast %get3A_0 : f32 to vector<32x128xf32>
    %select_n3A_3341 = arith.select %eq3A_3338, %broadcast_in_dim3A_3339, %broadcast_in_dim3A_3340 : vector<32x128xi1>, vector<32x128xf32>
    %swap3A_3342 = arith.constant 3 : index
    %swap3A_3343 = arith.constant 0 : index
    %swap3A_3344 = arith.constant 512 : index
    %swap3A_3345 = vector.load %arg3[%swap3A_3342, %swap3A_3343, %swap3A_3344] : memref<4x32x8192xf32, #tpu.memory_space<vmem>>, vector<1x32x128xf32>
    %swap3A_3346 = vector.shape_cast %swap3A_3345 : vector<1x32x128xf32> to vector<32x128xf32>
    %swap3A_3347 = vector.shape_cast %select_n3A_3341 : vector<32x128xf32> to vector<1x32x128xf32>
    tpu.vector_store %arg3[%swap3A_3342, %swap3A_3343, %swap3A_3344], %swap3A_3347 {strides = array<i32>} : memref<4x32x8192xf32, #tpu.memory_space<vmem>>, vector<1x32x128xf32>,
    %get3A_3348 = arith.constant 3 : index
    %get3A_3349 = arith.constant 5 : index
    %get3A_3350 = arith.constant 0 : index
    %get3A_3351 = vector.load %arg2[%get3A_3348, %get3A_3349, %get3A_3350] : memref<4x64x128xi32, #tpu.memory_space<vmem>>, vector<1x1x128xi32>
    %get3A_3352 = vector.shape_cast %get3A_3351 : vector<1x1x128xi32> to vector<1x128xi32>
    %broadcast_in_dim3A_3353 = vector.shape_cast %get3A_3352 : vector<1x128xi32> to vector<1x128xi32>
    %broadcast_in_dim3A_3354 = vector.broadcast %broadcast_in_dim3A_3353 : vector<1x128xi32> to vector<32x128xi32>
    %eq3A_3355 = arith.cmpi eq, %broadcast_in_dim3A_3354, %iota3A : vector<32x128xi32>
    %broadcast_in_dim3A_3356 = vector.broadcast %get3A_2 : f32 to vector<32x128xf32>
    %broadcast_in_dim3A_3357 = vector.broadcast %get3A_0 : f32 to vector<32x128xf32>
    %select_n3A_3358 = arith.select %eq3A_3355, %broadcast_in_dim3A_3356, %broadcast_in_dim3A_3357 : vector<32x128xi1>, vector<32x128xf32>
    %swap3A_3359 = arith.constant 3 : index
    %swap3A_3360 = arith.constant 0 : index
    %swap3A_3361 = arith.constant 640 : index
    %swap3A_3362 = vector.load %arg3[%swap3A_3359, %swap3A_3360, %swap3A_3361] : memref<4x32x8192xf32, #tpu.memory_space<vmem>>, vector<1x32x128xf32>
    %swap3A_3363 = vector.shape_cast %swap3A_3362 : vector<1x32x128xf32> to vector<32x128xf32>
    %swap3A_3364 = vector.shape_cast %select_n3A_3358 : vector<32x128xf32> to vector<1x32x128xf32>
    tpu.vector_store %arg3[%swap3A_3359, %swap3A_3360, %swap3A_3361], %swap3A_3364 {strides = array<i32>} : memref<4x32x8192xf32, #tpu.memory_space<vmem>>, vector<1x32x128xf32>,
    %get3A_3365 = arith.constant 3 : index
    %get3A_3366 = arith.constant 6 : index
    %get3A_3367 = arith.constant 0 : index
    %get3A_3368 = vector.load %arg2[%get3A_3365, %get3A_3366, %get3A_3367] : memref<4x64x128xi32, #tpu.memory_space<vmem>>, vector<1x1x128xi32>
    %get3A_3369 = vector.shape_cast %get3A_3368 : vector<1x1x128xi32> to vector<1x128xi32>
    %broadcast_in_dim3A_3370 = vector.shape_cast %get3A_3369 : vector<1x128xi32> to vector<1x128xi32>
    %broadcast_in_dim3A_3371 = vector.broadcast %broadcast_in_dim3A_3370 : vector<1x128xi32> to vector<32x128xi32>
    %eq3A_3372 = arith.cmpi eq, %broadcast_in_dim3A_3371, %iota3A : vector<32x128xi32>
    %broadcast_in_dim3A_3373 = vector.broadcast %get3A_2 : f32 to vector<32x128xf32>
    %broadcast_in_dim3A_3374 = vector.broadcast %get3A_0 : f32 to vector<32x128xf32>
    %select_n3A_3375 = arith.select %eq3A_3372, %broadcast_in_dim3A_3373, %broadcast_in_dim3A_3374 : vector<32x128xi1>, vector<32x128xf32>
    %swap3A_3376 = arith.constant 3 : index
    %swap3A_3377 = arith.constant 0 : index
    %swap3A_3378 = arith.constant 768 : index
    %swap3A_3379 = vector.load %arg3[%swap3A_3376, %swap3A_3377, %swap3A_3378] : memref<4x32x8192xf32, #tpu.memory_space<vmem>>, vector<1x32x128xf32>
    %swap3A_3380 = vector.shape_cast %swap3A_3379 : vector<1x32x128xf32> to vector<32x128xf32>
    %swap3A_3381 = vector.shape_cast %select_n3A_3375 : vector<32x128xf32> to vector<1x32x128xf32>
    tpu.vector_store %arg3[%swap3A_3376, %swap3A_3377, %swap3A_3378], %swap3A_3381 {strides = array<i32>} : memref<4x32x8192xf32, #tpu.memory_space<vmem>>, vector<1x32x128xf32>,
    %get3A_3382 = arith.constant 3 : index
    %get3A_3383 = arith.constant 7 : index
    %get3A_3384 = arith.constant 0 : index
    %get3A_3385 = vector.load %arg2[%get3A_3382, %get3A_3383, %get3A_3384] : memref<4x64x128xi32, #tpu.memory_space<vmem>>, vector<1x1x128xi32>
    %get3A_3386 = vector.shape_cast %get3A_3385 : vector<1x1x128xi32> to vector<1x128xi32>
    %broadcast_in_dim3A_3387 = vector.shape_cast %get3A_3386 : vector<1x128xi32> to vector<1x128xi32>
    %broadcast_in_dim3A_3388 = vector.broadcast %broadcast_in_dim3A_3387 : vector<1x128xi32> to vector<32x128xi32>
    %eq3A_3389 = arith.cmpi eq, %broadcast_in_dim3A_3388, %iota3A : vector<32x128xi32>
    %broadcast_in_dim3A_3390 = vector.broadcast %get3A_2 : f32 to vector<32x128xf32>
    %broadcast_in_dim3A_3391 = vector.broadcast %get3A_0 : f32 to vector<32x128xf32>
    %select_n3A_3392 = arith.select %eq3A_3389, %broadcast_in_dim3A_3390, %broadcast_in_dim3A_3391 : vector<32x128xi1>, vector<32x128xf32>
    %swap3A_3393 = arith.constant 3 : index
    %swap3A_3394 = arith.constant 0 : index
    %swap3A_3395 = arith.constant 896 : index
    %swap3A_3396 = vector.load %arg3[%swap3A_3393, %swap3A_3394, %swap3A_3395] : memref<4x32x8192xf32, #tpu.memory_space<vmem>>, vector<1x32x128xf32>
    %swap3A_3397 = vector.shape_cast %swap3A_3396 : vector<1x32x128xf32> to vector<32x128xf32>
    %swap3A_3398 = vector.shape_cast %select_n3A_3392 : vector<32x128xf32> to vector<1x32x128xf32>
    tpu.vector_store %arg3[%swap3A_3393, %swap3A_3394, %swap3A_3395], %swap3A_3398 {strides = array<i32>} : memref<4x32x8192xf32, #tpu.memory_space<vmem>>, vector<1x32x128xf32>,
    %get3A_3399 = arith.constant 3 : index
    %get3A_3400 = arith.constant 8 : index
    %get3A_3401 = arith.constant 0 : index
    %get3A_3402 = vector.load %arg2[%get3A_3399, %get3A_3400, %get3A_3401] : memref<4x64x128xi32, #tpu.memory_space<vmem>>, vector<1x1x128xi32>
    %get3A_3403 = vector.shape_cast %get3A_3402 : vector<1x1x128xi32> to vector<1x128xi32>
    %broadcast_in_dim3A_3404 = vector.shape_cast %get3A_3403 : vector<1x128xi32> to vector<1x128xi32>
    %broadcast_in_dim3A_3405 = vector.broadcast %broadcast_in_dim3A_3404 : vector<1x128xi32> to vector<32x128xi32>
    %eq3A_3406 = arith.cmpi eq, %broadcast_in_dim3A_3405, %iota3A : vector<32x128xi32>
    %broadcast_in_dim3A_3407 = vector.broadcast %get3A_2 : f32 to vector<32x128xf32>
    %broadcast_in_dim3A_3408 = vector.broadcast %get3A_0 : f32 to vector<32x128xf32>
    %select_n3A_3409 = arith.select %eq3A_3406, %broadcast_in_dim3A_3407, %broadcast_in_dim3A_3408 : vector<32x128xi1>, vector<32x128xf32>
    %swap3A_3410 = arith.constant 3 : index
    %swap3A_3411 = arith.constant 0 : index
    %swap3A_3412 = arith.constant 1024 : index
    %swap3A_3413 = vector.load %arg3[%swap3A_3410, %swap3A_3411, %swap3A_3412] : memref<4x32x8192xf32, #tpu.memory_space<vmem>>, vector<1x32x128xf32>
    %swap3A_3414 = vector.shape_cast %swap3A_3413 : vector<1x32x128xf32> to vector<32x128xf32>
    %swap3A_3415 = vector.shape_cast %select_n3A_3409 : vector<32x128xf32> to vector<1x32x128xf32>
    tpu.vector_store %arg3[%swap3A_3410, %swap3A_3411, %swap3A_3412], %swap3A_3415 {strides = array<i32>} : memref<4x32x8192xf32, #tpu.memory_space<vmem>>, vector<1x32x128xf32>,
    %get3A_3416 = arith.constant 3 : index
    %get3A_3417 = arith.constant 9 : index
    %get3A_3418 = arith.constant 0 : index
    %get3A_3419 = vector.load %arg2[%get3A_3416, %get3A_3417, %get3A_3418] : memref<4x64x128xi32, #tpu.memory_space<vmem>>, vector<1x1x128xi32>
    %get3A_3420 = vector.shape_cast %get3A_3419 : vector<1x1x128xi32> to vector<1x128xi32>
    %broadcast_in_dim3A_3421 = vector.shape_cast %get3A_3420 : vector<1x128xi32> to vector<1x128xi32>
    %broadcast_in_dim3A_3422 = vector.broadcast %broadcast_in_dim3A_3421 : vector<1x128xi32> to vector<32x128xi32>
    %eq3A_3423 = arith.cmpi eq, %broadcast_in_dim3A_3422, %iota3A : vector<32x128xi32>
    %broadcast_in_dim3A_3424 = vector.broadcast %get3A_2 : f32 to vector<32x128xf32>
    %broadcast_in_dim3A_3425 = vector.broadcast %get3A_0 : f32 to vector<32x128xf32>
    %select_n3A_3426 = arith.select %eq3A_3423, %broadcast_in_dim3A_3424, %broadcast_in_dim3A_3425 : vector<32x128xi1>, vector<32x128xf32>
    %swap3A_3427 = arith.constant 3 : index
    %swap3A_3428 = arith.constant 0 : index
    %swap3A_3429 = arith.constant 1152 : index
    %swap3A_3430 = vector.load %arg3[%swap3A_3427, %swap3A_3428, %swap3A_3429] : memref<4x32x8192xf32, #tpu.memory_space<vmem>>, vector<1x32x128xf32>
    %swap3A_3431 = vector.shape_cast %swap3A_3430 : vector<1x32x128xf32> to vector<32x128xf32>
    %swap3A_3432 = vector.shape_cast %select_n3A_3426 : vector<32x128xf32> to vector<1x32x128xf32>
    tpu.vector_store %arg3[%swap3A_3427, %swap3A_3428, %swap3A_3429], %swap3A_3432 {strides = array<i32>} : memref<4x32x8192xf32, #tpu.memory_space<vmem>>, vector<1x32x128xf32>,
    %get3A_3433 = arith.constant 3 : index
    %get3A_3434 = arith.constant 10 : index
    %get3A_3435 = arith.constant 0 : index
    %get3A_3436 = vector.load %arg2[%get3A_3433, %get3A_3434, %get3A_3435] : memref<4x64x128xi32, #tpu.memory_space<vmem>>, vector<1x1x128xi32>
    %get3A_3437 = vector.shape_cast %get3A_3436 : vector<1x1x128xi32> to vector<1x128xi32>
    %broadcast_in_dim3A_3438 = vector.shape_cast %get3A_3437 : vector<1x128xi32> to vector<1x128xi32>
    %broadcast_in_dim3A_3439 = vector.broadcast %broadcast_in_dim3A_3438 : vector<1x128xi32> to vector<32x128xi32>
    %eq3A_3440 = arith.cmpi eq, %broadcast_in_dim3A_3439, %iota3A : vector<32x128xi32>
    %broadcast_in_dim3A_3441 = vector.broadcast %get3A_2 : f32 to vector<32x128xf32>
    %broadcast_in_dim3A_3442 = vector.broadcast %get3A_0 : f32 to vector<32x128xf32>
    %select_n3A_3443 = arith.select %eq3A_3440, %broadcast_in_dim3A_3441, %broadcast_in_dim3A_3442 : vector<32x128xi1>, vector<32x128xf32>
    %swap3A_3444 = arith.constant 3 : index
    %swap3A_3445 = arith.constant 0 : index
    %swap3A_3446 = arith.constant 1280 : index
    %swap3A_3447 = vector.load %arg3[%swap3A_3444, %swap3A_3445, %swap3A_3446] : memref<4x32x8192xf32, #tpu.memory_space<vmem>>, vector<1x32x128xf32>
    %swap3A_3448 = vector.shape_cast %swap3A_3447 : vector<1x32x128xf32> to vector<32x128xf32>
    %swap3A_3449 = vector.shape_cast %select_n3A_3443 : vector<32x128xf32> to vector<1x32x128xf32>
    tpu.vector_store %arg3[%swap3A_3444, %swap3A_3445, %swap3A_3446], %swap3A_3449 {strides = array<i32>} : memref<4x32x8192xf32, #tpu.memory_space<vmem>>, vector<1x32x128xf32>,
    %get3A_3450 = arith.constant 3 : index
    %get3A_3451 = arith.constant 11 : index
    %get3A_3452 = arith.constant 0 : index
    %get3A_3453 = vector.load %arg2[%get3A_3450, %get3A_3451, %get3A_3452] : memref<4x64x128xi32, #tpu.memory_space<vmem>>, vector<1x1x128xi32>
    %get3A_3454 = vector.shape_cast %get3A_3453 : vector<1x1x128xi32> to vector<1x128xi32>
    %broadcast_in_dim3A_3455 = vector.shape_cast %get3A_3454 : vector<1x128xi32> to vector<1x128xi32>
    %broadcast_in_dim3A_3456 = vector.broadcast %broadcast_in_dim3A_3455 : vector<1x128xi32> to vector<32x128xi32>
    %eq3A_3457 = arith.cmpi eq, %broadcast_in_dim3A_3456, %iota3A : vector<32x128xi32>
    %broadcast_in_dim3A_3458 = vector.broadcast %get3A_2 : f32 to vector<32x128xf32>
    %broadcast_in_dim3A_3459 = vector.broadcast %get3A_0 : f32 to vector<32x128xf32>
    %select_n3A_3460 = arith.select %eq3A_3457, %broadcast_in_dim3A_3458, %broadcast_in_dim3A_3459 : vector<32x128xi1>, vector<32x128xf32>
    %swap3A_3461 = arith.constant 3 : index
    %swap3A_3462 = arith.constant 0 : index
    %swap3A_3463 = arith.constant 1408 : index
    %swap3A_3464 = vector.load %arg3[%swap3A_3461, %swap3A_3462, %swap3A_3463] : memref<4x32x8192xf32, #tpu.memory_space<vmem>>, vector<1x32x128xf32>
    %swap3A_3465 = vector.shape_cast %swap3A_3464 : vector<1x32x128xf32> to vector<32x128xf32>
    %swap3A_3466 = vector.shape_cast %select_n3A_3460 : vector<32x128xf32> to vector<1x32x128xf32>
    tpu.vector_store %arg3[%swap3A_3461, %swap3A_3462, %swap3A_3463], %swap3A_3466 {strides = array<i32>} : memref<4x32x8192xf32, #tpu.memory_space<vmem>>, vector<1x32x128xf32>,
    %get3A_3467 = arith.constant 3 : index
    %get3A_3468 = arith.constant 12 : index
    %get3A_3469 = arith.constant 0 : index
    %get3A_3470 = vector.load %arg2[%get3A_3467, %get3A_3468, %get3A_3469] : memref<4x64x128xi32, #tpu.memory_space<vmem>>, vector<1x1x128xi32>
    %get3A_3471 = vector.shape_cast %get3A_3470 : vector<1x1x128xi32> to vector<1x128xi32>
    %broadcast_in_dim3A_3472 = vector.shape_cast %get3A_3471 : vector<1x128xi32> to vector<1x128xi32>
    %broadcast_in_dim3A_3473 = vector.broadcast %broadcast_in_dim3A_3472 : vector<1x128xi32> to vector<32x128xi32>
    %eq3A_3474 = arith.cmpi eq, %broadcast_in_dim3A_3473, %iota3A : vector<32x128xi32>
    %broadcast_in_dim3A_3475 = vector.broadcast %get3A_2 : f32 to vector<32x128xf32>
    %broadcast_in_dim3A_3476 = vector.broadcast %get3A_0 : f32 to vector<32x128xf32>
    %select_n3A_3477 = arith.select %eq3A_3474, %broadcast_in_dim3A_3475, %broadcast_in_dim3A_3476 : vector<32x128xi1>, vector<32x128xf32>
    %swap3A_3478 = arith.constant 3 : index
    %swap3A_3479 = arith.constant 0 : index
    %swap3A_3480 = arith.constant 1536 : index
    %swap3A_3481 = vector.load %arg3[%swap3A_3478, %swap3A_3479, %swap3A_3480] : memref<4x32x8192xf32, #tpu.memory_space<vmem>>, vector<1x32x128xf32>
    %swap3A_3482 = vector.shape_cast %swap3A_3481 : vector<1x32x128xf32> to vector<32x128xf32>
    %swap3A_3483 = vector.shape_cast %select_n3A_3477 : vector<32x128xf32> to vector<1x32x128xf32>
    tpu.vector_store %arg3[%swap3A_3478, %swap3A_3479, %swap3A_3480], %swap3A_3483 {strides = array<i32>} : memref<4x32x8192xf32, #tpu.memory_space<vmem>>, vector<1x32x128xf32>,
    %get3A_3484 = arith.constant 3 : index
    %get3A_3485 = arith.constant 13 : index
    %get3A_3486 = arith.constant 0 : index
    %get3A_3487 = vector.load %arg2[%get3A_3484, %get3A_3485, %get3A_3486] : memref<4x64x128xi32, #tpu.memory_space<vmem>>, vector<1x1x128xi32>
    %get3A_3488 = vector.shape_cast %get3A_3487 : vector<1x1x128xi32> to vector<1x128xi32>
    %broadcast_in_dim3A_3489 = vector.shape_cast %get3A_3488 : vector<1x128xi32> to vector<1x128xi32>
    %broadcast_in_dim3A_3490 = vector.broadcast %broadcast_in_dim3A_3489 : vector<1x128xi32> to vector<32x128xi32>
    %eq3A_3491 = arith.cmpi eq, %broadcast_in_dim3A_3490, %iota3A : vector<32x128xi32>
    %broadcast_in_dim3A_3492 = vector.broadcast %get3A_2 : f32 to vector<32x128xf32>
    %broadcast_in_dim3A_3493 = vector.broadcast %get3A_0 : f32 to vector<32x128xf32>
    %select_n3A_3494 = arith.select %eq3A_3491, %broadcast_in_dim3A_3492, %broadcast_in_dim3A_3493 : vector<32x128xi1>, vector<32x128xf32>
    %swap3A_3495 = arith.constant 3 : index
    %swap3A_3496 = arith.constant 0 : index
    %swap3A_3497 = arith.constant 1664 : index
    %swap3A_3498 = vector.load %arg3[%swap3A_3495, %swap3A_3496, %swap3A_3497] : memref<4x32x8192xf32, #tpu.memory_space<vmem>>, vector<1x32x128xf32>
    %swap3A_3499 = vector.shape_cast %swap3A_3498 : vector<1x32x128xf32> to vector<32x128xf32>
    %swap3A_3500 = vector.shape_cast %select_n3A_3494 : vector<32x128xf32> to vector<1x32x128xf32>
    tpu.vector_store %arg3[%swap3A_3495, %swap3A_3496, %swap3A_3497], %swap3A_3500 {strides = array<i32>} : memref<4x32x8192xf32, #tpu.memory_space<vmem>>, vector<1x32x128xf32>,
    %get3A_3501 = arith.constant 3 : index
    %get3A_3502 = arith.constant 14 : index
    %get3A_3503 = arith.constant 0 : index
    %get3A_3504 = vector.load %arg2[%get3A_3501, %get3A_3502, %get3A_3503] : memref<4x64x128xi32, #tpu.memory_space<vmem>>, vector<1x1x128xi32>
    %get3A_3505 = vector.shape_cast %get3A_3504 : vector<1x1x128xi32> to vector<1x128xi32>
    %broadcast_in_dim3A_3506 = vector.shape_cast %get3A_3505 : vector<1x128xi32> to vector<1x128xi32>
    %broadcast_in_dim3A_3507 = vector.broadcast %broadcast_in_dim3A_3506 : vector<1x128xi32> to vector<32x128xi32>
    %eq3A_3508 = arith.cmpi eq, %broadcast_in_dim3A_3507, %iota3A : vector<32x128xi32>
    %broadcast_in_dim3A_3509 = vector.broadcast %get3A_2 : f32 to vector<32x128xf32>
    %broadcast_in_dim3A_3510 = vector.broadcast %get3A_0 : f32 to vector<32x128xf32>
    %select_n3A_3511 = arith.select %eq3A_3508, %broadcast_in_dim3A_3509, %broadcast_in_dim3A_3510 : vector<32x128xi1>, vector<32x128xf32>
    %swap3A_3512 = arith.constant 3 : index
    %swap3A_3513 = arith.constant 0 : index
    %swap3A_3514 = arith.constant 1792 : index
    %swap3A_3515 = vector.load %arg3[%swap3A_3512, %swap3A_3513, %swap3A_3514] : memref<4x32x8192xf32, #tpu.memory_space<vmem>>, vector<1x32x128xf32>
    %swap3A_3516 = vector.shape_cast %swap3A_3515 : vector<1x32x128xf32> to vector<32x128xf32>
    %swap3A_3517 = vector.shape_cast %select_n3A_3511 : vector<32x128xf32> to vector<1x32x128xf32>
    tpu.vector_store %arg3[%swap3A_3512, %swap3A_3513, %swap3A_3514], %swap3A_3517 {strides = array<i32>} : memref<4x32x8192xf32, #tpu.memory_space<vmem>>, vector<1x32x128xf32>,
    %get3A_3518 = arith.constant 3 : index
    %get3A_3519 = arith.constant 15 : index
    %get3A_3520 = arith.constant 0 : index
    %get3A_3521 = vector.load %arg2[%get3A_3518, %get3A_3519, %get3A_3520] : memref<4x64x128xi32, #tpu.memory_space<vmem>>, vector<1x1x128xi32>
    %get3A_3522 = vector.shape_cast %get3A_3521 : vector<1x1x128xi32> to vector<1x128xi32>
    %broadcast_in_dim3A_3523 = vector.shape_cast %get3A_3522 : vector<1x128xi32> to vector<1x128xi32>
    %broadcast_in_dim3A_3524 = vector.broadcast %broadcast_in_dim3A_3523 : vector<1x128xi32> to vector<32x128xi32>
    %eq3A_3525 = arith.cmpi eq, %broadcast_in_dim3A_3524, %iota3A : vector<32x128xi32>
    %broadcast_in_dim3A_3526 = vector.broadcast %get3A_2 : f32 to vector<32x128xf32>
    %broadcast_in_dim3A_3527 = vector.broadcast %get3A_0 : f32 to vector<32x128xf32>
    %select_n3A_3528 = arith.select %eq3A_3525, %broadcast_in_dim3A_3526, %broadcast_in_dim3A_3527 : vector<32x128xi1>, vector<32x128xf32>
    %swap3A_3529 = arith.constant 3 : index
    %swap3A_3530 = arith.constant 0 : index
    %swap3A_3531 = arith.constant 1920 : index
    %swap3A_3532 = vector.load %arg3[%swap3A_3529, %swap3A_3530, %swap3A_3531] : memref<4x32x8192xf32, #tpu.memory_space<vmem>>, vector<1x32x128xf32>
    %swap3A_3533 = vector.shape_cast %swap3A_3532 : vector<1x32x128xf32> to vector<32x128xf32>
    %swap3A_3534 = vector.shape_cast %select_n3A_3528 : vector<32x128xf32> to vector<1x32x128xf32>
    tpu.vector_store %arg3[%swap3A_3529, %swap3A_3530, %swap3A_3531], %swap3A_3534 {strides = array<i32>} : memref<4x32x8192xf32, #tpu.memory_space<vmem>>, vector<1x32x128xf32>,
    %get3A_3535 = arith.constant 3 : index
    %get3A_3536 = arith.constant 16 : index
    %get3A_3537 = arith.constant 0 : index
    %get3A_3538 = vector.load %arg2[%get3A_3535, %get3A_3536, %get3A_3537] : memref<4x64x128xi32, #tpu.memory_space<vmem>>, vector<1x1x128xi32>
    %get3A_3539 = vector.shape_cast %get3A_3538 : vector<1x1x128xi32> to vector<1x128xi32>
    %broadcast_in_dim3A_3540 = vector.shape_cast %get3A_3539 : vector<1x128xi32> to vector<1x128xi32>
    %broadcast_in_dim3A_3541 = vector.broadcast %broadcast_in_dim3A_3540 : vector<1x128xi32> to vector<32x128xi32>
    %eq3A_3542 = arith.cmpi eq, %broadcast_in_dim3A_3541, %iota3A : vector<32x128xi32>
    %broadcast_in_dim3A_3543 = vector.broadcast %get3A_2 : f32 to vector<32x128xf32>
    %broadcast_in_dim3A_3544 = vector.broadcast %get3A_0 : f32 to vector<32x128xf32>
    %select_n3A_3545 = arith.select %eq3A_3542, %broadcast_in_dim3A_3543, %broadcast_in_dim3A_3544 : vector<32x128xi1>, vector<32x128xf32>
    %swap3A_3546 = arith.constant 3 : index
    %swap3A_3547 = arith.constant 0 : index
    %swap3A_3548 = arith.constant 2048 : index
    %swap3A_3549 = vector.load %arg3[%swap3A_3546, %swap3A_3547, %swap3A_3548] : memref<4x32x8192xf32, #tpu.memory_space<vmem>>, vector<1x32x128xf32>
    %swap3A_3550 = vector.shape_cast %swap3A_3549 : vector<1x32x128xf32> to vector<32x128xf32>
    %swap3A_3551 = vector.shape_cast %select_n3A_3545 : vector<32x128xf32> to vector<1x32x128xf32>
    tpu.vector_store %arg3[%swap3A_3546, %swap3A_3547, %swap3A_3548], %swap3A_3551 {strides = array<i32>} : memref<4x32x8192xf32, #tpu.memory_space<vmem>>, vector<1x32x128xf32>,
    %get3A_3552 = arith.constant 3 : index
    %get3A_3553 = arith.constant 17 : index
    %get3A_3554 = arith.constant 0 : index
    %get3A_3555 = vector.load %arg2[%get3A_3552, %get3A_3553, %get3A_3554] : memref<4x64x128xi32, #tpu.memory_space<vmem>>, vector<1x1x128xi32>
    %get3A_3556 = vector.shape_cast %get3A_3555 : vector<1x1x128xi32> to vector<1x128xi32>
    %broadcast_in_dim3A_3557 = vector.shape_cast %get3A_3556 : vector<1x128xi32> to vector<1x128xi32>
    %broadcast_in_dim3A_3558 = vector.broadcast %broadcast_in_dim3A_3557 : vector<1x128xi32> to vector<32x128xi32>
    %eq3A_3559 = arith.cmpi eq, %broadcast_in_dim3A_3558, %iota3A : vector<32x128xi32>
    %broadcast_in_dim3A_3560 = vector.broadcast %get3A_2 : f32 to vector<32x128xf32>
    %broadcast_in_dim3A_3561 = vector.broadcast %get3A_0 : f32 to vector<32x128xf32>
    %select_n3A_3562 = arith.select %eq3A_3559, %broadcast_in_dim3A_3560, %broadcast_in_dim3A_3561 : vector<32x128xi1>, vector<32x128xf32>
    %swap3A_3563 = arith.constant 3 : index
    %swap3A_3564 = arith.constant 0 : index
    %swap3A_3565 = arith.constant 2176 : index
    %swap3A_3566 = vector.load %arg3[%swap3A_3563, %swap3A_3564, %swap3A_3565] : memref<4x32x8192xf32, #tpu.memory_space<vmem>>, vector<1x32x128xf32>
    %swap3A_3567 = vector.shape_cast %swap3A_3566 : vector<1x32x128xf32> to vector<32x128xf32>
    %swap3A_3568 = vector.shape_cast %select_n3A_3562 : vector<32x128xf32> to vector<1x32x128xf32>
    tpu.vector_store %arg3[%swap3A_3563, %swap3A_3564, %swap3A_3565], %swap3A_3568 {strides = array<i32>} : memref<4x32x8192xf32, #tpu.memory_space<vmem>>, vector<1x32x128xf32>,
    %get3A_3569 = arith.constant 3 : index
    %get3A_3570 = arith.constant 18 : index
    %get3A_3571 = arith.constant 0 : index
    %get3A_3572 = vector.load %arg2[%get3A_3569, %get3A_3570, %get3A_3571] : memref<4x64x128xi32, #tpu.memory_space<vmem>>, vector<1x1x128xi32>
    %get3A_3573 = vector.shape_cast %get3A_3572 : vector<1x1x128xi32> to vector<1x128xi32>
    %broadcast_in_dim3A_3574 = vector.shape_cast %get3A_3573 : vector<1x128xi32> to vector<1x128xi32>
    %broadcast_in_dim3A_3575 = vector.broadcast %broadcast_in_dim3A_3574 : vector<1x128xi32> to vector<32x128xi32>
    %eq3A_3576 = arith.cmpi eq, %broadcast_in_dim3A_3575, %iota3A : vector<32x128xi32>
    %broadcast_in_dim3A_3577 = vector.broadcast %get3A_2 : f32 to vector<32x128xf32>
    %broadcast_in_dim3A_3578 = vector.broadcast %get3A_0 : f32 to vector<32x128xf32>
    %select_n3A_3579 = arith.select %eq3A_3576, %broadcast_in_dim3A_3577, %broadcast_in_dim3A_3578 : vector<32x128xi1>, vector<32x128xf32>
    %swap3A_3580 = arith.constant 3 : index
    %swap3A_3581 = arith.constant 0 : index
    %swap3A_3582 = arith.constant 2304 : index
    %swap3A_3583 = vector.load %arg3[%swap3A_3580, %swap3A_3581, %swap3A_3582] : memref<4x32x8192xf32, #tpu.memory_space<vmem>>, vector<1x32x128xf32>
    %swap3A_3584 = vector.shape_cast %swap3A_3583 : vector<1x32x128xf32> to vector<32x128xf32>
    %swap3A_3585 = vector.shape_cast %select_n3A_3579 : vector<32x128xf32> to vector<1x32x128xf32>
    tpu.vector_store %arg3[%swap3A_3580, %swap3A_3581, %swap3A_3582], %swap3A_3585 {strides = array<i32>} : memref<4x32x8192xf32, #tpu.memory_space<vmem>>, vector<1x32x128xf32>,
    %get3A_3586 = arith.constant 3 : index
    %get3A_3587 = arith.constant 19 : index
    %get3A_3588 = arith.constant 0 : index
    %get3A_3589 = vector.load %arg2[%get3A_3586, %get3A_3587, %get3A_3588] : memref<4x64x128xi32, #tpu.memory_space<vmem>>, vector<1x1x128xi32>
    %get3A_3590 = vector.shape_cast %get3A_3589 : vector<1x1x128xi32> to vector<1x128xi32>
    %broadcast_in_dim3A_3591 = vector.shape_cast %get3A_3590 : vector<1x128xi32> to vector<1x128xi32>
    %broadcast_in_dim3A_3592 = vector.broadcast %broadcast_in_dim3A_3591 : vector<1x128xi32> to vector<32x128xi32>
    %eq3A_3593 = arith.cmpi eq, %broadcast_in_dim3A_3592, %iota3A : vector<32x128xi32>
    %broadcast_in_dim3A_3594 = vector.broadcast %get3A_2 : f32 to vector<32x128xf32>
    %broadcast_in_dim3A_3595 = vector.broadcast %get3A_0 : f32 to vector<32x128xf32>
    %select_n3A_3596 = arith.select %eq3A_3593, %broadcast_in_dim3A_3594, %broadcast_in_dim3A_3595 : vector<32x128xi1>, vector<32x128xf32>
    %swap3A_3597 = arith.constant 3 : index
    %swap3A_3598 = arith.constant 0 : index
    %swap3A_3599 = arith.constant 2432 : index
    %swap3A_3600 = vector.load %arg3[%swap3A_3597, %swap3A_3598, %swap3A_3599] : memref<4x32x8192xf32, #tpu.memory_space<vmem>>, vector<1x32x128xf32>
    %swap3A_3601 = vector.shape_cast %swap3A_3600 : vector<1x32x128xf32> to vector<32x128xf32>
    %swap3A_3602 = vector.shape_cast %select_n3A_3596 : vector<32x128xf32> to vector<1x32x128xf32>
    tpu.vector_store %arg3[%swap3A_3597, %swap3A_3598, %swap3A_3599], %swap3A_3602 {strides = array<i32>} : memref<4x32x8192xf32, #tpu.memory_space<vmem>>, vector<1x32x128xf32>,
    %get3A_3603 = arith.constant 3 : index
    %get3A_3604 = arith.constant 20 : index
    %get3A_3605 = arith.constant 0 : index
    %get3A_3606 = vector.load %arg2[%get3A_3603, %get3A_3604, %get3A_3605] : memref<4x64x128xi32, #tpu.memory_space<vmem>>, vector<1x1x128xi32>
    %get3A_3607 = vector.shape_cast %get3A_3606 : vector<1x1x128xi32> to vector<1x128xi32>
    %broadcast_in_dim3A_3608 = vector.shape_cast %get3A_3607 : vector<1x128xi32> to vector<1x128xi32>
    %broadcast_in_dim3A_3609 = vector.broadcast %broadcast_in_dim3A_3608 : vector<1x128xi32> to vector<32x128xi32>
    %eq3A_3610 = arith.cmpi eq, %broadcast_in_dim3A_3609, %iota3A : vector<32x128xi32>
    %broadcast_in_dim3A_3611 = vector.broadcast %get3A_2 : f32 to vector<32x128xf32>
    %broadcast_in_dim3A_3612 = vector.broadcast %get3A_0 : f32 to vector<32x128xf32>
    %select_n3A_3613 = arith.select %eq3A_3610, %broadcast_in_dim3A_3611, %broadcast_in_dim3A_3612 : vector<32x128xi1>, vector<32x128xf32>
    %swap3A_3614 = arith.constant 3 : index
    %swap3A_3615 = arith.constant 0 : index
    %swap3A_3616 = arith.constant 2560 : index
    %swap3A_3617 = vector.load %arg3[%swap3A_3614, %swap3A_3615, %swap3A_3616] : memref<4x32x8192xf32, #tpu.memory_space<vmem>>, vector<1x32x128xf32>
    %swap3A_3618 = vector.shape_cast %swap3A_3617 : vector<1x32x128xf32> to vector<32x128xf32>
    %swap3A_3619 = vector.shape_cast %select_n3A_3613 : vector<32x128xf32> to vector<1x32x128xf32>
    tpu.vector_store %arg3[%swap3A_3614, %swap3A_3615, %swap3A_3616], %swap3A_3619 {strides = array<i32>} : memref<4x32x8192xf32, #tpu.memory_space<vmem>>, vector<1x32x128xf32>,
    %get3A_3620 = arith.constant 3 : index
    %get3A_3621 = arith.constant 21 : index
    %get3A_3622 = arith.constant 0 : index
    %get3A_3623 = vector.load %arg2[%get3A_3620, %get3A_3621, %get3A_3622] : memref<4x64x128xi32, #tpu.memory_space<vmem>>, vector<1x1x128xi32>
    %get3A_3624 = vector.shape_cast %get3A_3623 : vector<1x1x128xi32> to vector<1x128xi32>
    %broadcast_in_dim3A_3625 = vector.shape_cast %get3A_3624 : vector<1x128xi32> to vector<1x128xi32>
    %broadcast_in_dim3A_3626 = vector.broadcast %broadcast_in_dim3A_3625 : vector<1x128xi32> to vector<32x128xi32>
    %eq3A_3627 = arith.cmpi eq, %broadcast_in_dim3A_3626, %iota3A : vector<32x128xi32>
    %broadcast_in_dim3A_3628 = vector.broadcast %get3A_2 : f32 to vector<32x128xf32>
    %broadcast_in_dim3A_3629 = vector.broadcast %get3A_0 : f32 to vector<32x128xf32>
    %select_n3A_3630 = arith.select %eq3A_3627, %broadcast_in_dim3A_3628, %broadcast_in_dim3A_3629 : vector<32x128xi1>, vector<32x128xf32>
    %swap3A_3631 = arith.constant 3 : index
    %swap3A_3632 = arith.constant 0 : index
    %swap3A_3633 = arith.constant 2688 : index
    %swap3A_3634 = vector.load %arg3[%swap3A_3631, %swap3A_3632, %swap3A_3633] : memref<4x32x8192xf32, #tpu.memory_space<vmem>>, vector<1x32x128xf32>
    %swap3A_3635 = vector.shape_cast %swap3A_3634 : vector<1x32x128xf32> to vector<32x128xf32>
    %swap3A_3636 = vector.shape_cast %select_n3A_3630 : vector<32x128xf32> to vector<1x32x128xf32>
    tpu.vector_store %arg3[%swap3A_3631, %swap3A_3632, %swap3A_3633], %swap3A_3636 {strides = array<i32>} : memref<4x32x8192xf32, #tpu.memory_space<vmem>>, vector<1x32x128xf32>,
    %get3A_3637 = arith.constant 3 : index
    %get3A_3638 = arith.constant 22 : index
    %get3A_3639 = arith.constant 0 : index
    %get3A_3640 = vector.load %arg2[%get3A_3637, %get3A_3638, %get3A_3639] : memref<4x64x128xi32, #tpu.memory_space<vmem>>, vector<1x1x128xi32>
    %get3A_3641 = vector.shape_cast %get3A_3640 : vector<1x1x128xi32> to vector<1x128xi32>
    %broadcast_in_dim3A_3642 = vector.shape_cast %get3A_3641 : vector<1x128xi32> to vector<1x128xi32>
    %broadcast_in_dim3A_3643 = vector.broadcast %broadcast_in_dim3A_3642 : vector<1x128xi32> to vector<32x128xi32>
    %eq3A_3644 = arith.cmpi eq, %broadcast_in_dim3A_3643, %iota3A : vector<32x128xi32>
    %broadcast_in_dim3A_3645 = vector.broadcast %get3A_2 : f32 to vector<32x128xf32>
    %broadcast_in_dim3A_3646 = vector.broadcast %get3A_0 : f32 to vector<32x128xf32>
    %select_n3A_3647 = arith.select %eq3A_3644, %broadcast_in_dim3A_3645, %broadcast_in_dim3A_3646 : vector<32x128xi1>, vector<32x128xf32>
    %swap3A_3648 = arith.constant 3 : index
    %swap3A_3649 = arith.constant 0 : index
    %swap3A_3650 = arith.constant 2816 : index
    %swap3A_3651 = vector.load %arg3[%swap3A_3648, %swap3A_3649, %swap3A_3650] : memref<4x32x8192xf32, #tpu.memory_space<vmem>>, vector<1x32x128xf32>
    %swap3A_3652 = vector.shape_cast %swap3A_3651 : vector<1x32x128xf32> to vector<32x128xf32>
    %swap3A_3653 = vector.shape_cast %select_n3A_3647 : vector<32x128xf32> to vector<1x32x128xf32>
    tpu.vector_store %arg3[%swap3A_3648, %swap3A_3649, %swap3A_3650], %swap3A_3653 {strides = array<i32>} : memref<4x32x8192xf32, #tpu.memory_space<vmem>>, vector<1x32x128xf32>,
    %get3A_3654 = arith.constant 3 : index
    %get3A_3655 = arith.constant 23 : index
    %get3A_3656 = arith.constant 0 : index
    %get3A_3657 = vector.load %arg2[%get3A_3654, %get3A_3655, %get3A_3656] : memref<4x64x128xi32, #tpu.memory_space<vmem>>, vector<1x1x128xi32>
    %get3A_3658 = vector.shape_cast %get3A_3657 : vector<1x1x128xi32> to vector<1x128xi32>
    %broadcast_in_dim3A_3659 = vector.shape_cast %get3A_3658 : vector<1x128xi32> to vector<1x128xi32>
    %broadcast_in_dim3A_3660 = vector.broadcast %broadcast_in_dim3A_3659 : vector<1x128xi32> to vector<32x128xi32>
    %eq3A_3661 = arith.cmpi eq, %broadcast_in_dim3A_3660, %iota3A : vector<32x128xi32>
    %broadcast_in_dim3A_3662 = vector.broadcast %get3A_2 : f32 to vector<32x128xf32>
    %broadcast_in_dim3A_3663 = vector.broadcast %get3A_0 : f32 to vector<32x128xf32>
    %select_n3A_3664 = arith.select %eq3A_3661, %broadcast_in_dim3A_3662, %broadcast_in_dim3A_3663 : vector<32x128xi1>, vector<32x128xf32>
    %swap3A_3665 = arith.constant 3 : index
    %swap3A_3666 = arith.constant 0 : index
    %swap3A_3667 = arith.constant 2944 : index
    %swap3A_3668 = vector.load %arg3[%swap3A_3665, %swap3A_3666, %swap3A_3667] : memref<4x32x8192xf32, #tpu.memory_space<vmem>>, vector<1x32x128xf32>
    %swap3A_3669 = vector.shape_cast %swap3A_3668 : vector<1x32x128xf32> to vector<32x128xf32>
    %swap3A_3670 = vector.shape_cast %select_n3A_3664 : vector<32x128xf32> to vector<1x32x128xf32>
    tpu.vector_store %arg3[%swap3A_3665, %swap3A_3666, %swap3A_3667], %swap3A_3670 {strides = array<i32>} : memref<4x32x8192xf32, #tpu.memory_space<vmem>>, vector<1x32x128xf32>,
    %get3A_3671 = arith.constant 3 : index
    %get3A_3672 = arith.constant 24 : index
    %get3A_3673 = arith.constant 0 : index
    %get3A_3674 = vector.load %arg2[%get3A_3671, %get3A_3672, %get3A_3673] : memref<4x64x128xi32, #tpu.memory_space<vmem>>, vector<1x1x128xi32>
    %get3A_3675 = vector.shape_cast %get3A_3674 : vector<1x1x128xi32> to vector<1x128xi32>
    %broadcast_in_dim3A_3676 = vector.shape_cast %get3A_3675 : vector<1x128xi32> to vector<1x128xi32>
    %broadcast_in_dim3A_3677 = vector.broadcast %broadcast_in_dim3A_3676 : vector<1x128xi32> to vector<32x128xi32>
    %eq3A_3678 = arith.cmpi eq, %broadcast_in_dim3A_3677, %iota3A : vector<32x128xi32>
    %broadcast_in_dim3A_3679 = vector.broadcast %get3A_2 : f32 to vector<32x128xf32>
    %broadcast_in_dim3A_3680 = vector.broadcast %get3A_0 : f32 to vector<32x128xf32>
    %select_n3A_3681 = arith.select %eq3A_3678, %broadcast_in_dim3A_3679, %broadcast_in_dim3A_3680 : vector<32x128xi1>, vector<32x128xf32>
    %swap3A_3682 = arith.constant 3 : index
    %swap3A_3683 = arith.constant 0 : index
    %swap3A_3684 = arith.constant 3072 : index
    %swap3A_3685 = vector.load %arg3[%swap3A_3682, %swap3A_3683, %swap3A_3684] : memref<4x32x8192xf32, #tpu.memory_space<vmem>>, vector<1x32x128xf32>
    %swap3A_3686 = vector.shape_cast %swap3A_3685 : vector<1x32x128xf32> to vector<32x128xf32>
    %swap3A_3687 = vector.shape_cast %select_n3A_3681 : vector<32x128xf32> to vector<1x32x128xf32>
    tpu.vector_store %arg3[%swap3A_3682, %swap3A_3683, %swap3A_3684], %swap3A_3687 {strides = array<i32>} : memref<4x32x8192xf32, #tpu.memory_space<vmem>>, vector<1x32x128xf32>,
    %get3A_3688 = arith.constant 3 : index
    %get3A_3689 = arith.constant 25 : index
    %get3A_3690 = arith.constant 0 : index
    %get3A_3691 = vector.load %arg2[%get3A_3688, %get3A_3689, %get3A_3690] : memref<4x64x128xi32, #tpu.memory_space<vmem>>, vector<1x1x128xi32>
    %get3A_3692 = vector.shape_cast %get3A_3691 : vector<1x1x128xi32> to vector<1x128xi32>
    %broadcast_in_dim3A_3693 = vector.shape_cast %get3A_3692 : vector<1x128xi32> to vector<1x128xi32>
    %broadcast_in_dim3A_3694 = vector.broadcast %broadcast_in_dim3A_3693 : vector<1x128xi32> to vector<32x128xi32>
    %eq3A_3695 = arith.cmpi eq, %broadcast_in_dim3A_3694, %iota3A : vector<32x128xi32>
    %broadcast_in_dim3A_3696 = vector.broadcast %get3A_2 : f32 to vector<32x128xf32>
    %broadcast_in_dim3A_3697 = vector.broadcast %get3A_0 : f32 to vector<32x128xf32>
    %select_n3A_3698 = arith.select %eq3A_3695, %broadcast_in_dim3A_3696, %broadcast_in_dim3A_3697 : vector<32x128xi1>, vector<32x128xf32>
    %swap3A_3699 = arith.constant 3 : index
    %swap3A_3700 = arith.constant 0 : index
    %swap3A_3701 = arith.constant 3200 : index
    %swap3A_3702 = vector.load %arg3[%swap3A_3699, %swap3A_3700, %swap3A_3701] : memref<4x32x8192xf32, #tpu.memory_space<vmem>>, vector<1x32x128xf32>
    %swap3A_3703 = vector.shape_cast %swap3A_3702 : vector<1x32x128xf32> to vector<32x128xf32>
    %swap3A_3704 = vector.shape_cast %select_n3A_3698 : vector<32x128xf32> to vector<1x32x128xf32>
    tpu.vector_store %arg3[%swap3A_3699, %swap3A_3700, %swap3A_3701], %swap3A_3704 {strides = array<i32>} : memref<4x32x8192xf32, #tpu.memory_space<vmem>>, vector<1x32x128xf32>,
    %get3A_3705 = arith.constant 3 : index
    %get3A_3706 = arith.constant 26 : index
    %get3A_3707 = arith.constant 0 : index
    %get3A_3708 = vector.load %arg2[%get3A_3705, %get3A_3706, %get3A_3707] : memref<4x64x128xi32, #tpu.memory_space<vmem>>, vector<1x1x128xi32>
    %get3A_3709 = vector.shape_cast %get3A_3708 : vector<1x1x128xi32> to vector<1x128xi32>
    %broadcast_in_dim3A_3710 = vector.shape_cast %get3A_3709 : vector<1x128xi32> to vector<1x128xi32>
    %broadcast_in_dim3A_3711 = vector.broadcast %broadcast_in_dim3A_3710 : vector<1x128xi32> to vector<32x128xi32>
    %eq3A_3712 = arith.cmpi eq, %broadcast_in_dim3A_3711, %iota3A : vector<32x128xi32>
    %broadcast_in_dim3A_3713 = vector.broadcast %get3A_2 : f32 to vector<32x128xf32>
    %broadcast_in_dim3A_3714 = vector.broadcast %get3A_0 : f32 to vector<32x128xf32>
    %select_n3A_3715 = arith.select %eq3A_3712, %broadcast_in_dim3A_3713, %broadcast_in_dim3A_3714 : vector<32x128xi1>, vector<32x128xf32>
    %swap3A_3716 = arith.constant 3 : index
    %swap3A_3717 = arith.constant 0 : index
    %swap3A_3718 = arith.constant 3328 : index
    %swap3A_3719 = vector.load %arg3[%swap3A_3716, %swap3A_3717, %swap3A_3718] : memref<4x32x8192xf32, #tpu.memory_space<vmem>>, vector<1x32x128xf32>
    %swap3A_3720 = vector.shape_cast %swap3A_3719 : vector<1x32x128xf32> to vector<32x128xf32>
    %swap3A_3721 = vector.shape_cast %select_n3A_3715 : vector<32x128xf32> to vector<1x32x128xf32>
    tpu.vector_store %arg3[%swap3A_3716, %swap3A_3717, %swap3A_3718], %swap3A_3721 {strides = array<i32>} : memref<4x32x8192xf32, #tpu.memory_space<vmem>>, vector<1x32x128xf32>,
    %get3A_3722 = arith.constant 3 : index
    %get3A_3723 = arith.constant 27 : index
    %get3A_3724 = arith.constant 0 : index
    %get3A_3725 = vector.load %arg2[%get3A_3722, %get3A_3723, %get3A_3724] : memref<4x64x128xi32, #tpu.memory_space<vmem>>, vector<1x1x128xi32>
    %get3A_3726 = vector.shape_cast %get3A_3725 : vector<1x1x128xi32> to vector<1x128xi32>
    %broadcast_in_dim3A_3727 = vector.shape_cast %get3A_3726 : vector<1x128xi32> to vector<1x128xi32>
    %broadcast_in_dim3A_3728 = vector.broadcast %broadcast_in_dim3A_3727 : vector<1x128xi32> to vector<32x128xi32>
    %eq3A_3729 = arith.cmpi eq, %broadcast_in_dim3A_3728, %iota3A : vector<32x128xi32>
    %broadcast_in_dim3A_3730 = vector.broadcast %get3A_2 : f32 to vector<32x128xf32>
    %broadcast_in_dim3A_3731 = vector.broadcast %get3A_0 : f32 to vector<32x128xf32>
    %select_n3A_3732 = arith.select %eq3A_3729, %broadcast_in_dim3A_3730, %broadcast_in_dim3A_3731 : vector<32x128xi1>, vector<32x128xf32>
    %swap3A_3733 = arith.constant 3 : index
    %swap3A_3734 = arith.constant 0 : index
    %swap3A_3735 = arith.constant 3456 : index
    %swap3A_3736 = vector.load %arg3[%swap3A_3733, %swap3A_3734, %swap3A_3735] : memref<4x32x8192xf32, #tpu.memory_space<vmem>>, vector<1x32x128xf32>
    %swap3A_3737 = vector.shape_cast %swap3A_3736 : vector<1x32x128xf32> to vector<32x128xf32>
    %swap3A_3738 = vector.shape_cast %select_n3A_3732 : vector<32x128xf32> to vector<1x32x128xf32>
    tpu.vector_store %arg3[%swap3A_3733, %swap3A_3734, %swap3A_3735], %swap3A_3738 {strides = array<i32>} : memref<4x32x8192xf32, #tpu.memory_space<vmem>>, vector<1x32x128xf32>,
    %get3A_3739 = arith.constant 3 : index
    %get3A_3740 = arith.constant 28 : index
    %get3A_3741 = arith.constant 0 : index
    %get3A_3742 = vector.load %arg2[%get3A_3739, %get3A_3740, %get3A_3741] : memref<4x64x128xi32, #tpu.memory_space<vmem>>, vector<1x1x128xi32>
    %get3A_3743 = vector.shape_cast %get3A_3742 : vector<1x1x128xi32> to vector<1x128xi32>
    %broadcast_in_dim3A_3744 = vector.shape_cast %get3A_3743 : vector<1x128xi32> to vector<1x128xi32>
    %broadcast_in_dim3A_3745 = vector.broadcast %broadcast_in_dim3A_3744 : vector<1x128xi32> to vector<32x128xi32>
    %eq3A_3746 = arith.cmpi eq, %broadcast_in_dim3A_3745, %iota3A : vector<32x128xi32>
    %broadcast_in_dim3A_3747 = vector.broadcast %get3A_2 : f32 to vector<32x128xf32>
    %broadcast_in_dim3A_3748 = vector.broadcast %get3A_0 : f32 to vector<32x128xf32>
    %select_n3A_3749 = arith.select %eq3A_3746, %broadcast_in_dim3A_3747, %broadcast_in_dim3A_3748 : vector<32x128xi1>, vector<32x128xf32>
    %swap3A_3750 = arith.constant 3 : index
    %swap3A_3751 = arith.constant 0 : index
    %swap3A_3752 = arith.constant 3584 : index
    %swap3A_3753 = vector.load %arg3[%swap3A_3750, %swap3A_3751, %swap3A_3752] : memref<4x32x8192xf32, #tpu.memory_space<vmem>>, vector<1x32x128xf32>
    %swap3A_3754 = vector.shape_cast %swap3A_3753 : vector<1x32x128xf32> to vector<32x128xf32>
    %swap3A_3755 = vector.shape_cast %select_n3A_3749 : vector<32x128xf32> to vector<1x32x128xf32>
    tpu.vector_store %arg3[%swap3A_3750, %swap3A_3751, %swap3A_3752], %swap3A_3755 {strides = array<i32>} : memref<4x32x8192xf32, #tpu.memory_space<vmem>>, vector<1x32x128xf32>,
    %get3A_3756 = arith.constant 3 : index
    %get3A_3757 = arith.constant 29 : index
    %get3A_3758 = arith.constant 0 : index
    %get3A_3759 = vector.load %arg2[%get3A_3756, %get3A_3757, %get3A_3758] : memref<4x64x128xi32, #tpu.memory_space<vmem>>, vector<1x1x128xi32>
    %get3A_3760 = vector.shape_cast %get3A_3759 : vector<1x1x128xi32> to vector<1x128xi32>
    %broadcast_in_dim3A_3761 = vector.shape_cast %get3A_3760 : vector<1x128xi32> to vector<1x128xi32>
    %broadcast_in_dim3A_3762 = vector.broadcast %broadcast_in_dim3A_3761 : vector<1x128xi32> to vector<32x128xi32>
    %eq3A_3763 = arith.cmpi eq, %broadcast_in_dim3A_3762, %iota3A : vector<32x128xi32>
    %broadcast_in_dim3A_3764 = vector.broadcast %get3A_2 : f32 to vector<32x128xf32>
    %broadcast_in_dim3A_3765 = vector.broadcast %get3A_0 : f32 to vector<32x128xf32>
    %select_n3A_3766 = arith.select %eq3A_3763, %broadcast_in_dim3A_3764, %broadcast_in_dim3A_3765 : vector<32x128xi1>, vector<32x128xf32>
    %swap3A_3767 = arith.constant 3 : index
    %swap3A_3768 = arith.constant 0 : index
    %swap3A_3769 = arith.constant 3712 : index
    %swap3A_3770 = vector.load %arg3[%swap3A_3767, %swap3A_3768, %swap3A_3769] : memref<4x32x8192xf32, #tpu.memory_space<vmem>>, vector<1x32x128xf32>
    %swap3A_3771 = vector.shape_cast %swap3A_3770 : vector<1x32x128xf32> to vector<32x128xf32>
    %swap3A_3772 = vector.shape_cast %select_n3A_3766 : vector<32x128xf32> to vector<1x32x128xf32>
    tpu.vector_store %arg3[%swap3A_3767, %swap3A_3768, %swap3A_3769], %swap3A_3772 {strides = array<i32>} : memref<4x32x8192xf32, #tpu.memory_space<vmem>>, vector<1x32x128xf32>,
    %get3A_3773 = arith.constant 3 : index
    %get3A_3774 = arith.constant 30 : index
    %get3A_3775 = arith.constant 0 : index
    %get3A_3776 = vector.load %arg2[%get3A_3773, %get3A_3774, %get3A_3775] : memref<4x64x128xi32, #tpu.memory_space<vmem>>, vector<1x1x128xi32>
    %get3A_3777 = vector.shape_cast %get3A_3776 : vector<1x1x128xi32> to vector<1x128xi32>
    %broadcast_in_dim3A_3778 = vector.shape_cast %get3A_3777 : vector<1x128xi32> to vector<1x128xi32>
    %broadcast_in_dim3A_3779 = vector.broadcast %broadcast_in_dim3A_3778 : vector<1x128xi32> to vector<32x128xi32>
    %eq3A_3780 = arith.cmpi eq, %broadcast_in_dim3A_3779, %iota3A : vector<32x128xi32>
    %broadcast_in_dim3A_3781 = vector.broadcast %get3A_2 : f32 to vector<32x128xf32>
    %broadcast_in_dim3A_3782 = vector.broadcast %get3A_0 : f32 to vector<32x128xf32>
    %select_n3A_3783 = arith.select %eq3A_3780, %broadcast_in_dim3A_3781, %broadcast_in_dim3A_3782 : vector<32x128xi1>, vector<32x128xf32>
    %swap3A_3784 = arith.constant 3 : index
    %swap3A_3785 = arith.constant 0 : index
    %swap3A_3786 = arith.constant 3840 : index
    %swap3A_3787 = vector.load %arg3[%swap3A_3784, %swap3A_3785, %swap3A_3786] : memref<4x32x8192xf32, #tpu.memory_space<vmem>>, vector<1x32x128xf32>
    %swap3A_3788 = vector.shape_cast %swap3A_3787 : vector<1x32x128xf32> to vector<32x128xf32>
    %swap3A_3789 = vector.shape_cast %select_n3A_3783 : vector<32x128xf32> to vector<1x32x128xf32>
    tpu.vector_store %arg3[%swap3A_3784, %swap3A_3785, %swap3A_3786], %swap3A_3789 {strides = array<i32>} : memref<4x32x8192xf32, #tpu.memory_space<vmem>>, vector<1x32x128xf32>,
    %get3A_3790 = arith.constant 3 : index
    %get3A_3791 = arith.constant 31 : index
    %get3A_3792 = arith.constant 0 : index
    %get3A_3793 = vector.load %arg2[%get3A_3790, %get3A_3791, %get3A_3792] : memref<4x64x128xi32, #tpu.memory_space<vmem>>, vector<1x1x128xi32>
    %get3A_3794 = vector.shape_cast %get3A_3793 : vector<1x1x128xi32> to vector<1x128xi32>
    %broadcast_in_dim3A_3795 = vector.shape_cast %get3A_3794 : vector<1x128xi32> to vector<1x128xi32>
    %broadcast_in_dim3A_3796 = vector.broadcast %broadcast_in_dim3A_3795 : vector<1x128xi32> to vector<32x128xi32>
    %eq3A_3797 = arith.cmpi eq, %broadcast_in_dim3A_3796, %iota3A : vector<32x128xi32>
    %broadcast_in_dim3A_3798 = vector.broadcast %get3A_2 : f32 to vector<32x128xf32>
    %broadcast_in_dim3A_3799 = vector.broadcast %get3A_0 : f32 to vector<32x128xf32>
    %select_n3A_3800 = arith.select %eq3A_3797, %broadcast_in_dim3A_3798, %broadcast_in_dim3A_3799 : vector<32x128xi1>, vector<32x128xf32>
    %swap3A_3801 = arith.constant 3 : index
    %swap3A_3802 = arith.constant 0 : index
    %swap3A_3803 = arith.constant 3968 : index
    %swap3A_3804 = vector.load %arg3[%swap3A_3801, %swap3A_3802, %swap3A_3803] : memref<4x32x8192xf32, #tpu.memory_space<vmem>>, vector<1x32x128xf32>
    %swap3A_3805 = vector.shape_cast %swap3A_3804 : vector<1x32x128xf32> to vector<32x128xf32>
    %swap3A_3806 = vector.shape_cast %select_n3A_3800 : vector<32x128xf32> to vector<1x32x128xf32>
    tpu.vector_store %arg3[%swap3A_3801, %swap3A_3802, %swap3A_3803], %swap3A_3806 {strides = array<i32>} : memref<4x32x8192xf32, #tpu.memory_space<vmem>>, vector<1x32x128xf32>,
    %get3A_3807 = arith.constant 3 : index
    %get3A_3808 = arith.constant 32 : index
    %get3A_3809 = arith.constant 0 : index
    %get3A_3810 = vector.load %arg2[%get3A_3807, %get3A_3808, %get3A_3809] : memref<4x64x128xi32, #tpu.memory_space<vmem>>, vector<1x1x128xi32>
    %get3A_3811 = vector.shape_cast %get3A_3810 : vector<1x1x128xi32> to vector<1x128xi32>
    %broadcast_in_dim3A_3812 = vector.shape_cast %get3A_3811 : vector<1x128xi32> to vector<1x128xi32>
    %broadcast_in_dim3A_3813 = vector.broadcast %broadcast_in_dim3A_3812 : vector<1x128xi32> to vector<32x128xi32>
    %eq3A_3814 = arith.cmpi eq, %broadcast_in_dim3A_3813, %iota3A : vector<32x128xi32>
    %broadcast_in_dim3A_3815 = vector.broadcast %get3A_2 : f32 to vector<32x128xf32>
    %broadcast_in_dim3A_3816 = vector.broadcast %get3A_0 : f32 to vector<32x128xf32>
    %select_n3A_3817 = arith.select %eq3A_3814, %broadcast_in_dim3A_3815, %broadcast_in_dim3A_3816 : vector<32x128xi1>, vector<32x128xf32>
    %swap3A_3818 = arith.constant 3 : index
    %swap3A_3819 = arith.constant 0 : index
    %swap3A_3820 = arith.constant 4096 : index
    %swap3A_3821 = vector.load %arg3[%swap3A_3818, %swap3A_3819, %swap3A_3820] : memref<4x32x8192xf32, #tpu.memory_space<vmem>>, vector<1x32x128xf32>
    %swap3A_3822 = vector.shape_cast %swap3A_3821 : vector<1x32x128xf32> to vector<32x128xf32>
    %swap3A_3823 = vector.shape_cast %select_n3A_3817 : vector<32x128xf32> to vector<1x32x128xf32>
    tpu.vector_store %arg3[%swap3A_3818, %swap3A_3819, %swap3A_3820], %swap3A_3823 {strides = array<i32>} : memref<4x32x8192xf32, #tpu.memory_space<vmem>>, vector<1x32x128xf32>,
    %get3A_3824 = arith.constant 3 : index
    %get3A_3825 = arith.constant 33 : index
    %get3A_3826 = arith.constant 0 : index
    %get3A_3827 = vector.load %arg2[%get3A_3824, %get3A_3825, %get3A_3826] : memref<4x64x128xi32, #tpu.memory_space<vmem>>, vector<1x1x128xi32>
    %get3A_3828 = vector.shape_cast %get3A_3827 : vector<1x1x128xi32> to vector<1x128xi32>
    %broadcast_in_dim3A_3829 = vector.shape_cast %get3A_3828 : vector<1x128xi32> to vector<1x128xi32>
    %broadcast_in_dim3A_3830 = vector.broadcast %broadcast_in_dim3A_3829 : vector<1x128xi32> to vector<32x128xi32>
    %eq3A_3831 = arith.cmpi eq, %broadcast_in_dim3A_3830, %iota3A : vector<32x128xi32>
    %broadcast_in_dim3A_3832 = vector.broadcast %get3A_2 : f32 to vector<32x128xf32>
    %broadcast_in_dim3A_3833 = vector.broadcast %get3A_0 : f32 to vector<32x128xf32>
    %select_n3A_3834 = arith.select %eq3A_3831, %broadcast_in_dim3A_3832, %broadcast_in_dim3A_3833 : vector<32x128xi1>, vector<32x128xf32>
    %swap3A_3835 = arith.constant 3 : index
    %swap3A_3836 = arith.constant 0 : index
    %swap3A_3837 = arith.constant 4224 : index
    %swap3A_3838 = vector.load %arg3[%swap3A_3835, %swap3A_3836, %swap3A_3837] : memref<4x32x8192xf32, #tpu.memory_space<vmem>>, vector<1x32x128xf32>
    %swap3A_3839 = vector.shape_cast %swap3A_3838 : vector<1x32x128xf32> to vector<32x128xf32>
    %swap3A_3840 = vector.shape_cast %select_n3A_3834 : vector<32x128xf32> to vector<1x32x128xf32>
    tpu.vector_store %arg3[%swap3A_3835, %swap3A_3836, %swap3A_3837], %swap3A_3840 {strides = array<i32>} : memref<4x32x8192xf32, #tpu.memory_space<vmem>>, vector<1x32x128xf32>,
    %get3A_3841 = arith.constant 3 : index
    %get3A_3842 = arith.constant 34 : index
    %get3A_3843 = arith.constant 0 : index
    %get3A_3844 = vector.load %arg2[%get3A_3841, %get3A_3842, %get3A_3843] : memref<4x64x128xi32, #tpu.memory_space<vmem>>, vector<1x1x128xi32>
    %get3A_3845 = vector.shape_cast %get3A_3844 : vector<1x1x128xi32> to vector<1x128xi32>
    %broadcast_in_dim3A_3846 = vector.shape_cast %get3A_3845 : vector<1x128xi32> to vector<1x128xi32>
    %broadcast_in_dim3A_3847 = vector.broadcast %broadcast_in_dim3A_3846 : vector<1x128xi32> to vector<32x128xi32>
    %eq3A_3848 = arith.cmpi eq, %broadcast_in_dim3A_3847, %iota3A : vector<32x128xi32>
    %broadcast_in_dim3A_3849 = vector.broadcast %get3A_2 : f32 to vector<32x128xf32>
    %broadcast_in_dim3A_3850 = vector.broadcast %get3A_0 : f32 to vector<32x128xf32>
    %select_n3A_3851 = arith.select %eq3A_3848, %broadcast_in_dim3A_3849, %broadcast_in_dim3A_3850 : vector<32x128xi1>, vector<32x128xf32>
    %swap3A_3852 = arith.constant 3 : index
    %swap3A_3853 = arith.constant 0 : index
    %swap3A_3854 = arith.constant 4352 : index
    %swap3A_3855 = vector.load %arg3[%swap3A_3852, %swap3A_3853, %swap3A_3854] : memref<4x32x8192xf32, #tpu.memory_space<vmem>>, vector<1x32x128xf32>
    %swap3A_3856 = vector.shape_cast %swap3A_3855 : vector<1x32x128xf32> to vector<32x128xf32>
    %swap3A_3857 = vector.shape_cast %select_n3A_3851 : vector<32x128xf32> to vector<1x32x128xf32>
    tpu.vector_store %arg3[%swap3A_3852, %swap3A_3853, %swap3A_3854], %swap3A_3857 {strides = array<i32>} : memref<4x32x8192xf32, #tpu.memory_space<vmem>>, vector<1x32x128xf32>,
    %get3A_3858 = arith.constant 3 : index
    %get3A_3859 = arith.constant 35 : index
    %get3A_3860 = arith.constant 0 : index
    %get3A_3861 = vector.load %arg2[%get3A_3858, %get3A_3859, %get3A_3860] : memref<4x64x128xi32, #tpu.memory_space<vmem>>, vector<1x1x128xi32>
    %get3A_3862 = vector.shape_cast %get3A_3861 : vector<1x1x128xi32> to vector<1x128xi32>
    %broadcast_in_dim3A_3863 = vector.shape_cast %get3A_3862 : vector<1x128xi32> to vector<1x128xi32>
    %broadcast_in_dim3A_3864 = vector.broadcast %broadcast_in_dim3A_3863 : vector<1x128xi32> to vector<32x128xi32>
    %eq3A_3865 = arith.cmpi eq, %broadcast_in_dim3A_3864, %iota3A : vector<32x128xi32>
    %broadcast_in_dim3A_3866 = vector.broadcast %get3A_2 : f32 to vector<32x128xf32>
    %broadcast_in_dim3A_3867 = vector.broadcast %get3A_0 : f32 to vector<32x128xf32>
    %select_n3A_3868 = arith.select %eq3A_3865, %broadcast_in_dim3A_3866, %broadcast_in_dim3A_3867 : vector<32x128xi1>, vector<32x128xf32>
    %swap3A_3869 = arith.constant 3 : index
    %swap3A_3870 = arith.constant 0 : index
    %swap3A_3871 = arith.constant 4480 : index
    %swap3A_3872 = vector.load %arg3[%swap3A_3869, %swap3A_3870, %swap3A_3871] : memref<4x32x8192xf32, #tpu.memory_space<vmem>>, vector<1x32x128xf32>
    %swap3A_3873 = vector.shape_cast %swap3A_3872 : vector<1x32x128xf32> to vector<32x128xf32>
    %swap3A_3874 = vector.shape_cast %select_n3A_3868 : vector<32x128xf32> to vector<1x32x128xf32>
    tpu.vector_store %arg3[%swap3A_3869, %swap3A_3870, %swap3A_3871], %swap3A_3874 {strides = array<i32>} : memref<4x32x8192xf32, #tpu.memory_space<vmem>>, vector<1x32x128xf32>,
    %get3A_3875 = arith.constant 3 : index
    %get3A_3876 = arith.constant 36 : index
    %get3A_3877 = arith.constant 0 : index
    %get3A_3878 = vector.load %arg2[%get3A_3875, %get3A_3876, %get3A_3877] : memref<4x64x128xi32, #tpu.memory_space<vmem>>, vector<1x1x128xi32>
    %get3A_3879 = vector.shape_cast %get3A_3878 : vector<1x1x128xi32> to vector<1x128xi32>
    %broadcast_in_dim3A_3880 = vector.shape_cast %get3A_3879 : vector<1x128xi32> to vector<1x128xi32>
    %broadcast_in_dim3A_3881 = vector.broadcast %broadcast_in_dim3A_3880 : vector<1x128xi32> to vector<32x128xi32>
    %eq3A_3882 = arith.cmpi eq, %broadcast_in_dim3A_3881, %iota3A : vector<32x128xi32>
    %broadcast_in_dim3A_3883 = vector.broadcast %get3A_2 : f32 to vector<32x128xf32>
    %broadcast_in_dim3A_3884 = vector.broadcast %get3A_0 : f32 to vector<32x128xf32>
    %select_n3A_3885 = arith.select %eq3A_3882, %broadcast_in_dim3A_3883, %broadcast_in_dim3A_3884 : vector<32x128xi1>, vector<32x128xf32>
    %swap3A_3886 = arith.constant 3 : index
    %swap3A_3887 = arith.constant 0 : index
    %swap3A_3888 = arith.constant 4608 : index
    %swap3A_3889 = vector.load %arg3[%swap3A_3886, %swap3A_3887, %swap3A_3888] : memref<4x32x8192xf32, #tpu.memory_space<vmem>>, vector<1x32x128xf32>
    %swap3A_3890 = vector.shape_cast %swap3A_3889 : vector<1x32x128xf32> to vector<32x128xf32>
    %swap3A_3891 = vector.shape_cast %select_n3A_3885 : vector<32x128xf32> to vector<1x32x128xf32>
    tpu.vector_store %arg3[%swap3A_3886, %swap3A_3887, %swap3A_3888], %swap3A_3891 {strides = array<i32>} : memref<4x32x8192xf32, #tpu.memory_space<vmem>>, vector<1x32x128xf32>,
    %get3A_3892 = arith.constant 3 : index
    %get3A_3893 = arith.constant 37 : index
    %get3A_3894 = arith.constant 0 : index
    %get3A_3895 = vector.load %arg2[%get3A_3892, %get3A_3893, %get3A_3894] : memref<4x64x128xi32, #tpu.memory_space<vmem>>, vector<1x1x128xi32>
    %get3A_3896 = vector.shape_cast %get3A_3895 : vector<1x1x128xi32> to vector<1x128xi32>
    %broadcast_in_dim3A_3897 = vector.shape_cast %get3A_3896 : vector<1x128xi32> to vector<1x128xi32>
    %broadcast_in_dim3A_3898 = vector.broadcast %broadcast_in_dim3A_3897 : vector<1x128xi32> to vector<32x128xi32>
    %eq3A_3899 = arith.cmpi eq, %broadcast_in_dim3A_3898, %iota3A : vector<32x128xi32>
    %broadcast_in_dim3A_3900 = vector.broadcast %get3A_2 : f32 to vector<32x128xf32>
    %broadcast_in_dim3A_3901 = vector.broadcast %get3A_0 : f32 to vector<32x128xf32>
    %select_n3A_3902 = arith.select %eq3A_3899, %broadcast_in_dim3A_3900, %broadcast_in_dim3A_3901 : vector<32x128xi1>, vector<32x128xf32>
    %swap3A_3903 = arith.constant 3 : index
    %swap3A_3904 = arith.constant 0 : index
    %swap3A_3905 = arith.constant 4736 : index
    %swap3A_3906 = vector.load %arg3[%swap3A_3903, %swap3A_3904, %swap3A_3905] : memref<4x32x8192xf32, #tpu.memory_space<vmem>>, vector<1x32x128xf32>
    %swap3A_3907 = vector.shape_cast %swap3A_3906 : vector<1x32x128xf32> to vector<32x128xf32>
    %swap3A_3908 = vector.shape_cast %select_n3A_3902 : vector<32x128xf32> to vector<1x32x128xf32>
    tpu.vector_store %arg3[%swap3A_3903, %swap3A_3904, %swap3A_3905], %swap3A_3908 {strides = array<i32>} : memref<4x32x8192xf32, #tpu.memory_space<vmem>>, vector<1x32x128xf32>,
    %get3A_3909 = arith.constant 3 : index
    %get3A_3910 = arith.constant 38 : index
    %get3A_3911 = arith.constant 0 : index
    %get3A_3912 = vector.load %arg2[%get3A_3909, %get3A_3910, %get3A_3911] : memref<4x64x128xi32, #tpu.memory_space<vmem>>, vector<1x1x128xi32>
    %get3A_3913 = vector.shape_cast %get3A_3912 : vector<1x1x128xi32> to vector<1x128xi32>
    %broadcast_in_dim3A_3914 = vector.shape_cast %get3A_3913 : vector<1x128xi32> to vector<1x128xi32>
    %broadcast_in_dim3A_3915 = vector.broadcast %broadcast_in_dim3A_3914 : vector<1x128xi32> to vector<32x128xi32>
    %eq3A_3916 = arith.cmpi eq, %broadcast_in_dim3A_3915, %iota3A : vector<32x128xi32>
    %broadcast_in_dim3A_3917 = vector.broadcast %get3A_2 : f32 to vector<32x128xf32>
    %broadcast_in_dim3A_3918 = vector.broadcast %get3A_0 : f32 to vector<32x128xf32>
    %select_n3A_3919 = arith.select %eq3A_3916, %broadcast_in_dim3A_3917, %broadcast_in_dim3A_3918 : vector<32x128xi1>, vector<32x128xf32>
    %swap3A_3920 = arith.constant 3 : index
    %swap3A_3921 = arith.constant 0 : index
    %swap3A_3922 = arith.constant 4864 : index
    %swap3A_3923 = vector.load %arg3[%swap3A_3920, %swap3A_3921, %swap3A_3922] : memref<4x32x8192xf32, #tpu.memory_space<vmem>>, vector<1x32x128xf32>
    %swap3A_3924 = vector.shape_cast %swap3A_3923 : vector<1x32x128xf32> to vector<32x128xf32>
    %swap3A_3925 = vector.shape_cast %select_n3A_3919 : vector<32x128xf32> to vector<1x32x128xf32>
    tpu.vector_store %arg3[%swap3A_3920, %swap3A_3921, %swap3A_3922], %swap3A_3925 {strides = array<i32>} : memref<4x32x8192xf32, #tpu.memory_space<vmem>>, vector<1x32x128xf32>,
    %get3A_3926 = arith.constant 3 : index
    %get3A_3927 = arith.constant 39 : index
    %get3A_3928 = arith.constant 0 : index
    %get3A_3929 = vector.load %arg2[%get3A_3926, %get3A_3927, %get3A_3928] : memref<4x64x128xi32, #tpu.memory_space<vmem>>, vector<1x1x128xi32>
    %get3A_3930 = vector.shape_cast %get3A_3929 : vector<1x1x128xi32> to vector<1x128xi32>
    %broadcast_in_dim3A_3931 = vector.shape_cast %get3A_3930 : vector<1x128xi32> to vector<1x128xi32>
    %broadcast_in_dim3A_3932 = vector.broadcast %broadcast_in_dim3A_3931 : vector<1x128xi32> to vector<32x128xi32>
    %eq3A_3933 = arith.cmpi eq, %broadcast_in_dim3A_3932, %iota3A : vector<32x128xi32>
    %broadcast_in_dim3A_3934 = vector.broadcast %get3A_2 : f32 to vector<32x128xf32>
    %broadcast_in_dim3A_3935 = vector.broadcast %get3A_0 : f32 to vector<32x128xf32>
    %select_n3A_3936 = arith.select %eq3A_3933, %broadcast_in_dim3A_3934, %broadcast_in_dim3A_3935 : vector<32x128xi1>, vector<32x128xf32>
    %swap3A_3937 = arith.constant 3 : index
    %swap3A_3938 = arith.constant 0 : index
    %swap3A_3939 = arith.constant 4992 : index
    %swap3A_3940 = vector.load %arg3[%swap3A_3937, %swap3A_3938, %swap3A_3939] : memref<4x32x8192xf32, #tpu.memory_space<vmem>>, vector<1x32x128xf32>
    %swap3A_3941 = vector.shape_cast %swap3A_3940 : vector<1x32x128xf32> to vector<32x128xf32>
    %swap3A_3942 = vector.shape_cast %select_n3A_3936 : vector<32x128xf32> to vector<1x32x128xf32>
    tpu.vector_store %arg3[%swap3A_3937, %swap3A_3938, %swap3A_3939], %swap3A_3942 {strides = array<i32>} : memref<4x32x8192xf32, #tpu.memory_space<vmem>>, vector<1x32x128xf32>,
    %get3A_3943 = arith.constant 3 : index
    %get3A_3944 = arith.constant 40 : index
    %get3A_3945 = arith.constant 0 : index
    %get3A_3946 = vector.load %arg2[%get3A_3943, %get3A_3944, %get3A_3945] : memref<4x64x128xi32, #tpu.memory_space<vmem>>, vector<1x1x128xi32>
    %get3A_3947 = vector.shape_cast %get3A_3946 : vector<1x1x128xi32> to vector<1x128xi32>
    %broadcast_in_dim3A_3948 = vector.shape_cast %get3A_3947 : vector<1x128xi32> to vector<1x128xi32>
    %broadcast_in_dim3A_3949 = vector.broadcast %broadcast_in_dim3A_3948 : vector<1x128xi32> to vector<32x128xi32>
    %eq3A_3950 = arith.cmpi eq, %broadcast_in_dim3A_3949, %iota3A : vector<32x128xi32>
    %broadcast_in_dim3A_3951 = vector.broadcast %get3A_2 : f32 to vector<32x128xf32>
    %broadcast_in_dim3A_3952 = vector.broadcast %get3A_0 : f32 to vector<32x128xf32>
    %select_n3A_3953 = arith.select %eq3A_3950, %broadcast_in_dim3A_3951, %broadcast_in_dim3A_3952 : vector<32x128xi1>, vector<32x128xf32>
    %swap3A_3954 = arith.constant 3 : index
    %swap3A_3955 = arith.constant 0 : index
    %swap3A_3956 = arith.constant 5120 : index
    %swap3A_3957 = vector.load %arg3[%swap3A_3954, %swap3A_3955, %swap3A_3956] : memref<4x32x8192xf32, #tpu.memory_space<vmem>>, vector<1x32x128xf32>
    %swap3A_3958 = vector.shape_cast %swap3A_3957 : vector<1x32x128xf32> to vector<32x128xf32>
    %swap3A_3959 = vector.shape_cast %select_n3A_3953 : vector<32x128xf32> to vector<1x32x128xf32>
    tpu.vector_store %arg3[%swap3A_3954, %swap3A_3955, %swap3A_3956], %swap3A_3959 {strides = array<i32>} : memref<4x32x8192xf32, #tpu.memory_space<vmem>>, vector<1x32x128xf32>,
    %get3A_3960 = arith.constant 3 : index
    %get3A_3961 = arith.constant 41 : index
    %get3A_3962 = arith.constant 0 : index
    %get3A_3963 = vector.load %arg2[%get3A_3960, %get3A_3961, %get3A_3962] : memref<4x64x128xi32, #tpu.memory_space<vmem>>, vector<1x1x128xi32>
    %get3A_3964 = vector.shape_cast %get3A_3963 : vector<1x1x128xi32> to vector<1x128xi32>
    %broadcast_in_dim3A_3965 = vector.shape_cast %get3A_3964 : vector<1x128xi32> to vector<1x128xi32>
    %broadcast_in_dim3A_3966 = vector.broadcast %broadcast_in_dim3A_3965 : vector<1x128xi32> to vector<32x128xi32>
    %eq3A_3967 = arith.cmpi eq, %broadcast_in_dim3A_3966, %iota3A : vector<32x128xi32>
    %broadcast_in_dim3A_3968 = vector.broadcast %get3A_2 : f32 to vector<32x128xf32>
    %broadcast_in_dim3A_3969 = vector.broadcast %get3A_0 : f32 to vector<32x128xf32>
    %select_n3A_3970 = arith.select %eq3A_3967, %broadcast_in_dim3A_3968, %broadcast_in_dim3A_3969 : vector<32x128xi1>, vector<32x128xf32>
    %swap3A_3971 = arith.constant 3 : index
    %swap3A_3972 = arith.constant 0 : index
    %swap3A_3973 = arith.constant 5248 : index
    %swap3A_3974 = vector.load %arg3[%swap3A_3971, %swap3A_3972, %swap3A_3973] : memref<4x32x8192xf32, #tpu.memory_space<vmem>>, vector<1x32x128xf32>
    %swap3A_3975 = vector.shape_cast %swap3A_3974 : vector<1x32x128xf32> to vector<32x128xf32>
    %swap3A_3976 = vector.shape_cast %select_n3A_3970 : vector<32x128xf32> to vector<1x32x128xf32>
    tpu.vector_store %arg3[%swap3A_3971, %swap3A_3972, %swap3A_3973], %swap3A_3976 {strides = array<i32>} : memref<4x32x8192xf32, #tpu.memory_space<vmem>>, vector<1x32x128xf32>,
    %get3A_3977 = arith.constant 3 : index
    %get3A_3978 = arith.constant 42 : index
    %get3A_3979 = arith.constant 0 : index
    %get3A_3980 = vector.load %arg2[%get3A_3977, %get3A_3978, %get3A_3979] : memref<4x64x128xi32, #tpu.memory_space<vmem>>, vector<1x1x128xi32>
    %get3A_3981 = vector.shape_cast %get3A_3980 : vector<1x1x128xi32> to vector<1x128xi32>
    %broadcast_in_dim3A_3982 = vector.shape_cast %get3A_3981 : vector<1x128xi32> to vector<1x128xi32>
    %broadcast_in_dim3A_3983 = vector.broadcast %broadcast_in_dim3A_3982 : vector<1x128xi32> to vector<32x128xi32>
    %eq3A_3984 = arith.cmpi eq, %broadcast_in_dim3A_3983, %iota3A : vector<32x128xi32>
    %broadcast_in_dim3A_3985 = vector.broadcast %get3A_2 : f32 to vector<32x128xf32>
    %broadcast_in_dim3A_3986 = vector.broadcast %get3A_0 : f32 to vector<32x128xf32>
    %select_n3A_3987 = arith.select %eq3A_3984, %broadcast_in_dim3A_3985, %broadcast_in_dim3A_3986 : vector<32x128xi1>, vector<32x128xf32>
    %swap3A_3988 = arith.constant 3 : index
    %swap3A_3989 = arith.constant 0 : index
    %swap3A_3990 = arith.constant 5376 : index
    %swap3A_3991 = vector.load %arg3[%swap3A_3988, %swap3A_3989, %swap3A_3990] : memref<4x32x8192xf32, #tpu.memory_space<vmem>>, vector<1x32x128xf32>
    %swap3A_3992 = vector.shape_cast %swap3A_3991 : vector<1x32x128xf32> to vector<32x128xf32>
    %swap3A_3993 = vector.shape_cast %select_n3A_3987 : vector<32x128xf32> to vector<1x32x128xf32>
    tpu.vector_store %arg3[%swap3A_3988, %swap3A_3989, %swap3A_3990], %swap3A_3993 {strides = array<i32>} : memref<4x32x8192xf32, #tpu.memory_space<vmem>>, vector<1x32x128xf32>,
    %get3A_3994 = arith.constant 3 : index
    %get3A_3995 = arith.constant 43 : index
    %get3A_3996 = arith.constant 0 : index
    %get3A_3997 = vector.load %arg2[%get3A_3994, %get3A_3995, %get3A_3996] : memref<4x64x128xi32, #tpu.memory_space<vmem>>, vector<1x1x128xi32>
    %get3A_3998 = vector.shape_cast %get3A_3997 : vector<1x1x128xi32> to vector<1x128xi32>
    %broadcast_in_dim3A_3999 = vector.shape_cast %get3A_3998 : vector<1x128xi32> to vector<1x128xi32>
    %broadcast_in_dim3A_4000 = vector.broadcast %broadcast_in_dim3A_3999 : vector<1x128xi32> to vector<32x128xi32>
    %eq3A_4001 = arith.cmpi eq, %broadcast_in_dim3A_4000, %iota3A : vector<32x128xi32>
    %broadcast_in_dim3A_4002 = vector.broadcast %get3A_2 : f32 to vector<32x128xf32>
    %broadcast_in_dim3A_4003 = vector.broadcast %get3A_0 : f32 to vector<32x128xf32>
    %select_n3A_4004 = arith.select %eq3A_4001, %broadcast_in_dim3A_4002, %broadcast_in_dim3A_4003 : vector<32x128xi1>, vector<32x128xf32>
    %swap3A_4005 = arith.constant 3 : index
    %swap3A_4006 = arith.constant 0 : index
    %swap3A_4007 = arith.constant 5504 : index
    %swap3A_4008 = vector.load %arg3[%swap3A_4005, %swap3A_4006, %swap3A_4007] : memref<4x32x8192xf32, #tpu.memory_space<vmem>>, vector<1x32x128xf32>
    %swap3A_4009 = vector.shape_cast %swap3A_4008 : vector<1x32x128xf32> to vector<32x128xf32>
    %swap3A_4010 = vector.shape_cast %select_n3A_4004 : vector<32x128xf32> to vector<1x32x128xf32>
    tpu.vector_store %arg3[%swap3A_4005, %swap3A_4006, %swap3A_4007], %swap3A_4010 {strides = array<i32>} : memref<4x32x8192xf32, #tpu.memory_space<vmem>>, vector<1x32x128xf32>,
    %get3A_4011 = arith.constant 3 : index
    %get3A_4012 = arith.constant 44 : index
    %get3A_4013 = arith.constant 0 : index
    %get3A_4014 = vector.load %arg2[%get3A_4011, %get3A_4012, %get3A_4013] : memref<4x64x128xi32, #tpu.memory_space<vmem>>, vector<1x1x128xi32>
    %get3A_4015 = vector.shape_cast %get3A_4014 : vector<1x1x128xi32> to vector<1x128xi32>
    %broadcast_in_dim3A_4016 = vector.shape_cast %get3A_4015 : vector<1x128xi32> to vector<1x128xi32>
    %broadcast_in_dim3A_4017 = vector.broadcast %broadcast_in_dim3A_4016 : vector<1x128xi32> to vector<32x128xi32>
    %eq3A_4018 = arith.cmpi eq, %broadcast_in_dim3A_4017, %iota3A : vector<32x128xi32>
    %broadcast_in_dim3A_4019 = vector.broadcast %get3A_2 : f32 to vector<32x128xf32>
    %broadcast_in_dim3A_4020 = vector.broadcast %get3A_0 : f32 to vector<32x128xf32>
    %select_n3A_4021 = arith.select %eq3A_4018, %broadcast_in_dim3A_4019, %broadcast_in_dim3A_4020 : vector<32x128xi1>, vector<32x128xf32>
    %swap3A_4022 = arith.constant 3 : index
    %swap3A_4023 = arith.constant 0 : index
    %swap3A_4024 = arith.constant 5632 : index
    %swap3A_4025 = vector.load %arg3[%swap3A_4022, %swap3A_4023, %swap3A_4024] : memref<4x32x8192xf32, #tpu.memory_space<vmem>>, vector<1x32x128xf32>
    %swap3A_4026 = vector.shape_cast %swap3A_4025 : vector<1x32x128xf32> to vector<32x128xf32>
    %swap3A_4027 = vector.shape_cast %select_n3A_4021 : vector<32x128xf32> to vector<1x32x128xf32>
    tpu.vector_store %arg3[%swap3A_4022, %swap3A_4023, %swap3A_4024], %swap3A_4027 {strides = array<i32>} : memref<4x32x8192xf32, #tpu.memory_space<vmem>>, vector<1x32x128xf32>,
    %get3A_4028 = arith.constant 3 : index
    %get3A_4029 = arith.constant 45 : index
    %get3A_4030 = arith.constant 0 : index
    %get3A_4031 = vector.load %arg2[%get3A_4028, %get3A_4029, %get3A_4030] : memref<4x64x128xi32, #tpu.memory_space<vmem>>, vector<1x1x128xi32>
    %get3A_4032 = vector.shape_cast %get3A_4031 : vector<1x1x128xi32> to vector<1x128xi32>
    %broadcast_in_dim3A_4033 = vector.shape_cast %get3A_4032 : vector<1x128xi32> to vector<1x128xi32>
    %broadcast_in_dim3A_4034 = vector.broadcast %broadcast_in_dim3A_4033 : vector<1x128xi32> to vector<32x128xi32>
    %eq3A_4035 = arith.cmpi eq, %broadcast_in_dim3A_4034, %iota3A : vector<32x128xi32>
    %broadcast_in_dim3A_4036 = vector.broadcast %get3A_2 : f32 to vector<32x128xf32>
    %broadcast_in_dim3A_4037 = vector.broadcast %get3A_0 : f32 to vector<32x128xf32>
    %select_n3A_4038 = arith.select %eq3A_4035, %broadcast_in_dim3A_4036, %broadcast_in_dim3A_4037 : vector<32x128xi1>, vector<32x128xf32>
    %swap3A_4039 = arith.constant 3 : index
    %swap3A_4040 = arith.constant 0 : index
    %swap3A_4041 = arith.constant 5760 : index
    %swap3A_4042 = vector.load %arg3[%swap3A_4039, %swap3A_4040, %swap3A_4041] : memref<4x32x8192xf32, #tpu.memory_space<vmem>>, vector<1x32x128xf32>
    %swap3A_4043 = vector.shape_cast %swap3A_4042 : vector<1x32x128xf32> to vector<32x128xf32>
    %swap3A_4044 = vector.shape_cast %select_n3A_4038 : vector<32x128xf32> to vector<1x32x128xf32>
    tpu.vector_store %arg3[%swap3A_4039, %swap3A_4040, %swap3A_4041], %swap3A_4044 {strides = array<i32>} : memref<4x32x8192xf32, #tpu.memory_space<vmem>>, vector<1x32x128xf32>,
    %get3A_4045 = arith.constant 3 : index
    %get3A_4046 = arith.constant 46 : index
    %get3A_4047 = arith.constant 0 : index
    %get3A_4048 = vector.load %arg2[%get3A_4045, %get3A_4046, %get3A_4047] : memref<4x64x128xi32, #tpu.memory_space<vmem>>, vector<1x1x128xi32>
    %get3A_4049 = vector.shape_cast %get3A_4048 : vector<1x1x128xi32> to vector<1x128xi32>
    %broadcast_in_dim3A_4050 = vector.shape_cast %get3A_4049 : vector<1x128xi32> to vector<1x128xi32>
    %broadcast_in_dim3A_4051 = vector.broadcast %broadcast_in_dim3A_4050 : vector<1x128xi32> to vector<32x128xi32>
    %eq3A_4052 = arith.cmpi eq, %broadcast_in_dim3A_4051, %iota3A : vector<32x128xi32>
    %broadcast_in_dim3A_4053 = vector.broadcast %get3A_2 : f32 to vector<32x128xf32>
    %broadcast_in_dim3A_4054 = vector.broadcast %get3A_0 : f32 to vector<32x128xf32>
    %select_n3A_4055 = arith.select %eq3A_4052, %broadcast_in_dim3A_4053, %broadcast_in_dim3A_4054 : vector<32x128xi1>, vector<32x128xf32>
    %swap3A_4056 = arith.constant 3 : index
    %swap3A_4057 = arith.constant 0 : index
    %swap3A_4058 = arith.constant 5888 : index
    %swap3A_4059 = vector.load %arg3[%swap3A_4056, %swap3A_4057, %swap3A_4058] : memref<4x32x8192xf32, #tpu.memory_space<vmem>>, vector<1x32x128xf32>
    %swap3A_4060 = vector.shape_cast %swap3A_4059 : vector<1x32x128xf32> to vector<32x128xf32>
    %swap3A_4061 = vector.shape_cast %select_n3A_4055 : vector<32x128xf32> to vector<1x32x128xf32>
    tpu.vector_store %arg3[%swap3A_4056, %swap3A_4057, %swap3A_4058], %swap3A_4061 {strides = array<i32>} : memref<4x32x8192xf32, #tpu.memory_space<vmem>>, vector<1x32x128xf32>,
    %get3A_4062 = arith.constant 3 : index
    %get3A_4063 = arith.constant 47 : index
    %get3A_4064 = arith.constant 0 : index
    %get3A_4065 = vector.load %arg2[%get3A_4062, %get3A_4063, %get3A_4064] : memref<4x64x128xi32, #tpu.memory_space<vmem>>, vector<1x1x128xi32>
    %get3A_4066 = vector.shape_cast %get3A_4065 : vector<1x1x128xi32> to vector<1x128xi32>
    %broadcast_in_dim3A_4067 = vector.shape_cast %get3A_4066 : vector<1x128xi32> to vector<1x128xi32>
    %broadcast_in_dim3A_4068 = vector.broadcast %broadcast_in_dim3A_4067 : vector<1x128xi32> to vector<32x128xi32>
    %eq3A_4069 = arith.cmpi eq, %broadcast_in_dim3A_4068, %iota3A : vector<32x128xi32>
    %broadcast_in_dim3A_4070 = vector.broadcast %get3A_2 : f32 to vector<32x128xf32>
    %broadcast_in_dim3A_4071 = vector.broadcast %get3A_0 : f32 to vector<32x128xf32>
    %select_n3A_4072 = arith.select %eq3A_4069, %broadcast_in_dim3A_4070, %broadcast_in_dim3A_4071 : vector<32x128xi1>, vector<32x128xf32>
    %swap3A_4073 = arith.constant 3 : index
    %swap3A_4074 = arith.constant 0 : index
    %swap3A_4075 = arith.constant 6016 : index
    %swap3A_4076 = vector.load %arg3[%swap3A_4073, %swap3A_4074, %swap3A_4075] : memref<4x32x8192xf32, #tpu.memory_space<vmem>>, vector<1x32x128xf32>
    %swap3A_4077 = vector.shape_cast %swap3A_4076 : vector<1x32x128xf32> to vector<32x128xf32>
    %swap3A_4078 = vector.shape_cast %select_n3A_4072 : vector<32x128xf32> to vector<1x32x128xf32>
    tpu.vector_store %arg3[%swap3A_4073, %swap3A_4074, %swap3A_4075], %swap3A_4078 {strides = array<i32>} : memref<4x32x8192xf32, #tpu.memory_space<vmem>>, vector<1x32x128xf32>,
    %get3A_4079 = arith.constant 3 : index
    %get3A_4080 = arith.constant 48 : index
    %get3A_4081 = arith.constant 0 : index
    %get3A_4082 = vector.load %arg2[%get3A_4079, %get3A_4080, %get3A_4081] : memref<4x64x128xi32, #tpu.memory_space<vmem>>, vector<1x1x128xi32>
    %get3A_4083 = vector.shape_cast %get3A_4082 : vector<1x1x128xi32> to vector<1x128xi32>
    %broadcast_in_dim3A_4084 = vector.shape_cast %get3A_4083 : vector<1x128xi32> to vector<1x128xi32>
    %broadcast_in_dim3A_4085 = vector.broadcast %broadcast_in_dim3A_4084 : vector<1x128xi32> to vector<32x128xi32>
    %eq3A_4086 = arith.cmpi eq, %broadcast_in_dim3A_4085, %iota3A : vector<32x128xi32>
    %broadcast_in_dim3A_4087 = vector.broadcast %get3A_2 : f32 to vector<32x128xf32>
    %broadcast_in_dim3A_4088 = vector.broadcast %get3A_0 : f32 to vector<32x128xf32>
    %select_n3A_4089 = arith.select %eq3A_4086, %broadcast_in_dim3A_4087, %broadcast_in_dim3A_4088 : vector<32x128xi1>, vector<32x128xf32>
    %swap3A_4090 = arith.constant 3 : index
    %swap3A_4091 = arith.constant 0 : index
    %swap3A_4092 = arith.constant 6144 : index
    %swap3A_4093 = vector.load %arg3[%swap3A_4090, %swap3A_4091, %swap3A_4092] : memref<4x32x8192xf32, #tpu.memory_space<vmem>>, vector<1x32x128xf32>
    %swap3A_4094 = vector.shape_cast %swap3A_4093 : vector<1x32x128xf32> to vector<32x128xf32>
    %swap3A_4095 = vector.shape_cast %select_n3A_4089 : vector<32x128xf32> to vector<1x32x128xf32>
    tpu.vector_store %arg3[%swap3A_4090, %swap3A_4091, %swap3A_4092], %swap3A_4095 {strides = array<i32>} : memref<4x32x8192xf32, #tpu.memory_space<vmem>>, vector<1x32x128xf32>,
    %get3A_4096 = arith.constant 3 : index
    %get3A_4097 = arith.constant 49 : index
    %get3A_4098 = arith.constant 0 : index
    %get3A_4099 = vector.load %arg2[%get3A_4096, %get3A_4097, %get3A_4098] : memref<4x64x128xi32, #tpu.memory_space<vmem>>, vector<1x1x128xi32>
    %get3A_4100 = vector.shape_cast %get3A_4099 : vector<1x1x128xi32> to vector<1x128xi32>
    %broadcast_in_dim3A_4101 = vector.shape_cast %get3A_4100 : vector<1x128xi32> to vector<1x128xi32>
    %broadcast_in_dim3A_4102 = vector.broadcast %broadcast_in_dim3A_4101 : vector<1x128xi32> to vector<32x128xi32>
    %eq3A_4103 = arith.cmpi eq, %broadcast_in_dim3A_4102, %iota3A : vector<32x128xi32>
    %broadcast_in_dim3A_4104 = vector.broadcast %get3A_2 : f32 to vector<32x128xf32>
    %broadcast_in_dim3A_4105 = vector.broadcast %get3A_0 : f32 to vector<32x128xf32>
    %select_n3A_4106 = arith.select %eq3A_4103, %broadcast_in_dim3A_4104, %broadcast_in_dim3A_4105 : vector<32x128xi1>, vector<32x128xf32>
    %swap3A_4107 = arith.constant 3 : index
    %swap3A_4108 = arith.constant 0 : index
    %swap3A_4109 = arith.constant 6272 : index
    %swap3A_4110 = vector.load %arg3[%swap3A_4107, %swap3A_4108, %swap3A_4109] : memref<4x32x8192xf32, #tpu.memory_space<vmem>>, vector<1x32x128xf32>
    %swap3A_4111 = vector.shape_cast %swap3A_4110 : vector<1x32x128xf32> to vector<32x128xf32>
    %swap3A_4112 = vector.shape_cast %select_n3A_4106 : vector<32x128xf32> to vector<1x32x128xf32>
    tpu.vector_store %arg3[%swap3A_4107, %swap3A_4108, %swap3A_4109], %swap3A_4112 {strides = array<i32>} : memref<4x32x8192xf32, #tpu.memory_space<vmem>>, vector<1x32x128xf32>,
    %get3A_4113 = arith.constant 3 : index
    %get3A_4114 = arith.constant 50 : index
    %get3A_4115 = arith.constant 0 : index
    %get3A_4116 = vector.load %arg2[%get3A_4113, %get3A_4114, %get3A_4115] : memref<4x64x128xi32, #tpu.memory_space<vmem>>, vector<1x1x128xi32>
    %get3A_4117 = vector.shape_cast %get3A_4116 : vector<1x1x128xi32> to vector<1x128xi32>
    %broadcast_in_dim3A_4118 = vector.shape_cast %get3A_4117 : vector<1x128xi32> to vector<1x128xi32>
    %broadcast_in_dim3A_4119 = vector.broadcast %broadcast_in_dim3A_4118 : vector<1x128xi32> to vector<32x128xi32>
    %eq3A_4120 = arith.cmpi eq, %broadcast_in_dim3A_4119, %iota3A : vector<32x128xi32>
    %broadcast_in_dim3A_4121 = vector.broadcast %get3A_2 : f32 to vector<32x128xf32>
    %broadcast_in_dim3A_4122 = vector.broadcast %get3A_0 : f32 to vector<32x128xf32>
    %select_n3A_4123 = arith.select %eq3A_4120, %broadcast_in_dim3A_4121, %broadcast_in_dim3A_4122 : vector<32x128xi1>, vector<32x128xf32>
    %swap3A_4124 = arith.constant 3 : index
    %swap3A_4125 = arith.constant 0 : index
    %swap3A_4126 = arith.constant 6400 : index
    %swap3A_4127 = vector.load %arg3[%swap3A_4124, %swap3A_4125, %swap3A_4126] : memref<4x32x8192xf32, #tpu.memory_space<vmem>>, vector<1x32x128xf32>
    %swap3A_4128 = vector.shape_cast %swap3A_4127 : vector<1x32x128xf32> to vector<32x128xf32>
    %swap3A_4129 = vector.shape_cast %select_n3A_4123 : vector<32x128xf32> to vector<1x32x128xf32>
    tpu.vector_store %arg3[%swap3A_4124, %swap3A_4125, %swap3A_4126], %swap3A_4129 {strides = array<i32>} : memref<4x32x8192xf32, #tpu.memory_space<vmem>>, vector<1x32x128xf32>,
    %get3A_4130 = arith.constant 3 : index
    %get3A_4131 = arith.constant 51 : index
    %get3A_4132 = arith.constant 0 : index
    %get3A_4133 = vector.load %arg2[%get3A_4130, %get3A_4131, %get3A_4132] : memref<4x64x128xi32, #tpu.memory_space<vmem>>, vector<1x1x128xi32>
    %get3A_4134 = vector.shape_cast %get3A_4133 : vector<1x1x128xi32> to vector<1x128xi32>
    %broadcast_in_dim3A_4135 = vector.shape_cast %get3A_4134 : vector<1x128xi32> to vector<1x128xi32>
    %broadcast_in_dim3A_4136 = vector.broadcast %broadcast_in_dim3A_4135 : vector<1x128xi32> to vector<32x128xi32>
    %eq3A_4137 = arith.cmpi eq, %broadcast_in_dim3A_4136, %iota3A : vector<32x128xi32>
    %broadcast_in_dim3A_4138 = vector.broadcast %get3A_2 : f32 to vector<32x128xf32>
    %broadcast_in_dim3A_4139 = vector.broadcast %get3A_0 : f32 to vector<32x128xf32>
    %select_n3A_4140 = arith.select %eq3A_4137, %broadcast_in_dim3A_4138, %broadcast_in_dim3A_4139 : vector<32x128xi1>, vector<32x128xf32>
    %swap3A_4141 = arith.constant 3 : index
    %swap3A_4142 = arith.constant 0 : index
    %swap3A_4143 = arith.constant 6528 : index
    %swap3A_4144 = vector.load %arg3[%swap3A_4141, %swap3A_4142, %swap3A_4143] : memref<4x32x8192xf32, #tpu.memory_space<vmem>>, vector<1x32x128xf32>
    %swap3A_4145 = vector.shape_cast %swap3A_4144 : vector<1x32x128xf32> to vector<32x128xf32>
    %swap3A_4146 = vector.shape_cast %select_n3A_4140 : vector<32x128xf32> to vector<1x32x128xf32>
    tpu.vector_store %arg3[%swap3A_4141, %swap3A_4142, %swap3A_4143], %swap3A_4146 {strides = array<i32>} : memref<4x32x8192xf32, #tpu.memory_space<vmem>>, vector<1x32x128xf32>,
    %get3A_4147 = arith.constant 3 : index
    %get3A_4148 = arith.constant 52 : index
    %get3A_4149 = arith.constant 0 : index
    %get3A_4150 = vector.load %arg2[%get3A_4147, %get3A_4148, %get3A_4149] : memref<4x64x128xi32, #tpu.memory_space<vmem>>, vector<1x1x128xi32>
    %get3A_4151 = vector.shape_cast %get3A_4150 : vector<1x1x128xi32> to vector<1x128xi32>
    %broadcast_in_dim3A_4152 = vector.shape_cast %get3A_4151 : vector<1x128xi32> to vector<1x128xi32>
    %broadcast_in_dim3A_4153 = vector.broadcast %broadcast_in_dim3A_4152 : vector<1x128xi32> to vector<32x128xi32>
    %eq3A_4154 = arith.cmpi eq, %broadcast_in_dim3A_4153, %iota3A : vector<32x128xi32>
    %broadcast_in_dim3A_4155 = vector.broadcast %get3A_2 : f32 to vector<32x128xf32>
    %broadcast_in_dim3A_4156 = vector.broadcast %get3A_0 : f32 to vector<32x128xf32>
    %select_n3A_4157 = arith.select %eq3A_4154, %broadcast_in_dim3A_4155, %broadcast_in_dim3A_4156 : vector<32x128xi1>, vector<32x128xf32>
    %swap3A_4158 = arith.constant 3 : index
    %swap3A_4159 = arith.constant 0 : index
    %swap3A_4160 = arith.constant 6656 : index
    %swap3A_4161 = vector.load %arg3[%swap3A_4158, %swap3A_4159, %swap3A_4160] : memref<4x32x8192xf32, #tpu.memory_space<vmem>>, vector<1x32x128xf32>
    %swap3A_4162 = vector.shape_cast %swap3A_4161 : vector<1x32x128xf32> to vector<32x128xf32>
    %swap3A_4163 = vector.shape_cast %select_n3A_4157 : vector<32x128xf32> to vector<1x32x128xf32>
    tpu.vector_store %arg3[%swap3A_4158, %swap3A_4159, %swap3A_4160], %swap3A_4163 {strides = array<i32>} : memref<4x32x8192xf32, #tpu.memory_space<vmem>>, vector<1x32x128xf32>,
    %get3A_4164 = arith.constant 3 : index
    %get3A_4165 = arith.constant 53 : index
    %get3A_4166 = arith.constant 0 : index
    %get3A_4167 = vector.load %arg2[%get3A_4164, %get3A_4165, %get3A_4166] : memref<4x64x128xi32, #tpu.memory_space<vmem>>, vector<1x1x128xi32>
    %get3A_4168 = vector.shape_cast %get3A_4167 : vector<1x1x128xi32> to vector<1x128xi32>
    %broadcast_in_dim3A_4169 = vector.shape_cast %get3A_4168 : vector<1x128xi32> to vector<1x128xi32>
    %broadcast_in_dim3A_4170 = vector.broadcast %broadcast_in_dim3A_4169 : vector<1x128xi32> to vector<32x128xi32>
    %eq3A_4171 = arith.cmpi eq, %broadcast_in_dim3A_4170, %iota3A : vector<32x128xi32>
    %broadcast_in_dim3A_4172 = vector.broadcast %get3A_2 : f32 to vector<32x128xf32>
    %broadcast_in_dim3A_4173 = vector.broadcast %get3A_0 : f32 to vector<32x128xf32>
    %select_n3A_4174 = arith.select %eq3A_4171, %broadcast_in_dim3A_4172, %broadcast_in_dim3A_4173 : vector<32x128xi1>, vector<32x128xf32>
    %swap3A_4175 = arith.constant 3 : index
    %swap3A_4176 = arith.constant 0 : index
    %swap3A_4177 = arith.constant 6784 : index
    %swap3A_4178 = vector.load %arg3[%swap3A_4175, %swap3A_4176, %swap3A_4177] : memref<4x32x8192xf32, #tpu.memory_space<vmem>>, vector<1x32x128xf32>
    %swap3A_4179 = vector.shape_cast %swap3A_4178 : vector<1x32x128xf32> to vector<32x128xf32>
    %swap3A_4180 = vector.shape_cast %select_n3A_4174 : vector<32x128xf32> to vector<1x32x128xf32>
    tpu.vector_store %arg3[%swap3A_4175, %swap3A_4176, %swap3A_4177], %swap3A_4180 {strides = array<i32>} : memref<4x32x8192xf32, #tpu.memory_space<vmem>>, vector<1x32x128xf32>,
    %get3A_4181 = arith.constant 3 : index
    %get3A_4182 = arith.constant 54 : index
    %get3A_4183 = arith.constant 0 : index
    %get3A_4184 = vector.load %arg2[%get3A_4181, %get3A_4182, %get3A_4183] : memref<4x64x128xi32, #tpu.memory_space<vmem>>, vector<1x1x128xi32>
    %get3A_4185 = vector.shape_cast %get3A_4184 : vector<1x1x128xi32> to vector<1x128xi32>
    %broadcast_in_dim3A_4186 = vector.shape_cast %get3A_4185 : vector<1x128xi32> to vector<1x128xi32>
    %broadcast_in_dim3A_4187 = vector.broadcast %broadcast_in_dim3A_4186 : vector<1x128xi32> to vector<32x128xi32>
    %eq3A_4188 = arith.cmpi eq, %broadcast_in_dim3A_4187, %iota3A : vector<32x128xi32>
    %broadcast_in_dim3A_4189 = vector.broadcast %get3A_2 : f32 to vector<32x128xf32>
    %broadcast_in_dim3A_4190 = vector.broadcast %get3A_0 : f32 to vector<32x128xf32>
    %select_n3A_4191 = arith.select %eq3A_4188, %broadcast_in_dim3A_4189, %broadcast_in_dim3A_4190 : vector<32x128xi1>, vector<32x128xf32>
    %swap3A_4192 = arith.constant 3 : index
    %swap3A_4193 = arith.constant 0 : index
    %swap3A_4194 = arith.constant 6912 : index
    %swap3A_4195 = vector.load %arg3[%swap3A_4192, %swap3A_4193, %swap3A_4194] : memref<4x32x8192xf32, #tpu.memory_space<vmem>>, vector<1x32x128xf32>
    %swap3A_4196 = vector.shape_cast %swap3A_4195 : vector<1x32x128xf32> to vector<32x128xf32>
    %swap3A_4197 = vector.shape_cast %select_n3A_4191 : vector<32x128xf32> to vector<1x32x128xf32>
    tpu.vector_store %arg3[%swap3A_4192, %swap3A_4193, %swap3A_4194], %swap3A_4197 {strides = array<i32>} : memref<4x32x8192xf32, #tpu.memory_space<vmem>>, vector<1x32x128xf32>,
    %get3A_4198 = arith.constant 3 : index
    %get3A_4199 = arith.constant 55 : index
    %get3A_4200 = arith.constant 0 : index
    %get3A_4201 = vector.load %arg2[%get3A_4198, %get3A_4199, %get3A_4200] : memref<4x64x128xi32, #tpu.memory_space<vmem>>, vector<1x1x128xi32>
    %get3A_4202 = vector.shape_cast %get3A_4201 : vector<1x1x128xi32> to vector<1x128xi32>
    %broadcast_in_dim3A_4203 = vector.shape_cast %get3A_4202 : vector<1x128xi32> to vector<1x128xi32>
    %broadcast_in_dim3A_4204 = vector.broadcast %broadcast_in_dim3A_4203 : vector<1x128xi32> to vector<32x128xi32>
    %eq3A_4205 = arith.cmpi eq, %broadcast_in_dim3A_4204, %iota3A : vector<32x128xi32>
    %broadcast_in_dim3A_4206 = vector.broadcast %get3A_2 : f32 to vector<32x128xf32>
    %broadcast_in_dim3A_4207 = vector.broadcast %get3A_0 : f32 to vector<32x128xf32>
    %select_n3A_4208 = arith.select %eq3A_4205, %broadcast_in_dim3A_4206, %broadcast_in_dim3A_4207 : vector<32x128xi1>, vector<32x128xf32>
    %swap3A_4209 = arith.constant 3 : index
    %swap3A_4210 = arith.constant 0 : index
    %swap3A_4211 = arith.constant 7040 : index
    %swap3A_4212 = vector.load %arg3[%swap3A_4209, %swap3A_4210, %swap3A_4211] : memref<4x32x8192xf32, #tpu.memory_space<vmem>>, vector<1x32x128xf32>
    %swap3A_4213 = vector.shape_cast %swap3A_4212 : vector<1x32x128xf32> to vector<32x128xf32>
    %swap3A_4214 = vector.shape_cast %select_n3A_4208 : vector<32x128xf32> to vector<1x32x128xf32>
    tpu.vector_store %arg3[%swap3A_4209, %swap3A_4210, %swap3A_4211], %swap3A_4214 {strides = array<i32>} : memref<4x32x8192xf32, #tpu.memory_space<vmem>>, vector<1x32x128xf32>,
    %get3A_4215 = arith.constant 3 : index
    %get3A_4216 = arith.constant 56 : index
    %get3A_4217 = arith.constant 0 : index
    %get3A_4218 = vector.load %arg2[%get3A_4215, %get3A_4216, %get3A_4217] : memref<4x64x128xi32, #tpu.memory_space<vmem>>, vector<1x1x128xi32>
    %get3A_4219 = vector.shape_cast %get3A_4218 : vector<1x1x128xi32> to vector<1x128xi32>
    %broadcast_in_dim3A_4220 = vector.shape_cast %get3A_4219 : vector<1x128xi32> to vector<1x128xi32>
    %broadcast_in_dim3A_4221 = vector.broadcast %broadcast_in_dim3A_4220 : vector<1x128xi32> to vector<32x128xi32>
    %eq3A_4222 = arith.cmpi eq, %broadcast_in_dim3A_4221, %iota3A : vector<32x128xi32>
    %broadcast_in_dim3A_4223 = vector.broadcast %get3A_2 : f32 to vector<32x128xf32>
    %broadcast_in_dim3A_4224 = vector.broadcast %get3A_0 : f32 to vector<32x128xf32>
    %select_n3A_4225 = arith.select %eq3A_4222, %broadcast_in_dim3A_4223, %broadcast_in_dim3A_4224 : vector<32x128xi1>, vector<32x128xf32>
    %swap3A_4226 = arith.constant 3 : index
    %swap3A_4227 = arith.constant 0 : index
    %swap3A_4228 = arith.constant 7168 : index
    %swap3A_4229 = vector.load %arg3[%swap3A_4226, %swap3A_4227, %swap3A_4228] : memref<4x32x8192xf32, #tpu.memory_space<vmem>>, vector<1x32x128xf32>
    %swap3A_4230 = vector.shape_cast %swap3A_4229 : vector<1x32x128xf32> to vector<32x128xf32>
    %swap3A_4231 = vector.shape_cast %select_n3A_4225 : vector<32x128xf32> to vector<1x32x128xf32>
    tpu.vector_store %arg3[%swap3A_4226, %swap3A_4227, %swap3A_4228], %swap3A_4231 {strides = array<i32>} : memref<4x32x8192xf32, #tpu.memory_space<vmem>>, vector<1x32x128xf32>,
    %get3A_4232 = arith.constant 3 : index
    %get3A_4233 = arith.constant 57 : index
    %get3A_4234 = arith.constant 0 : index
    %get3A_4235 = vector.load %arg2[%get3A_4232, %get3A_4233, %get3A_4234] : memref<4x64x128xi32, #tpu.memory_space<vmem>>, vector<1x1x128xi32>
    %get3A_4236 = vector.shape_cast %get3A_4235 : vector<1x1x128xi32> to vector<1x128xi32>
    %broadcast_in_dim3A_4237 = vector.shape_cast %get3A_4236 : vector<1x128xi32> to vector<1x128xi32>
    %broadcast_in_dim3A_4238 = vector.broadcast %broadcast_in_dim3A_4237 : vector<1x128xi32> to vector<32x128xi32>
    %eq3A_4239 = arith.cmpi eq, %broadcast_in_dim3A_4238, %iota3A : vector<32x128xi32>
    %broadcast_in_dim3A_4240 = vector.broadcast %get3A_2 : f32 to vector<32x128xf32>
    %broadcast_in_dim3A_4241 = vector.broadcast %get3A_0 : f32 to vector<32x128xf32>
    %select_n3A_4242 = arith.select %eq3A_4239, %broadcast_in_dim3A_4240, %broadcast_in_dim3A_4241 : vector<32x128xi1>, vector<32x128xf32>
    %swap3A_4243 = arith.constant 3 : index
    %swap3A_4244 = arith.constant 0 : index
    %swap3A_4245 = arith.constant 7296 : index
    %swap3A_4246 = vector.load %arg3[%swap3A_4243, %swap3A_4244, %swap3A_4245] : memref<4x32x8192xf32, #tpu.memory_space<vmem>>, vector<1x32x128xf32>
    %swap3A_4247 = vector.shape_cast %swap3A_4246 : vector<1x32x128xf32> to vector<32x128xf32>
    %swap3A_4248 = vector.shape_cast %select_n3A_4242 : vector<32x128xf32> to vector<1x32x128xf32>
    tpu.vector_store %arg3[%swap3A_4243, %swap3A_4244, %swap3A_4245], %swap3A_4248 {strides = array<i32>} : memref<4x32x8192xf32, #tpu.memory_space<vmem>>, vector<1x32x128xf32>,
    %get3A_4249 = arith.constant 3 : index
    %get3A_4250 = arith.constant 58 : index
    %get3A_4251 = arith.constant 0 : index
    %get3A_4252 = vector.load %arg2[%get3A_4249, %get3A_4250, %get3A_4251] : memref<4x64x128xi32, #tpu.memory_space<vmem>>, vector<1x1x128xi32>
    %get3A_4253 = vector.shape_cast %get3A_4252 : vector<1x1x128xi32> to vector<1x128xi32>
    %broadcast_in_dim3A_4254 = vector.shape_cast %get3A_4253 : vector<1x128xi32> to vector<1x128xi32>
    %broadcast_in_dim3A_4255 = vector.broadcast %broadcast_in_dim3A_4254 : vector<1x128xi32> to vector<32x128xi32>
    %eq3A_4256 = arith.cmpi eq, %broadcast_in_dim3A_4255, %iota3A : vector<32x128xi32>
    %broadcast_in_dim3A_4257 = vector.broadcast %get3A_2 : f32 to vector<32x128xf32>
    %broadcast_in_dim3A_4258 = vector.broadcast %get3A_0 : f32 to vector<32x128xf32>
    %select_n3A_4259 = arith.select %eq3A_4256, %broadcast_in_dim3A_4257, %broadcast_in_dim3A_4258 : vector<32x128xi1>, vector<32x128xf32>
    %swap3A_4260 = arith.constant 3 : index
    %swap3A_4261 = arith.constant 0 : index
    %swap3A_4262 = arith.constant 7424 : index
    %swap3A_4263 = vector.load %arg3[%swap3A_4260, %swap3A_4261, %swap3A_4262] : memref<4x32x8192xf32, #tpu.memory_space<vmem>>, vector<1x32x128xf32>
    %swap3A_4264 = vector.shape_cast %swap3A_4263 : vector<1x32x128xf32> to vector<32x128xf32>
    %swap3A_4265 = vector.shape_cast %select_n3A_4259 : vector<32x128xf32> to vector<1x32x128xf32>
    tpu.vector_store %arg3[%swap3A_4260, %swap3A_4261, %swap3A_4262], %swap3A_4265 {strides = array<i32>} : memref<4x32x8192xf32, #tpu.memory_space<vmem>>, vector<1x32x128xf32>,
    %get3A_4266 = arith.constant 3 : index
    %get3A_4267 = arith.constant 59 : index
    %get3A_4268 = arith.constant 0 : index
    %get3A_4269 = vector.load %arg2[%get3A_4266, %get3A_4267, %get3A_4268] : memref<4x64x128xi32, #tpu.memory_space<vmem>>, vector<1x1x128xi32>
    %get3A_4270 = vector.shape_cast %get3A_4269 : vector<1x1x128xi32> to vector<1x128xi32>
    %broadcast_in_dim3A_4271 = vector.shape_cast %get3A_4270 : vector<1x128xi32> to vector<1x128xi32>
    %broadcast_in_dim3A_4272 = vector.broadcast %broadcast_in_dim3A_4271 : vector<1x128xi32> to vector<32x128xi32>
    %eq3A_4273 = arith.cmpi eq, %broadcast_in_dim3A_4272, %iota3A : vector<32x128xi32>
    %broadcast_in_dim3A_4274 = vector.broadcast %get3A_2 : f32 to vector<32x128xf32>
    %broadcast_in_dim3A_4275 = vector.broadcast %get3A_0 : f32 to vector<32x128xf32>
    %select_n3A_4276 = arith.select %eq3A_4273, %broadcast_in_dim3A_4274, %broadcast_in_dim3A_4275 : vector<32x128xi1>, vector<32x128xf32>
    %swap3A_4277 = arith.constant 3 : index
    %swap3A_4278 = arith.constant 0 : index
    %swap3A_4279 = arith.constant 7552 : index
    %swap3A_4280 = vector.load %arg3[%swap3A_4277, %swap3A_4278, %swap3A_4279] : memref<4x32x8192xf32, #tpu.memory_space<vmem>>, vector<1x32x128xf32>
    %swap3A_4281 = vector.shape_cast %swap3A_4280 : vector<1x32x128xf32> to vector<32x128xf32>
    %swap3A_4282 = vector.shape_cast %select_n3A_4276 : vector<32x128xf32> to vector<1x32x128xf32>
    tpu.vector_store %arg3[%swap3A_4277, %swap3A_4278, %swap3A_4279], %swap3A_4282 {strides = array<i32>} : memref<4x32x8192xf32, #tpu.memory_space<vmem>>, vector<1x32x128xf32>,
    %get3A_4283 = arith.constant 3 : index
    %get3A_4284 = arith.constant 60 : index
    %get3A_4285 = arith.constant 0 : index
    %get3A_4286 = vector.load %arg2[%get3A_4283, %get3A_4284, %get3A_4285] : memref<4x64x128xi32, #tpu.memory_space<vmem>>, vector<1x1x128xi32>
    %get3A_4287 = vector.shape_cast %get3A_4286 : vector<1x1x128xi32> to vector<1x128xi32>
    %broadcast_in_dim3A_4288 = vector.shape_cast %get3A_4287 : vector<1x128xi32> to vector<1x128xi32>
    %broadcast_in_dim3A_4289 = vector.broadcast %broadcast_in_dim3A_4288 : vector<1x128xi32> to vector<32x128xi32>
    %eq3A_4290 = arith.cmpi eq, %broadcast_in_dim3A_4289, %iota3A : vector<32x128xi32>
    %broadcast_in_dim3A_4291 = vector.broadcast %get3A_2 : f32 to vector<32x128xf32>
    %broadcast_in_dim3A_4292 = vector.broadcast %get3A_0 : f32 to vector<32x128xf32>
    %select_n3A_4293 = arith.select %eq3A_4290, %broadcast_in_dim3A_4291, %broadcast_in_dim3A_4292 : vector<32x128xi1>, vector<32x128xf32>
    %swap3A_4294 = arith.constant 3 : index
    %swap3A_4295 = arith.constant 0 : index
    %swap3A_4296 = arith.constant 7680 : index
    %swap3A_4297 = vector.load %arg3[%swap3A_4294, %swap3A_4295, %swap3A_4296] : memref<4x32x8192xf32, #tpu.memory_space<vmem>>, vector<1x32x128xf32>
    %swap3A_4298 = vector.shape_cast %swap3A_4297 : vector<1x32x128xf32> to vector<32x128xf32>
    %swap3A_4299 = vector.shape_cast %select_n3A_4293 : vector<32x128xf32> to vector<1x32x128xf32>
    tpu.vector_store %arg3[%swap3A_4294, %swap3A_4295, %swap3A_4296], %swap3A_4299 {strides = array<i32>} : memref<4x32x8192xf32, #tpu.memory_space<vmem>>, vector<1x32x128xf32>,
    %get3A_4300 = arith.constant 3 : index
    %get3A_4301 = arith.constant 61 : index
    %get3A_4302 = arith.constant 0 : index
    %get3A_4303 = vector.load %arg2[%get3A_4300, %get3A_4301, %get3A_4302] : memref<4x64x128xi32, #tpu.memory_space<vmem>>, vector<1x1x128xi32>
    %get3A_4304 = vector.shape_cast %get3A_4303 : vector<1x1x128xi32> to vector<1x128xi32>
    %broadcast_in_dim3A_4305 = vector.shape_cast %get3A_4304 : vector<1x128xi32> to vector<1x128xi32>
    %broadcast_in_dim3A_4306 = vector.broadcast %broadcast_in_dim3A_4305 : vector<1x128xi32> to vector<32x128xi32>
    %eq3A_4307 = arith.cmpi eq, %broadcast_in_dim3A_4306, %iota3A : vector<32x128xi32>
    %broadcast_in_dim3A_4308 = vector.broadcast %get3A_2 : f32 to vector<32x128xf32>
    %broadcast_in_dim3A_4309 = vector.broadcast %get3A_0 : f32 to vector<32x128xf32>
    %select_n3A_4310 = arith.select %eq3A_4307, %broadcast_in_dim3A_4308, %broadcast_in_dim3A_4309 : vector<32x128xi1>, vector<32x128xf32>
    %swap3A_4311 = arith.constant 3 : index
    %swap3A_4312 = arith.constant 0 : index
    %swap3A_4313 = arith.constant 7808 : index
    %swap3A_4314 = vector.load %arg3[%swap3A_4311, %swap3A_4312, %swap3A_4313] : memref<4x32x8192xf32, #tpu.memory_space<vmem>>, vector<1x32x128xf32>
    %swap3A_4315 = vector.shape_cast %swap3A_4314 : vector<1x32x128xf32> to vector<32x128xf32>
    %swap3A_4316 = vector.shape_cast %select_n3A_4310 : vector<32x128xf32> to vector<1x32x128xf32>
    tpu.vector_store %arg3[%swap3A_4311, %swap3A_4312, %swap3A_4313], %swap3A_4316 {strides = array<i32>} : memref<4x32x8192xf32, #tpu.memory_space<vmem>>, vector<1x32x128xf32>,
    %get3A_4317 = arith.constant 3 : index
    %get3A_4318 = arith.constant 62 : index
    %get3A_4319 = arith.constant 0 : index
    %get3A_4320 = vector.load %arg2[%get3A_4317, %get3A_4318, %get3A_4319] : memref<4x64x128xi32, #tpu.memory_space<vmem>>, vector<1x1x128xi32>
    %get3A_4321 = vector.shape_cast %get3A_4320 : vector<1x1x128xi32> to vector<1x128xi32>
    %broadcast_in_dim3A_4322 = vector.shape_cast %get3A_4321 : vector<1x128xi32> to vector<1x128xi32>
    %broadcast_in_dim3A_4323 = vector.broadcast %broadcast_in_dim3A_4322 : vector<1x128xi32> to vector<32x128xi32>
    %eq3A_4324 = arith.cmpi eq, %broadcast_in_dim3A_4323, %iota3A : vector<32x128xi32>
    %broadcast_in_dim3A_4325 = vector.broadcast %get3A_2 : f32 to vector<32x128xf32>
    %broadcast_in_dim3A_4326 = vector.broadcast %get3A_0 : f32 to vector<32x128xf32>
    %select_n3A_4327 = arith.select %eq3A_4324, %broadcast_in_dim3A_4325, %broadcast_in_dim3A_4326 : vector<32x128xi1>, vector<32x128xf32>
    %swap3A_4328 = arith.constant 3 : index
    %swap3A_4329 = arith.constant 0 : index
    %swap3A_4330 = arith.constant 7936 : index
    %swap3A_4331 = vector.load %arg3[%swap3A_4328, %swap3A_4329, %swap3A_4330] : memref<4x32x8192xf32, #tpu.memory_space<vmem>>, vector<1x32x128xf32>
    %swap3A_4332 = vector.shape_cast %swap3A_4331 : vector<1x32x128xf32> to vector<32x128xf32>
    %swap3A_4333 = vector.shape_cast %select_n3A_4327 : vector<32x128xf32> to vector<1x32x128xf32>
    tpu.vector_store %arg3[%swap3A_4328, %swap3A_4329, %swap3A_4330], %swap3A_4333 {strides = array<i32>} : memref<4x32x8192xf32, #tpu.memory_space<vmem>>, vector<1x32x128xf32>,
    %get3A_4334 = arith.constant 3 : index
    %get3A_4335 = arith.constant 63 : index
    %get3A_4336 = arith.constant 0 : index
    %get3A_4337 = vector.load %arg2[%get3A_4334, %get3A_4335, %get3A_4336] : memref<4x64x128xi32, #tpu.memory_space<vmem>>, vector<1x1x128xi32>
    %get3A_4338 = vector.shape_cast %get3A_4337 : vector<1x1x128xi32> to vector<1x128xi32>
    %broadcast_in_dim3A_4339 = vector.shape_cast %get3A_4338 : vector<1x128xi32> to vector<1x128xi32>
    %broadcast_in_dim3A_4340 = vector.broadcast %broadcast_in_dim3A_4339 : vector<1x128xi32> to vector<32x128xi32>
    %eq3A_4341 = arith.cmpi eq, %broadcast_in_dim3A_4340, %iota3A : vector<32x128xi32>
    %broadcast_in_dim3A_4342 = vector.broadcast %get3A_2 : f32 to vector<32x128xf32>
    %broadcast_in_dim3A_4343 = vector.broadcast %get3A_0 : f32 to vector<32x128xf32>
    %select_n3A_4344 = arith.select %eq3A_4341, %broadcast_in_dim3A_4342, %broadcast_in_dim3A_4343 : vector<32x128xi1>, vector<32x128xf32>
    %swap3A_4345 = arith.constant 3 : index
    %swap3A_4346 = arith.constant 0 : index
    %swap3A_4347 = arith.constant 8064 : index
    %swap3A_4348 = vector.load %arg3[%swap3A_4345, %swap3A_4346, %swap3A_4347] : memref<4x32x8192xf32, #tpu.memory_space<vmem>>, vector<1x32x128xf32>
    %swap3A_4349 = vector.shape_cast %swap3A_4348 : vector<1x32x128xf32> to vector<32x128xf32>
    %swap3A_4350 = vector.shape_cast %select_n3A_4344 : vector<32x128xf32> to vector<1x32x128xf32>
    tpu.vector_store %arg3[%swap3A_4345, %swap3A_4346, %swap3A_4347], %swap3A_4350 {strides = array<i32>} : memref<4x32x8192xf32, #tpu.memory_space<vmem>>, vector<1x32x128xf32>,
    return
  }
  func.func @transform_0(%arg0: i32) -> i32 {
    %c0_i32 = arith.constant 0 : i32
    %c0_i32_0 = arith.constant 0 : i32
    return %c0_i32 : i32
  }
  func.func @transform_1(%arg0: i32) -> (i32, i32, i32) {
    %c0_i32 = arith.constant 0 : i32
    %c0_i32_0 = arith.constant 0 : i32
    %c0_i32_1 = arith.constant 0 : i32
    return %arg0, %c0_i32, %c0_i32_0 : i32, i32, i32
  }
  func.func @transform_2(%arg0: i32) -> (i32, i32, i32) {
    %c0_i32 = arith.constant 0 : i32
    %c0_i32_0 = arith.constant 0 : i32
    %c0_i32_1 = arith.constant 0 : i32
    return %arg0, %c0_i32, %c0_i32_0 : i32, i32, i32
  }
}

</mosaic_0001>

<sc_bundles>
// kernel: kernel.4.cloned.1.call-start
scs
__scs_entry_jumppad:
0x0: {  	(pc) =	sbr.rel $0x88, $3  }
0x1: {  	(tag) =	ssettag $0x0;
	lr =	simm.s32 $0x1  }
0x2: {  	[smem:$0x3F9E] =	sst lr;
	_ =	strace $0xD0000000  }
0x3: {  	_ = 	snop  }
0x4: {  	_ = 	snop  }
0x5: {  	_ = 	snop  }
0x6: {  	_ = 	snop  }
0x7: {  	_ = 	snop  }
__scs_overlays_trampoline_lowered:
0x8: {  	[smem:$0x3FAD] =	sst s0  }
0x9: {  	[smem:$0x3FAE] =	sst s1  }
0xa: {  	[smem:$0x3FAF] =	sst s2  }
0xb: {  	[smem:$0x3FB0] =	sst s3  }
0xc: {  	[smem:$0x3FB1] =	sst s4  }
0xd: {  	[smem:$0x3FB2] =	sst s5  }
0xe: {  	[smem:$0x3FB3] =	sst s6  }
0xf: {  	[smem:$0x3FB4] =	sst s7  }
0x10: {  	[smem:$0x3FB5] =	sst s8  }
0x11: {  	[smem:$0x3FB6] =	sst s9;
	s0 =	simm.s32 @!p0 $0x0  }
0x12: {  	s1 =	sld [smem:$0x3F9C];
	s0 =	simm.s32 @p0 $0x1  }
0x13: {  	[smem:$0x3FB7] =	sst s0;
	s0 =	simm.s32 @!p1 $0x0  }
0x14: {  	s2 =	sld [smem:$0x3F9B];
	s0 =	simm.s32 @p1 $0x1  }
0x15: {  	[smem:$0x3FB8] =	sst s0;
	s0 =	simm.s32 @!p2 $0x0  }
0x16: {  	s3 =	sld [smem:$0x3FDB];
	s0 =	simm.s32 @p2 $0x1  }
0x17: {  	s4 =	simm.s32 $0x1BF5;
	[smem:$0x3FBA] =	sst s0  }
0x18: {  	s0 =	sld [smem:$0x3F9D];
	_ =	swait.ge [sflag:s4], $0x0  }
0x19: {  	s7 =	sld [smem:$0x3F9E]  }
0x1a: {  	s8 =	sadd.s32 $0xFFFFE003, lr  }
0x1b: {  	s9 =	sadd.s32 $0xFFFFFEF7, lr;
	s5 =	simm.s32 $0xFFFFFFFF;
	p2 =	slt.u32 s8, $0xFFFFF086  }
0x1c: {  	p1 =	slt.u32 s9, $0xF7A;
	s5 =	simm.s32 @!p2 $0x0  }
0x1d: {  	s5 =	simm.s32 @p1 $0x1;
	p0 =	seq.s32 s7, s2  }
0x1e: {  	s7 =	smul.u32 @!p0 $0xF7A, s2;
	p2 =	seq.s32 @!p0 s5, $0x0  }
0x1f: {  	s9 =	smul.u32 $0xF7A, s1;
	s8 =	simm.s32 @!p0 $0x1BF5;
	p2 =	por !p2, p0  }
0x20: {  	[sflag:s8] =	ssyncset.s32 @!p0 $0xFFFFF086;
	s6 =	sadd.s32 @!p0 s3, s7;
	s7 =	simm.s32 @!p0 $0x108  }
0x21: {  	s3 =	sadd.s32 s3, s9;
	s6 =	sadd.s32 @!p0 $0x88, s6;
	s7 =	simm.s32 @p2 $0x1082  }
0x22: {  	[simem:s7], [sflag:s8] =	dma.local @!p0 [hbm:s6], $0xF7A  }
0x23: {  	s9 =	sor.u32 $0xD0000000, s2;
	s6 =	simm.s32 $0x108;
	_ =	swait.ge @!p0 [sflag:s8], $0x0  }
0x24: {  	s3 =	sadd.s32 $0x88, s3;
	s6 =	simm.s32 @!p1 $0x1082;
	[sflag:s4] =	ssyncset.s32 $0xFFFFF086  }
0x25: {  	[simem:s6], [sflag:s4] =	dma.local [hbm:s3], $0xF7A  }
0x26: {  	[smem:$0x3F9E] =	sst s1;
	(tag) =	ssettag s2;
	_ =	strace s9  }
0x27: {  	s1 =	sld [smem:$0x3FAE]  }
0x28: {  	s2 =	sld [smem:$0x3FAF]  }
0x29: {  	s4 =	sld [smem:$0x3FB1]  }
0x2a: {  	p0 =	seq.s32 s5, $0x0;
	s5 =	sld [smem:$0x3FB2]  }
0x2b: {  	s6 =	sld [smem:$0x3FB3]  }
0x2c: {  	s7 =	sld [smem:$0x3FB4]  }
0x2d: {  	s3 =	simm.s32 $0x108;
	s8 =	sld [smem:$0x3FB5]  }
0x2e: {  	s3 =	simm.s32 @!p0 $0x1082;
	s9 =	sld [smem:$0x3FB6]  }
0x2f: {  	lr =	sadd.s32 s0, s3;
	s0 =	sld [smem:$0x3FAD]  }
0x30: {  	s3 =	sld [smem:$0x3FB0]  }
0x31: {  	[smem:$0x3FB9] =	sst s10  }
0x32: {  	s10 =	sld [smem:$0x3FB7];
	_ =	sdelay $0x3  }
0x33: {  	p0 =	seq.s32 s10, $0x1;
	s10 =	sld [smem:$0x3FB9];
	_ =	sdelay $0x3  }
0x34: {  	[smem:$0x3FB9] =	sst s10  }
0x35: {  	s10 =	sld [smem:$0x3FB8];
	_ =	sdelay $0x3  }
0x36: {  	p1 =	seq.s32 s10, $0x1;
	s10 =	sld [smem:$0x3FB9];
	_ =	sdelay $0x3  }
0x37: {  	[smem:$0x3FB9] =	sst s10  }
0x38: {  	s10 =	sld [smem:$0x3FBA]  }
0x39: {  	_ = 	snop;
	(pc) =	sbr.ind lr, $3  }
0x3a: {  	_ = 	snop  }
0x3b: {  	_ = 	snop  }
0x3c: {  	p2 =	seq.s32 s10, $0x1;
	s10 =	sld [smem:$0x3FB9]  }
0x3d: {  	_ =	shalt  }
0x3e: {  	_ =	shalt  }
0x3f: {  	_ =	shalt  }
0x40: {  	_ =	shalt  }
0x41: {  	_ =	shalt  }
0x42: {  	_ =	shalt  }
0x43: {  	_ =	shalt  }
0x44: {  	_ =	shalt  }
0x45: {  	_ =	shalt  }
0x46: {  	_ =	shalt  }
0x47: {  	_ =	shalt  }
0x48: {  	_ =	shalt  }
0x49: {  	_ =	shalt  }
0x4a: {  	_ =	shalt  }
0x4b: {  	_ =	shalt  }
0x4c: {  	_ =	shalt  }
0x4d: {  	_ =	shalt  }
0x4e: {  	_ =	shalt  }
0x4f: {  	_ =	shalt  }
0x50: {  	_ =	shalt  }
0x51: {  	_ =	shalt  }
0x52: {  	_ =	shalt  }
0x53: {  	_ =	shalt  }
0x54: {  	_ =	shalt  }
0x55: {  	_ =	shalt  }
0x56: {  	_ =	shalt  }
0x57: {  	_ =	shalt  }
0x58: {  	_ =	shalt  }
0x59: {  	_ =	shalt  }
0x5a: {  	_ =	shalt  }
0x5b: {  	_ =	shalt  }
0x5c: {  	_ =	shalt  }
0x5d: {  	_ =	shalt  }
0x5e: {  	_ =	shalt  }
0x5f: {  	_ =	shalt  }
0x60: {  	_ =	shalt  }
0x61: {  	_ =	shalt  }
0x62: {  	_ =	shalt  }
0x63: {  	_ =	shalt  }
0x64: {  	_ =	shalt  }
0x65: {  	_ =	shalt  }
0x66: {  	_ =	shalt  }
0x67: {  	_ =	shalt  }
0x68: {  	_ =	shalt  }
0x69: {  	_ =	shalt  }
0x6a: {  	_ =	shalt  }
0x6b: {  	_ =	shalt  }
0x6c: {  	_ =	shalt  }
0x6d: {  	_ =	shalt  }
0x6e: {  	_ =	shalt  }
0x6f: {  	_ =	shalt  }
0x70: {  	_ =	shalt  }
0x71: {  	_ =	shalt  }
0x72: {  	_ =	shalt  }
0x73: {  	_ =	shalt  }
0x74: {  	_ =	shalt  }
0x75: {  	_ =	shalt  }
0x76: {  	_ =	shalt  }
0x77: {  	_ =	shalt  }
0x78: {  	_ =	shalt  }
0x79: {  	_ =	shalt  }
0x7a: {  	_ =	shalt  }
0x7b: {  	_ =	shalt  }
0x7c: {  	_ =	shalt  }
0x7d: {  	_ =	shalt  }
0x7e: {  	_ =	shalt  }
0x7f: {  	_ =	shalt  }
0x80: {  	_ =	shalt  }
0x81: {  	_ =	shalt  }
0x82: {  	_ =	shalt  }
0x83: {  	_ =	shalt  }
0x84: {  	_ =	shalt  }
0x85: {  	_ =	shalt  }
0x86: {  	_ =	shalt  }
0x87: {  	_ =	shalt  }
.Lfunc_end0:
.L_simem_size_0:
called_computation_lowered:
.L_overlay_start_0:
0x88: {  	s2 =	sld [smem:$0x3FD9]  }
0x89: {  	s3 =	sld [smem:$0x3FFE];
	_ =	sdelay $0x1  }
0x8a: {  	s1 =	srdreg.scid  }
0x8b: {  	s0 =	sand.u32 $0x1, s1  }
0x8c: {  	s17 =	sshll.u32 s0, $0xA;
	s2 =	sadd.s32 s3, s2  }
0x8d: {  	s2 =	sadd.s32 s2, s17  }
0x8e: {  	[smem:$0x3FC5] =	sst s2  }
0x8f: {  	_ = 	snop  }
0x90: {  	s2 =	sld [smem:$0x3FC8]  }
0x91: {  	s18 =	sld [smem:$0x3FD0];
	(tm) =	ssettm $0x1  }
0x92: {  	s4 =	sld [smem:$0x3FFB];
	_ =	sdelay $0x3  }
0x93: {  	_ =	strace s4  }
0x94: {  	s4 =	sld [smem:$0x3FFC];
	_ =	sdelay $0x3  }
0x95: {  	_ =	strace s4  }
0x96: {  	s4 =	sld [smem:$0x3FFD];
	_ =	sdelay $0x3  }
0x97: {  	_ =	strace s4  }
0x98: {  	_ =	strace $0x8FFFFFFF  }
0x99: {  	s19 =	sld [smem:$0x3FDB];
	_ =	sdelay $0x1  }
0x9a: {  	s5 =	simm.s32 $_scs_section_size  }
0x9b: {  	s6 =	simm.s32 $_size__tile_overlayer_lowered;
	s7 =	simm.s32 $_tile_overlayer_lowered  }
0x9c: {  	s22 =	simm.s32 $0x1BFF;
	s21 =	sshll.u32 s7, $0x1;
	s4 =	sadd.s32 s5, s19  }
0x9d: {  	s8 =	simm.s32 $0x0;
	s20 =	sshll.u32 s6, $0x1;
	s6 =	sadd.s32 s21, s4  }
0x9e: {  	[timem:s8], [sflag:s22] =	dma.local [hbm:s6], s20  }
0x9f: {  	_ =	swait.ge [sflag:s22], s20  }
0xa0: {  	s5 =	ssub.s32 $0x0, s20;
	[sflag:s22] =	ssyncset.done $0x0  }
0xa1: {  	[sflag:s22] =	ssyncadd.s32 s5;
	_ =	sdelay $0x1  }
0xa2: {  	s23 =	simm.s32 $0x1B8B  }
0xa3: {  	_ =	swait.ge [sflag:s23], $0x1  }
0xa4: {  	[sflag:s23] =	ssyncset.done $0x0  }
0xa5: {  	s25 =	simm.s32 $0x1B8E;
	s24 =	sld [smem:$0x3FFE];
	[sflag:s23] =	ssyncadd.s32 $0xFFFFFFFF  }
0xa6: {  	s26 =	simm.s32 $execute0_lowered;
	[smem:$0x3FD2] =	sst s25  }
0xa7: {  	s6 =	sshll.u32 s26, $0x1;
	_ =	strace $0x80000046;
	[dreg:$0x1] =	wrdreg $0xFFFFFFFF  }
0xa8: {  	s28 =	simm.s32 $_size_execute0_lowered;
	s4 =	sadd.s32 s4, s6;
	[dreg:$0x0] =	wrdreg $0x0  }
0xa9: {  	s6 =	sshll.u32 s28, $0x1;
	[dreg:$0x2] =	wrdreg s4  }
0xaa: {  	[dreg:$0x3] =	wrdreg s6  }
0xab: {  	[dreg:$0x4] =	wrdreg $0xC0  }
0xac: {  	_ =	task [dreg:s8], $0x5FFFF  }
0xad: {  	[dreg:$0x1] =	wrdreg $0xFFFFFFFF  }
0xae: {  	[dreg:$0x0] =	wrdreg $0x60  }
0xaf: {  	[dreg:$0x2] =	wrdreg s18  }
0xb0: {  	[dreg:$0x3] =	wrdreg s2  }
0xb1: {  	[dreg:$0x4] =	wrdreg s24  }
0xb2: {  	[dreg:$0x5] =	wrdreg $0x9  }
0xb3: {  	_ =	task.clear_ibuf [dreg:s8], $0x6FFFF;
	_ =	strace $0x90000046  }
0xb4: {  	s29 =	simm.s32 $0x9;
	_ =	strace $0x80000048  }
0xb5: {  	_ =	swait.ge [sflag:s29], $0x1  }
0xb6: {  	[sflag:s29] =	ssyncadd.s32 $0xFFFFFFFF  }
0xb7: {  	_ =	strace $0x90000048  }
0xb8: {  	_ =	sfence  }
0xb9: {  	s30 =	sld [smem:$0x0];
	_ =	sdelay $0x2  }
0xba: {  	s31 =	sshll.u32 s1, $0xD;
	s1 =	sshrl.u32 s1, $0x2  }
0xbb: {  	s3 =	sand.u32 $0x4000, s31;
	s1 =	sadd.s32 s1, s30  }
0xbc: {  	s0 =	sor.u32 s3, s0;
	s1 =	sshll.u32 s1, $0x11  }
0xbd: {  	s0 =	sor.u32 s1, s0  }
0xbe: {  	s0 =	sadd.s32 $0x8F2B, s0  }
0xbf: {  	[sflag:s0] =	ssyncadd.remote.s32 $0x1  }
0xc0: {  	_ =	sfence.sel $0xFFFF  }
0xc1: {  	[dreg:$0x0] =	wrdreg $0xFFFFFFFF;
	(pc) =	sbr.abs _section_cstart, $3  }
0xc2: {  	[dreg:$0x1] =	wrdreg $0xFFFFFFFF  }
0xc3: {  	_ =	task.clear_ibuf [dreg:s8], $0x2FFFF;
	_ =	strace $0x9FFFFFFF  }
0xc4: {  	(tm) =	ssettm $0x7FFFFFFF  }
0xc5: {  	_ =	shalt  }
tec
execute0_lowered:
.L_overlay_start_1:
0x0: {  	(tag) =	ssettag $0x1  }
0x1: {  	s4 =	rddreg [dreg:$0x0]  }
0x2: {  	s1 =	rddreg [dreg:$0x1]  }
0x3: {  	s5 =	rddreg [dreg:$0x2]  }
0x4: {  	s0 =	rddreg [dreg:$0x3];
	s3 =	simm.s32 $0x0;
	s6 =	srdreg.scid  }
0x5: {  	s2 =	stileid.u32;
	s9 =	simm.s32 $0x2080;
	s10 =	simm.s32 $0x0  }
0x6: {  	[smem:$0x7FF] =	sst s3;
	s6 =	sand.u32 $0x1, s6;
	s7 =	sshll.u32 s2, $0xB  }
0x7: {  	s8 =	sshll.u32 s6, $0xA;
	s6 =	ssub.s32 $0x2, s6;
	_ =	strace $0x80000047  }
0x8: {  	s7 =	sor.u32 s8, s7;
	s31 =	sshrl.u32 s6, $0x1;
	s8 =	simm.s32 $0x80  }
0x9: {  	s5 =	sadd.s32 s7, s5;
	s6 =	ssub.s32 s6, s31;
	s4 =	sadd.s32 s4, s7  }
0xa: {  	s7 =	simm.s32 $0x1;
	s5 =	sadd.s32 $0x800, s5;
	s6 =	smax.u32 s6, $0x1  }
.LBB2_1:
0xb: {  	[tilespmem:s3], [sflag:$0x1] =	stream.linear.gather [hbm4b:s1+s3], $0x80, $0x38;
	[tilespmem:$0x4080] =	vst v63  }
0xc: {  	_ =	swait.ge [sflag:s7], $0x80  }
0xd: {  	[sflag:s7] =	ssyncset.done $0x0  }
0xe: {  	[sflag:s7] =	ssyncadd.s32 $0xFFFFFF80  }
0xf: {  	[tilespmem:s8], [sflag:$0x1] =	stream.linear.gather [hbm4b:s4+s3], $0x2000, $0x38;
	[tilespmem:$0x4080] =	vst v63  }
0x10: {  	_ =	swait.ge [sflag:s7], $0x2000  }
0x11: {  	s11 =	simm.s32 $0xFFFFFFF8;
	[sflag:s7] =	ssyncset.done $0x0  }
0x12: {  	s12 =	simm.s32 $0xC0;
	s13 =	simm.s32 $0x20C0;
	[sflag:s7] =	ssyncadd.s32 $0xFFFFE000  }
.LBB2_2:
0x13: {  	v0 =	vld [tilespmem:s12+$0xFFFFFFC0];
	_ =	sdelay $0x7  }
0x14: {  	v0 =	vld.idx.msk [tilespmem:v0+s3+$0x0], $0xffff;
	_ =	sdelay $0x4  }
0x15: {  	[tilespmem:s13+$0xFFFFFFC0] =	vst v0  }
0x16: {  	v0 =	vld [tilespmem:s12+$0xFFFFFFD0];
	_ =	sdelay $0x7  }
0x17: {  	v0 =	vld.idx.msk [tilespmem:v0+s3+$0x0], $0xffff;
	_ =	sdelay $0x4  }
0x18: {  	[tilespmem:s13+$0xFFFFFFD0] =	vst v0  }
0x19: {  	v0 =	vld [tilespmem:s12+$0xFFFFFFE0];
	_ =	sdelay $0x7  }
0x1a: {  	v0 =	vld.idx.msk [tilespmem:v0+s3+$0x0], $0xffff;
	_ =	sdelay $0x4  }
0x1b: {  	[tilespmem:s13+$0xFFFFFFE0] =	vst v0  }
0x1c: {  	v0 =	vld [tilespmem:s12+$0xFFFFFFF0];
	_ =	sdelay $0x7  }
0x1d: {  	v0 =	vld.idx.msk [tilespmem:v0+s3+$0x0], $0xffff;
	_ =	sdelay $0x4  }
0x1e: {  	[tilespmem:s13+$0xFFFFFFF0] =	vst v0  }
0x1f: {  	v0 =	vld [tilespmem:s12+$0x0];
	_ =	sdelay $0x7  }
0x20: {  	v0 =	vld.idx.msk [tilespmem:v0+s3+$0x0], $0xffff;
	_ =	sdelay $0x4  }
0x21: {  	[tilespmem:s13+$0x0] =	vst v0  }
0x22: {  	v0 =	vld [tilespmem:s12+$0x10];
	_ =	sdelay $0x7  }
0x23: {  	v0 =	vld.idx.msk [tilespmem:v0+s3+$0x0], $0xffff;
	_ =	sdelay $0x4  }
0x24: {  	[tilespmem:s13+$0x10] =	vst v0  }
0x25: {  	v0 =	vld [tilespmem:s12+$0x20];
	_ =	sdelay $0x7  }
0x26: {  	v0 =	vld.idx.msk [tilespmem:v0+s3+$0x0], $0xffff;
	_ =	sdelay $0x4  }
0x27: {  	[tilespmem:s13+$0x20] =	vst v0  }
0x28: {  	v0 =	vld [tilespmem:s12+$0x30];
	_ =	sdelay $0x6  }
0x29: {  	s11 =	sadd.s32 $0x8, s11  }
0x2a: {  	p0 =	slt.u32 s11, $0x1F8;
	v0 =	vld.idx.msk [tilespmem:v0+s3+$0x0], $0xffff  }
.Ltmp0:
0x2b: {  	_ = 	snop;
	(pc) =	sbr.rel @p0 .LBB2_2-.Ltmp0, $2  }
0x2c: {  	_ =	sdelay $0x2  }
0x2d: {  	s12 =	sadd.s32 $0x80, s12;
	[tilespmem:s13+$0x30] =	vst v0;
	s13 =	sadd.s32 $0x80, s13  }
0x2e: {  	s10 =	sadd.s32 $0x1, s10  }
0x2f: {  	p0 =	sne.s32 s10, s6  }
.Ltmp1:
0x30: {  	_ = 	snop;
	(pc) =	sbr.rel @p0 .LBB2_1-.Ltmp1, $4  }
0x31: {  	[hbm4b:s5+s3] =	stream.linear.scatter [tilespmem:s9], [sflag:$0x1], $0x2000, $0x38;
	[tilespmem:$0x4080] =	vst v63  }
0x32: {  	_ =	swait.ge [sflag:s7], $0x2000  }
0x33: {  	[sflag:s7] =	ssyncset.done $0x0  }
0x34: {  	[sflag:s7] =	ssyncadd.s32 $0xFFFFE000  }
0x35: {  	_ =	sfence.sel $0x180000  }
0x36: {  	[bflag:$0x0] =	sbarrier.arrive $0xFFFF  }
0x37: {  	p0 =	sne.s32 s2, $0x0;
	_ =	strace $0x90000047  }
0x38: {  	s0 =	sadd.s32 @!p0 $0x100000, s0;
	[bflag:$0x2] =	sbarrier.arrive $0xFFFF  }
0x39: {  	[sflag:s0] =	ssyncadd.tile.s32 @!p0 $0x1;
	_ =	shalt  }
.Lfunc_end2:
_tile_overlayer_lowered:
.L_overlay_start_2:
0x3a: {  	(tag) =	ssettag $0x2  }
0x3b: {  	s0 =	rddreg [dreg:$0x0];
	s2 =	stileid.u32  }
0x3c: {  	s1 =	rddreg [dreg:$0x1];
	p0 =	sne.s32 s2, $0x0  }
0x3d: {  	s3 =	rddreg [dreg:$0x2];
	[bflag:$0x3] =	sbarrier.arrive $0xFFFF;
	s2 =	simm.s32 @!p0 $0x1C01  }
0x3e: {  	[timem:s3], [sflag:s2] =	dma.local @!p0 [hbm:s0], s1  }
0x3f: {  	s0 =	simm.s32 @!p0 $0x1  }
0x40: {  	_ =	swait.ge @!p0 [sflag:s0], s1  }
0x41: {  	s1 =	ssub.s32 @!p0 $0x0, s1;
	[sflag:s0] =	ssyncset.done @!p0 $0x0  }
0x42: {  	[sflag:s0] =	ssyncadd.s32 @!p0 s1  }
0x43: {  	[bflag:$0x3] =	sbarrier.arrive $0xFFFF  }
0x44: {  	_ =	shalt  }

</sc_bundles>
